<compile_context>
chip_gen: v7x
topology: tpu7x:2x2x1
jax: 0.10.2.dev20260603
libtpu: 0.0.44.dev20260713+nightly
codegen_flags: <defaults>
</compile_context>

<pallas_src>
import functools
import jax
import jax.numpy as jnp
from jax import lax
from jax.experimental import pallas as pl
from jax.experimental.pallas import tpu as pltpu
from jax.experimental.pallas import tpu_sc as plsc

_N = 10000
_E = 320000
_C = 128
_BN = 1000
_BE = 2000

_NW = 32
_EPW = _E // _NW
_GB = 80
_GCH = _EPW // _GB


def _sc_gather(combo, val, pos4, src, dst, ne, gch, tok):
    epw = ne // _NW
    mesh = plsc.VectorSubcoreMesh(core_axis_name="c", subcore_axis_name="s")
    out_type = [jax.ShapeDtypeStruct((ne, _C), jnp.float32),
                jax.ShapeDtypeStruct((ne, _C), jnp.float32)]
    slot = [pltpu.VMEM((_GB,), jnp.int32),
            pltpu.VMEM((_GB,), jnp.int32),
            pltpu.VMEM((_GB, _C), jnp.float32),
            pltpu.VMEM((_GB, _C), jnp.float32),
            pltpu.VMEM((_GB, _C), jnp.float32),
            pltpu.VMEM((_GB, _C), jnp.float32),
            pltpu.SemaphoreType.DMA,
            pltpu.SemaphoreType.DMA,
            pltpu.SemaphoreType.DMA]
    scratch = slot + slot + [pltpu.VMEM((_N * 4,), jnp.float32)]

    @functools.partial(pl.kernel, mesh=mesh, out_type=out_type,
                       scratch_types=scratch,
                       compiler_params=pltpu.CompilerParams(
                           needs_layout_passes=False))
    def k(combo_h, val_h, pos4_h, src_h, dst_h, tok_h,
          zrel_h, gv_h,
          ixs0, ixd0, bd0, bs0, bv0, bzr0, semi0, semg0, semw0,
          ixs1, ixd1, bd1, bs1, bv1, bzr1, semi1, semg1, semw1,
          postab):
        wid = lax.axis_index("s") * 2 + lax.axis_index("c")
        base = wid * epw
        S = [(ixs0, ixd0, bd0, bs0, bv0, bzr0, semi0, semg0, semw0),
             (ixs1, ixd1, bd1, bs1, bv1, bzr1, semi1, semg1, semw1)]

        pltpu.sync_copy(pos4_h, postab)
        zeros = jnp.zeros((16,), jnp.float32)

        def zrow(g, carry):
            bzr0[g, pl.ds(64, 16)] = zeros
            bzr1[g, pl.ds(64, 16)] = zeros
            return carry
        lax.fori_loop(0, _GB, zrow, 0)

        lanes = lax.iota(jnp.int32, 16)

        def fire_idx(b, c):
            ixs, ixd = S[b][0], S[b][1]
            semi = S[b][6]
            off = base + c * _GB
            pltpu.async_copy(src_h.at[pl.ds(off, _GB)], ixs, semi)
            pltpu.async_copy(dst_h.at[pl.ds(off, _GB)], ixd, semi)

        def drain_idx(b):
            ixs, ixd = S[b][0], S[b][1]
            semi = S[b][6]
            pltpu.make_async_copy(src_h.at[pl.ds(base, _GB)], ixs, semi).wait()
            pltpu.make_async_copy(dst_h.at[pl.ds(base, _GB)], ixd, semi).wait()

        def fire_gather_combo(b):
            ixs, ixd, bd, bs = S[b][:4]
            semg = S[b][7]
            pltpu.async_copy(combo_h.at[ixd], bd, semg)
            pltpu.async_copy(combo_h.at[ixs], bs, semg)

        def fire_gather_val(b):
            ixs, bv = S[b][0], S[b][4]
            semg = S[b][7]
            pltpu.async_copy(val_h.at[ixs], bv, semg)

        def drain_gather(b):
            ixs, ixd, bd, bs, bv = S[b][:5]
            semg = S[b][7]
            pltpu.make_async_copy(combo_h.at[ixd], bd, semg).wait()
            pltpu.make_async_copy(combo_h.at[ixs], bs, semg).wait()
            pltpu.make_async_copy(val_h.at[ixs], bv, semg).wait()

        def fire_write(b, c):
            bv, bzr = S[b][4], S[b][5]
            semw = S[b][8]
            off = base + c * _GB
            pltpu.async_copy(bzr, zrel_h.at[pl.ds(off, _GB)], semw)
            pltpu.async_copy(bv, gv_h.at[pl.ds(off, _GB)], semw)

        def drain_write(b):
            bv, bzr = S[b][4], S[b][5]
            semw = S[b][8]
            pltpu.make_async_copy(bzr, zrel_h.at[pl.ds(base, _GB)],
                                  semw).wait()
            pltpu.make_async_copy(bv, gv_h.at[pl.ds(base, _GB)], semw).wait()

        def compute(b):
            ixs, ixd, bd, bs, bv, bzr = S[b][:6]

            def group(g, carry2):
                id16 = ixd[pl.ds(g * 16, 16)] * 4
                is16 = ixs[pl.ds(g * 16, 16)] * 4
                rows = lanes + g * 16
                for col in range(3):
                    pd = plsc.load_gather(postab, [id16 + col])
                    ps = plsc.load_gather(postab, [is16 + col])
                    plsc.store_scatter(bzr, [rows, jnp.full((16,), 64 + col,
                                                            jnp.int32)],
                                       pd - ps)
                return carry2
            lax.fori_loop(0, _GB // 16, group, 0)

            def zsub(r, carry2):
                for j in range(4):
                    bzr[r, pl.ds(j * 16, 16)] = (
                        bd[r, pl.ds(j * 16, 16)]
                        - bs[r, pl.ds(64 + j * 16, 16)])
                return carry2
            lax.fori_loop(0, _GB, zsub, 0)

        fire_idx(0, 0)
        fire_idx(1, 1)
        drain_idx(0)
        fire_gather_combo(0)
        fire_gather_val(0)

        def step(b, c, i2):
            bo = 1 - b
            drain_idx(bo)
            fire_gather_combo(bo)
            if b == 0:
                @pl.when(i2 > 0)
                def _():
                    drain_write(bo)
            else:
                drain_write(bo)
            fire_gather_val(bo)
            drain_gather(b)
            compute(b)
            fire_write(b, c)
            if b == 0:
                fire_idx(b, c + 2)
            else:
                @pl.when(c + 2 < gch)
                def _():
                    fire_idx(b, c + 2)

        def body(i2, carry):
            c0 = i2 * 2
            step(0, c0, i2)
            step(1, c0 + 1, i2)
            return carry

        if gch % 2 == 1:
            lax.fori_loop(0, (gch - 1) // 2, body, 0)
            drain_gather(0)
            compute(0)
            fire_write(0, gch - 1)
            drain_write(1)
            drain_write(0)
        else:
            lax.fori_loop(0, gch // 2 - 1, body, 0)
            drain_idx(1)
            fire_gather_combo(1)
            drain_write(1)
            fire_gather_val(1)
            drain_gather(0)
            compute(0)
            fire_write(0, gch - 2)
            drain_gather(1)
            compute(1)
            fire_write(1, gch - 1)
            drain_write(0)
            drain_write(1)

    return k(combo, val, pos4, src, dst, tok)


_SLABS = ((0, 161280, 63, 1920), (161280, 158720, 62, 1984))

_SB = 80
_EPS = _E // 16
_SCH = _EPS // _SB
_NPAD = 10240
_NPT = _NPAD // 16


def _sc_scatter(e, m, dst, zeros, ne, tok):
    eps = ne // 16
    sch = eps // _SB
    mesh = plsc.VectorSubcoreMesh(core_axis_name="c", subcore_axis_name="s")
    out_type = jax.ShapeDtypeStruct((2, _NPAD, _C), jnp.float32)
    scratch = [pltpu.VMEM_SHARED((_NPAD, _C), jnp.float32),
               pltpu.VMEM((_SB,), jnp.int32),
               pltpu.VMEM((_SB,), jnp.int32),
               pltpu.VMEM((_SB, _C), jnp.float32),
               pltpu.VMEM((_SB, _C), jnp.float32),
               pltpu.SemaphoreType.DMA,
               pltpu.SemaphoreType.DMA]

    @functools.partial(pl.kernel, mesh=mesh, out_type=out_type,
                       scratch_types=scratch)
    def k(e_h, m_h, dst_h, z_h, tok_h, out_h, acc_sh, ix0, ix1, rw0, rw1,
          sem0, sem1):
        c = lax.axis_index("c")
        s = lax.axis_index("s")
        pltpu.sync_copy(z_h.at[pl.ds(s * _NPT, _NPT)],
                        acc_sh.at[pl.ds(s * _NPT, _NPT)])
        plsc.subcore_barrier()
        base = s * eps

        def sweep(rows_h):
            def fire(ix, rw, sem, ch):
                off = base + ch * _SB
                pltpu.async_copy(dst_h.at[pl.ds(off, _SB)], ix, sem)
                pltpu.async_copy(rows_h.at[pl.ds(off, _SB)], rw, sem)

            def drain(ix, rw, sem):
                pltpu.make_async_copy(dst_h.at[pl.ds(base, _SB)], ix,
                                      sem).wait()
                pltpu.make_async_copy(rows_h.at[pl.ds(base, _SB)], rw,
                                      sem).wait()

            fire(ix0, rw0, sem0, 0)

            def body(i2, carry):
                c0 = i2 * 2
                fire(ix1, rw1, sem1, c0 + 1)
                drain(ix0, rw0, sem0)
                pltpu.sync_copy(rw0, acc_sh.at[ix0], add=True)

                @pl.when(c0 + 2 < sch)
                def _():
                    fire(ix0, rw0, sem0, c0 + 2)
                drain(ix1, rw1, sem1)
                pltpu.sync_copy(rw1, acc_sh.at[ix1], add=True)
                return carry
            lax.fori_loop(0, sch // 2, body, 0)

        @pl.when(c == 0)
        def _():
            sweep(m_h)

        @pl.when(c == 1)
        def _():
            sweep(e_h)

        plsc.subcore_barrier()
        pltpu.sync_copy(acc_sh.at[pl.ds(s * _NPT, _NPT)],
                        out_h.at[c, pl.ds(s * _NPT, _NPT)])

    return k(e, m, dst, zeros, tok)


def _node_body(x_ref, win_ref, bin_ref, wz_ref, wval_ref,
               combo_ref, val_ref):
    h = jnp.maximum(
        jnp.dot(x_ref[...], win_ref[...], preferred_element_type=jnp.float32)
        + bin_ref[...], 0.0)
    combo_ref[...] = jnp.dot(h, wz_ref[...], preferred_element_type=jnp.float32)
    val_ref[...] = jnp.dot(h, wval_ref[...], preferred_element_type=jnp.float32)


def _node_call(x, W_in, b_in, Wz, W_val):
    full = lambda i: (0, 0)
    row = lambda i: (i, 0)
    spec_w = pl.BlockSpec((_C, _C), full)
    spec_b = pl.BlockSpec((1, _C), full)
    spec_n = pl.BlockSpec((_BN, _C), row)
    return pl.pallas_call(
        _node_body,
        grid=(_N // _BN,),
        in_specs=[spec_n, spec_w, spec_b, spec_w, spec_w],
        out_specs=[spec_n, spec_n],
        out_shape=[jax.ShapeDtypeStruct((_N, _C), jnp.float32)] * 2,
    )(x, W_in, b_in, Wz, W_val)


def _edge_body(zrel_ref, gv_ref,
               wp1_ref, bp1_ref, wpa_ref, bpa_ref,
               wp2_ref, bp2_ref, wa2_ref, ba2_ref,
               e_ref, m_ref):
    z = zrel_ref[:, :64]
    rel = zrel_ref[:, 64:80]
    d1 = jnp.maximum(
        jnp.dot(rel, wp1_ref[...], preferred_element_type=jnp.float32)
        + bp1_ref[...], 0.0)
    delta = jnp.dot(d1, wp2_ref[...], preferred_element_type=jnp.float32) \
        + bp2_ref[...]
    u = jnp.maximum(
        z + jnp.dot(d1, wpa_ref[...], preferred_element_type=jnp.float32)
        + bpa_ref[...], 0.0)
    a = jnp.dot(u, wa2_ref[...], preferred_element_type=jnp.float32) \
        + ba2_ref[...]
    e = jnp.exp(a)
    e_ref[...] = e
    m_ref[...] = e * (gv_ref[...] + delta)


def _edge_call(zrel, gv, W_p1p, b_p1, W_pa, b_pa, W_p2, b_p2, W_a2, b_a2,
               ne, be):
    full = lambda i: (0, 0)
    row = lambda i: (i, 0)
    spec_e = pl.BlockSpec((be, _C), row)
    return pl.pallas_call(
        _edge_body,
        grid=(ne // be,),
        in_specs=[spec_e, spec_e,
                  pl.BlockSpec((16, 64), full), pl.BlockSpec((1, 64), full),
                  pl.BlockSpec((64, 64), full), pl.BlockSpec((1, 64), full),
                  pl.BlockSpec((64, _C), full), pl.BlockSpec((1, _C), full),
                  pl.BlockSpec((64, _C), full), pl.BlockSpec((1, _C), full)],
        out_specs=[spec_e, spec_e],
        out_shape=[jax.ShapeDtypeStruct((ne, _C), jnp.float32)] * 2,
    )(zrel, gv, W_p1p, b_p1, W_pa, b_pa, W_p2, b_p2, W_a2, b_a2)


def _final_body(n0_ref, d0_ref, n1_ref, d1_ref, x_ref, wout_ref, bout_ref,
                out_ref):
    agg = (n0_ref[...] + n1_ref[...]) / (d0_ref[...] + d1_ref[...] + 1e-16)
    out_ref[...] = jnp.maximum(
        jnp.dot(agg, wout_ref[...], preferred_element_type=jnp.float32)
        + bout_ref[...], 0.0) + x_ref[...]


def _final_call(n0, d0, n1, d1, x, W_out, b_out):
    full = lambda i: (0, 0)
    row = lambda i: (i, 0)
    spec_n = pl.BlockSpec((_BN, _C), row)
    return pl.pallas_call(
        _final_body,
        grid=(_N // _BN,),
        in_specs=[spec_n, spec_n, spec_n, spec_n, spec_n,
                  pl.BlockSpec((_C, _C), full), pl.BlockSpec((1, _C), full)],
        out_specs=spec_n,
        out_shape=jax.ShapeDtypeStruct((_N, _C), jnp.float32),
    )(n0, d0, n1, d1, x, W_out, b_out)


def kernel(x, pos, edge_index, W_in, b_in, W_val, W_src, W_dst,
           W_p1, b_p1, W_p2, b_p2, W_a1, b_a1, W_a2, b_a2, W_out, b_out):
    b_in2 = b_in.reshape(1, _C)
    b_p12 = b_p1.reshape(1, 64)
    b_p22 = b_p2.reshape(1, _C)
    b_a22 = b_a2.reshape(1, _C)
    b_out2 = b_out.reshape(1, _C)
    W_p1p = jnp.pad(W_p1, ((0, 13), (0, 0)))
    Wz = jnp.concatenate([W_dst @ W_a1, W_src @ W_a1], axis=1)
    W_pa = W_p2 @ W_a1
    b_pa = (b_p2 @ W_a1 + b_a1).reshape(1, 64)

    combo, val = _node_call(x, W_in, b_in2, Wz, W_val)

    src = edge_index[0]
    dst = edge_index[1]
    pos4 = jnp.pad(pos, ((0, 0), (0, 1))).reshape(-1)
    zeros = jnp.zeros((_NPAD, _C), jnp.float32)

    accs = []
    tok = jnp.zeros((8, _C), jnp.float32)
    for (lo, ne, gch, be) in _SLABS:
        src_s = lax.slice_in_dim(src, lo, lo + ne)
        dst_s = lax.slice_in_dim(dst, lo, lo + ne)
        zrel, gv = _sc_gather(combo, val, pos4, src_s, dst_s, ne, gch, tok)
        tok = lax.slice_in_dim(gv, 0, 8)
        e, m = _edge_call(zrel, gv, W_p1p, b_p12, W_pa, b_pa, W_p2, b_p22,
                          W_a2, b_a22, ne, be)
        accs.append((e, m, dst_s, ne))
    res = []
    for (e, m, dst_s, ne) in accs:
        acc = _sc_scatter(e, m, dst_s, zeros, ne, tok)
        tok = lax.slice_in_dim(acc[0], 0, 8)
        res.append(acc)
    acc0, acc1 = res

    return _final_call(acc0[0, :_N], acc0[1, :_N], acc1[0, :_N],
                       acc1[1, :_N], x, W_out, b_out2)

# --- scband reference (transcript-rebuilt; emitter-appended) ---
"""Pipeline reference for scband-transformer-block-33492154974646 (READ-ONLY COPY).

The authoritative reference and input builder live on the scoring server;
editing this copy changes nothing except your own understanding.
"""

import jax, jax.numpy as jnp
import numpy as np

N = 10000
E = 320000
C = 128

def setup_inputs(seed: int = 0) -> dict:
    key = jax.random.key(seed)
    ks = jax.random.split(key, 20)
    inp = {}
    inp['x'] = jax.random.normal(ks[0], (N, C), dtype=jnp.float32)
    inp['pos'] = jax.random.normal(ks[1], (N, 3), dtype=jnp.float32)
    inp['edge_index'] = jax.random.randint(ks[2], (2, E), 0, N, dtype=jnp.int32)
    s = 0.05
    inp['W_in'] = jax.random.normal(ks[3], (C, C), dtype=jnp.float32) * s
    inp['b_in'] = jnp.zeros((C,), dtype=jnp.float32)
    inp['W_val'] = jax.random.normal(ks[4], (C, C), dtype=jnp.float32) * s
    inp['W_src'] = jax.random.normal(ks[5], (C, C), dtype=jnp.float32) * s
    inp['W_dst'] = jax.random.normal(ks[6], (C, C), dtype=jnp.float32) * s
    inp['W_p1'] = jax.random.normal(ks[7], (3, 64), dtype=jnp.float32) * s
    inp['b_p1'] = jnp.zeros((64,), dtype=jnp.float32)
    inp['W_p2'] = jax.random.normal(ks[8], (64, C), dtype=jnp.float32) * s
    inp['b_p2'] = jnp.zeros((C,), dtype=jnp.float32)
    inp['W_a1'] = jax.random.normal(ks[9], (C, 64), dtype=jnp.float32) * s
    inp['b_a1'] = jnp.zeros((64,), dtype=jnp.float32)
    inp['W_a2'] = jax.random.normal(ks[10], (64, C), dtype=jnp.float32) * s
    inp['b_a2'] = jnp.zeros((C,), dtype=jnp.float32)
    inp['W_out'] = jax.random.normal(ks[11], (C, C), dtype=jnp.float32) * s
    inp['b_out'] = jnp.zeros((C,), dtype=jnp.float32)
    return inp


def reference(x, pos, edge_index, W_in, b_in, W_val, W_src, W_dst, W_p1, b_p1, W_p2, b_p2, W_a1, b_a1, W_a2, b_a2, W_out, b_out):
    x_skip = x
    h = jax.nn.relu(x @ W_in + b_in)
    src = edge_index[0]
    dst = edge_index[1]
    # PointTransformerConv (PyG semantics): alpha_i = lin_dst(h_i), alpha_j = lin_src(h_j)
    alpha_src = h @ W_src
    alpha_dst = h @ W_dst
    val = h @ W_val
    # positional encoding delta = pos_nn(pos_i - pos_j) per edge
    rel = pos[dst] - pos[src]
    delta = jax.nn.relu(rel @ W_p1 + b_p1) @ W_p2 + b_p2
    # attention logits: attn_nn(alpha_i - alpha_j + delta)
    a = alpha_dst[dst] - alpha_src[src] + delta
    a = jax.nn.relu(a @ W_a1 + b_a1) @ W_a2 + b_a2
    # per-dst segment softmax (per channel)
    a_max = jax.ops.segment_max(a, dst, num_segments=N)
    a_max = jnp.where(jnp.isfinite(a_max), a_max, 0.0)
    a_exp = jnp.exp(a - a_max[dst])
    a_sum = jax.ops.segment_sum(a_exp, dst, num_segments=N)
    alpha = a_exp / (a_sum[dst] + 1e-16)
    # message = alpha * (lin(h_j) + delta), aggregated by sum over dst
    msg = alpha * (val[src] + delta)
    out = jax.ops.segment_sum(msg, dst, num_segments=N)
    out = jax.nn.relu(out @ W_out + b_out)
    return out + x_skip

if __name__ == "__main__":
    import jax
    _d = setup_inputs()
    print(jax.jit(kernel)(*tuple(_d.values())))

</pallas_src>

<mosaic_0001>
#map = affine_map<(d0, d1) -> (0, 0)>
#map1 = affine_map<(d0, d1) -> (0)>
#map2 = affine_map<(d0, d1) -> (0, 0, 0)>
module attributes {stable_mosaic.version = 14 : i64} {
  func.func @k(%arg0: i32, %arg1: i32, %arg2: memref<161280x128xf32, #tpu.memory_space<hbm>>, %arg3: memref<161280x128xf32, #tpu.memory_space<hbm>>, %arg4: memref<161280xi32, #tpu.memory_space<hbm>>, %arg5: memref<10240x128xf32, #tpu.memory_space<hbm>>, %arg6: memref<8x128xf32, #tpu.memory_space<hbm>>, %arg7: memref<2x10240x128xf32, #tpu.memory_space<hbm>>, %arg8: memref<10240x128xf32, #tpu.memory_space<vmem_shared>>, %arg9: memref<80xi32, #tpu.memory_space<vmem>>, %arg10: memref<80xi32, #tpu.memory_space<vmem>>, %arg11: memref<80x128xf32, #tpu.memory_space<vmem>>, %arg12: memref<80x128xf32, #tpu.memory_space<vmem>>, %arg13: memref<!tpu.dma_semaphore, #tpu.memory_space<semaphore_mem>>, %arg14: memref<!tpu.dma_semaphore, #tpu.memory_space<semaphore_mem>>) attributes {dimension_semantics = [#tpu.dimension_semantics<core_parallel>, #tpu.dimension_semantics<subcore_parallel>], iteration_bounds = array<i64: 2, 16>, scalar_prefetch = 0 : i64, scratch_operands = 7 : i64, tpu.core_type = #tpu.core_type<sc_vector_subcore>, window_params = [{transform_indices = #map}, {transform_indices = #map}, {transform_indices = #map1}, {transform_indices = #map}, {transform_indices = #map}, {transform_indices = #map2}]} {
    %mul3A = arith.constant 640 : i32
    %mul3A_0 = arith.muli %arg1, %mul3A : i32
    %mul3A_1 = arith.constant 640 : i32
    %mul3A_2 = arith.muli %arg1, %mul3A_1 : i32
    "tpu.region"() ({
      %run_scoped3A = tpu.sem_alloc : memref<!tpu.dma_semaphore, #tpu.memory_space<semaphore_mem>>
      %dma_start3A = arith.constant 0 : i32
      %dma_start3A_17 = tpu.memref_slice %arg8[%mul3A_2, %dma_start3A] : memref<10240x128xf32, #tpu.memory_space<vmem_shared>> -> memref<640x128xf32, #tpu.memory_space<vmem_shared>>
      %dma_start3A_18 = arith.constant 0 : i32
      %dma_start3A_19 = tpu.memref_slice %arg5[%mul3A_0, %dma_start3A_18] : memref<10240x128xf32, #tpu.memory_space<hbm>> -> memref<640x128xf32, #tpu.memory_space<hbm>>
      tpu.enqueue_dma source(%dma_start3A_19 : memref<640x128xf32, #tpu.memory_space<hbm>>) target(%dma_start3A_17 : memref<640x128xf32, #tpu.memory_space<vmem_shared>>) target_semaphore(%run_scoped3A : memref<!tpu.dma_semaphore, #tpu.memory_space<semaphore_mem>>)
      %dma_wait3A = arith.constant 0 : i32
      %dma_wait3A_20 = tpu.memref_slice %arg8[%mul3A_2, %dma_wait3A] : memref<10240x128xf32, #tpu.memory_space<vmem_shared>> -> memref<640x128xf32, #tpu.memory_space<vmem_shared>>
      %dma_wait3A_21 = arith.constant 0 : i32
      %dma_wait3A_22 = tpu.memref_slice %arg5[%mul3A_0, %dma_wait3A_21] : memref<10240x128xf32, #tpu.memory_space<hbm>> -> memref<640x128xf32, #tpu.memory_space<hbm>>
      tpu.wait_dma2 semaphore(%run_scoped3A : memref<!tpu.dma_semaphore, #tpu.memory_space<semaphore_mem>>) src(%dma_wait3A_22 : memref<640x128xf32, #tpu.memory_space<hbm>>) dst(%dma_wait3A_20 : memref<640x128xf32, #tpu.memory_space<vmem_shared>>)
      tpu.yield
    }) : () -> ()
    %barrier3A = arith.constant 0 : index
    tpu.barrier barrier_id(%barrier3A)
    %mul3A_3 = arith.constant 10080 : i32
    %mul3A_4 = arith.muli %arg1, %mul3A_3 : i32
    %eq3A = arith.constant 0 : i32
    %eq3A_5 = arith.cmpi eq, %arg0, %eq3A : i32
    %convert_element_type3A = arith.extui %eq3A_5 : i1 to i32
    %cond3A = arith.constant 0 : i32
    %cond3A_6 = arith.cmpi ne, %convert_element_type3A, %cond3A : i32
    scf.if %cond3A_6 {
      %add3A = arith.constant 0 : i32
      %add3A_17 = arith.addi %mul3A_4, %add3A : i32
      %dma_start3A = tpu.memref_slice %arg4[%add3A_17] : memref<161280xi32, #tpu.memory_space<hbm>> -> memref<80xi32, #tpu.memory_space<hbm>>
      %dma_start3A_18 = tpu.memref_slice %arg4[%add3A_17] : memref<161280xi32, #tpu.memory_space<hbm>> -> memref<80xi32, #tpu.memory_space<hbm>>
      tpu.enqueue_dma source(%dma_start3A_18 : memref<80xi32, #tpu.memory_space<hbm>>) target(%arg9 : memref<80xi32, #tpu.memory_space<vmem>>) target_semaphore(%arg13 : memref<!tpu.dma_semaphore, #tpu.memory_space<semaphore_mem>>)
      %dma_start3A_19 = arith.constant 0 : i32
      %dma_start3A_20 = tpu.memref_slice %arg3[%add3A_17, %dma_start3A_19] : memref<161280x128xf32, #tpu.memory_space<hbm>> -> memref<80x128xf32, #tpu.memory_space<hbm>>
      %dma_start3A_21 = arith.constant 0 : i32
      %dma_start3A_22 = tpu.memref_slice %arg3[%add3A_17, %dma_start3A_21] : memref<161280x128xf32, #tpu.memory_space<hbm>> -> memref<80x128xf32, #tpu.memory_space<hbm>>
      tpu.enqueue_dma source(%dma_start3A_22 : memref<80x128xf32, #tpu.memory_space<hbm>>) target(%arg11 : memref<80x128xf32, #tpu.memory_space<vmem>>) target_semaphore(%arg13 : memref<!tpu.dma_semaphore, #tpu.memory_space<semaphore_mem>>)
      %scan3A = arith.constant 0 : i32
      %scan3A_23 = arith.constant 0 : i32
      %scan3A_24 = arith.constant 63 : i32
      %scan3A_25 = arith.addi %scan3A_23, %scan3A_24 : i32
      %scan3A_26 = arith.constant 1 : i32
      scf.for %scan3A_28 = %scan3A_23 to %scan3A_25 step %scan3A_26  : i32 {
        %mul3A_29 = arith.constant 2 : i32
        %mul3A_30 = arith.muli %scan3A_28, %mul3A_29 : i32
        %add3A_31 = arith.constant 1 : i32
        %add3A_32 = arith.addi %mul3A_30, %add3A_31 : i32
        %mul3A_33 = arith.constant 80 : i32
        %mul3A_34 = arith.muli %add3A_32, %mul3A_33 : i32
        %add3A_35 = arith.addi %mul3A_4, %mul3A_34 : i32
        %dma_start3A_36 = tpu.memref_slice %arg4[%add3A_35] : memref<161280xi32, #tpu.memory_space<hbm>> -> memref<80xi32, #tpu.memory_space<hbm>>
        %dma_start3A_37 = tpu.memref_slice %arg4[%add3A_35] : memref<161280xi32, #tpu.memory_space<hbm>> -> memref<80xi32, #tpu.memory_space<hbm>>
        tpu.enqueue_dma source(%dma_start3A_37 : memref<80xi32, #tpu.memory_space<hbm>>) target(%arg10 : memref<80xi32, #tpu.memory_space<vmem>>) target_semaphore(%arg14 : memref<!tpu.dma_semaphore, #tpu.memory_space<semaphore_mem>>)
        %dma_start3A_38 = arith.constant 0 : i32
        %dma_start3A_39 = tpu.memref_slice %arg3[%add3A_35, %dma_start3A_38] : memref<161280x128xf32, #tpu.memory_space<hbm>> -> memref<80x128xf32, #tpu.memory_space<hbm>>
        %dma_start3A_40 = arith.constant 0 : i32
        %dma_start3A_41 = tpu.memref_slice %arg3[%add3A_35, %dma_start3A_40] : memref<161280x128xf32, #tpu.memory_space<hbm>> -> memref<80x128xf32, #tpu.memory_space<hbm>>
        tpu.enqueue_dma source(%dma_start3A_41 : memref<80x128xf32, #tpu.memory_space<hbm>>) target(%arg12 : memref<80x128xf32, #tpu.memory_space<vmem>>) target_semaphore(%arg14 : memref<!tpu.dma_semaphore, #tpu.memory_space<semaphore_mem>>)
        %dma_wait3A = tpu.memref_slice %arg4[%mul3A_4] : memref<161280xi32, #tpu.memory_space<hbm>> -> memref<80xi32, #tpu.memory_space<hbm>>
        %dma_wait3A_42 = tpu.memref_slice %arg4[%mul3A_4] : memref<161280xi32, #tpu.memory_space<hbm>> -> memref<80xi32, #tpu.memory_space<hbm>>
        tpu.wait_dma2 semaphore(%arg13 : memref<!tpu.dma_semaphore, #tpu.memory_space<semaphore_mem>>) src(%dma_wait3A_42 : memref<80xi32, #tpu.memory_space<hbm>>) dst(%arg9 : memref<80xi32, #tpu.memory_space<vmem>>)
        %dma_wait3A_43 = arith.constant 0 : i32
        %dma_wait3A_44 = tpu.memref_slice %arg3[%mul3A_4, %dma_wait3A_43] : memref<161280x128xf32, #tpu.memory_space<hbm>> -> memref<80x128xf32, #tpu.memory_space<hbm>>
        %dma_wait3A_45 = arith.constant 0 : i32
        %dma_wait3A_46 = tpu.memref_slice %arg3[%mul3A_4, %dma_wait3A_45] : memref<161280x128xf32, #tpu.memory_space<hbm>> -> memref<80x128xf32, #tpu.memory_space<hbm>>
        tpu.wait_dma2 semaphore(%arg13 : memref<!tpu.dma_semaphore, #tpu.memory_space<semaphore_mem>>) src(%dma_wait3A_46 : memref<80x128xf32, #tpu.memory_space<hbm>>) dst(%arg11 : memref<80x128xf32, #tpu.memory_space<vmem>>)
        "tpu.region"() ({
          %run_scoped3A = tpu.sem_alloc : memref<!tpu.dma_semaphore, #tpu.memory_space<semaphore_mem>>
          %dma_start3A_59 = arith.constant 0 : i32
          %dma_start3A_60 = arith.constant 0 : i32
          %dma_start3A_61 = tpu.memref_slice %arg8[%dma_start3A_59, %dma_start3A_60] : memref<10240x128xf32, #tpu.memory_space<vmem_shared>> -> memref<10240x128xf32, #tpu.memory_space<vmem_shared>>
          tpu.enqueue_indirect_dma source(%arg11 : memref<80x128xf32, #tpu.memory_space<vmem>>) target(%dma_start3A_61 : memref<10240x128xf32, #tpu.memory_space<vmem_shared>>) offsets(%arg9 : memref<80xi32, #tpu.memory_space<vmem>>) semaphore(%run_scoped3A : memref<!tpu.dma_semaphore, #tpu.memory_space<semaphore_mem>>) {add = true}
          %dma_wait3A_62 = arith.constant 0 : i32
          %dma_wait3A_63 = arith.constant 0 : i32
          %dma_wait3A_64 = tpu.memref_slice %arg8[%dma_wait3A_62, %dma_wait3A_63] : memref<10240x128xf32, #tpu.memory_space<vmem_shared>> -> memref<10240x128xf32, #tpu.memory_space<vmem_shared>>
          tpu.wait_indirect_dma semaphore(%run_scoped3A : memref<!tpu.dma_semaphore, #tpu.memory_space<semaphore_mem>>) src(%arg11 : memref<80x128xf32, #tpu.memory_space<vmem>>) dst(%dma_wait3A_64 : memref<10240x128xf32, #tpu.memory_space<vmem_shared>>)
          tpu.yield
        }) : () -> ()
        %add3A_47 = arith.constant 2 : i32
        %add3A_48 = arith.addi %mul3A_30, %add3A_47 : i32
        %lt3A = arith.constant 126 : i32
        %lt3A_49 = arith.cmpi slt, %add3A_48, %lt3A : i32
        %convert_element_type3A_50 = arith.extui %lt3A_49 : i1 to i32
        %cond3A_51 = arith.constant 0 : i32
        %cond3A_52 = arith.cmpi ne, %convert_element_type3A_50, %cond3A_51 : i32
        scf.if %cond3A_52 {
          %add3A_59 = arith.constant 2 : i32
          %add3A_60 = arith.addi %mul3A_30, %add3A_59 : i32
          %mul3A_61 = arith.constant 80 : i32
          %mul3A_62 = arith.muli %add3A_60, %mul3A_61 : i32
          %add3A_63 = arith.addi %mul3A_4, %mul3A_62 : i32
          %dma_start3A_64 = tpu.memref_slice %arg4[%add3A_63] : memref<161280xi32, #tpu.memory_space<hbm>> -> memref<80xi32, #tpu.memory_space<hbm>>
          %dma_start3A_65 = tpu.memref_slice %arg4[%add3A_63] : memref<161280xi32, #tpu.memory_space<hbm>> -> memref<80xi32, #tpu.memory_space<hbm>>
          tpu.enqueue_dma source(%dma_start3A_65 : memref<80xi32, #tpu.memory_space<hbm>>) target(%arg9 : memref<80xi32, #tpu.memory_space<vmem>>) target_semaphore(%arg13 : memref<!tpu.dma_semaphore, #tpu.memory_space<semaphore_mem>>)
          %dma_start3A_66 = arith.constant 0 : i32
          %dma_start3A_67 = tpu.memref_slice %arg3[%add3A_63, %dma_start3A_66] : memref<161280x128xf32, #tpu.memory_space<hbm>> -> memref<80x128xf32, #tpu.memory_space<hbm>>
          %dma_start3A_68 = arith.constant 0 : i32
          %dma_start3A_69 = tpu.memref_slice %arg3[%add3A_63, %dma_start3A_68] : memref<161280x128xf32, #tpu.memory_space<hbm>> -> memref<80x128xf32, #tpu.memory_space<hbm>>
          tpu.enqueue_dma source(%dma_start3A_69 : memref<80x128xf32, #tpu.memory_space<hbm>>) target(%arg11 : memref<80x128xf32, #tpu.memory_space<vmem>>) target_semaphore(%arg13 : memref<!tpu.dma_semaphore, #tpu.memory_space<semaphore_mem>>)
        } else {
        }
        %dma_wait3A_53 = tpu.memref_slice %arg4[%mul3A_4] : memref<161280xi32, #tpu.memory_space<hbm>> -> memref<80xi32, #tpu.memory_space<hbm>>
        %dma_wait3A_54 = tpu.memref_slice %arg4[%mul3A_4] : memref<161280xi32, #tpu.memory_space<hbm>> -> memref<80xi32, #tpu.memory_space<hbm>>
        tpu.wait_dma2 semaphore(%arg14 : memref<!tpu.dma_semaphore, #tpu.memory_space<semaphore_mem>>) src(%dma_wait3A_54 : memref<80xi32, #tpu.memory_space<hbm>>) dst(%arg10 : memref<80xi32, #tpu.memory_space<vmem>>)
        %dma_wait3A_55 = arith.constant 0 : i32
        %dma_wait3A_56 = tpu.memref_slice %arg3[%mul3A_4, %dma_wait3A_55] : memref<161280x128xf32, #tpu.memory_space<hbm>> -> memref<80x128xf32, #tpu.memory_space<hbm>>
        %dma_wait3A_57 = arith.constant 0 : i32
        %dma_wait3A_58 = tpu.memref_slice %arg3[%mul3A_4, %dma_wait3A_57] : memref<161280x128xf32, #tpu.memory_space<hbm>> -> memref<80x128xf32, #tpu.memory_space<hbm>>
        tpu.wait_dma2 semaphore(%arg14 : memref<!tpu.dma_semaphore, #tpu.memory_space<semaphore_mem>>) src(%dma_wait3A_58 : memref<80x128xf32, #tpu.memory_space<hbm>>) dst(%arg12 : memref<80x128xf32, #tpu.memory_space<vmem>>)
        "tpu.region"() ({
          %run_scoped3A = tpu.sem_alloc : memref<!tpu.dma_semaphore, #tpu.memory_space<semaphore_mem>>
          %dma_start3A_59 = arith.constant 0 : i32
          %dma_start3A_60 = arith.constant 0 : i32
          %dma_start3A_61 = tpu.memref_slice %arg8[%dma_start3A_59, %dma_start3A_60] : memref<10240x128xf32, #tpu.memory_space<vmem_shared>> -> memref<10240x128xf32, #tpu.memory_space<vmem_shared>>
          tpu.enqueue_indirect_dma source(%arg12 : memref<80x128xf32, #tpu.memory_space<vmem>>) target(%dma_start3A_61 : memref<10240x128xf32, #tpu.memory_space<vmem_shared>>) offsets(%arg10 : memref<80xi32, #tpu.memory_space<vmem>>) semaphore(%run_scoped3A : memref<!tpu.dma_semaphore, #tpu.memory_space<semaphore_mem>>) {add = true}
          %dma_wait3A_62 = arith.constant 0 : i32
          %dma_wait3A_63 = arith.constant 0 : i32
          %dma_wait3A_64 = tpu.memref_slice %arg8[%dma_wait3A_62, %dma_wait3A_63] : memref<10240x128xf32, #tpu.memory_space<vmem_shared>> -> memref<10240x128xf32, #tpu.memory_space<vmem_shared>>
          tpu.wait_indirect_dma semaphore(%run_scoped3A : memref<!tpu.dma_semaphore, #tpu.memory_space<semaphore_mem>>) src(%arg12 : memref<80x128xf32, #tpu.memory_space<vmem>>) dst(%dma_wait3A_64 : memref<10240x128xf32, #tpu.memory_space<vmem_shared>>)
          tpu.yield
        }) : () -> ()
      }
      %scan3A_27 = arith.constant 63 : i32
    } else {
    }
    %eq3A_7 = arith.constant 1 : i32
    %eq3A_8 = arith.cmpi eq, %arg0, %eq3A_7 : i32
    %convert_element_type3A_9 = arith.extui %eq3A_8 : i1 to i32
    %cond3A_10 = arith.constant 0 : i32
    %cond3A_11 = arith.cmpi ne, %convert_element_type3A_9, %cond3A_10 : i32
    scf.if %cond3A_11 {
      %add3A = arith.constant 0 : i32
      %add3A_17 = arith.addi %mul3A_4, %add3A : i32
      %dma_start3A = tpu.memref_slice %arg4[%add3A_17] : memref<161280xi32, #tpu.memory_space<hbm>> -> memref<80xi32, #tpu.memory_space<hbm>>
      %dma_start3A_18 = tpu.memref_slice %arg4[%add3A_17] : memref<161280xi32, #tpu.memory_space<hbm>> -> memref<80xi32, #tpu.memory_space<hbm>>
      tpu.enqueue_dma source(%dma_start3A_18 : memref<80xi32, #tpu.memory_space<hbm>>) target(%arg9 : memref<80xi32, #tpu.memory_space<vmem>>) target_semaphore(%arg13 : memref<!tpu.dma_semaphore, #tpu.memory_space<semaphore_mem>>)
      %dma_start3A_19 = arith.constant 0 : i32
      %dma_start3A_20 = tpu.memref_slice %arg2[%add3A_17, %dma_start3A_19] : memref<161280x128xf32, #tpu.memory_space<hbm>> -> memref<80x128xf32, #tpu.memory_space<hbm>>
      %dma_start3A_21 = arith.constant 0 : i32
      %dma_start3A_22 = tpu.memref_slice %arg2[%add3A_17, %dma_start3A_21] : memref<161280x128xf32, #tpu.memory_space<hbm>> -> memref<80x128xf32, #tpu.memory_space<hbm>>
      tpu.enqueue_dma source(%dma_start3A_22 : memref<80x128xf32, #tpu.memory_space<hbm>>) target(%arg11 : memref<80x128xf32, #tpu.memory_space<vmem>>) target_semaphore(%arg13 : memref<!tpu.dma_semaphore, #tpu.memory_space<semaphore_mem>>)
      %scan3A = arith.constant 0 : i32
      %scan3A_23 = arith.constant 0 : i32
      %scan3A_24 = arith.constant 63 : i32
      %scan3A_25 = arith.addi %scan3A_23, %scan3A_24 : i32
      %scan3A_26 = arith.constant 1 : i32
      scf.for %scan3A_28 = %scan3A_23 to %scan3A_25 step %scan3A_26  : i32 {
        %mul3A_29 = arith.constant 2 : i32
        %mul3A_30 = arith.muli %scan3A_28, %mul3A_29 : i32
        %add3A_31 = arith.constant 1 : i32
        %add3A_32 = arith.addi %mul3A_30, %add3A_31 : i32
        %mul3A_33 = arith.constant 80 : i32
        %mul3A_34 = arith.muli %add3A_32, %mul3A_33 : i32
        %add3A_35 = arith.addi %mul3A_4, %mul3A_34 : i32
        %dma_start3A_36 = tpu.memref_slice %arg4[%add3A_35] : memref<161280xi32, #tpu.memory_space<hbm>> -> memref<80xi32, #tpu.memory_space<hbm>>
        %dma_start3A_37 = tpu.memref_slice %arg4[%add3A_35] : memref<161280xi32, #tpu.memory_space<hbm>> -> memref<80xi32, #tpu.memory_space<hbm>>
        tpu.enqueue_dma source(%dma_start3A_37 : memref<80xi32, #tpu.memory_space<hbm>>) target(%arg10 : memref<80xi32, #tpu.memory_space<vmem>>) target_semaphore(%arg14 : memref<!tpu.dma_semaphore, #tpu.memory_space<semaphore_mem>>)
        %dma_start3A_38 = arith.constant 0 : i32
        %dma_start3A_39 = tpu.memref_slice %arg2[%add3A_35, %dma_start3A_38] : memref<161280x128xf32, #tpu.memory_space<hbm>> -> memref<80x128xf32, #tpu.memory_space<hbm>>
        %dma_start3A_40 = arith.constant 0 : i32
        %dma_start3A_41 = tpu.memref_slice %arg2[%add3A_35, %dma_start3A_40] : memref<161280x128xf32, #tpu.memory_space<hbm>> -> memref<80x128xf32, #tpu.memory_space<hbm>>
        tpu.enqueue_dma source(%dma_start3A_41 : memref<80x128xf32, #tpu.memory_space<hbm>>) target(%arg12 : memref<80x128xf32, #tpu.memory_space<vmem>>) target_semaphore(%arg14 : memref<!tpu.dma_semaphore, #tpu.memory_space<semaphore_mem>>)
        %dma_wait3A = tpu.memref_slice %arg4[%mul3A_4] : memref<161280xi32, #tpu.memory_space<hbm>> -> memref<80xi32, #tpu.memory_space<hbm>>
        %dma_wait3A_42 = tpu.memref_slice %arg4[%mul3A_4] : memref<161280xi32, #tpu.memory_space<hbm>> -> memref<80xi32, #tpu.memory_space<hbm>>
        tpu.wait_dma2 semaphore(%arg13 : memref<!tpu.dma_semaphore, #tpu.memory_space<semaphore_mem>>) src(%dma_wait3A_42 : memref<80xi32, #tpu.memory_space<hbm>>) dst(%arg9 : memref<80xi32, #tpu.memory_space<vmem>>)
        %dma_wait3A_43 = arith.constant 0 : i32
        %dma_wait3A_44 = tpu.memref_slice %arg2[%mul3A_4, %dma_wait3A_43] : memref<161280x128xf32, #tpu.memory_space<hbm>> -> memref<80x128xf32, #tpu.memory_space<hbm>>
        %dma_wait3A_45 = arith.constant 0 : i32
        %dma_wait3A_46 = tpu.memref_slice %arg2[%mul3A_4, %dma_wait3A_45] : memref<161280x128xf32, #tpu.memory_space<hbm>> -> memref<80x128xf32, #tpu.memory_space<hbm>>
        tpu.wait_dma2 semaphore(%arg13 : memref<!tpu.dma_semaphore, #tpu.memory_space<semaphore_mem>>) src(%dma_wait3A_46 : memref<80x128xf32, #tpu.memory_space<hbm>>) dst(%arg11 : memref<80x128xf32, #tpu.memory_space<vmem>>)
        "tpu.region"() ({
          %run_scoped3A = tpu.sem_alloc : memref<!tpu.dma_semaphore, #tpu.memory_space<semaphore_mem>>
          %dma_start3A_59 = arith.constant 0 : i32
          %dma_start3A_60 = arith.constant 0 : i32
          %dma_start3A_61 = tpu.memref_slice %arg8[%dma_start3A_59, %dma_start3A_60] : memref<10240x128xf32, #tpu.memory_space<vmem_shared>> -> memref<10240x128xf32, #tpu.memory_space<vmem_shared>>
          tpu.enqueue_indirect_dma source(%arg11 : memref<80x128xf32, #tpu.memory_space<vmem>>) target(%dma_start3A_61 : memref<10240x128xf32, #tpu.memory_space<vmem_shared>>) offsets(%arg9 : memref<80xi32, #tpu.memory_space<vmem>>) semaphore(%run_scoped3A : memref<!tpu.dma_semaphore, #tpu.memory_space<semaphore_mem>>) {add = true}
          %dma_wait3A_62 = arith.constant 0 : i32
          %dma_wait3A_63 = arith.constant 0 : i32
          %dma_wait3A_64 = tpu.memref_slice %arg8[%dma_wait3A_62, %dma_wait3A_63] : memref<10240x128xf32, #tpu.memory_space<vmem_shared>> -> memref<10240x128xf32, #tpu.memory_space<vmem_shared>>
          tpu.wait_indirect_dma semaphore(%run_scoped3A : memref<!tpu.dma_semaphore, #tpu.memory_space<semaphore_mem>>) src(%arg11 : memref<80x128xf32, #tpu.memory_space<vmem>>) dst(%dma_wait3A_64 : memref<10240x128xf32, #tpu.memory_space<vmem_shared>>)
          tpu.yield
        }) : () -> ()
        %add3A_47 = arith.constant 2 : i32
        %add3A_48 = arith.addi %mul3A_30, %add3A_47 : i32
        %lt3A = arith.constant 126 : i32
        %lt3A_49 = arith.cmpi slt, %add3A_48, %lt3A : i32
        %convert_element_type3A_50 = arith.extui %lt3A_49 : i1 to i32
        %cond3A_51 = arith.constant 0 : i32
        %cond3A_52 = arith.cmpi ne, %convert_element_type3A_50, %cond3A_51 : i32
        scf.if %cond3A_52 {
          %add3A_59 = arith.constant 2 : i32
          %add3A_60 = arith.addi %mul3A_30, %add3A_59 : i32
          %mul3A_61 = arith.constant 80 : i32
          %mul3A_62 = arith.muli %add3A_60, %mul3A_61 : i32
          %add3A_63 = arith.addi %mul3A_4, %mul3A_62 : i32
          %dma_start3A_64 = tpu.memref_slice %arg4[%add3A_63] : memref<161280xi32, #tpu.memory_space<hbm>> -> memref<80xi32, #tpu.memory_space<hbm>>
          %dma_start3A_65 = tpu.memref_slice %arg4[%add3A_63] : memref<161280xi32, #tpu.memory_space<hbm>> -> memref<80xi32, #tpu.memory_space<hbm>>
          tpu.enqueue_dma source(%dma_start3A_65 : memref<80xi32, #tpu.memory_space<hbm>>) target(%arg9 : memref<80xi32, #tpu.memory_space<vmem>>) target_semaphore(%arg13 : memref<!tpu.dma_semaphore, #tpu.memory_space<semaphore_mem>>)
          %dma_start3A_66 = arith.constant 0 : i32
          %dma_start3A_67 = tpu.memref_slice %arg2[%add3A_63, %dma_start3A_66] : memref<161280x128xf32, #tpu.memory_space<hbm>> -> memref<80x128xf32, #tpu.memory_space<hbm>>
          %dma_start3A_68 = arith.constant 0 : i32
          %dma_start3A_69 = tpu.memref_slice %arg2[%add3A_63, %dma_start3A_68] : memref<161280x128xf32, #tpu.memory_space<hbm>> -> memref<80x128xf32, #tpu.memory_space<hbm>>
          tpu.enqueue_dma source(%dma_start3A_69 : memref<80x128xf32, #tpu.memory_space<hbm>>) target(%arg11 : memref<80x128xf32, #tpu.memory_space<vmem>>) target_semaphore(%arg13 : memref<!tpu.dma_semaphore, #tpu.memory_space<semaphore_mem>>)
        } else {
        }
        %dma_wait3A_53 = tpu.memref_slice %arg4[%mul3A_4] : memref<161280xi32, #tpu.memory_space<hbm>> -> memref<80xi32, #tpu.memory_space<hbm>>
        %dma_wait3A_54 = tpu.memref_slice %arg4[%mul3A_4] : memref<161280xi32, #tpu.memory_space<hbm>> -> memref<80xi32, #tpu.memory_space<hbm>>
        tpu.wait_dma2 semaphore(%arg14 : memref<!tpu.dma_semaphore, #tpu.memory_space<semaphore_mem>>) src(%dma_wait3A_54 : memref<80xi32, #tpu.memory_space<hbm>>) dst(%arg10 : memref<80xi32, #tpu.memory_space<vmem>>)
        %dma_wait3A_55 = arith.constant 0 : i32
        %dma_wait3A_56 = tpu.memref_slice %arg2[%mul3A_4, %dma_wait3A_55] : memref<161280x128xf32, #tpu.memory_space<hbm>> -> memref<80x128xf32, #tpu.memory_space<hbm>>
        %dma_wait3A_57 = arith.constant 0 : i32
        %dma_wait3A_58 = tpu.memref_slice %arg2[%mul3A_4, %dma_wait3A_57] : memref<161280x128xf32, #tpu.memory_space<hbm>> -> memref<80x128xf32, #tpu.memory_space<hbm>>
        tpu.wait_dma2 semaphore(%arg14 : memref<!tpu.dma_semaphore, #tpu.memory_space<semaphore_mem>>) src(%dma_wait3A_58 : memref<80x128xf32, #tpu.memory_space<hbm>>) dst(%arg12 : memref<80x128xf32, #tpu.memory_space<vmem>>)
        "tpu.region"() ({
          %run_scoped3A = tpu.sem_alloc : memref<!tpu.dma_semaphore, #tpu.memory_space<semaphore_mem>>
          %dma_start3A_59 = arith.constant 0 : i32
          %dma_start3A_60 = arith.constant 0 : i32
          %dma_start3A_61 = tpu.memref_slice %arg8[%dma_start3A_59, %dma_start3A_60] : memref<10240x128xf32, #tpu.memory_space<vmem_shared>> -> memref<10240x128xf32, #tpu.memory_space<vmem_shared>>
          tpu.enqueue_indirect_dma source(%arg12 : memref<80x128xf32, #tpu.memory_space<vmem>>) target(%dma_start3A_61 : memref<10240x128xf32, #tpu.memory_space<vmem_shared>>) offsets(%arg10 : memref<80xi32, #tpu.memory_space<vmem>>) semaphore(%run_scoped3A : memref<!tpu.dma_semaphore, #tpu.memory_space<semaphore_mem>>) {add = true}
          %dma_wait3A_62 = arith.constant 0 : i32
          %dma_wait3A_63 = arith.constant 0 : i32
          %dma_wait3A_64 = tpu.memref_slice %arg8[%dma_wait3A_62, %dma_wait3A_63] : memref<10240x128xf32, #tpu.memory_space<vmem_shared>> -> memref<10240x128xf32, #tpu.memory_space<vmem_shared>>
          tpu.wait_indirect_dma semaphore(%run_scoped3A : memref<!tpu.dma_semaphore, #tpu.memory_space<semaphore_mem>>) src(%arg12 : memref<80x128xf32, #tpu.memory_space<vmem>>) dst(%dma_wait3A_64 : memref<10240x128xf32, #tpu.memory_space<vmem_shared>>)
          tpu.yield
        }) : () -> ()
      }
      %scan3A_27 = arith.constant 63 : i32
    } else {
    }
    %barrier3A_12 = arith.constant 0 : index
    tpu.barrier barrier_id(%barrier3A_12)
    %mul3A_13 = arith.constant 640 : i32
    %mul3A_14 = arith.muli %arg1, %mul3A_13 : i32
    %mul3A_15 = arith.constant 640 : i32
    %mul3A_16 = arith.muli %arg1, %mul3A_15 : i32
    "tpu.region"() ({
      %run_scoped3A = tpu.sem_alloc : memref<!tpu.dma_semaphore, #tpu.memory_space<semaphore_mem>>
      %dma_start3A = arith.constant 0 : i32
      %dma_start3A_17 = tpu.memref_slice %arg7[%arg0, %mul3A_16, %dma_start3A] : memref<2x10240x128xf32, #tpu.memory_space<hbm>> -> memref<1x640x128xf32, #tpu.memory_space<hbm>>
      %dma_start3A_18 = tpu.memref_squeeze %dma_start3A_17 : memref<1x640x128xf32, #tpu.memory_space<hbm>> -> memref<640x128xf32, #tpu.memory_space<hbm>>
      %dma_start3A_19 = arith.constant 0 : i32
      %dma_start3A_20 = tpu.memref_slice %arg8[%mul3A_14, %dma_start3A_19] : memref<10240x128xf32, #tpu.memory_space<vmem_shared>> -> memref<640x128xf32, #tpu.memory_space<vmem_shared>>
      tpu.enqueue_dma source(%dma_start3A_20 : memref<640x128xf32, #tpu.memory_space<vmem_shared>>) target(%dma_start3A_18 : memref<640x128xf32, #tpu.memory_space<hbm>>) target_semaphore(%run_scoped3A : memref<!tpu.dma_semaphore, #tpu.memory_space<semaphore_mem>>)
      %dma_wait3A = arith.constant 0 : i32
      %dma_wait3A_21 = tpu.memref_slice %arg7[%arg0, %mul3A_16, %dma_wait3A] : memref<2x10240x128xf32, #tpu.memory_space<hbm>> -> memref<1x640x128xf32, #tpu.memory_space<hbm>>
      %dma_wait3A_22 = tpu.memref_squeeze %dma_wait3A_21 : memref<1x640x128xf32, #tpu.memory_space<hbm>> -> memref<640x128xf32, #tpu.memory_space<hbm>>
      %dma_wait3A_23 = arith.constant 0 : i32
      %dma_wait3A_24 = tpu.memref_slice %arg8[%mul3A_14, %dma_wait3A_23] : memref<10240x128xf32, #tpu.memory_space<vmem_shared>> -> memref<640x128xf32, #tpu.memory_space<vmem_shared>>
      tpu.wait_dma2 semaphore(%run_scoped3A : memref<!tpu.dma_semaphore, #tpu.memory_space<semaphore_mem>>) src(%dma_wait3A_24 : memref<640x128xf32, #tpu.memory_space<vmem_shared>>) dst(%dma_wait3A_22 : memref<640x128xf32, #tpu.memory_space<hbm>>)
      tpu.yield
    }) : () -> ()
    return
  }
}

#map = affine_map<(d0, d1) -> (0, 0)>
#map1 = affine_map<(d0, d1) -> (0)>
module attributes {stable_mosaic.version = 14 : i64} {
  func.func @k(%arg0: i32, %arg1: i32, %arg2: memref<10000x128xf32, #tpu.memory_space<hbm>>, %arg3: memref<10000x128xf32, #tpu.memory_space<hbm>>, %arg4: memref<40000xf32, #tpu.memory_space<hbm>>, %arg5: memref<161280xi32, #tpu.memory_space<hbm>>, %arg6: memref<161280xi32, #tpu.memory_space<hbm>>, %arg7: memref<8x128xf32, #tpu.memory_space<hbm>>, %arg8: memref<161280x128xf32, #tpu.memory_space<hbm>>, %arg9: memref<161280x128xf32, #tpu.memory_space<hbm>>, %arg10: memref<80xi32, #tpu.memory_space<vmem>>, %arg11: memref<80xi32, #tpu.memory_space<vmem>>, %arg12: memref<80x128xf32, #tpu.memory_space<vmem>>, %arg13: memref<80x128xf32, #tpu.memory_space<vmem>>, %arg14: memref<80x128xf32, #tpu.memory_space<vmem>>, %arg15: memref<80x128xf32, #tpu.memory_space<vmem>>, %arg16: memref<!tpu.dma_semaphore, #tpu.memory_space<semaphore_mem>>, %arg17: memref<!tpu.dma_semaphore, #tpu.memory_space<semaphore_mem>>, %arg18: memref<!tpu.dma_semaphore, #tpu.memory_space<semaphore_mem>>, %arg19: memref<80xi32, #tpu.memory_space<vmem>>, %arg20: memref<80xi32, #tpu.memory_space<vmem>>, %arg21: memref<80x128xf32, #tpu.memory_space<vmem>>, %arg22: memref<80x128xf32, #tpu.memory_space<vmem>>, %arg23: memref<80x128xf32, #tpu.memory_space<vmem>>, %arg24: memref<80x128xf32, #tpu.memory_space<vmem>>, %arg25: memref<!tpu.dma_semaphore, #tpu.memory_space<semaphore_mem>>, %arg26: memref<!tpu.dma_semaphore, #tpu.memory_space<semaphore_mem>>, %arg27: memref<!tpu.dma_semaphore, #tpu.memory_space<semaphore_mem>>, %arg28: memref<40000xf32, #tpu.memory_space<vmem>>) attributes {dimension_semantics = [#tpu.dimension_semantics<core_parallel>, #tpu.dimension_semantics<subcore_parallel>], iteration_bounds = array<i64: 2, 16>, scalar_prefetch = 0 : i64, scratch_operands = 19 : i64, tpu.core_type = #tpu.core_type<sc_vector_subcore>, window_params = [{transform_indices = #map}, {transform_indices = #map}, {transform_indices = #map1}, {transform_indices = #map1}, {transform_indices = #map1}, {transform_indices = #map}, {transform_indices = #map}, {transform_indices = #map}]} {
    %mul3A = arith.constant 2 : i32
    %mul3A_0 = arith.muli %arg1, %mul3A : i32
    %add3A = arith.addi %mul3A_0, %arg0 : i32
    %mul3A_1 = arith.constant 5040 : i32
    %mul3A_2 = arith.muli %add3A, %mul3A_1 : i32
    "tpu.region"() ({
      %run_scoped3A = tpu.sem_alloc : memref<!tpu.dma_semaphore, #tpu.memory_space<semaphore_mem>>
      tpu.enqueue_dma source(%arg4 : memref<40000xf32, #tpu.memory_space<hbm>>) target(%arg28 : memref<40000xf32, #tpu.memory_space<vmem>>) target_semaphore(%run_scoped3A : memref<!tpu.dma_semaphore, #tpu.memory_space<semaphore_mem>>)
      tpu.wait_dma2 semaphore(%run_scoped3A : memref<!tpu.dma_semaphore, #tpu.memory_space<semaphore_mem>>) src(%arg4 : memref<40000xf32, #tpu.memory_space<hbm>>) dst(%arg28 : memref<40000xf32, #tpu.memory_space<vmem>>)
      tpu.yield
    }) : () -> ()
    %broadcast_in_dim3A = arith.constant 0.000000e+00 : f32
    %broadcast_in_dim3A_3 = vector.broadcast %broadcast_in_dim3A : f32 to vector<16xf32>
    %scan3A = arith.constant 0 : i32
    %scan3A_4 = arith.constant 0 : i32
    %scan3A_5 = arith.constant 80 : i32
    %scan3A_6 = arith.addi %scan3A_4, %scan3A_5 : i32
    %scan3A_7 = arith.constant 1 : i32
    scf.for %scan3A_85 = %scan3A_4 to %scan3A_6 step %scan3A_7  : i32 {
      %swap3A = arith.index_cast %scan3A_85 : i32 to index
      %swap3A_86 = arith.constant 64 : index
      %swap3A_87 = tpu.vector_load %arg15[%swap3A, %swap3A_86] {strides = array<i32>} : memref<80x128xf32, #tpu.memory_space<vmem>>, vector<16xf32>,
      tpu.vector_store %arg15[%swap3A, %swap3A_86], %broadcast_in_dim3A_3 {strides = array<i32>} : memref<80x128xf32, #tpu.memory_space<vmem>>, vector<16xf32>,
      %swap3A_88 = arith.index_cast %scan3A_85 : i32 to index
      %swap3A_89 = arith.constant 64 : index
      %swap3A_90 = tpu.vector_load %arg24[%swap3A_88, %swap3A_89] {strides = array<i32>} : memref<80x128xf32, #tpu.memory_space<vmem>>, vector<16xf32>,
      tpu.vector_store %arg24[%swap3A_88, %swap3A_89], %broadcast_in_dim3A_3 {strides = array<i32>} : memref<80x128xf32, #tpu.memory_space<vmem>>, vector<16xf32>,
    }
    %scan3A_8 = arith.constant 80 : i32
    %iota3A = tpu.iota {dimensions = array<i32: 0>} : vector<16xi32>
    %add3A_9 = arith.constant 0 : i32
    %add3A_10 = arith.addi %mul3A_2, %add3A_9 : i32
    %dma_start3A = tpu.memref_slice %arg5[%add3A_10] : memref<161280xi32, #tpu.memory_space<hbm>> -> memref<80xi32, #tpu.memory_space<hbm>>
    %dma_start3A_11 = tpu.memref_slice %arg5[%add3A_10] : memref<161280xi32, #tpu.memory_space<hbm>> -> memref<80xi32, #tpu.memory_space<hbm>>
    tpu.enqueue_dma source(%dma_start3A_11 : memref<80xi32, #tpu.memory_space<hbm>>) target(%arg10 : memref<80xi32, #tpu.memory_space<vmem>>) target_semaphore(%arg16 : memref<!tpu.dma_semaphore, #tpu.memory_space<semaphore_mem>>)
    %dma_start3A_12 = tpu.memref_slice %arg6[%add3A_10] : memref<161280xi32, #tpu.memory_space<hbm>> -> memref<80xi32, #tpu.memory_space<hbm>>
    %dma_start3A_13 = tpu.memref_slice %arg6[%add3A_10] : memref<161280xi32, #tpu.memory_space<hbm>> -> memref<80xi32, #tpu.memory_space<hbm>>
    tpu.enqueue_dma source(%dma_start3A_13 : memref<80xi32, #tpu.memory_space<hbm>>) target(%arg11 : memref<80xi32, #tpu.memory_space<vmem>>) target_semaphore(%arg16 : memref<!tpu.dma_semaphore, #tpu.memory_space<semaphore_mem>>)
    %add3A_14 = arith.constant 80 : i32
    %add3A_15 = arith.addi %mul3A_2, %add3A_14 : i32
    %dma_start3A_16 = tpu.memref_slice %arg5[%add3A_15] : memref<161280xi32, #tpu.memory_space<hbm>> -> memref<80xi32, #tpu.memory_space<hbm>>
    %dma_start3A_17 = tpu.memref_slice %arg5[%add3A_15] : memref<161280xi32, #tpu.memory_space<hbm>> -> memref<80xi32, #tpu.memory_space<hbm>>
    tpu.enqueue_dma source(%dma_start3A_17 : memref<80xi32, #tpu.memory_space<hbm>>) target(%arg19 : memref<80xi32, #tpu.memory_space<vmem>>) target_semaphore(%arg25 : memref<!tpu.dma_semaphore, #tpu.memory_space<semaphore_mem>>)
    %dma_start3A_18 = tpu.memref_slice %arg6[%add3A_15] : memref<161280xi32, #tpu.memory_space<hbm>> -> memref<80xi32, #tpu.memory_space<hbm>>
    %dma_start3A_19 = tpu.memref_slice %arg6[%add3A_15] : memref<161280xi32, #tpu.memory_space<hbm>> -> memref<80xi32, #tpu.memory_space<hbm>>
    tpu.enqueue_dma source(%dma_start3A_19 : memref<80xi32, #tpu.memory_space<hbm>>) target(%arg20 : memref<80xi32, #tpu.memory_space<vmem>>) target_semaphore(%arg25 : memref<!tpu.dma_semaphore, #tpu.memory_space<semaphore_mem>>)
    %dma_wait3A = tpu.memref_slice %arg5[%mul3A_2] : memref<161280xi32, #tpu.memory_space<hbm>> -> memref<80xi32, #tpu.memory_space<hbm>>
    %dma_wait3A_20 = tpu.memref_slice %arg5[%mul3A_2] : memref<161280xi32, #tpu.memory_space<hbm>> -> memref<80xi32, #tpu.memory_space<hbm>>
    tpu.wait_dma2 semaphore(%arg16 : memref<!tpu.dma_semaphore, #tpu.memory_space<semaphore_mem>>) src(%dma_wait3A_20 : memref<80xi32, #tpu.memory_space<hbm>>) dst(%arg10 : memref<80xi32, #tpu.memory_space<vmem>>)
    %dma_wait3A_21 = tpu.memref_slice %arg6[%mul3A_2] : memref<161280xi32, #tpu.memory_space<hbm>> -> memref<80xi32, #tpu.memory_space<hbm>>
    %dma_wait3A_22 = tpu.memref_slice %arg6[%mul3A_2] : memref<161280xi32, #tpu.memory_space<hbm>> -> memref<80xi32, #tpu.memory_space<hbm>>
    tpu.wait_dma2 semaphore(%arg16 : memref<!tpu.dma_semaphore, #tpu.memory_space<semaphore_mem>>) src(%dma_wait3A_22 : memref<80xi32, #tpu.memory_space<hbm>>) dst(%arg11 : memref<80xi32, #tpu.memory_space<vmem>>)
    %dma_start3A_23 = arith.constant 0 : i32
    %dma_start3A_24 = arith.constant 0 : i32
    %dma_start3A_25 = tpu.memref_slice %arg2[%dma_start3A_23, %dma_start3A_24] : memref<10000x128xf32, #tpu.memory_space<hbm>> -> memref<10000x128xf32, #tpu.memory_space<hbm>>
    tpu.enqueue_indirect_dma source(%dma_start3A_25 : memref<10000x128xf32, #tpu.memory_space<hbm>>) target(%arg12 : memref<80x128xf32, #tpu.memory_space<vmem>>) offsets(%arg11 : memref<80xi32, #tpu.memory_space<vmem>>) semaphore(%arg17 : memref<!tpu.dma_semaphore, #tpu.memory_space<semaphore_mem>>)
    %dma_start3A_26 = arith.constant 0 : i32
    %dma_start3A_27 = arith.constant 0 : i32
    %dma_start3A_28 = tpu.memref_slice %arg2[%dma_start3A_26, %dma_start3A_27] : memref<10000x128xf32, #tpu.memory_space<hbm>> -> memref<10000x128xf32, #tpu.memory_space<hbm>>
    tpu.enqueue_indirect_dma source(%dma_start3A_28 : memref<10000x128xf32, #tpu.memory_space<hbm>>) target(%arg13 : memref<80x128xf32, #tpu.memory_space<vmem>>) offsets(%arg10 : memref<80xi32, #tpu.memory_space<vmem>>) semaphore(%arg17 : memref<!tpu.dma_semaphore, #tpu.memory_space<semaphore_mem>>)
    %dma_start3A_29 = arith.constant 0 : i32
    %dma_start3A_30 = arith.constant 0 : i32
    %dma_start3A_31 = tpu.memref_slice %arg3[%dma_start3A_29, %dma_start3A_30] : memref<10000x128xf32, #tpu.memory_space<hbm>> -> memref<10000x128xf32, #tpu.memory_space<hbm>>
    tpu.enqueue_indirect_dma source(%dma_start3A_31 : memref<10000x128xf32, #tpu.memory_space<hbm>>) target(%arg14 : memref<80x128xf32, #tpu.memory_space<vmem>>) offsets(%arg10 : memref<80xi32, #tpu.memory_space<vmem>>) semaphore(%arg17 : memref<!tpu.dma_semaphore, #tpu.memory_space<semaphore_mem>>)
    %scan3A_32 = arith.constant 0 : i32
    %scan3A_33 = arith.constant 0 : i32
    %scan3A_34 = arith.constant 31 : i32
    %scan3A_35 = arith.addi %scan3A_33, %scan3A_34 : i32
    %scan3A_36 = arith.constant 1 : i32
    scf.for %scan3A_85 = %scan3A_33 to %scan3A_35 step %scan3A_36  : i32 {
      %mul3A_86 = arith.constant 2 : i32
      %mul3A_87 = arith.muli %scan3A_85, %mul3A_86 : i32
      %dma_wait3A_88 = tpu.memref_slice %arg5[%mul3A_2] : memref<161280xi32, #tpu.memory_space<hbm>> -> memref<80xi32, #tpu.memory_space<hbm>>
      %dma_wait3A_89 = tpu.memref_slice %arg5[%mul3A_2] : memref<161280xi32, #tpu.memory_space<hbm>> -> memref<80xi32, #tpu.memory_space<hbm>>
      tpu.wait_dma2 semaphore(%arg25 : memref<!tpu.dma_semaphore, #tpu.memory_space<semaphore_mem>>) src(%dma_wait3A_89 : memref<80xi32, #tpu.memory_space<hbm>>) dst(%arg19 : memref<80xi32, #tpu.memory_space<vmem>>)
      %dma_wait3A_90 = tpu.memref_slice %arg6[%mul3A_2] : memref<161280xi32, #tpu.memory_space<hbm>> -> memref<80xi32, #tpu.memory_space<hbm>>
      %dma_wait3A_91 = tpu.memref_slice %arg6[%mul3A_2] : memref<161280xi32, #tpu.memory_space<hbm>> -> memref<80xi32, #tpu.memory_space<hbm>>
      tpu.wait_dma2 semaphore(%arg25 : memref<!tpu.dma_semaphore, #tpu.memory_space<semaphore_mem>>) src(%dma_wait3A_91 : memref<80xi32, #tpu.memory_space<hbm>>) dst(%arg20 : memref<80xi32, #tpu.memory_space<vmem>>)
      %dma_start3A_92 = arith.constant 0 : i32
      %dma_start3A_93 = arith.constant 0 : i32
      %dma_start3A_94 = tpu.memref_slice %arg2[%dma_start3A_92, %dma_start3A_93] : memref<10000x128xf32, #tpu.memory_space<hbm>> -> memref<10000x128xf32, #tpu.memory_space<hbm>>
      tpu.enqueue_indirect_dma source(%dma_start3A_94 : memref<10000x128xf32, #tpu.memory_space<hbm>>) target(%arg21 : memref<80x128xf32, #tpu.memory_space<vmem>>) offsets(%arg20 : memref<80xi32, #tpu.memory_space<vmem>>) semaphore(%arg26 : memref<!tpu.dma_semaphore, #tpu.memory_space<semaphore_mem>>)
      %dma_start3A_95 = arith.constant 0 : i32
      %dma_start3A_96 = arith.constant 0 : i32
      %dma_start3A_97 = tpu.memref_slice %arg2[%dma_start3A_95, %dma_start3A_96] : memref<10000x128xf32, #tpu.memory_space<hbm>> -> memref<10000x128xf32, #tpu.memory_space<hbm>>
      tpu.enqueue_indirect_dma source(%dma_start3A_97 : memref<10000x128xf32, #tpu.memory_space<hbm>>) target(%arg22 : memref<80x128xf32, #tpu.memory_space<vmem>>) offsets(%arg19 : memref<80xi32, #tpu.memory_space<vmem>>) semaphore(%arg26 : memref<!tpu.dma_semaphore, #tpu.memory_space<semaphore_mem>>)
      %gt3A = arith.constant 0 : i32
      %gt3A_98 = arith.cmpi sgt, %scan3A_85, %gt3A : i32
      %convert_element_type3A = arith.extui %gt3A_98 : i1 to i32
      %cond3A = arith.constant 0 : i32
      %cond3A_99 = arith.cmpi ne, %convert_element_type3A, %cond3A : i32
      scf.if %cond3A_99 {
        %dma_wait3A_205 = arith.constant 0 : i32
        %dma_wait3A_206 = tpu.memref_slice %arg8[%mul3A_2, %dma_wait3A_205] : memref<161280x128xf32, #tpu.memory_space<hbm>> -> memref<80x128xf32, #tpu.memory_space<hbm>>
        %dma_wait3A_207 = arith.constant 0 : i32
        %dma_wait3A_208 = tpu.memref_slice %arg8[%mul3A_2, %dma_wait3A_207] : memref<161280x128xf32, #tpu.memory_space<hbm>> -> memref<80x128xf32, #tpu.memory_space<hbm>>
        tpu.wait_dma2 semaphore(%arg27 : memref<!tpu.dma_semaphore, #tpu.memory_space<semaphore_mem>>) src(%arg24 : memref<80x128xf32, #tpu.memory_space<vmem>>) dst(%dma_wait3A_208 : memref<80x128xf32, #tpu.memory_space<hbm>>)
        %dma_wait3A_209 = arith.constant 0 : i32
        %dma_wait3A_210 = tpu.memref_slice %arg9[%mul3A_2, %dma_wait3A_209] : memref<161280x128xf32, #tpu.memory_space<hbm>> -> memref<80x128xf32, #tpu.memory_space<hbm>>
        %dma_wait3A_211 = arith.constant 0 : i32
        %dma_wait3A_212 = tpu.memref_slice %arg9[%mul3A_2, %dma_wait3A_211] : memref<161280x128xf32, #tpu.memory_space<hbm>> -> memref<80x128xf32, #tpu.memory_space<hbm>>
        tpu.wait_dma2 semaphore(%arg27 : memref<!tpu.dma_semaphore, #tpu.memory_space<semaphore_mem>>) src(%arg23 : memref<80x128xf32, #tpu.memory_space<vmem>>) dst(%dma_wait3A_212 : memref<80x128xf32, #tpu.memory_space<hbm>>)
      } else {
      }
      %dma_start3A_100 = arith.constant 0 : i32
      %dma_start3A_101 = arith.constant 0 : i32
      %dma_start3A_102 = tpu.memref_slice %arg3[%dma_start3A_100, %dma_start3A_101] : memref<10000x128xf32, #tpu.memory_space<hbm>> -> memref<10000x128xf32, #tpu.memory_space<hbm>>
      tpu.enqueue_indirect_dma source(%dma_start3A_102 : memref<10000x128xf32, #tpu.memory_space<hbm>>) target(%arg23 : memref<80x128xf32, #tpu.memory_space<vmem>>) offsets(%arg19 : memref<80xi32, #tpu.memory_space<vmem>>) semaphore(%arg26 : memref<!tpu.dma_semaphore, #tpu.memory_space<semaphore_mem>>)
      %dma_wait3A_103 = arith.constant 0 : i32
      %dma_wait3A_104 = arith.constant 0 : i32
      %dma_wait3A_105 = tpu.memref_slice %arg2[%dma_wait3A_103, %dma_wait3A_104] : memref<10000x128xf32, #tpu.memory_space<hbm>> -> memref<10000x128xf32, #tpu.memory_space<hbm>>
      tpu.wait_indirect_dma semaphore(%arg17 : memref<!tpu.dma_semaphore, #tpu.memory_space<semaphore_mem>>) src(%dma_wait3A_105 : memref<10000x128xf32, #tpu.memory_space<hbm>>) dst(%arg12 : memref<80x128xf32, #tpu.memory_space<vmem>>)
      %dma_wait3A_106 = arith.constant 0 : i32
      %dma_wait3A_107 = arith.constant 0 : i32
      %dma_wait3A_108 = tpu.memref_slice %arg2[%dma_wait3A_106, %dma_wait3A_107] : memref<10000x128xf32, #tpu.memory_space<hbm>> -> memref<10000x128xf32, #tpu.memory_space<hbm>>
      tpu.wait_indirect_dma semaphore(%arg17 : memref<!tpu.dma_semaphore, #tpu.memory_space<semaphore_mem>>) src(%dma_wait3A_108 : memref<10000x128xf32, #tpu.memory_space<hbm>>) dst(%arg13 : memref<80x128xf32, #tpu.memory_space<vmem>>)
      %dma_wait3A_109 = arith.constant 0 : i32
      %dma_wait3A_110 = arith.constant 0 : i32
      %dma_wait3A_111 = tpu.memref_slice %arg3[%dma_wait3A_109, %dma_wait3A_110] : memref<10000x128xf32, #tpu.memory_space<hbm>> -> memref<10000x128xf32, #tpu.memory_space<hbm>>
      tpu.wait_indirect_dma semaphore(%arg17 : memref<!tpu.dma_semaphore, #tpu.memory_space<semaphore_mem>>) src(%dma_wait3A_111 : memref<10000x128xf32, #tpu.memory_space<hbm>>) dst(%arg14 : memref<80x128xf32, #tpu.memory_space<vmem>>)
      %scan3A_112 = arith.constant 0 : i32
      %scan3A_113 = arith.constant 0 : i32
      %scan3A_114 = arith.constant 5 : i32
      %scan3A_115 = arith.addi %scan3A_113, %scan3A_114 : i32
      %scan3A_116 = arith.constant 1 : i32
      scf.for %scan3A_205 = %scan3A_113 to %scan3A_115 step %scan3A_116  : i32 {
        %mul3A_206 = arith.constant 16 : i32
        %mul3A_207 = arith.muli %scan3A_205, %mul3A_206 : i32
        %get3A = arith.index_cast %mul3A_207 : i32 to index
        %get3A_208 = tpu.vector_load %arg11[%get3A] {strides = array<i32>} : memref<80xi32, #tpu.memory_space<vmem>>, vector<16xi32>,
        %mul3A_209 = arith.constant 4 : i32
        %mul3A_210 = vector.broadcast %mul3A_209 : i32 to vector<16xi32>
        %mul3A_211 = arith.muli %get3A_208, %mul3A_210 : vector<16xi32>
        %mul3A_212 = arith.constant 16 : i32
        %mul3A_213 = arith.muli %scan3A_205, %mul3A_212 : i32
        %get3A_214 = arith.index_cast %mul3A_213 : i32 to index
        %get3A_215 = tpu.vector_load %arg10[%get3A_214] {strides = array<i32>} : memref<80xi32, #tpu.memory_space<vmem>>, vector<16xi32>,
        %mul3A_216 = arith.constant 4 : i32
        %mul3A_217 = vector.broadcast %mul3A_216 : i32 to vector<16xi32>
        %mul3A_218 = arith.muli %get3A_215, %mul3A_217 : vector<16xi32>
        %mul3A_219 = arith.constant 16 : i32
        %mul3A_220 = arith.muli %scan3A_205, %mul3A_219 : i32
        %add3A_221 = vector.broadcast %mul3A_220 : i32 to vector<16xi32>
        %add3A_222 = arith.addi %iota3A, %add3A_221 : vector<16xi32>
        %add3A_223 = arith.constant 0 : i32
        %add3A_224 = vector.broadcast %add3A_223 : i32 to vector<16xi32>
        %add3A_225 = arith.addi %mul3A_211, %add3A_224 : vector<16xi32>
        %gather3A = tpu.vector_load_idx %arg28[%add3A_225] : memref<40000xf32, #tpu.memory_space<vmem>>[vector<16xi32>], vector<16xf32>,
        %add3A_226 = arith.constant 0 : i32
        %add3A_227 = vector.broadcast %add3A_226 : i32 to vector<16xi32>
        %add3A_228 = arith.addi %mul3A_218, %add3A_227 : vector<16xi32>
        %gather3A_229 = tpu.vector_load_idx %arg28[%add3A_228] : memref<40000xf32, #tpu.memory_space<vmem>>[vector<16xi32>], vector<16xf32>,
        %broadcast_in_dim3A_230 = arith.constant 64 : i32
        %broadcast_in_dim3A_231 = vector.broadcast %broadcast_in_dim3A_230 : i32 to vector<16xi32>
        %sub3A = arith.subf %gather3A, %gather3A_229 : vector<16xf32>
        tpu.vector_store_idx %arg15[%add3A_222, %broadcast_in_dim3A_231], %sub3A : memref<80x128xf32, #tpu.memory_space<vmem>>[vector<16xi32>, vector<16xi32>], vector<16xf32>,
        %add3A_232 = arith.constant 1 : i32
        %add3A_233 = vector.broadcast %add3A_232 : i32 to vector<16xi32>
        %add3A_234 = arith.addi %mul3A_211, %add3A_233 : vector<16xi32>
        %gather3A_235 = tpu.vector_load_idx %arg28[%add3A_234] : memref<40000xf32, #tpu.memory_space<vmem>>[vector<16xi32>], vector<16xf32>,
        %add3A_236 = arith.constant 1 : i32
        %add3A_237 = vector.broadcast %add3A_236 : i32 to vector<16xi32>
        %add3A_238 = arith.addi %mul3A_218, %add3A_237 : vector<16xi32>
        %gather3A_239 = tpu.vector_load_idx %arg28[%add3A_238] : memref<40000xf32, #tpu.memory_space<vmem>>[vector<16xi32>], vector<16xf32>,
        %broadcast_in_dim3A_240 = arith.constant 65 : i32
        %broadcast_in_dim3A_241 = vector.broadcast %broadcast_in_dim3A_240 : i32 to vector<16xi32>
        %sub3A_242 = arith.subf %gather3A_235, %gather3A_239 : vector<16xf32>
        tpu.vector_store_idx %arg15[%add3A_222, %broadcast_in_dim3A_241], %sub3A_242 : memref<80x128xf32, #tpu.memory_space<vmem>>[vector<16xi32>, vector<16xi32>], vector<16xf32>,
        %add3A_243 = arith.constant 2 : i32
        %add3A_244 = vector.broadcast %add3A_243 : i32 to vector<16xi32>
        %add3A_245 = arith.addi %mul3A_211, %add3A_244 : vector<16xi32>
        %gather3A_246 = tpu.vector_load_idx %arg28[%add3A_245] : memref<40000xf32, #tpu.memory_space<vmem>>[vector<16xi32>], vector<16xf32>,
        %add3A_247 = arith.constant 2 : i32
        %add3A_248 = vector.broadcast %add3A_247 : i32 to vector<16xi32>
        %add3A_249 = arith.addi %mul3A_218, %add3A_248 : vector<16xi32>
        %gather3A_250 = tpu.vector_load_idx %arg28[%add3A_249] : memref<40000xf32, #tpu.memory_space<vmem>>[vector<16xi32>], vector<16xf32>,
        %broadcast_in_dim3A_251 = arith.constant 66 : i32
        %broadcast_in_dim3A_252 = vector.broadcast %broadcast_in_dim3A_251 : i32 to vector<16xi32>
        %sub3A_253 = arith.subf %gather3A_246, %gather3A_250 : vector<16xf32>
        tpu.vector_store_idx %arg15[%add3A_222, %broadcast_in_dim3A_252], %sub3A_253 : memref<80x128xf32, #tpu.memory_space<vmem>>[vector<16xi32>, vector<16xi32>], vector<16xf32>,
      }
      %scan3A_117 = arith.constant 5 : i32
      %scan3A_118 = arith.constant 0 : i32
      %scan3A_119 = arith.constant 0 : i32
      %scan3A_120 = arith.constant 80 : i32
      %scan3A_121 = arith.addi %scan3A_119, %scan3A_120 : i32
      %scan3A_122 = arith.constant 1 : i32
      scf.for %scan3A_205 = %scan3A_119 to %scan3A_121 step %scan3A_122  : i32 {
        %get3A = arith.index_cast %scan3A_205 : i32 to index
        %get3A_206 = arith.constant 0 : index
        %get3A_207 = tpu.vector_load %arg12[%get3A, %get3A_206] {strides = array<i32>} : memref<80x128xf32, #tpu.memory_space<vmem>>, vector<16xf32>,
        %get3A_208 = arith.index_cast %scan3A_205 : i32 to index
        %get3A_209 = arith.constant 64 : index
        %get3A_210 = tpu.vector_load %arg13[%get3A_208, %get3A_209] {strides = array<i32>} : memref<80x128xf32, #tpu.memory_space<vmem>>, vector<16xf32>,
        %sub3A = arith.subf %get3A_207, %get3A_210 : vector<16xf32>
        %swap3A = arith.index_cast %scan3A_205 : i32 to index
        %swap3A_211 = arith.constant 0 : index
        %swap3A_212 = tpu.vector_load %arg15[%swap3A, %swap3A_211] {strides = array<i32>} : memref<80x128xf32, #tpu.memory_space<vmem>>, vector<16xf32>,
        tpu.vector_store %arg15[%swap3A, %swap3A_211], %sub3A {strides = array<i32>} : memref<80x128xf32, #tpu.memory_space<vmem>>, vector<16xf32>,
        %get3A_213 = arith.index_cast %scan3A_205 : i32 to index
        %get3A_214 = arith.constant 16 : index
        %get3A_215 = tpu.vector_load %arg12[%get3A_213, %get3A_214] {strides = array<i32>} : memref<80x128xf32, #tpu.memory_space<vmem>>, vector<16xf32>,
        %get3A_216 = arith.index_cast %scan3A_205 : i32 to index
        %get3A_217 = arith.constant 80 : index
        %get3A_218 = tpu.vector_load %arg13[%get3A_216, %get3A_217] {strides = array<i32>} : memref<80x128xf32, #tpu.memory_space<vmem>>, vector<16xf32>,
        %sub3A_219 = arith.subf %get3A_215, %get3A_218 : vector<16xf32>
        %swap3A_220 = arith.index_cast %scan3A_205 : i32 to index
        %swap3A_221 = arith.constant 16 : index
        %swap3A_222 = tpu.vector_load %arg15[%swap3A_220, %swap3A_221] {strides = array<i32>} : memref<80x128xf32, #tpu.memory_space<vmem>>, vector<16xf32>,
        tpu.vector_store %arg15[%swap3A_220, %swap3A_221], %sub3A_219 {strides = array<i32>} : memref<80x128xf32, #tpu.memory_space<vmem>>, vector<16xf32>,
        %get3A_223 = arith.index_cast %scan3A_205 : i32 to index
        %get3A_224 = arith.constant 32 : index
        %get3A_225 = tpu.vector_load %arg12[%get3A_223, %get3A_224] {strides = array<i32>} : memref<80x128xf32, #tpu.memory_space<vmem>>, vector<16xf32>,
        %get3A_226 = arith.index_cast %scan3A_205 : i32 to index
        %get3A_227 = arith.constant 96 : index
        %get3A_228 = tpu.vector_load %arg13[%get3A_226, %get3A_227] {strides = array<i32>} : memref<80x128xf32, #tpu.memory_space<vmem>>, vector<16xf32>,
        %sub3A_229 = arith.subf %get3A_225, %get3A_228 : vector<16xf32>
        %swap3A_230 = arith.index_cast %scan3A_205 : i32 to index
        %swap3A_231 = arith.constant 32 : index
        %swap3A_232 = tpu.vector_load %arg15[%swap3A_230, %swap3A_231] {strides = array<i32>} : memref<80x128xf32, #tpu.memory_space<vmem>>, vector<16xf32>,
        tpu.vector_store %arg15[%swap3A_230, %swap3A_231], %sub3A_229 {strides = array<i32>} : memref<80x128xf32, #tpu.memory_space<vmem>>, vector<16xf32>,
        %get3A_233 = arith.index_cast %scan3A_205 : i32 to index
        %get3A_234 = arith.constant 48 : index
        %get3A_235 = tpu.vector_load %arg12[%get3A_233, %get3A_234] {strides = array<i32>} : memref<80x128xf32, #tpu.memory_space<vmem>>, vector<16xf32>,
        %get3A_236 = arith.index_cast %scan3A_205 : i32 to index
        %get3A_237 = arith.constant 112 : index
        %get3A_238 = tpu.vector_load %arg13[%get3A_236, %get3A_237] {strides = array<i32>} : memref<80x128xf32, #tpu.memory_space<vmem>>, vector<16xf32>,
        %sub3A_239 = arith.subf %get3A_235, %get3A_238 : vector<16xf32>
        %swap3A_240 = arith.index_cast %scan3A_205 : i32 to index
        %swap3A_241 = arith.constant 48 : index
        %swap3A_242 = tpu.vector_load %arg15[%swap3A_240, %swap3A_241] {strides = array<i32>} : memref<80x128xf32, #tpu.memory_space<vmem>>, vector<16xf32>,
        tpu.vector_store %arg15[%swap3A_240, %swap3A_241], %sub3A_239 {strides = array<i32>} : memref<80x128xf32, #tpu.memory_space<vmem>>, vector<16xf32>,
      }
      %scan3A_123 = arith.constant 80 : i32
      %mul3A_124 = arith.constant 80 : i32
      %mul3A_125 = arith.muli %mul3A_87, %mul3A_124 : i32
      %add3A_126 = arith.addi %mul3A_2, %mul3A_125 : i32
      %dma_start3A_127 = arith.constant 0 : i32
      %dma_start3A_128 = tpu.memref_slice %arg8[%add3A_126, %dma_start3A_127] : memref<161280x128xf32, #tpu.memory_space<hbm>> -> memref<80x128xf32, #tpu.memory_space<hbm>>
      %dma_start3A_129 = arith.constant 0 : i32
      %dma_start3A_130 = tpu.memref_slice %arg8[%add3A_126, %dma_start3A_129] : memref<161280x128xf32, #tpu.memory_space<hbm>> -> memref<80x128xf32, #tpu.memory_space<hbm>>
      tpu.enqueue_dma source(%arg15 : memref<80x128xf32, #tpu.memory_space<vmem>>) target(%dma_start3A_130 : memref<80x128xf32, #tpu.memory_space<hbm>>) target_semaphore(%arg18 : memref<!tpu.dma_semaphore, #tpu.memory_space<semaphore_mem>>)
      %dma_start3A_131 = arith.constant 0 : i32
      %dma_start3A_132 = tpu.memref_slice %arg9[%add3A_126, %dma_start3A_131] : memref<161280x128xf32, #tpu.memory_space<hbm>> -> memref<80x128xf32, #tpu.memory_space<hbm>>
      %dma_start3A_133 = arith.constant 0 : i32
      %dma_start3A_134 = tpu.memref_slice %arg9[%add3A_126, %dma_start3A_133] : memref<161280x128xf32, #tpu.memory_space<hbm>> -> memref<80x128xf32, #tpu.memory_space<hbm>>
      tpu.enqueue_dma source(%arg14 : memref<80x128xf32, #tpu.memory_space<vmem>>) target(%dma_start3A_134 : memref<80x128xf32, #tpu.memory_space<hbm>>) target_semaphore(%arg18 : memref<!tpu.dma_semaphore, #tpu.memory_space<semaphore_mem>>)
      %add3A_135 = arith.constant 2 : i32
      %add3A_136 = arith.addi %mul3A_87, %add3A_135 : i32
      %mul3A_137 = arith.constant 80 : i32
      %mul3A_138 = arith.muli %add3A_136, %mul3A_137 : i32
      %add3A_139 = arith.addi %mul3A_2, %mul3A_138 : i32
      %dma_start3A_140 = tpu.memref_slice %arg5[%add3A_139] : memref<161280xi32, #tpu.memory_space<hbm>> -> memref<80xi32, #tpu.memory_space<hbm>>
      %dma_start3A_141 = tpu.memref_slice %arg5[%add3A_139] : memref<161280xi32, #tpu.memory_space<hbm>> -> memref<80xi32, #tpu.memory_space<hbm>>
      tpu.enqueue_dma source(%dma_start3A_141 : memref<80xi32, #tpu.memory_space<hbm>>) target(%arg10 : memref<80xi32, #tpu.memory_space<vmem>>) target_semaphore(%arg16 : memref<!tpu.dma_semaphore, #tpu.memory_space<semaphore_mem>>)
      %dma_start3A_142 = tpu.memref_slice %arg6[%add3A_139] : memref<161280xi32, #tpu.memory_space<hbm>> -> memref<80xi32, #tpu.memory_space<hbm>>
      %dma_start3A_143 = tpu.memref_slice %arg6[%add3A_139] : memref<161280xi32, #tpu.memory_space<hbm>> -> memref<80xi32, #tpu.memory_space<hbm>>
      tpu.enqueue_dma source(%dma_start3A_143 : memref<80xi32, #tpu.memory_space<hbm>>) target(%arg11 : memref<80xi32, #tpu.memory_space<vmem>>) target_semaphore(%arg16 : memref<!tpu.dma_semaphore, #tpu.memory_space<semaphore_mem>>)
      %add3A_144 = arith.constant 1 : i32
      %add3A_145 = arith.addi %mul3A_87, %add3A_144 : i32
      %dma_wait3A_146 = tpu.memref_slice %arg5[%mul3A_2] : memref<161280xi32, #tpu.memory_space<hbm>> -> memref<80xi32, #tpu.memory_space<hbm>>
      %dma_wait3A_147 = tpu.memref_slice %arg5[%mul3A_2] : memref<161280xi32, #tpu.memory_space<hbm>> -> memref<80xi32, #tpu.memory_space<hbm>>
      tpu.wait_dma2 semaphore(%arg16 : memref<!tpu.dma_semaphore, #tpu.memory_space<semaphore_mem>>) src(%dma_wait3A_147 : memref<80xi32, #tpu.memory_space<hbm>>) dst(%arg10 : memref<80xi32, #tpu.memory_space<vmem>>)
      %dma_wait3A_148 = tpu.memref_slice %arg6[%mul3A_2] : memref<161280xi32, #tpu.memory_space<hbm>> -> memref<80xi32, #tpu.memory_space<hbm>>
      %dma_wait3A_149 = tpu.memref_slice %arg6[%mul3A_2] : memref<161280xi32, #tpu.memory_space<hbm>> -> memref<80xi32, #tpu.memory_space<hbm>>
      tpu.wait_dma2 semaphore(%arg16 : memref<!tpu.dma_semaphore, #tpu.memory_space<semaphore_mem>>) src(%dma_wait3A_149 : memref<80xi32, #tpu.memory_space<hbm>>) dst(%arg11 : memref<80xi32, #tpu.memory_space<vmem>>)
      %dma_start3A_150 = arith.constant 0 : i32
      %dma_start3A_151 = arith.constant 0 : i32
      %dma_start3A_152 = tpu.memref_slice %arg2[%dma_start3A_150, %dma_start3A_151] : memref<10000x128xf32, #tpu.memory_space<hbm>> -> memref<10000x128xf32, #tpu.memory_space<hbm>>
      tpu.enqueue_indirect_dma source(%dma_start3A_152 : memref<10000x128xf32, #tpu.memory_space<hbm>>) target(%arg12 : memref<80x128xf32, #tpu.memory_space<vmem>>) offsets(%arg11 : memref<80xi32, #tpu.memory_space<vmem>>) semaphore(%arg17 : memref<!tpu.dma_semaphore, #tpu.memory_space<semaphore_mem>>)
      %dma_start3A_153 = arith.constant 0 : i32
      %dma_start3A_154 = arith.constant 0 : i32
      %dma_start3A_155 = tpu.memref_slice %arg2[%dma_start3A_153, %dma_start3A_154] : memref<10000x128xf32, #tpu.memory_space<hbm>> -> memref<10000x128xf32, #tpu.memory_space<hbm>>
      tpu.enqueue_indirect_dma source(%dma_start3A_155 : memref<10000x128xf32, #tpu.memory_space<hbm>>) target(%arg13 : memref<80x128xf32, #tpu.memory_space<vmem>>) offsets(%arg10 : memref<80xi32, #tpu.memory_space<vmem>>) semaphore(%arg17 : memref<!tpu.dma_semaphore, #tpu.memory_space<semaphore_mem>>)
      %dma_wait3A_156 = arith.constant 0 : i32
      %dma_wait3A_157 = tpu.memref_slice %arg8[%mul3A_2, %dma_wait3A_156] : memref<161280x128xf32, #tpu.memory_space<hbm>> -> memref<80x128xf32, #tpu.memory_space<hbm>>
      %dma_wait3A_158 = arith.constant 0 : i32
      %dma_wait3A_159 = tpu.memref_slice %arg8[%mul3A_2, %dma_wait3A_158] : memref<161280x128xf32, #tpu.memory_space<hbm>> -> memref<80x128xf32, #tpu.memory_space<hbm>>
      tpu.wait_dma2 semaphore(%arg18 : memref<!tpu.dma_semaphore, #tpu.memory_space<semaphore_mem>>) src(%arg15 : memref<80x128xf32, #tpu.memory_space<vmem>>) dst(%dma_wait3A_159 : memref<80x128xf32, #tpu.memory_space<hbm>>)
      %dma_wait3A_160 = arith.constant 0 : i32
      %dma_wait3A_161 = tpu.memref_slice %arg9[%mul3A_2, %dma_wait3A_160] : memref<161280x128xf32, #tpu.memory_space<hbm>> -> memref<80x128xf32, #tpu.memory_space<hbm>>
      %dma_wait3A_162 = arith.constant 0 : i32
      %dma_wait3A_163 = tpu.memref_slice %arg9[%mul3A_2, %dma_wait3A_162] : memref<161280x128xf32, #tpu.memory_space<hbm>> -> memref<80x128xf32, #tpu.memory_space<hbm>>
      tpu.wait_dma2 semaphore(%arg18 : memref<!tpu.dma_semaphore, #tpu.memory_space<semaphore_mem>>) src(%arg14 : memref<80x128xf32, #tpu.memory_space<vmem>>) dst(%dma_wait3A_163 : memref<80x128xf32, #tpu.memory_space<hbm>>)
      %dma_start3A_164 = arith.constant 0 : i32
      %dma_start3A_165 = arith.constant 0 : i32
      %dma_start3A_166 = tpu.memref_slice %arg3[%dma_start3A_164, %dma_start3A_165] : memref<10000x128xf32, #tpu.memory_space<hbm>> -> memref<10000x128xf32, #tpu.memory_space<hbm>>
      tpu.enqueue_indirect_dma source(%dma_start3A_166 : memref<10000x128xf32, #tpu.memory_space<hbm>>) target(%arg14 : memref<80x128xf32, #tpu.memory_space<vmem>>) offsets(%arg10 : memref<80xi32, #tpu.memory_space<vmem>>) semaphore(%arg17 : memref<!tpu.dma_semaphore, #tpu.memory_space<semaphore_mem>>)
      %dma_wait3A_167 = arith.constant 0 : i32
      %dma_wait3A_168 = arith.constant 0 : i32
      %dma_wait3A_169 = tpu.memref_slice %arg2[%dma_wait3A_167, %dma_wait3A_168] : memref<10000x128xf32, #tpu.memory_space<hbm>> -> memref<10000x128xf32, #tpu.memory_space<hbm>>
      tpu.wait_indirect_dma semaphore(%arg26 : memref<!tpu.dma_semaphore, #tpu.memory_space<semaphore_mem>>) src(%dma_wait3A_169 : memref<10000x128xf32, #tpu.memory_space<hbm>>) dst(%arg21 : memref<80x128xf32, #tpu.memory_space<vmem>>)
      %dma_wait3A_170 = arith.constant 0 : i32
      %dma_wait3A_171 = arith.constant 0 : i32
      %dma_wait3A_172 = tpu.memref_slice %arg2[%dma_wait3A_170, %dma_wait3A_171] : memref<10000x128xf32, #tpu.memory_space<hbm>> -> memref<10000x128xf32, #tpu.memory_space<hbm>>
      tpu.wait_indirect_dma semaphore(%arg26 : memref<!tpu.dma_semaphore, #tpu.memory_space<semaphore_mem>>) src(%dma_wait3A_172 : memref<10000x128xf32, #tpu.memory_space<hbm>>) dst(%arg22 : memref<80x128xf32, #tpu.memory_space<vmem>>)
      %dma_wait3A_173 = arith.constant 0 : i32
      %dma_wait3A_174 = arith.constant 0 : i32
      %dma_wait3A_175 = tpu.memref_slice %arg3[%dma_wait3A_173, %dma_wait3A_174] : memref<10000x128xf32, #tpu.memory_space<hbm>> -> memref<10000x128xf32, #tpu.memory_space<hbm>>
      tpu.wait_indirect_dma semaphore(%arg26 : memref<!tpu.dma_semaphore, #tpu.memory_space<semaphore_mem>>) src(%dma_wait3A_175 : memref<10000x128xf32, #tpu.memory_space<hbm>>) dst(%arg23 : memref<80x128xf32, #tpu.memory_space<vmem>>)
      %scan3A_176 = arith.constant 0 : i32
      %scan3A_177 = arith.constant 0 : i32
      %scan3A_178 = arith.constant 5 : i32
      %scan3A_179 = arith.addi %scan3A_177, %scan3A_178 : i32
      %scan3A_180 = arith.constant 1 : i32
      scf.for %scan3A_205 = %scan3A_177 to %scan3A_179 step %scan3A_180  : i32 {
        %mul3A_206 = arith.constant 16 : i32
        %mul3A_207 = arith.muli %scan3A_205, %mul3A_206 : i32
        %get3A = arith.index_cast %mul3A_207 : i32 to index
        %get3A_208 = tpu.vector_load %arg20[%get3A] {strides = array<i32>} : memref<80xi32, #tpu.memory_space<vmem>>, vector<16xi32>,
        %mul3A_209 = arith.constant 4 : i32
        %mul3A_210 = vector.broadcast %mul3A_209 : i32 to vector<16xi32>
        %mul3A_211 = arith.muli %get3A_208, %mul3A_210 : vector<16xi32>
        %mul3A_212 = arith.constant 16 : i32
        %mul3A_213 = arith.muli %scan3A_205, %mul3A_212 : i32
        %get3A_214 = arith.index_cast %mul3A_213 : i32 to index
        %get3A_215 = tpu.vector_load %arg19[%get3A_214] {strides = array<i32>} : memref<80xi32, #tpu.memory_space<vmem>>, vector<16xi32>,
        %mul3A_216 = arith.constant 4 : i32
        %mul3A_217 = vector.broadcast %mul3A_216 : i32 to vector<16xi32>
        %mul3A_218 = arith.muli %get3A_215, %mul3A_217 : vector<16xi32>
        %mul3A_219 = arith.constant 16 : i32
        %mul3A_220 = arith.muli %scan3A_205, %mul3A_219 : i32
        %add3A_221 = vector.broadcast %mul3A_220 : i32 to vector<16xi32>
        %add3A_222 = arith.addi %iota3A, %add3A_221 : vector<16xi32>
        %add3A_223 = arith.constant 0 : i32
        %add3A_224 = vector.broadcast %add3A_223 : i32 to vector<16xi32>
        %add3A_225 = arith.addi %mul3A_211, %add3A_224 : vector<16xi32>
        %gather3A = tpu.vector_load_idx %arg28[%add3A_225] : memref<40000xf32, #tpu.memory_space<vmem>>[vector<16xi32>], vector<16xf32>,
        %add3A_226 = arith.constant 0 : i32
        %add3A_227 = vector.broadcast %add3A_226 : i32 to vector<16xi32>
        %add3A_228 = arith.addi %mul3A_218, %add3A_227 : vector<16xi32>
        %gather3A_229 = tpu.vector_load_idx %arg28[%add3A_228] : memref<40000xf32, #tpu.memory_space<vmem>>[vector<16xi32>], vector<16xf32>,
        %broadcast_in_dim3A_230 = arith.constant 64 : i32
        %broadcast_in_dim3A_231 = vector.broadcast %broadcast_in_dim3A_230 : i32 to vector<16xi32>
        %sub3A = arith.subf %gather3A, %gather3A_229 : vector<16xf32>
        tpu.vector_store_idx %arg24[%add3A_222, %broadcast_in_dim3A_231], %sub3A : memref<80x128xf32, #tpu.memory_space<vmem>>[vector<16xi32>, vector<16xi32>], vector<16xf32>,
        %add3A_232 = arith.constant 1 : i32
        %add3A_233 = vector.broadcast %add3A_232 : i32 to vector<16xi32>
        %add3A_234 = arith.addi %mul3A_211, %add3A_233 : vector<16xi32>
        %gather3A_235 = tpu.vector_load_idx %arg28[%add3A_234] : memref<40000xf32, #tpu.memory_space<vmem>>[vector<16xi32>], vector<16xf32>,
        %add3A_236 = arith.constant 1 : i32
        %add3A_237 = vector.broadcast %add3A_236 : i32 to vector<16xi32>
        %add3A_238 = arith.addi %mul3A_218, %add3A_237 : vector<16xi32>
        %gather3A_239 = tpu.vector_load_idx %arg28[%add3A_238] : memref<40000xf32, #tpu.memory_space<vmem>>[vector<16xi32>], vector<16xf32>,
        %broadcast_in_dim3A_240 = arith.constant 65 : i32
        %broadcast_in_dim3A_241 = vector.broadcast %broadcast_in_dim3A_240 : i32 to vector<16xi32>
        %sub3A_242 = arith.subf %gather3A_235, %gather3A_239 : vector<16xf32>
        tpu.vector_store_idx %arg24[%add3A_222, %broadcast_in_dim3A_241], %sub3A_242 : memref<80x128xf32, #tpu.memory_space<vmem>>[vector<16xi32>, vector<16xi32>], vector<16xf32>,
        %add3A_243 = arith.constant 2 : i32
        %add3A_244 = vector.broadcast %add3A_243 : i32 to vector<16xi32>
        %add3A_245 = arith.addi %mul3A_211, %add3A_244 : vector<16xi32>
        %gather3A_246 = tpu.vector_load_idx %arg28[%add3A_245] : memref<40000xf32, #tpu.memory_space<vmem>>[vector<16xi32>], vector<16xf32>,
        %add3A_247 = arith.constant 2 : i32
        %add3A_248 = vector.broadcast %add3A_247 : i32 to vector<16xi32>
        %add3A_249 = arith.addi %mul3A_218, %add3A_248 : vector<16xi32>
        %gather3A_250 = tpu.vector_load_idx %arg28[%add3A_249] : memref<40000xf32, #tpu.memory_space<vmem>>[vector<16xi32>], vector<16xf32>,
        %broadcast_in_dim3A_251 = arith.constant 66 : i32
        %broadcast_in_dim3A_252 = vector.broadcast %broadcast_in_dim3A_251 : i32 to vector<16xi32>
        %sub3A_253 = arith.subf %gather3A_246, %gather3A_250 : vector<16xf32>
        tpu.vector_store_idx %arg24[%add3A_222, %broadcast_in_dim3A_252], %sub3A_253 : memref<80x128xf32, #tpu.memory_space<vmem>>[vector<16xi32>, vector<16xi32>], vector<16xf32>,
      }
      %scan3A_181 = arith.constant 5 : i32
      %scan3A_182 = arith.constant 0 : i32
      %scan3A_183 = arith.constant 0 : i32
      %scan3A_184 = arith.constant 80 : i32
      %scan3A_185 = arith.addi %scan3A_183, %scan3A_184 : i32
      %scan3A_186 = arith.constant 1 : i32
      scf.for %scan3A_205 = %scan3A_183 to %scan3A_185 step %scan3A_186  : i32 {
        %get3A = arith.index_cast %scan3A_205 : i32 to index
        %get3A_206 = arith.constant 0 : index
        %get3A_207 = tpu.vector_load %arg21[%get3A, %get3A_206] {strides = array<i32>} : memref<80x128xf32, #tpu.memory_space<vmem>>, vector<16xf32>,
        %get3A_208 = arith.index_cast %scan3A_205 : i32 to index
        %get3A_209 = arith.constant 64 : index
        %get3A_210 = tpu.vector_load %arg22[%get3A_208, %get3A_209] {strides = array<i32>} : memref<80x128xf32, #tpu.memory_space<vmem>>, vector<16xf32>,
        %sub3A = arith.subf %get3A_207, %get3A_210 : vector<16xf32>
        %swap3A = arith.index_cast %scan3A_205 : i32 to index
        %swap3A_211 = arith.constant 0 : index
        %swap3A_212 = tpu.vector_load %arg24[%swap3A, %swap3A_211] {strides = array<i32>} : memref<80x128xf32, #tpu.memory_space<vmem>>, vector<16xf32>,
        tpu.vector_store %arg24[%swap3A, %swap3A_211], %sub3A {strides = array<i32>} : memref<80x128xf32, #tpu.memory_space<vmem>>, vector<16xf32>,
        %get3A_213 = arith.index_cast %scan3A_205 : i32 to index
        %get3A_214 = arith.constant 16 : index
        %get3A_215 = tpu.vector_load %arg21[%get3A_213, %get3A_214] {strides = array<i32>} : memref<80x128xf32, #tpu.memory_space<vmem>>, vector<16xf32>,
        %get3A_216 = arith.index_cast %scan3A_205 : i32 to index
        %get3A_217 = arith.constant 80 : index
        %get3A_218 = tpu.vector_load %arg22[%get3A_216, %get3A_217] {strides = array<i32>} : memref<80x128xf32, #tpu.memory_space<vmem>>, vector<16xf32>,
        %sub3A_219 = arith.subf %get3A_215, %get3A_218 : vector<16xf32>
        %swap3A_220 = arith.index_cast %scan3A_205 : i32 to index
        %swap3A_221 = arith.constant 16 : index
        %swap3A_222 = tpu.vector_load %arg24[%swap3A_220, %swap3A_221] {strides = array<i32>} : memref<80x128xf32, #tpu.memory_space<vmem>>, vector<16xf32>,
        tpu.vector_store %arg24[%swap3A_220, %swap3A_221], %sub3A_219 {strides = array<i32>} : memref<80x128xf32, #tpu.memory_space<vmem>>, vector<16xf32>,
        %get3A_223 = arith.index_cast %scan3A_205 : i32 to index
        %get3A_224 = arith.constant 32 : index
        %get3A_225 = tpu.vector_load %arg21[%get3A_223, %get3A_224] {strides = array<i32>} : memref<80x128xf32, #tpu.memory_space<vmem>>, vector<16xf32>,
        %get3A_226 = arith.index_cast %scan3A_205 : i32 to index
        %get3A_227 = arith.constant 96 : index
        %get3A_228 = tpu.vector_load %arg22[%get3A_226, %get3A_227] {strides = array<i32>} : memref<80x128xf32, #tpu.memory_space<vmem>>, vector<16xf32>,
        %sub3A_229 = arith.subf %get3A_225, %get3A_228 : vector<16xf32>
        %swap3A_230 = arith.index_cast %scan3A_205 : i32 to index
        %swap3A_231 = arith.constant 32 : index
        %swap3A_232 = tpu.vector_load %arg24[%swap3A_230, %swap3A_231] {strides = array<i32>} : memref<80x128xf32, #tpu.memory_space<vmem>>, vector<16xf32>,
        tpu.vector_store %arg24[%swap3A_230, %swap3A_231], %sub3A_229 {strides = array<i32>} : memref<80x128xf32, #tpu.memory_space<vmem>>, vector<16xf32>,
        %get3A_233 = arith.index_cast %scan3A_205 : i32 to index
        %get3A_234 = arith.constant 48 : index
        %get3A_235 = tpu.vector_load %arg21[%get3A_233, %get3A_234] {strides = array<i32>} : memref<80x128xf32, #tpu.memory_space<vmem>>, vector<16xf32>,
        %get3A_236 = arith.index_cast %scan3A_205 : i32 to index
        %get3A_237 = arith.constant 112 : index
        %get3A_238 = tpu.vector_load %arg22[%get3A_236, %get3A_237] {strides = array<i32>} : memref<80x128xf32, #tpu.memory_space<vmem>>, vector<16xf32>,
        %sub3A_239 = arith.subf %get3A_235, %get3A_238 : vector<16xf32>
        %swap3A_240 = arith.index_cast %scan3A_205 : i32 to index
        %swap3A_241 = arith.constant 48 : index
        %swap3A_242 = tpu.vector_load %arg24[%swap3A_240, %swap3A_241] {strides = array<i32>} : memref<80x128xf32, #tpu.memory_space<vmem>>, vector<16xf32>,
        tpu.vector_store %arg24[%swap3A_240, %swap3A_241], %sub3A_239 {strides = array<i32>} : memref<80x128xf32, #tpu.memory_space<vmem>>, vector<16xf32>,
      }
      %scan3A_187 = arith.constant 80 : i32
      %mul3A_188 = arith.constant 80 : i32
      %mul3A_189 = arith.muli %add3A_145, %mul3A_188 : i32
      %add3A_190 = arith.addi %mul3A_2, %mul3A_189 : i32
      %dma_start3A_191 = arith.constant 0 : i32
      %dma_start3A_192 = tpu.memref_slice %arg8[%add3A_190, %dma_start3A_191] : memref<161280x128xf32, #tpu.memory_space<hbm>> -> memref<80x128xf32, #tpu.memory_space<hbm>>
      %dma_start3A_193 = arith.constant 0 : i32
      %dma_start3A_194 = tpu.memref_slice %arg8[%add3A_190, %dma_start3A_193] : memref<161280x128xf32, #tpu.memory_space<hbm>> -> memref<80x128xf32, #tpu.memory_space<hbm>>
      tpu.enqueue_dma source(%arg24 : memref<80x128xf32, #tpu.memory_space<vmem>>) target(%dma_start3A_194 : memref<80x128xf32, #tpu.memory_space<hbm>>) target_semaphore(%arg27 : memref<!tpu.dma_semaphore, #tpu.memory_space<semaphore_mem>>)
      %dma_start3A_195 = arith.constant 0 : i32
      %dma_start3A_196 = tpu.memref_slice %arg9[%add3A_190, %dma_start3A_195] : memref<161280x128xf32, #tpu.memory_space<hbm>> -> memref<80x128xf32, #tpu.memory_space<hbm>>
      %dma_start3A_197 = arith.constant 0 : i32
      %dma_start3A_198 = tpu.memref_slice %arg9[%add3A_190, %dma_start3A_197] : memref<161280x128xf32, #tpu.memory_space<hbm>> -> memref<80x128xf32, #tpu.memory_space<hbm>>
      tpu.enqueue_dma source(%arg23 : memref<80x128xf32, #tpu.memory_space<vmem>>) target(%dma_start3A_198 : memref<80x128xf32, #tpu.memory_space<hbm>>) target_semaphore(%arg27 : memref<!tpu.dma_semaphore, #tpu.memory_space<semaphore_mem>>)
      %add3A_199 = arith.constant 2 : i32
      %add3A_200 = arith.addi %add3A_145, %add3A_199 : i32
      %lt3A = arith.constant 63 : i32
      %lt3A_201 = arith.cmpi slt, %add3A_200, %lt3A : i32
      %convert_element_type3A_202 = arith.extui %lt3A_201 : i1 to i32
      %cond3A_203 = arith.constant 0 : i32
      %cond3A_204 = arith.cmpi ne, %convert_element_type3A_202, %cond3A_203 : i32
      scf.if %cond3A_204 {
        %add3A_205 = arith.constant 2 : i32
        %add3A_206 = arith.addi %add3A_145, %add3A_205 : i32
        %mul3A_207 = arith.constant 80 : i32
        %mul3A_208 = arith.muli %add3A_206, %mul3A_207 : i32
        %add3A_209 = arith.addi %mul3A_2, %mul3A_208 : i32
        %dma_start3A_210 = tpu.memref_slice %arg5[%add3A_209] : memref<161280xi32, #tpu.memory_space<hbm>> -> memref<80xi32, #tpu.memory_space<hbm>>
        %dma_start3A_211 = tpu.memref_slice %arg5[%add3A_209] : memref<161280xi32, #tpu.memory_space<hbm>> -> memref<80xi32, #tpu.memory_space<hbm>>
        tpu.enqueue_dma source(%dma_start3A_211 : memref<80xi32, #tpu.memory_space<hbm>>) target(%arg19 : memref<80xi32, #tpu.memory_space<vmem>>) target_semaphore(%arg25 : memref<!tpu.dma_semaphore, #tpu.memory_space<semaphore_mem>>)
        %dma_start3A_212 = tpu.memref_slice %arg6[%add3A_209] : memref<161280xi32, #tpu.memory_space<hbm>> -> memref<80xi32, #tpu.memory_space<hbm>>
        %dma_start3A_213 = tpu.memref_slice %arg6[%add3A_209] : memref<161280xi32, #tpu.memory_space<hbm>> -> memref<80xi32, #tpu.memory_space<hbm>>
        tpu.enqueue_dma source(%dma_start3A_213 : memref<80xi32, #tpu.memory_space<hbm>>) target(%arg20 : memref<80xi32, #tpu.memory_space<vmem>>) target_semaphore(%arg25 : memref<!tpu.dma_semaphore, #tpu.memory_space<semaphore_mem>>)
      } else {
      }
    }
    %scan3A_37 = arith.constant 31 : i32
    %dma_wait3A_38 = arith.constant 0 : i32
    %dma_wait3A_39 = arith.constant 0 : i32
    %dma_wait3A_40 = tpu.memref_slice %arg2[%dma_wait3A_38, %dma_wait3A_39] : memref<10000x128xf32, #tpu.memory_space<hbm>> -> memref<10000x128xf32, #tpu.memory_space<hbm>>
    tpu.wait_indirect_dma semaphore(%arg17 : memref<!tpu.dma_semaphore, #tpu.memory_space<semaphore_mem>>) src(%dma_wait3A_40 : memref<10000x128xf32, #tpu.memory_space<hbm>>) dst(%arg12 : memref<80x128xf32, #tpu.memory_space<vmem>>)
    %dma_wait3A_41 = arith.constant 0 : i32
    %dma_wait3A_42 = arith.constant 0 : i32
    %dma_wait3A_43 = tpu.memref_slice %arg2[%dma_wait3A_41, %dma_wait3A_42] : memref<10000x128xf32, #tpu.memory_space<hbm>> -> memref<10000x128xf32, #tpu.memory_space<hbm>>
    tpu.wait_indirect_dma semaphore(%arg17 : memref<!tpu.dma_semaphore, #tpu.memory_space<semaphore_mem>>) src(%dma_wait3A_43 : memref<10000x128xf32, #tpu.memory_space<hbm>>) dst(%arg13 : memref<80x128xf32, #tpu.memory_space<vmem>>)
    %dma_wait3A_44 = arith.constant 0 : i32
    %dma_wait3A_45 = arith.constant 0 : i32
    %dma_wait3A_46 = tpu.memref_slice %arg3[%dma_wait3A_44, %dma_wait3A_45] : memref<10000x128xf32, #tpu.memory_space<hbm>> -> memref<10000x128xf32, #tpu.memory_space<hbm>>
    tpu.wait_indirect_dma semaphore(%arg17 : memref<!tpu.dma_semaphore, #tpu.memory_space<semaphore_mem>>) src(%dma_wait3A_46 : memref<10000x128xf32, #tpu.memory_space<hbm>>) dst(%arg14 : memref<80x128xf32, #tpu.memory_space<vmem>>)
    %scan3A_47 = arith.constant 0 : i32
    %scan3A_48 = arith.constant 0 : i32
    %scan3A_49 = arith.constant 5 : i32
    %scan3A_50 = arith.addi %scan3A_48, %scan3A_49 : i32
    %scan3A_51 = arith.constant 1 : i32
    scf.for %scan3A_85 = %scan3A_48 to %scan3A_50 step %scan3A_51  : i32 {
      %mul3A_86 = arith.constant 16 : i32
      %mul3A_87 = arith.muli %scan3A_85, %mul3A_86 : i32
      %get3A = arith.index_cast %mul3A_87 : i32 to index
      %get3A_88 = tpu.vector_load %arg11[%get3A] {strides = array<i32>} : memref<80xi32, #tpu.memory_space<vmem>>, vector<16xi32>,
      %mul3A_89 = arith.constant 4 : i32
      %mul3A_90 = vector.broadcast %mul3A_89 : i32 to vector<16xi32>
      %mul3A_91 = arith.muli %get3A_88, %mul3A_90 : vector<16xi32>
      %mul3A_92 = arith.constant 16 : i32
      %mul3A_93 = arith.muli %scan3A_85, %mul3A_92 : i32
      %get3A_94 = arith.index_cast %mul3A_93 : i32 to index
      %get3A_95 = tpu.vector_load %arg10[%get3A_94] {strides = array<i32>} : memref<80xi32, #tpu.memory_space<vmem>>, vector<16xi32>,
      %mul3A_96 = arith.constant 4 : i32
      %mul3A_97 = vector.broadcast %mul3A_96 : i32 to vector<16xi32>
      %mul3A_98 = arith.muli %get3A_95, %mul3A_97 : vector<16xi32>
      %mul3A_99 = arith.constant 16 : i32
      %mul3A_100 = arith.muli %scan3A_85, %mul3A_99 : i32
      %add3A_101 = vector.broadcast %mul3A_100 : i32 to vector<16xi32>
      %add3A_102 = arith.addi %iota3A, %add3A_101 : vector<16xi32>
      %add3A_103 = arith.constant 0 : i32
      %add3A_104 = vector.broadcast %add3A_103 : i32 to vector<16xi32>
      %add3A_105 = arith.addi %mul3A_91, %add3A_104 : vector<16xi32>
      %gather3A = tpu.vector_load_idx %arg28[%add3A_105] : memref<40000xf32, #tpu.memory_space<vmem>>[vector<16xi32>], vector<16xf32>,
      %add3A_106 = arith.constant 0 : i32
      %add3A_107 = vector.broadcast %add3A_106 : i32 to vector<16xi32>
      %add3A_108 = arith.addi %mul3A_98, %add3A_107 : vector<16xi32>
      %gather3A_109 = tpu.vector_load_idx %arg28[%add3A_108] : memref<40000xf32, #tpu.memory_space<vmem>>[vector<16xi32>], vector<16xf32>,
      %broadcast_in_dim3A_110 = arith.constant 64 : i32
      %broadcast_in_dim3A_111 = vector.broadcast %broadcast_in_dim3A_110 : i32 to vector<16xi32>
      %sub3A = arith.subf %gather3A, %gather3A_109 : vector<16xf32>
      tpu.vector_store_idx %arg15[%add3A_102, %broadcast_in_dim3A_111], %sub3A : memref<80x128xf32, #tpu.memory_space<vmem>>[vector<16xi32>, vector<16xi32>], vector<16xf32>,
      %add3A_112 = arith.constant 1 : i32
      %add3A_113 = vector.broadcast %add3A_112 : i32 to vector<16xi32>
      %add3A_114 = arith.addi %mul3A_91, %add3A_113 : vector<16xi32>
      %gather3A_115 = tpu.vector_load_idx %arg28[%add3A_114] : memref<40000xf32, #tpu.memory_space<vmem>>[vector<16xi32>], vector<16xf32>,
      %add3A_116 = arith.constant 1 : i32
      %add3A_117 = vector.broadcast %add3A_116 : i32 to vector<16xi32>
      %add3A_118 = arith.addi %mul3A_98, %add3A_117 : vector<16xi32>
      %gather3A_119 = tpu.vector_load_idx %arg28[%add3A_118] : memref<40000xf32, #tpu.memory_space<vmem>>[vector<16xi32>], vector<16xf32>,
      %broadcast_in_dim3A_120 = arith.constant 65 : i32
      %broadcast_in_dim3A_121 = vector.broadcast %broadcast_in_dim3A_120 : i32 to vector<16xi32>
      %sub3A_122 = arith.subf %gather3A_115, %gather3A_119 : vector<16xf32>
      tpu.vector_store_idx %arg15[%add3A_102, %broadcast_in_dim3A_121], %sub3A_122 : memref<80x128xf32, #tpu.memory_space<vmem>>[vector<16xi32>, vector<16xi32>], vector<16xf32>,
      %add3A_123 = arith.constant 2 : i32
      %add3A_124 = vector.broadcast %add3A_123 : i32 to vector<16xi32>
      %add3A_125 = arith.addi %mul3A_91, %add3A_124 : vector<16xi32>
      %gather3A_126 = tpu.vector_load_idx %arg28[%add3A_125] : memref<40000xf32, #tpu.memory_space<vmem>>[vector<16xi32>], vector<16xf32>,
      %add3A_127 = arith.constant 2 : i32
      %add3A_128 = vector.broadcast %add3A_127 : i32 to vector<16xi32>
      %add3A_129 = arith.addi %mul3A_98, %add3A_128 : vector<16xi32>
      %gather3A_130 = tpu.vector_load_idx %arg28[%add3A_129] : memref<40000xf32, #tpu.memory_space<vmem>>[vector<16xi32>], vector<16xf32>,
      %broadcast_in_dim3A_131 = arith.constant 66 : i32
      %broadcast_in_dim3A_132 = vector.broadcast %broadcast_in_dim3A_131 : i32 to vector<16xi32>
      %sub3A_133 = arith.subf %gather3A_126, %gather3A_130 : vector<16xf32>
      tpu.vector_store_idx %arg15[%add3A_102, %broadcast_in_dim3A_132], %sub3A_133 : memref<80x128xf32, #tpu.memory_space<vmem>>[vector<16xi32>, vector<16xi32>], vector<16xf32>,
    }
    %scan3A_52 = arith.constant 5 : i32
    %scan3A_53 = arith.constant 0 : i32
    %scan3A_54 = arith.constant 0 : i32
    %scan3A_55 = arith.constant 80 : i32
    %scan3A_56 = arith.addi %scan3A_54, %scan3A_55 : i32
    %scan3A_57 = arith.constant 1 : i32
    scf.for %scan3A_85 = %scan3A_54 to %scan3A_56 step %scan3A_57  : i32 {
      %get3A = arith.index_cast %scan3A_85 : i32 to index
      %get3A_86 = arith.constant 0 : index
      %get3A_87 = tpu.vector_load %arg12[%get3A, %get3A_86] {strides = array<i32>} : memref<80x128xf32, #tpu.memory_space<vmem>>, vector<16xf32>,
      %get3A_88 = arith.index_cast %scan3A_85 : i32 to index
      %get3A_89 = arith.constant 64 : index
      %get3A_90 = tpu.vector_load %arg13[%get3A_88, %get3A_89] {strides = array<i32>} : memref<80x128xf32, #tpu.memory_space<vmem>>, vector<16xf32>,
      %sub3A = arith.subf %get3A_87, %get3A_90 : vector<16xf32>
      %swap3A = arith.index_cast %scan3A_85 : i32 to index
      %swap3A_91 = arith.constant 0 : index
      %swap3A_92 = tpu.vector_load %arg15[%swap3A, %swap3A_91] {strides = array<i32>} : memref<80x128xf32, #tpu.memory_space<vmem>>, vector<16xf32>,
      tpu.vector_store %arg15[%swap3A, %swap3A_91], %sub3A {strides = array<i32>} : memref<80x128xf32, #tpu.memory_space<vmem>>, vector<16xf32>,
      %get3A_93 = arith.index_cast %scan3A_85 : i32 to index
      %get3A_94 = arith.constant 16 : index
      %get3A_95 = tpu.vector_load %arg12[%get3A_93, %get3A_94] {strides = array<i32>} : memref<80x128xf32, #tpu.memory_space<vmem>>, vector<16xf32>,
      %get3A_96 = arith.index_cast %scan3A_85 : i32 to index
      %get3A_97 = arith.constant 80 : index
      %get3A_98 = tpu.vector_load %arg13[%get3A_96, %get3A_97] {strides = array<i32>} : memref<80x128xf32, #tpu.memory_space<vmem>>, vector<16xf32>,
      %sub3A_99 = arith.subf %get3A_95, %get3A_98 : vector<16xf32>
      %swap3A_100 = arith.index_cast %scan3A_85 : i32 to index
      %swap3A_101 = arith.constant 16 : index
      %swap3A_102 = tpu.vector_load %arg15[%swap3A_100, %swap3A_101] {strides = array<i32>} : memref<80x128xf32, #tpu.memory_space<vmem>>, vector<16xf32>,
      tpu.vector_store %arg15[%swap3A_100, %swap3A_101], %sub3A_99 {strides = array<i32>} : memref<80x128xf32, #tpu.memory_space<vmem>>, vector<16xf32>,
      %get3A_103 = arith.index_cast %scan3A_85 : i32 to index
      %get3A_104 = arith.constant 32 : index
      %get3A_105 = tpu.vector_load %arg12[%get3A_103, %get3A_104] {strides = array<i32>} : memref<80x128xf32, #tpu.memory_space<vmem>>, vector<16xf32>,
      %get3A_106 = arith.index_cast %scan3A_85 : i32 to index
      %get3A_107 = arith.constant 96 : index
      %get3A_108 = tpu.vector_load %arg13[%get3A_106, %get3A_107] {strides = array<i32>} : memref<80x128xf32, #tpu.memory_space<vmem>>, vector<16xf32>,
      %sub3A_109 = arith.subf %get3A_105, %get3A_108 : vector<16xf32>
      %swap3A_110 = arith.index_cast %scan3A_85 : i32 to index
      %swap3A_111 = arith.constant 32 : index
      %swap3A_112 = tpu.vector_load %arg15[%swap3A_110, %swap3A_111] {strides = array<i32>} : memref<80x128xf32, #tpu.memory_space<vmem>>, vector<16xf32>,
      tpu.vector_store %arg15[%swap3A_110, %swap3A_111], %sub3A_109 {strides = array<i32>} : memref<80x128xf32, #tpu.memory_space<vmem>>, vector<16xf32>,
      %get3A_113 = arith.index_cast %scan3A_85 : i32 to index
      %get3A_114 = arith.constant 48 : index
      %get3A_115 = tpu.vector_load %arg12[%get3A_113, %get3A_114] {strides = array<i32>} : memref<80x128xf32, #tpu.memory_space<vmem>>, vector<16xf32>,
      %get3A_116 = arith.index_cast %scan3A_85 : i32 to index
      %get3A_117 = arith.constant 112 : index
      %get3A_118 = tpu.vector_load %arg13[%get3A_116, %get3A_117] {strides = array<i32>} : memref<80x128xf32, #tpu.memory_space<vmem>>, vector<16xf32>,
      %sub3A_119 = arith.subf %get3A_115, %get3A_118 : vector<16xf32>
      %swap3A_120 = arith.index_cast %scan3A_85 : i32 to index
      %swap3A_121 = arith.constant 48 : index
      %swap3A_122 = tpu.vector_load %arg15[%swap3A_120, %swap3A_121] {strides = array<i32>} : memref<80x128xf32, #tpu.memory_space<vmem>>, vector<16xf32>,
      tpu.vector_store %arg15[%swap3A_120, %swap3A_121], %sub3A_119 {strides = array<i32>} : memref<80x128xf32, #tpu.memory_space<vmem>>, vector<16xf32>,
    }
    %scan3A_58 = arith.constant 80 : i32
    %add3A_59 = arith.constant 4960 : i32
    %add3A_60 = arith.addi %mul3A_2, %add3A_59 : i32
    %dma_start3A_61 = arith.constant 0 : i32
    %dma_start3A_62 = tpu.memref_slice %arg8[%add3A_60, %dma_start3A_61] : memref<161280x128xf32, #tpu.memory_space<hbm>> -> memref<80x128xf32, #tpu.memory_space<hbm>>
    %dma_start3A_63 = arith.constant 0 : i32
    %dma_start3A_64 = tpu.memref_slice %arg8[%add3A_60, %dma_start3A_63] : memref<161280x128xf32, #tpu.memory_space<hbm>> -> memref<80x128xf32, #tpu.memory_space<hbm>>
    tpu.enqueue_dma source(%arg15 : memref<80x128xf32, #tpu.memory_space<vmem>>) target(%dma_start3A_64 : memref<80x128xf32, #tpu.memory_space<hbm>>) target_semaphore(%arg18 : memref<!tpu.dma_semaphore, #tpu.memory_space<semaphore_mem>>)
    %dma_start3A_65 = arith.constant 0 : i32
    %dma_start3A_66 = tpu.memref_slice %arg9[%add3A_60, %dma_start3A_65] : memref<161280x128xf32, #tpu.memory_space<hbm>> -> memref<80x128xf32, #tpu.memory_space<hbm>>
    %dma_start3A_67 = arith.constant 0 : i32
    %dma_start3A_68 = tpu.memref_slice %arg9[%add3A_60, %dma_start3A_67] : memref<161280x128xf32, #tpu.memory_space<hbm>> -> memref<80x128xf32, #tpu.memory_space<hbm>>
    tpu.enqueue_dma source(%arg14 : memref<80x128xf32, #tpu.memory_space<vmem>>) target(%dma_start3A_68 : memref<80x128xf32, #tpu.memory_space<hbm>>) target_semaphore(%arg18 : memref<!tpu.dma_semaphore, #tpu.memory_space<semaphore_mem>>)
    %dma_wait3A_69 = arith.constant 0 : i32
    %dma_wait3A_70 = tpu.memref_slice %arg8[%mul3A_2, %dma_wait3A_69] : memref<161280x128xf32, #tpu.memory_space<hbm>> -> memref<80x128xf32, #tpu.memory_space<hbm>>
    %dma_wait3A_71 = arith.constant 0 : i32
    %dma_wait3A_72 = tpu.memref_slice %arg8[%mul3A_2, %dma_wait3A_71] : memref<161280x128xf32, #tpu.memory_space<hbm>> -> memref<80x128xf32, #tpu.memory_space<hbm>>
    tpu.wait_dma2 semaphore(%arg27 : memref<!tpu.dma_semaphore, #tpu.memory_space<semaphore_mem>>) src(%arg24 : memref<80x128xf32, #tpu.memory_space<vmem>>) dst(%dma_wait3A_72 : memref<80x128xf32, #tpu.memory_space<hbm>>)
    %dma_wait3A_73 = arith.constant 0 : i32
    %dma_wait3A_74 = tpu.memref_slice %arg9[%mul3A_2, %dma_wait3A_73] : memref<161280x128xf32, #tpu.memory_space<hbm>> -> memref<80x128xf32, #tpu.memory_space<hbm>>
    %dma_wait3A_75 = arith.constant 0 : i32
    %dma_wait3A_76 = tpu.memref_slice %arg9[%mul3A_2, %dma_wait3A_75] : memref<161280x128xf32, #tpu.memory_space<hbm>> -> memref<80x128xf32, #tpu.memory_space<hbm>>
    tpu.wait_dma2 semaphore(%arg27 : memref<!tpu.dma_semaphore, #tpu.memory_space<semaphore_mem>>) src(%arg23 : memref<80x128xf32, #tpu.memory_space<vmem>>) dst(%dma_wait3A_76 : memref<80x128xf32, #tpu.memory_space<hbm>>)
    %dma_wait3A_77 = arith.constant 0 : i32
    %dma_wait3A_78 = tpu.memref_slice %arg8[%mul3A_2, %dma_wait3A_77] : memref<161280x128xf32, #tpu.memory_space<hbm>> -> memref<80x128xf32, #tpu.memory_space<hbm>>
    %dma_wait3A_79 = arith.constant 0 : i32
    %dma_wait3A_80 = tpu.memref_slice %arg8[%mul3A_2, %dma_wait3A_79] : memref<161280x128xf32, #tpu.memory_space<hbm>> -> memref<80x128xf32, #tpu.memory_space<hbm>>
    tpu.wait_dma2 semaphore(%arg18 : memref<!tpu.dma_semaphore, #tpu.memory_space<semaphore_mem>>) src(%arg15 : memref<80x128xf32, #tpu.memory_space<vmem>>) dst(%dma_wait3A_80 : memref<80x128xf32, #tpu.memory_space<hbm>>)
    %dma_wait3A_81 = arith.constant 0 : i32
    %dma_wait3A_82 = tpu.memref_slice %arg9[%mul3A_2, %dma_wait3A_81] : memref<161280x128xf32, #tpu.memory_space<hbm>> -> memref<80x128xf32, #tpu.memory_space<hbm>>
    %dma_wait3A_83 = arith.constant 0 : i32
    %dma_wait3A_84 = tpu.memref_slice %arg9[%mul3A_2, %dma_wait3A_83] : memref<161280x128xf32, #tpu.memory_space<hbm>> -> memref<80x128xf32, #tpu.memory_space<hbm>>
    tpu.wait_dma2 semaphore(%arg18 : memref<!tpu.dma_semaphore, #tpu.memory_space<semaphore_mem>>) src(%arg14 : memref<80x128xf32, #tpu.memory_space<vmem>>) dst(%dma_wait3A_84 : memref<80x128xf32, #tpu.memory_space<hbm>>)
    return
  }
}

#map = affine_map<(d0, d1) -> (0, 0)>
#map1 = affine_map<(d0, d1) -> (0)>
#map2 = affine_map<(d0, d1) -> (0, 0, 0)>
module attributes {stable_mosaic.version = 14 : i64} {
  func.func @k(%arg0: i32, %arg1: i32, %arg2: memref<158720x128xf32, #tpu.memory_space<hbm>>, %arg3: memref<158720x128xf32, #tpu.memory_space<hbm>>, %arg4: memref<158720xi32, #tpu.memory_space<hbm>>, %arg5: memref<10240x128xf32, #tpu.memory_space<hbm>>, %arg6: memref<8x128xf32, #tpu.memory_space<hbm>>, %arg7: memref<2x10240x128xf32, #tpu.memory_space<hbm>>, %arg8: memref<10240x128xf32, #tpu.memory_space<vmem_shared>>, %arg9: memref<80xi32, #tpu.memory_space<vmem>>, %arg10: memref<80xi32, #tpu.memory_space<vmem>>, %arg11: memref<80x128xf32, #tpu.memory_space<vmem>>, %arg12: memref<80x128xf32, #tpu.memory_space<vmem>>, %arg13: memref<!tpu.dma_semaphore, #tpu.memory_space<semaphore_mem>>, %arg14: memref<!tpu.dma_semaphore, #tpu.memory_space<semaphore_mem>>) attributes {dimension_semantics = [#tpu.dimension_semantics<core_parallel>, #tpu.dimension_semantics<subcore_parallel>], iteration_bounds = array<i64: 2, 16>, scalar_prefetch = 0 : i64, scratch_operands = 7 : i64, tpu.core_type = #tpu.core_type<sc_vector_subcore>, window_params = [{transform_indices = #map}, {transform_indices = #map}, {transform_indices = #map1}, {transform_indices = #map}, {transform_indices = #map}, {transform_indices = #map2}]} {
    %mul3A = arith.constant 640 : i32
    %mul3A_0 = arith.muli %arg1, %mul3A : i32
    %mul3A_1 = arith.constant 640 : i32
    %mul3A_2 = arith.muli %arg1, %mul3A_1 : i32
    "tpu.region"() ({
      %run_scoped3A = tpu.sem_alloc : memref<!tpu.dma_semaphore, #tpu.memory_space<semaphore_mem>>
      %dma_start3A = arith.constant 0 : i32
      %dma_start3A_17 = tpu.memref_slice %arg8[%mul3A_2, %dma_start3A] : memref<10240x128xf32, #tpu.memory_space<vmem_shared>> -> memref<640x128xf32, #tpu.memory_space<vmem_shared>>
      %dma_start3A_18 = arith.constant 0 : i32
      %dma_start3A_19 = tpu.memref_slice %arg5[%mul3A_0, %dma_start3A_18] : memref<10240x128xf32, #tpu.memory_space<hbm>> -> memref<640x128xf32, #tpu.memory_space<hbm>>
      tpu.enqueue_dma source(%dma_start3A_19 : memref<640x128xf32, #tpu.memory_space<hbm>>) target(%dma_start3A_17 : memref<640x128xf32, #tpu.memory_space<vmem_shared>>) target_semaphore(%run_scoped3A : memref<!tpu.dma_semaphore, #tpu.memory_space<semaphore_mem>>)
      %dma_wait3A = arith.constant 0 : i32
      %dma_wait3A_20 = tpu.memref_slice %arg8[%mul3A_2, %dma_wait3A] : memref<10240x128xf32, #tpu.memory_space<vmem_shared>> -> memref<640x128xf32, #tpu.memory_space<vmem_shared>>
      %dma_wait3A_21 = arith.constant 0 : i32
      %dma_wait3A_22 = tpu.memref_slice %arg5[%mul3A_0, %dma_wait3A_21] : memref<10240x128xf32, #tpu.memory_space<hbm>> -> memref<640x128xf32, #tpu.memory_space<hbm>>
      tpu.wait_dma2 semaphore(%run_scoped3A : memref<!tpu.dma_semaphore, #tpu.memory_space<semaphore_mem>>) src(%dma_wait3A_22 : memref<640x128xf32, #tpu.memory_space<hbm>>) dst(%dma_wait3A_20 : memref<640x128xf32, #tpu.memory_space<vmem_shared>>)
      tpu.yield
    }) : () -> ()
    %barrier3A = arith.constant 0 : index
    tpu.barrier barrier_id(%barrier3A)
    %mul3A_3 = arith.constant 9920 : i32
    %mul3A_4 = arith.muli %arg1, %mul3A_3 : i32
    %eq3A = arith.constant 0 : i32
    %eq3A_5 = arith.cmpi eq, %arg0, %eq3A : i32
    %convert_element_type3A = arith.extui %eq3A_5 : i1 to i32
    %cond3A = arith.constant 0 : i32
    %cond3A_6 = arith.cmpi ne, %convert_element_type3A, %cond3A : i32
    scf.if %cond3A_6 {
      %add3A = arith.constant 0 : i32
      %add3A_17 = arith.addi %mul3A_4, %add3A : i32
      %dma_start3A = tpu.memref_slice %arg4[%add3A_17] : memref<158720xi32, #tpu.memory_space<hbm>> -> memref<80xi32, #tpu.memory_space<hbm>>
      %dma_start3A_18 = tpu.memref_slice %arg4[%add3A_17] : memref<158720xi32, #tpu.memory_space<hbm>> -> memref<80xi32, #tpu.memory_space<hbm>>
      tpu.enqueue_dma source(%dma_start3A_18 : memref<80xi32, #tpu.memory_space<hbm>>) target(%arg9 : memref<80xi32, #tpu.memory_space<vmem>>) target_semaphore(%arg13 : memref<!tpu.dma_semaphore, #tpu.memory_space<semaphore_mem>>)
      %dma_start3A_19 = arith.constant 0 : i32
      %dma_start3A_20 = tpu.memref_slice %arg3[%add3A_17, %dma_start3A_19] : memref<158720x128xf32, #tpu.memory_space<hbm>> -> memref<80x128xf32, #tpu.memory_space<hbm>>
      %dma_start3A_21 = arith.constant 0 : i32
      %dma_start3A_22 = tpu.memref_slice %arg3[%add3A_17, %dma_start3A_21] : memref<158720x128xf32, #tpu.memory_space<hbm>> -> memref<80x128xf32, #tpu.memory_space<hbm>>
      tpu.enqueue_dma source(%dma_start3A_22 : memref<80x128xf32, #tpu.memory_space<hbm>>) target(%arg11 : memref<80x128xf32, #tpu.memory_space<vmem>>) target_semaphore(%arg13 : memref<!tpu.dma_semaphore, #tpu.memory_space<semaphore_mem>>)
      %scan3A = arith.constant 0 : i32
      %scan3A_23 = arith.constant 0 : i32
      %scan3A_24 = arith.constant 62 : i32
      %scan3A_25 = arith.addi %scan3A_23, %scan3A_24 : i32
      %scan3A_26 = arith.constant 1 : i32
      scf.for %scan3A_28 = %scan3A_23 to %scan3A_25 step %scan3A_26  : i32 {
        %mul3A_29 = arith.constant 2 : i32
        %mul3A_30 = arith.muli %scan3A_28, %mul3A_29 : i32
        %add3A_31 = arith.constant 1 : i32
        %add3A_32 = arith.addi %mul3A_30, %add3A_31 : i32
        %mul3A_33 = arith.constant 80 : i32
        %mul3A_34 = arith.muli %add3A_32, %mul3A_33 : i32
        %add3A_35 = arith.addi %mul3A_4, %mul3A_34 : i32
        %dma_start3A_36 = tpu.memref_slice %arg4[%add3A_35] : memref<158720xi32, #tpu.memory_space<hbm>> -> memref<80xi32, #tpu.memory_space<hbm>>
        %dma_start3A_37 = tpu.memref_slice %arg4[%add3A_35] : memref<158720xi32, #tpu.memory_space<hbm>> -> memref<80xi32, #tpu.memory_space<hbm>>
        tpu.enqueue_dma source(%dma_start3A_37 : memref<80xi32, #tpu.memory_space<hbm>>) target(%arg10 : memref<80xi32, #tpu.memory_space<vmem>>) target_semaphore(%arg14 : memref<!tpu.dma_semaphore, #tpu.memory_space<semaphore_mem>>)
        %dma_start3A_38 = arith.constant 0 : i32
        %dma_start3A_39 = tpu.memref_slice %arg3[%add3A_35, %dma_start3A_38] : memref<158720x128xf32, #tpu.memory_space<hbm>> -> memref<80x128xf32, #tpu.memory_space<hbm>>
        %dma_start3A_40 = arith.constant 0 : i32
        %dma_start3A_41 = tpu.memref_slice %arg3[%add3A_35, %dma_start3A_40] : memref<158720x128xf32, #tpu.memory_space<hbm>> -> memref<80x128xf32, #tpu.memory_space<hbm>>
        tpu.enqueue_dma source(%dma_start3A_41 : memref<80x128xf32, #tpu.memory_space<hbm>>) target(%arg12 : memref<80x128xf32, #tpu.memory_space<vmem>>) target_semaphore(%arg14 : memref<!tpu.dma_semaphore, #tpu.memory_space<semaphore_mem>>)
        %dma_wait3A = tpu.memref_slice %arg4[%mul3A_4] : memref<158720xi32, #tpu.memory_space<hbm>> -> memref<80xi32, #tpu.memory_space<hbm>>
        %dma_wait3A_42 = tpu.memref_slice %arg4[%mul3A_4] : memref<158720xi32, #tpu.memory_space<hbm>> -> memref<80xi32, #tpu.memory_space<hbm>>
        tpu.wait_dma2 semaphore(%arg13 : memref<!tpu.dma_semaphore, #tpu.memory_space<semaphore_mem>>) src(%dma_wait3A_42 : memref<80xi32, #tpu.memory_space<hbm>>) dst(%arg9 : memref<80xi32, #tpu.memory_space<vmem>>)
        %dma_wait3A_43 = arith.constant 0 : i32
        %dma_wait3A_44 = tpu.memref_slice %arg3[%mul3A_4, %dma_wait3A_43] : memref<158720x128xf32, #tpu.memory_space<hbm>> -> memref<80x128xf32, #tpu.memory_space<hbm>>
        %dma_wait3A_45 = arith.constant 0 : i32
        %dma_wait3A_46 = tpu.memref_slice %arg3[%mul3A_4, %dma_wait3A_45] : memref<158720x128xf32, #tpu.memory_space<hbm>> -> memref<80x128xf32, #tpu.memory_space<hbm>>
        tpu.wait_dma2 semaphore(%arg13 : memref<!tpu.dma_semaphore, #tpu.memory_space<semaphore_mem>>) src(%dma_wait3A_46 : memref<80x128xf32, #tpu.memory_space<hbm>>) dst(%arg11 : memref<80x128xf32, #tpu.memory_space<vmem>>)
        "tpu.region"() ({
          %run_scoped3A = tpu.sem_alloc : memref<!tpu.dma_semaphore, #tpu.memory_space<semaphore_mem>>
          %dma_start3A_59 = arith.constant 0 : i32
          %dma_start3A_60 = arith.constant 0 : i32
          %dma_start3A_61 = tpu.memref_slice %arg8[%dma_start3A_59, %dma_start3A_60] : memref<10240x128xf32, #tpu.memory_space<vmem_shared>> -> memref<10240x128xf32, #tpu.memory_space<vmem_shared>>
          tpu.enqueue_indirect_dma source(%arg11 : memref<80x128xf32, #tpu.memory_space<vmem>>) target(%dma_start3A_61 : memref<10240x128xf32, #tpu.memory_space<vmem_shared>>) offsets(%arg9 : memref<80xi32, #tpu.memory_space<vmem>>) semaphore(%run_scoped3A : memref<!tpu.dma_semaphore, #tpu.memory_space<semaphore_mem>>) {add = true}
          %dma_wait3A_62 = arith.constant 0 : i32
          %dma_wait3A_63 = arith.constant 0 : i32
          %dma_wait3A_64 = tpu.memref_slice %arg8[%dma_wait3A_62, %dma_wait3A_63] : memref<10240x128xf32, #tpu.memory_space<vmem_shared>> -> memref<10240x128xf32, #tpu.memory_space<vmem_shared>>
          tpu.wait_indirect_dma semaphore(%run_scoped3A : memref<!tpu.dma_semaphore, #tpu.memory_space<semaphore_mem>>) src(%arg11 : memref<80x128xf32, #tpu.memory_space<vmem>>) dst(%dma_wait3A_64 : memref<10240x128xf32, #tpu.memory_space<vmem_shared>>)
          tpu.yield
        }) : () -> ()
        %add3A_47 = arith.constant 2 : i32
        %add3A_48 = arith.addi %mul3A_30, %add3A_47 : i32
        %lt3A = arith.constant 124 : i32
        %lt3A_49 = arith.cmpi slt, %add3A_48, %lt3A : i32
        %convert_element_type3A_50 = arith.extui %lt3A_49 : i1 to i32
        %cond3A_51 = arith.constant 0 : i32
        %cond3A_52 = arith.cmpi ne, %convert_element_type3A_50, %cond3A_51 : i32
        scf.if %cond3A_52 {
          %add3A_59 = arith.constant 2 : i32
          %add3A_60 = arith.addi %mul3A_30, %add3A_59 : i32
          %mul3A_61 = arith.constant 80 : i32
          %mul3A_62 = arith.muli %add3A_60, %mul3A_61 : i32
          %add3A_63 = arith.addi %mul3A_4, %mul3A_62 : i32
          %dma_start3A_64 = tpu.memref_slice %arg4[%add3A_63] : memref<158720xi32, #tpu.memory_space<hbm>> -> memref<80xi32, #tpu.memory_space<hbm>>
          %dma_start3A_65 = tpu.memref_slice %arg4[%add3A_63] : memref<158720xi32, #tpu.memory_space<hbm>> -> memref<80xi32, #tpu.memory_space<hbm>>
          tpu.enqueue_dma source(%dma_start3A_65 : memref<80xi32, #tpu.memory_space<hbm>>) target(%arg9 : memref<80xi32, #tpu.memory_space<vmem>>) target_semaphore(%arg13 : memref<!tpu.dma_semaphore, #tpu.memory_space<semaphore_mem>>)
          %dma_start3A_66 = arith.constant 0 : i32
          %dma_start3A_67 = tpu.memref_slice %arg3[%add3A_63, %dma_start3A_66] : memref<158720x128xf32, #tpu.memory_space<hbm>> -> memref<80x128xf32, #tpu.memory_space<hbm>>
          %dma_start3A_68 = arith.constant 0 : i32
          %dma_start3A_69 = tpu.memref_slice %arg3[%add3A_63, %dma_start3A_68] : memref<158720x128xf32, #tpu.memory_space<hbm>> -> memref<80x128xf32, #tpu.memory_space<hbm>>
          tpu.enqueue_dma source(%dma_start3A_69 : memref<80x128xf32, #tpu.memory_space<hbm>>) target(%arg11 : memref<80x128xf32, #tpu.memory_space<vmem>>) target_semaphore(%arg13 : memref<!tpu.dma_semaphore, #tpu.memory_space<semaphore_mem>>)
        } else {
        }
        %dma_wait3A_53 = tpu.memref_slice %arg4[%mul3A_4] : memref<158720xi32, #tpu.memory_space<hbm>> -> memref<80xi32, #tpu.memory_space<hbm>>
        %dma_wait3A_54 = tpu.memref_slice %arg4[%mul3A_4] : memref<158720xi32, #tpu.memory_space<hbm>> -> memref<80xi32, #tpu.memory_space<hbm>>
        tpu.wait_dma2 semaphore(%arg14 : memref<!tpu.dma_semaphore, #tpu.memory_space<semaphore_mem>>) src(%dma_wait3A_54 : memref<80xi32, #tpu.memory_space<hbm>>) dst(%arg10 : memref<80xi32, #tpu.memory_space<vmem>>)
        %dma_wait3A_55 = arith.constant 0 : i32
        %dma_wait3A_56 = tpu.memref_slice %arg3[%mul3A_4, %dma_wait3A_55] : memref<158720x128xf32, #tpu.memory_space<hbm>> -> memref<80x128xf32, #tpu.memory_space<hbm>>
        %dma_wait3A_57 = arith.constant 0 : i32
        %dma_wait3A_58 = tpu.memref_slice %arg3[%mul3A_4, %dma_wait3A_57] : memref<158720x128xf32, #tpu.memory_space<hbm>> -> memref<80x128xf32, #tpu.memory_space<hbm>>
        tpu.wait_dma2 semaphore(%arg14 : memref<!tpu.dma_semaphore, #tpu.memory_space<semaphore_mem>>) src(%dma_wait3A_58 : memref<80x128xf32, #tpu.memory_space<hbm>>) dst(%arg12 : memref<80x128xf32, #tpu.memory_space<vmem>>)
        "tpu.region"() ({
          %run_scoped3A = tpu.sem_alloc : memref<!tpu.dma_semaphore, #tpu.memory_space<semaphore_mem>>
          %dma_start3A_59 = arith.constant 0 : i32
          %dma_start3A_60 = arith.constant 0 : i32
          %dma_start3A_61 = tpu.memref_slice %arg8[%dma_start3A_59, %dma_start3A_60] : memref<10240x128xf32, #tpu.memory_space<vmem_shared>> -> memref<10240x128xf32, #tpu.memory_space<vmem_shared>>
          tpu.enqueue_indirect_dma source(%arg12 : memref<80x128xf32, #tpu.memory_space<vmem>>) target(%dma_start3A_61 : memref<10240x128xf32, #tpu.memory_space<vmem_shared>>) offsets(%arg10 : memref<80xi32, #tpu.memory_space<vmem>>) semaphore(%run_scoped3A : memref<!tpu.dma_semaphore, #tpu.memory_space<semaphore_mem>>) {add = true}
          %dma_wait3A_62 = arith.constant 0 : i32
          %dma_wait3A_63 = arith.constant 0 : i32
          %dma_wait3A_64 = tpu.memref_slice %arg8[%dma_wait3A_62, %dma_wait3A_63] : memref<10240x128xf32, #tpu.memory_space<vmem_shared>> -> memref<10240x128xf32, #tpu.memory_space<vmem_shared>>
          tpu.wait_indirect_dma semaphore(%run_scoped3A : memref<!tpu.dma_semaphore, #tpu.memory_space<semaphore_mem>>) src(%arg12 : memref<80x128xf32, #tpu.memory_space<vmem>>) dst(%dma_wait3A_64 : memref<10240x128xf32, #tpu.memory_space<vmem_shared>>)
          tpu.yield
        }) : () -> ()
      }
      %scan3A_27 = arith.constant 62 : i32
    } else {
    }
    %eq3A_7 = arith.constant 1 : i32
    %eq3A_8 = arith.cmpi eq, %arg0, %eq3A_7 : i32
    %convert_element_type3A_9 = arith.extui %eq3A_8 : i1 to i32
    %cond3A_10 = arith.constant 0 : i32
    %cond3A_11 = arith.cmpi ne, %convert_element_type3A_9, %cond3A_10 : i32
    scf.if %cond3A_11 {
      %add3A = arith.constant 0 : i32
      %add3A_17 = arith.addi %mul3A_4, %add3A : i32
      %dma_start3A = tpu.memref_slice %arg4[%add3A_17] : memref<158720xi32, #tpu.memory_space<hbm>> -> memref<80xi32, #tpu.memory_space<hbm>>
      %dma_start3A_18 = tpu.memref_slice %arg4[%add3A_17] : memref<158720xi32, #tpu.memory_space<hbm>> -> memref<80xi32, #tpu.memory_space<hbm>>
      tpu.enqueue_dma source(%dma_start3A_18 : memref<80xi32, #tpu.memory_space<hbm>>) target(%arg9 : memref<80xi32, #tpu.memory_space<vmem>>) target_semaphore(%arg13 : memref<!tpu.dma_semaphore, #tpu.memory_space<semaphore_mem>>)
      %dma_start3A_19 = arith.constant 0 : i32
      %dma_start3A_20 = tpu.memref_slice %arg2[%add3A_17, %dma_start3A_19] : memref<158720x128xf32, #tpu.memory_space<hbm>> -> memref<80x128xf32, #tpu.memory_space<hbm>>
      %dma_start3A_21 = arith.constant 0 : i32
      %dma_start3A_22 = tpu.memref_slice %arg2[%add3A_17, %dma_start3A_21] : memref<158720x128xf32, #tpu.memory_space<hbm>> -> memref<80x128xf32, #tpu.memory_space<hbm>>
      tpu.enqueue_dma source(%dma_start3A_22 : memref<80x128xf32, #tpu.memory_space<hbm>>) target(%arg11 : memref<80x128xf32, #tpu.memory_space<vmem>>) target_semaphore(%arg13 : memref<!tpu.dma_semaphore, #tpu.memory_space<semaphore_mem>>)
      %scan3A = arith.constant 0 : i32
      %scan3A_23 = arith.constant 0 : i32
      %scan3A_24 = arith.constant 62 : i32
      %scan3A_25 = arith.addi %scan3A_23, %scan3A_24 : i32
      %scan3A_26 = arith.constant 1 : i32
      scf.for %scan3A_28 = %scan3A_23 to %scan3A_25 step %scan3A_26  : i32 {
        %mul3A_29 = arith.constant 2 : i32
        %mul3A_30 = arith.muli %scan3A_28, %mul3A_29 : i32
        %add3A_31 = arith.constant 1 : i32
        %add3A_32 = arith.addi %mul3A_30, %add3A_31 : i32
        %mul3A_33 = arith.constant 80 : i32
        %mul3A_34 = arith.muli %add3A_32, %mul3A_33 : i32
        %add3A_35 = arith.addi %mul3A_4, %mul3A_34 : i32
        %dma_start3A_36 = tpu.memref_slice %arg4[%add3A_35] : memref<158720xi32, #tpu.memory_space<hbm>> -> memref<80xi32, #tpu.memory_space<hbm>>
        %dma_start3A_37 = tpu.memref_slice %arg4[%add3A_35] : memref<158720xi32, #tpu.memory_space<hbm>> -> memref<80xi32, #tpu.memory_space<hbm>>
        tpu.enqueue_dma source(%dma_start3A_37 : memref<80xi32, #tpu.memory_space<hbm>>) target(%arg10 : memref<80xi32, #tpu.memory_space<vmem>>) target_semaphore(%arg14 : memref<!tpu.dma_semaphore, #tpu.memory_space<semaphore_mem>>)
        %dma_start3A_38 = arith.constant 0 : i32
        %dma_start3A_39 = tpu.memref_slice %arg2[%add3A_35, %dma_start3A_38] : memref<158720x128xf32, #tpu.memory_space<hbm>> -> memref<80x128xf32, #tpu.memory_space<hbm>>
        %dma_start3A_40 = arith.constant 0 : i32
        %dma_start3A_41 = tpu.memref_slice %arg2[%add3A_35, %dma_start3A_40] : memref<158720x128xf32, #tpu.memory_space<hbm>> -> memref<80x128xf32, #tpu.memory_space<hbm>>
        tpu.enqueue_dma source(%dma_start3A_41 : memref<80x128xf32, #tpu.memory_space<hbm>>) target(%arg12 : memref<80x128xf32, #tpu.memory_space<vmem>>) target_semaphore(%arg14 : memref<!tpu.dma_semaphore, #tpu.memory_space<semaphore_mem>>)
        %dma_wait3A = tpu.memref_slice %arg4[%mul3A_4] : memref<158720xi32, #tpu.memory_space<hbm>> -> memref<80xi32, #tpu.memory_space<hbm>>
        %dma_wait3A_42 = tpu.memref_slice %arg4[%mul3A_4] : memref<158720xi32, #tpu.memory_space<hbm>> -> memref<80xi32, #tpu.memory_space<hbm>>
        tpu.wait_dma2 semaphore(%arg13 : memref<!tpu.dma_semaphore, #tpu.memory_space<semaphore_mem>>) src(%dma_wait3A_42 : memref<80xi32, #tpu.memory_space<hbm>>) dst(%arg9 : memref<80xi32, #tpu.memory_space<vmem>>)
        %dma_wait3A_43 = arith.constant 0 : i32
        %dma_wait3A_44 = tpu.memref_slice %arg2[%mul3A_4, %dma_wait3A_43] : memref<158720x128xf32, #tpu.memory_space<hbm>> -> memref<80x128xf32, #tpu.memory_space<hbm>>
        %dma_wait3A_45 = arith.constant 0 : i32
        %dma_wait3A_46 = tpu.memref_slice %arg2[%mul3A_4, %dma_wait3A_45] : memref<158720x128xf32, #tpu.memory_space<hbm>> -> memref<80x128xf32, #tpu.memory_space<hbm>>
        tpu.wait_dma2 semaphore(%arg13 : memref<!tpu.dma_semaphore, #tpu.memory_space<semaphore_mem>>) src(%dma_wait3A_46 : memref<80x128xf32, #tpu.memory_space<hbm>>) dst(%arg11 : memref<80x128xf32, #tpu.memory_space<vmem>>)
        "tpu.region"() ({
          %run_scoped3A = tpu.sem_alloc : memref<!tpu.dma_semaphore, #tpu.memory_space<semaphore_mem>>
          %dma_start3A_59 = arith.constant 0 : i32
          %dma_start3A_60 = arith.constant 0 : i32
          %dma_start3A_61 = tpu.memref_slice %arg8[%dma_start3A_59, %dma_start3A_60] : memref<10240x128xf32, #tpu.memory_space<vmem_shared>> -> memref<10240x128xf32, #tpu.memory_space<vmem_shared>>
          tpu.enqueue_indirect_dma source(%arg11 : memref<80x128xf32, #tpu.memory_space<vmem>>) target(%dma_start3A_61 : memref<10240x128xf32, #tpu.memory_space<vmem_shared>>) offsets(%arg9 : memref<80xi32, #tpu.memory_space<vmem>>) semaphore(%run_scoped3A : memref<!tpu.dma_semaphore, #tpu.memory_space<semaphore_mem>>) {add = true}
          %dma_wait3A_62 = arith.constant 0 : i32
          %dma_wait3A_63 = arith.constant 0 : i32
          %dma_wait3A_64 = tpu.memref_slice %arg8[%dma_wait3A_62, %dma_wait3A_63] : memref<10240x128xf32, #tpu.memory_space<vmem_shared>> -> memref<10240x128xf32, #tpu.memory_space<vmem_shared>>
          tpu.wait_indirect_dma semaphore(%run_scoped3A : memref<!tpu.dma_semaphore, #tpu.memory_space<semaphore_mem>>) src(%arg11 : memref<80x128xf32, #tpu.memory_space<vmem>>) dst(%dma_wait3A_64 : memref<10240x128xf32, #tpu.memory_space<vmem_shared>>)
          tpu.yield
        }) : () -> ()
        %add3A_47 = arith.constant 2 : i32
        %add3A_48 = arith.addi %mul3A_30, %add3A_47 : i32
        %lt3A = arith.constant 124 : i32
        %lt3A_49 = arith.cmpi slt, %add3A_48, %lt3A : i32
        %convert_element_type3A_50 = arith.extui %lt3A_49 : i1 to i32
        %cond3A_51 = arith.constant 0 : i32
        %cond3A_52 = arith.cmpi ne, %convert_element_type3A_50, %cond3A_51 : i32
        scf.if %cond3A_52 {
          %add3A_59 = arith.constant 2 : i32
          %add3A_60 = arith.addi %mul3A_30, %add3A_59 : i32
          %mul3A_61 = arith.constant 80 : i32
          %mul3A_62 = arith.muli %add3A_60, %mul3A_61 : i32
          %add3A_63 = arith.addi %mul3A_4, %mul3A_62 : i32
          %dma_start3A_64 = tpu.memref_slice %arg4[%add3A_63] : memref<158720xi32, #tpu.memory_space<hbm>> -> memref<80xi32, #tpu.memory_space<hbm>>
          %dma_start3A_65 = tpu.memref_slice %arg4[%add3A_63] : memref<158720xi32, #tpu.memory_space<hbm>> -> memref<80xi32, #tpu.memory_space<hbm>>
          tpu.enqueue_dma source(%dma_start3A_65 : memref<80xi32, #tpu.memory_space<hbm>>) target(%arg9 : memref<80xi32, #tpu.memory_space<vmem>>) target_semaphore(%arg13 : memref<!tpu.dma_semaphore, #tpu.memory_space<semaphore_mem>>)
          %dma_start3A_66 = arith.constant 0 : i32
          %dma_start3A_67 = tpu.memref_slice %arg2[%add3A_63, %dma_start3A_66] : memref<158720x128xf32, #tpu.memory_space<hbm>> -> memref<80x128xf32, #tpu.memory_space<hbm>>
          %dma_start3A_68 = arith.constant 0 : i32
          %dma_start3A_69 = tpu.memref_slice %arg2[%add3A_63, %dma_start3A_68] : memref<158720x128xf32, #tpu.memory_space<hbm>> -> memref<80x128xf32, #tpu.memory_space<hbm>>
          tpu.enqueue_dma source(%dma_start3A_69 : memref<80x128xf32, #tpu.memory_space<hbm>>) target(%arg11 : memref<80x128xf32, #tpu.memory_space<vmem>>) target_semaphore(%arg13 : memref<!tpu.dma_semaphore, #tpu.memory_space<semaphore_mem>>)
        } else {
        }
        %dma_wait3A_53 = tpu.memref_slice %arg4[%mul3A_4] : memref<158720xi32, #tpu.memory_space<hbm>> -> memref<80xi32, #tpu.memory_space<hbm>>
        %dma_wait3A_54 = tpu.memref_slice %arg4[%mul3A_4] : memref<158720xi32, #tpu.memory_space<hbm>> -> memref<80xi32, #tpu.memory_space<hbm>>
        tpu.wait_dma2 semaphore(%arg14 : memref<!tpu.dma_semaphore, #tpu.memory_space<semaphore_mem>>) src(%dma_wait3A_54 : memref<80xi32, #tpu.memory_space<hbm>>) dst(%arg10 : memref<80xi32, #tpu.memory_space<vmem>>)
        %dma_wait3A_55 = arith.constant 0 : i32
        %dma_wait3A_56 = tpu.memref_slice %arg2[%mul3A_4, %dma_wait3A_55] : memref<158720x128xf32, #tpu.memory_space<hbm>> -> memref<80x128xf32, #tpu.memory_space<hbm>>
        %dma_wait3A_57 = arith.constant 0 : i32
        %dma_wait3A_58 = tpu.memref_slice %arg2[%mul3A_4, %dma_wait3A_57] : memref<158720x128xf32, #tpu.memory_space<hbm>> -> memref<80x128xf32, #tpu.memory_space<hbm>>
        tpu.wait_dma2 semaphore(%arg14 : memref<!tpu.dma_semaphore, #tpu.memory_space<semaphore_mem>>) src(%dma_wait3A_58 : memref<80x128xf32, #tpu.memory_space<hbm>>) dst(%arg12 : memref<80x128xf32, #tpu.memory_space<vmem>>)
        "tpu.region"() ({
          %run_scoped3A = tpu.sem_alloc : memref<!tpu.dma_semaphore, #tpu.memory_space<semaphore_mem>>
          %dma_start3A_59 = arith.constant 0 : i32
          %dma_start3A_60 = arith.constant 0 : i32
          %dma_start3A_61 = tpu.memref_slice %arg8[%dma_start3A_59, %dma_start3A_60] : memref<10240x128xf32, #tpu.memory_space<vmem_shared>> -> memref<10240x128xf32, #tpu.memory_space<vmem_shared>>
          tpu.enqueue_indirect_dma source(%arg12 : memref<80x128xf32, #tpu.memory_space<vmem>>) target(%dma_start3A_61 : memref<10240x128xf32, #tpu.memory_space<vmem_shared>>) offsets(%arg10 : memref<80xi32, #tpu.memory_space<vmem>>) semaphore(%run_scoped3A : memref<!tpu.dma_semaphore, #tpu.memory_space<semaphore_mem>>) {add = true}
          %dma_wait3A_62 = arith.constant 0 : i32
          %dma_wait3A_63 = arith.constant 0 : i32
          %dma_wait3A_64 = tpu.memref_slice %arg8[%dma_wait3A_62, %dma_wait3A_63] : memref<10240x128xf32, #tpu.memory_space<vmem_shared>> -> memref<10240x128xf32, #tpu.memory_space<vmem_shared>>
          tpu.wait_indirect_dma semaphore(%run_scoped3A : memref<!tpu.dma_semaphore, #tpu.memory_space<semaphore_mem>>) src(%arg12 : memref<80x128xf32, #tpu.memory_space<vmem>>) dst(%dma_wait3A_64 : memref<10240x128xf32, #tpu.memory_space<vmem_shared>>)
          tpu.yield
        }) : () -> ()
      }
      %scan3A_27 = arith.constant 62 : i32
    } else {
    }
    %barrier3A_12 = arith.constant 0 : index
    tpu.barrier barrier_id(%barrier3A_12)
    %mul3A_13 = arith.constant 640 : i32
    %mul3A_14 = arith.muli %arg1, %mul3A_13 : i32
    %mul3A_15 = arith.constant 640 : i32
    %mul3A_16 = arith.muli %arg1, %mul3A_15 : i32
    "tpu.region"() ({
      %run_scoped3A = tpu.sem_alloc : memref<!tpu.dma_semaphore, #tpu.memory_space<semaphore_mem>>
      %dma_start3A = arith.constant 0 : i32
      %dma_start3A_17 = tpu.memref_slice %arg7[%arg0, %mul3A_16, %dma_start3A] : memref<2x10240x128xf32, #tpu.memory_space<hbm>> -> memref<1x640x128xf32, #tpu.memory_space<hbm>>
      %dma_start3A_18 = tpu.memref_squeeze %dma_start3A_17 : memref<1x640x128xf32, #tpu.memory_space<hbm>> -> memref<640x128xf32, #tpu.memory_space<hbm>>
      %dma_start3A_19 = arith.constant 0 : i32
      %dma_start3A_20 = tpu.memref_slice %arg8[%mul3A_14, %dma_start3A_19] : memref<10240x128xf32, #tpu.memory_space<vmem_shared>> -> memref<640x128xf32, #tpu.memory_space<vmem_shared>>
      tpu.enqueue_dma source(%dma_start3A_20 : memref<640x128xf32, #tpu.memory_space<vmem_shared>>) target(%dma_start3A_18 : memref<640x128xf32, #tpu.memory_space<hbm>>) target_semaphore(%run_scoped3A : memref<!tpu.dma_semaphore, #tpu.memory_space<semaphore_mem>>)
      %dma_wait3A = arith.constant 0 : i32
      %dma_wait3A_21 = tpu.memref_slice %arg7[%arg0, %mul3A_16, %dma_wait3A] : memref<2x10240x128xf32, #tpu.memory_space<hbm>> -> memref<1x640x128xf32, #tpu.memory_space<hbm>>
      %dma_wait3A_22 = tpu.memref_squeeze %dma_wait3A_21 : memref<1x640x128xf32, #tpu.memory_space<hbm>> -> memref<640x128xf32, #tpu.memory_space<hbm>>
      %dma_wait3A_23 = arith.constant 0 : i32
      %dma_wait3A_24 = tpu.memref_slice %arg8[%mul3A_14, %dma_wait3A_23] : memref<10240x128xf32, #tpu.memory_space<vmem_shared>> -> memref<640x128xf32, #tpu.memory_space<vmem_shared>>
      tpu.wait_dma2 semaphore(%run_scoped3A : memref<!tpu.dma_semaphore, #tpu.memory_space<semaphore_mem>>) src(%dma_wait3A_24 : memref<640x128xf32, #tpu.memory_space<vmem_shared>>) dst(%dma_wait3A_22 : memref<640x128xf32, #tpu.memory_space<hbm>>)
      tpu.yield
    }) : () -> ()
    return
  }
}

#map = affine_map<(d0, d1) -> (0, 0)>
#map1 = affine_map<(d0, d1) -> (0)>
module attributes {stable_mosaic.version = 14 : i64} {
  func.func @k(%arg0: i32, %arg1: i32, %arg2: memref<10000x128xf32, #tpu.memory_space<hbm>>, %arg3: memref<10000x128xf32, #tpu.memory_space<hbm>>, %arg4: memref<40000xf32, #tpu.memory_space<hbm>>, %arg5: memref<158720xi32, #tpu.memory_space<hbm>>, %arg6: memref<158720xi32, #tpu.memory_space<hbm>>, %arg7: memref<8x128xf32, #tpu.memory_space<hbm>>, %arg8: memref<158720x128xf32, #tpu.memory_space<hbm>>, %arg9: memref<158720x128xf32, #tpu.memory_space<hbm>>, %arg10: memref<80xi32, #tpu.memory_space<vmem>>, %arg11: memref<80xi32, #tpu.memory_space<vmem>>, %arg12: memref<80x128xf32, #tpu.memory_space<vmem>>, %arg13: memref<80x128xf32, #tpu.memory_space<vmem>>, %arg14: memref<80x128xf32, #tpu.memory_space<vmem>>, %arg15: memref<80x128xf32, #tpu.memory_space<vmem>>, %arg16: memref<!tpu.dma_semaphore, #tpu.memory_space<semaphore_mem>>, %arg17: memref<!tpu.dma_semaphore, #tpu.memory_space<semaphore_mem>>, %arg18: memref<!tpu.dma_semaphore, #tpu.memory_space<semaphore_mem>>, %arg19: memref<80xi32, #tpu.memory_space<vmem>>, %arg20: memref<80xi32, #tpu.memory_space<vmem>>, %arg21: memref<80x128xf32, #tpu.memory_space<vmem>>, %arg22: memref<80x128xf32, #tpu.memory_space<vmem>>, %arg23: memref<80x128xf32, #tpu.memory_space<vmem>>, %arg24: memref<80x128xf32, #tpu.memory_space<vmem>>, %arg25: memref<!tpu.dma_semaphore, #tpu.memory_space<semaphore_mem>>, %arg26: memref<!tpu.dma_semaphore, #tpu.memory_space<semaphore_mem>>, %arg27: memref<!tpu.dma_semaphore, #tpu.memory_space<semaphore_mem>>, %arg28: memref<40000xf32, #tpu.memory_space<vmem>>) attributes {dimension_semantics = [#tpu.dimension_semantics<core_parallel>, #tpu.dimension_semantics<subcore_parallel>], iteration_bounds = array<i64: 2, 16>, scalar_prefetch = 0 : i64, scratch_operands = 19 : i64, tpu.core_type = #tpu.core_type<sc_vector_subcore>, window_params = [{transform_indices = #map}, {transform_indices = #map}, {transform_indices = #map1}, {transform_indices = #map1}, {transform_indices = #map1}, {transform_indices = #map}, {transform_indices = #map}, {transform_indices = #map}]} {
    %mul3A = arith.constant 2 : i32
    %mul3A_0 = arith.muli %arg1, %mul3A : i32
    %add3A = arith.addi %mul3A_0, %arg0 : i32
    %mul3A_1 = arith.constant 4960 : i32
    %mul3A_2 = arith.muli %add3A, %mul3A_1 : i32
    "tpu.region"() ({
      %run_scoped3A = tpu.sem_alloc : memref<!tpu.dma_semaphore, #tpu.memory_space<semaphore_mem>>
      tpu.enqueue_dma source(%arg4 : memref<40000xf32, #tpu.memory_space<hbm>>) target(%arg28 : memref<40000xf32, #tpu.memory_space<vmem>>) target_semaphore(%run_scoped3A : memref<!tpu.dma_semaphore, #tpu.memory_space<semaphore_mem>>)
      tpu.wait_dma2 semaphore(%run_scoped3A : memref<!tpu.dma_semaphore, #tpu.memory_space<semaphore_mem>>) src(%arg4 : memref<40000xf32, #tpu.memory_space<hbm>>) dst(%arg28 : memref<40000xf32, #tpu.memory_space<vmem>>)
      tpu.yield
    }) : () -> ()
    %broadcast_in_dim3A = arith.constant 0.000000e+00 : f32
    %broadcast_in_dim3A_3 = vector.broadcast %broadcast_in_dim3A : f32 to vector<16xf32>
    %scan3A = arith.constant 0 : i32
    %scan3A_4 = arith.constant 0 : i32
    %scan3A_5 = arith.constant 80 : i32
    %scan3A_6 = arith.addi %scan3A_4, %scan3A_5 : i32
    %scan3A_7 = arith.constant 1 : i32
    scf.for %scan3A_137 = %scan3A_4 to %scan3A_6 step %scan3A_7  : i32 {
      %swap3A = arith.index_cast %scan3A_137 : i32 to index
      %swap3A_138 = arith.constant 64 : index
      %swap3A_139 = tpu.vector_load %arg15[%swap3A, %swap3A_138] {strides = array<i32>} : memref<80x128xf32, #tpu.memory_space<vmem>>, vector<16xf32>,
      tpu.vector_store %arg15[%swap3A, %swap3A_138], %broadcast_in_dim3A_3 {strides = array<i32>} : memref<80x128xf32, #tpu.memory_space<vmem>>, vector<16xf32>,
      %swap3A_140 = arith.index_cast %scan3A_137 : i32 to index
      %swap3A_141 = arith.constant 64 : index
      %swap3A_142 = tpu.vector_load %arg24[%swap3A_140, %swap3A_141] {strides = array<i32>} : memref<80x128xf32, #tpu.memory_space<vmem>>, vector<16xf32>,
      tpu.vector_store %arg24[%swap3A_140, %swap3A_141], %broadcast_in_dim3A_3 {strides = array<i32>} : memref<80x128xf32, #tpu.memory_space<vmem>>, vector<16xf32>,
    }
    %scan3A_8 = arith.constant 80 : i32
    %iota3A = tpu.iota {dimensions = array<i32: 0>} : vector<16xi32>
    %add3A_9 = arith.constant 0 : i32
    %add3A_10 = arith.addi %mul3A_2, %add3A_9 : i32
    %dma_start3A = tpu.memref_slice %arg5[%add3A_10] : memref<158720xi32, #tpu.memory_space<hbm>> -> memref<80xi32, #tpu.memory_space<hbm>>
    %dma_start3A_11 = tpu.memref_slice %arg5[%add3A_10] : memref<158720xi32, #tpu.memory_space<hbm>> -> memref<80xi32, #tpu.memory_space<hbm>>
    tpu.enqueue_dma source(%dma_start3A_11 : memref<80xi32, #tpu.memory_space<hbm>>) target(%arg10 : memref<80xi32, #tpu.memory_space<vmem>>) target_semaphore(%arg16 : memref<!tpu.dma_semaphore, #tpu.memory_space<semaphore_mem>>)
    %dma_start3A_12 = tpu.memref_slice %arg6[%add3A_10] : memref<158720xi32, #tpu.memory_space<hbm>> -> memref<80xi32, #tpu.memory_space<hbm>>
    %dma_start3A_13 = tpu.memref_slice %arg6[%add3A_10] : memref<158720xi32, #tpu.memory_space<hbm>> -> memref<80xi32, #tpu.memory_space<hbm>>
    tpu.enqueue_dma source(%dma_start3A_13 : memref<80xi32, #tpu.memory_space<hbm>>) target(%arg11 : memref<80xi32, #tpu.memory_space<vmem>>) target_semaphore(%arg16 : memref<!tpu.dma_semaphore, #tpu.memory_space<semaphore_mem>>)
    %add3A_14 = arith.constant 80 : i32
    %add3A_15 = arith.addi %mul3A_2, %add3A_14 : i32
    %dma_start3A_16 = tpu.memref_slice %arg5[%add3A_15] : memref<158720xi32, #tpu.memory_space<hbm>> -> memref<80xi32, #tpu.memory_space<hbm>>
    %dma_start3A_17 = tpu.memref_slice %arg5[%add3A_15] : memref<158720xi32, #tpu.memory_space<hbm>> -> memref<80xi32, #tpu.memory_space<hbm>>
    tpu.enqueue_dma source(%dma_start3A_17 : memref<80xi32, #tpu.memory_space<hbm>>) target(%arg19 : memref<80xi32, #tpu.memory_space<vmem>>) target_semaphore(%arg25 : memref<!tpu.dma_semaphore, #tpu.memory_space<semaphore_mem>>)
    %dma_start3A_18 = tpu.memref_slice %arg6[%add3A_15] : memref<158720xi32, #tpu.memory_space<hbm>> -> memref<80xi32, #tpu.memory_space<hbm>>
    %dma_start3A_19 = tpu.memref_slice %arg6[%add3A_15] : memref<158720xi32, #tpu.memory_space<hbm>> -> memref<80xi32, #tpu.memory_space<hbm>>
    tpu.enqueue_dma source(%dma_start3A_19 : memref<80xi32, #tpu.memory_space<hbm>>) target(%arg20 : memref<80xi32, #tpu.memory_space<vmem>>) target_semaphore(%arg25 : memref<!tpu.dma_semaphore, #tpu.memory_space<semaphore_mem>>)
    %dma_wait3A = tpu.memref_slice %arg5[%mul3A_2] : memref<158720xi32, #tpu.memory_space<hbm>> -> memref<80xi32, #tpu.memory_space<hbm>>
    %dma_wait3A_20 = tpu.memref_slice %arg5[%mul3A_2] : memref<158720xi32, #tpu.memory_space<hbm>> -> memref<80xi32, #tpu.memory_space<hbm>>
    tpu.wait_dma2 semaphore(%arg16 : memref<!tpu.dma_semaphore, #tpu.memory_space<semaphore_mem>>) src(%dma_wait3A_20 : memref<80xi32, #tpu.memory_space<hbm>>) dst(%arg10 : memref<80xi32, #tpu.memory_space<vmem>>)
    %dma_wait3A_21 = tpu.memref_slice %arg6[%mul3A_2] : memref<158720xi32, #tpu.memory_space<hbm>> -> memref<80xi32, #tpu.memory_space<hbm>>
    %dma_wait3A_22 = tpu.memref_slice %arg6[%mul3A_2] : memref<158720xi32, #tpu.memory_space<hbm>> -> memref<80xi32, #tpu.memory_space<hbm>>
    tpu.wait_dma2 semaphore(%arg16 : memref<!tpu.dma_semaphore, #tpu.memory_space<semaphore_mem>>) src(%dma_wait3A_22 : memref<80xi32, #tpu.memory_space<hbm>>) dst(%arg11 : memref<80xi32, #tpu.memory_space<vmem>>)
    %dma_start3A_23 = arith.constant 0 : i32
    %dma_start3A_24 = arith.constant 0 : i32
    %dma_start3A_25 = tpu.memref_slice %arg2[%dma_start3A_23, %dma_start3A_24] : memref<10000x128xf32, #tpu.memory_space<hbm>> -> memref<10000x128xf32, #tpu.memory_space<hbm>>
    tpu.enqueue_indirect_dma source(%dma_start3A_25 : memref<10000x128xf32, #tpu.memory_space<hbm>>) target(%arg12 : memref<80x128xf32, #tpu.memory_space<vmem>>) offsets(%arg11 : memref<80xi32, #tpu.memory_space<vmem>>) semaphore(%arg17 : memref<!tpu.dma_semaphore, #tpu.memory_space<semaphore_mem>>)
    %dma_start3A_26 = arith.constant 0 : i32
    %dma_start3A_27 = arith.constant 0 : i32
    %dma_start3A_28 = tpu.memref_slice %arg2[%dma_start3A_26, %dma_start3A_27] : memref<10000x128xf32, #tpu.memory_space<hbm>> -> memref<10000x128xf32, #tpu.memory_space<hbm>>
    tpu.enqueue_indirect_dma source(%dma_start3A_28 : memref<10000x128xf32, #tpu.memory_space<hbm>>) target(%arg13 : memref<80x128xf32, #tpu.memory_space<vmem>>) offsets(%arg10 : memref<80xi32, #tpu.memory_space<vmem>>) semaphore(%arg17 : memref<!tpu.dma_semaphore, #tpu.memory_space<semaphore_mem>>)
    %dma_start3A_29 = arith.constant 0 : i32
    %dma_start3A_30 = arith.constant 0 : i32
    %dma_start3A_31 = tpu.memref_slice %arg3[%dma_start3A_29, %dma_start3A_30] : memref<10000x128xf32, #tpu.memory_space<hbm>> -> memref<10000x128xf32, #tpu.memory_space<hbm>>
    tpu.enqueue_indirect_dma source(%dma_start3A_31 : memref<10000x128xf32, #tpu.memory_space<hbm>>) target(%arg14 : memref<80x128xf32, #tpu.memory_space<vmem>>) offsets(%arg10 : memref<80xi32, #tpu.memory_space<vmem>>) semaphore(%arg17 : memref<!tpu.dma_semaphore, #tpu.memory_space<semaphore_mem>>)
    %scan3A_32 = arith.constant 0 : i32
    %scan3A_33 = arith.constant 0 : i32
    %scan3A_34 = arith.constant 30 : i32
    %scan3A_35 = arith.addi %scan3A_33, %scan3A_34 : i32
    %scan3A_36 = arith.constant 1 : i32
    scf.for %scan3A_137 = %scan3A_33 to %scan3A_35 step %scan3A_36  : i32 {
      %mul3A_138 = arith.constant 2 : i32
      %mul3A_139 = arith.muli %scan3A_137, %mul3A_138 : i32
      %dma_wait3A_140 = tpu.memref_slice %arg5[%mul3A_2] : memref<158720xi32, #tpu.memory_space<hbm>> -> memref<80xi32, #tpu.memory_space<hbm>>
      %dma_wait3A_141 = tpu.memref_slice %arg5[%mul3A_2] : memref<158720xi32, #tpu.memory_space<hbm>> -> memref<80xi32, #tpu.memory_space<hbm>>
      tpu.wait_dma2 semaphore(%arg25 : memref<!tpu.dma_semaphore, #tpu.memory_space<semaphore_mem>>) src(%dma_wait3A_141 : memref<80xi32, #tpu.memory_space<hbm>>) dst(%arg19 : memref<80xi32, #tpu.memory_space<vmem>>)
      %dma_wait3A_142 = tpu.memref_slice %arg6[%mul3A_2] : memref<158720xi32, #tpu.memory_space<hbm>> -> memref<80xi32, #tpu.memory_space<hbm>>
      %dma_wait3A_143 = tpu.memref_slice %arg6[%mul3A_2] : memref<158720xi32, #tpu.memory_space<hbm>> -> memref<80xi32, #tpu.memory_space<hbm>>
      tpu.wait_dma2 semaphore(%arg25 : memref<!tpu.dma_semaphore, #tpu.memory_space<semaphore_mem>>) src(%dma_wait3A_143 : memref<80xi32, #tpu.memory_space<hbm>>) dst(%arg20 : memref<80xi32, #tpu.memory_space<vmem>>)
      %dma_start3A_144 = arith.constant 0 : i32
      %dma_start3A_145 = arith.constant 0 : i32
      %dma_start3A_146 = tpu.memref_slice %arg2[%dma_start3A_144, %dma_start3A_145] : memref<10000x128xf32, #tpu.memory_space<hbm>> -> memref<10000x128xf32, #tpu.memory_space<hbm>>
      tpu.enqueue_indirect_dma source(%dma_start3A_146 : memref<10000x128xf32, #tpu.memory_space<hbm>>) target(%arg21 : memref<80x128xf32, #tpu.memory_space<vmem>>) offsets(%arg20 : memref<80xi32, #tpu.memory_space<vmem>>) semaphore(%arg26 : memref<!tpu.dma_semaphore, #tpu.memory_space<semaphore_mem>>)
      %dma_start3A_147 = arith.constant 0 : i32
      %dma_start3A_148 = arith.constant 0 : i32
      %dma_start3A_149 = tpu.memref_slice %arg2[%dma_start3A_147, %dma_start3A_148] : memref<10000x128xf32, #tpu.memory_space<hbm>> -> memref<10000x128xf32, #tpu.memory_space<hbm>>
      tpu.enqueue_indirect_dma source(%dma_start3A_149 : memref<10000x128xf32, #tpu.memory_space<hbm>>) target(%arg22 : memref<80x128xf32, #tpu.memory_space<vmem>>) offsets(%arg19 : memref<80xi32, #tpu.memory_space<vmem>>) semaphore(%arg26 : memref<!tpu.dma_semaphore, #tpu.memory_space<semaphore_mem>>)
      %gt3A = arith.constant 0 : i32
      %gt3A_150 = arith.cmpi sgt, %scan3A_137, %gt3A : i32
      %convert_element_type3A = arith.extui %gt3A_150 : i1 to i32
      %cond3A = arith.constant 0 : i32
      %cond3A_151 = arith.cmpi ne, %convert_element_type3A, %cond3A : i32
      scf.if %cond3A_151 {
        %dma_wait3A_257 = arith.constant 0 : i32
        %dma_wait3A_258 = tpu.memref_slice %arg8[%mul3A_2, %dma_wait3A_257] : memref<158720x128xf32, #tpu.memory_space<hbm>> -> memref<80x128xf32, #tpu.memory_space<hbm>>
        %dma_wait3A_259 = arith.constant 0 : i32
        %dma_wait3A_260 = tpu.memref_slice %arg8[%mul3A_2, %dma_wait3A_259] : memref<158720x128xf32, #tpu.memory_space<hbm>> -> memref<80x128xf32, #tpu.memory_space<hbm>>
        tpu.wait_dma2 semaphore(%arg27 : memref<!tpu.dma_semaphore, #tpu.memory_space<semaphore_mem>>) src(%arg24 : memref<80x128xf32, #tpu.memory_space<vmem>>) dst(%dma_wait3A_260 : memref<80x128xf32, #tpu.memory_space<hbm>>)
        %dma_wait3A_261 = arith.constant 0 : i32
        %dma_wait3A_262 = tpu.memref_slice %arg9[%mul3A_2, %dma_wait3A_261] : memref<158720x128xf32, #tpu.memory_space<hbm>> -> memref<80x128xf32, #tpu.memory_space<hbm>>
        %dma_wait3A_263 = arith.constant 0 : i32
        %dma_wait3A_264 = tpu.memref_slice %arg9[%mul3A_2, %dma_wait3A_263] : memref<158720x128xf32, #tpu.memory_space<hbm>> -> memref<80x128xf32, #tpu.memory_space<hbm>>
        tpu.wait_dma2 semaphore(%arg27 : memref<!tpu.dma_semaphore, #tpu.memory_space<semaphore_mem>>) src(%arg23 : memref<80x128xf32, #tpu.memory_space<vmem>>) dst(%dma_wait3A_264 : memref<80x128xf32, #tpu.memory_space<hbm>>)
      } else {
      }
      %dma_start3A_152 = arith.constant 0 : i32
      %dma_start3A_153 = arith.constant 0 : i32
      %dma_start3A_154 = tpu.memref_slice %arg3[%dma_start3A_152, %dma_start3A_153] : memref<10000x128xf32, #tpu.memory_space<hbm>> -> memref<10000x128xf32, #tpu.memory_space<hbm>>
      tpu.enqueue_indirect_dma source(%dma_start3A_154 : memref<10000x128xf32, #tpu.memory_space<hbm>>) target(%arg23 : memref<80x128xf32, #tpu.memory_space<vmem>>) offsets(%arg19 : memref<80xi32, #tpu.memory_space<vmem>>) semaphore(%arg26 : memref<!tpu.dma_semaphore, #tpu.memory_space<semaphore_mem>>)
      %dma_wait3A_155 = arith.constant 0 : i32
      %dma_wait3A_156 = arith.constant 0 : i32
      %dma_wait3A_157 = tpu.memref_slice %arg2[%dma_wait3A_155, %dma_wait3A_156] : memref<10000x128xf32, #tpu.memory_space<hbm>> -> memref<10000x128xf32, #tpu.memory_space<hbm>>
      tpu.wait_indirect_dma semaphore(%arg17 : memref<!tpu.dma_semaphore, #tpu.memory_space<semaphore_mem>>) src(%dma_wait3A_157 : memref<10000x128xf32, #tpu.memory_space<hbm>>) dst(%arg12 : memref<80x128xf32, #tpu.memory_space<vmem>>)
      %dma_wait3A_158 = arith.constant 0 : i32
      %dma_wait3A_159 = arith.constant 0 : i32
      %dma_wait3A_160 = tpu.memref_slice %arg2[%dma_wait3A_158, %dma_wait3A_159] : memref<10000x128xf32, #tpu.memory_space<hbm>> -> memref<10000x128xf32, #tpu.memory_space<hbm>>
      tpu.wait_indirect_dma semaphore(%arg17 : memref<!tpu.dma_semaphore, #tpu.memory_space<semaphore_mem>>) src(%dma_wait3A_160 : memref<10000x128xf32, #tpu.memory_space<hbm>>) dst(%arg13 : memref<80x128xf32, #tpu.memory_space<vmem>>)
      %dma_wait3A_161 = arith.constant 0 : i32
      %dma_wait3A_162 = arith.constant 0 : i32
      %dma_wait3A_163 = tpu.memref_slice %arg3[%dma_wait3A_161, %dma_wait3A_162] : memref<10000x128xf32, #tpu.memory_space<hbm>> -> memref<10000x128xf32, #tpu.memory_space<hbm>>
      tpu.wait_indirect_dma semaphore(%arg17 : memref<!tpu.dma_semaphore, #tpu.memory_space<semaphore_mem>>) src(%dma_wait3A_163 : memref<10000x128xf32, #tpu.memory_space<hbm>>) dst(%arg14 : memref<80x128xf32, #tpu.memory_space<vmem>>)
      %scan3A_164 = arith.constant 0 : i32
      %scan3A_165 = arith.constant 0 : i32
      %scan3A_166 = arith.constant 5 : i32
      %scan3A_167 = arith.addi %scan3A_165, %scan3A_166 : i32
      %scan3A_168 = arith.constant 1 : i32
      scf.for %scan3A_257 = %scan3A_165 to %scan3A_167 step %scan3A_168  : i32 {
        %mul3A_258 = arith.constant 16 : i32
        %mul3A_259 = arith.muli %scan3A_257, %mul3A_258 : i32
        %get3A = arith.index_cast %mul3A_259 : i32 to index
        %get3A_260 = tpu.vector_load %arg11[%get3A] {strides = array<i32>} : memref<80xi32, #tpu.memory_space<vmem>>, vector<16xi32>,
        %mul3A_261 = arith.constant 4 : i32
        %mul3A_262 = vector.broadcast %mul3A_261 : i32 to vector<16xi32>
        %mul3A_263 = arith.muli %get3A_260, %mul3A_262 : vector<16xi32>
        %mul3A_264 = arith.constant 16 : i32
        %mul3A_265 = arith.muli %scan3A_257, %mul3A_264 : i32
        %get3A_266 = arith.index_cast %mul3A_265 : i32 to index
        %get3A_267 = tpu.vector_load %arg10[%get3A_266] {strides = array<i32>} : memref<80xi32, #tpu.memory_space<vmem>>, vector<16xi32>,
        %mul3A_268 = arith.constant 4 : i32
        %mul3A_269 = vector.broadcast %mul3A_268 : i32 to vector<16xi32>
        %mul3A_270 = arith.muli %get3A_267, %mul3A_269 : vector<16xi32>
        %mul3A_271 = arith.constant 16 : i32
        %mul3A_272 = arith.muli %scan3A_257, %mul3A_271 : i32
        %add3A_273 = vector.broadcast %mul3A_272 : i32 to vector<16xi32>
        %add3A_274 = arith.addi %iota3A, %add3A_273 : vector<16xi32>
        %add3A_275 = arith.constant 0 : i32
        %add3A_276 = vector.broadcast %add3A_275 : i32 to vector<16xi32>
        %add3A_277 = arith.addi %mul3A_263, %add3A_276 : vector<16xi32>
        %gather3A = tpu.vector_load_idx %arg28[%add3A_277] : memref<40000xf32, #tpu.memory_space<vmem>>[vector<16xi32>], vector<16xf32>,
        %add3A_278 = arith.constant 0 : i32
        %add3A_279 = vector.broadcast %add3A_278 : i32 to vector<16xi32>
        %add3A_280 = arith.addi %mul3A_270, %add3A_279 : vector<16xi32>
        %gather3A_281 = tpu.vector_load_idx %arg28[%add3A_280] : memref<40000xf32, #tpu.memory_space<vmem>>[vector<16xi32>], vector<16xf32>,
        %broadcast_in_dim3A_282 = arith.constant 64 : i32
        %broadcast_in_dim3A_283 = vector.broadcast %broadcast_in_dim3A_282 : i32 to vector<16xi32>
        %sub3A = arith.subf %gather3A, %gather3A_281 : vector<16xf32>
        tpu.vector_store_idx %arg15[%add3A_274, %broadcast_in_dim3A_283], %sub3A : memref<80x128xf32, #tpu.memory_space<vmem>>[vector<16xi32>, vector<16xi32>], vector<16xf32>,
        %add3A_284 = arith.constant 1 : i32
        %add3A_285 = vector.broadcast %add3A_284 : i32 to vector<16xi32>
        %add3A_286 = arith.addi %mul3A_263, %add3A_285 : vector<16xi32>
        %gather3A_287 = tpu.vector_load_idx %arg28[%add3A_286] : memref<40000xf32, #tpu.memory_space<vmem>>[vector<16xi32>], vector<16xf32>,
        %add3A_288 = arith.constant 1 : i32
        %add3A_289 = vector.broadcast %add3A_288 : i32 to vector<16xi32>
        %add3A_290 = arith.addi %mul3A_270, %add3A_289 : vector<16xi32>
        %gather3A_291 = tpu.vector_load_idx %arg28[%add3A_290] : memref<40000xf32, #tpu.memory_space<vmem>>[vector<16xi32>], vector<16xf32>,
        %broadcast_in_dim3A_292 = arith.constant 65 : i32
        %broadcast_in_dim3A_293 = vector.broadcast %broadcast_in_dim3A_292 : i32 to vector<16xi32>
        %sub3A_294 = arith.subf %gather3A_287, %gather3A_291 : vector<16xf32>
        tpu.vector_store_idx %arg15[%add3A_274, %broadcast_in_dim3A_293], %sub3A_294 : memref<80x128xf32, #tpu.memory_space<vmem>>[vector<16xi32>, vector<16xi32>], vector<16xf32>,
        %add3A_295 = arith.constant 2 : i32
        %add3A_296 = vector.broadcast %add3A_295 : i32 to vector<16xi32>
        %add3A_297 = arith.addi %mul3A_263, %add3A_296 : vector<16xi32>
        %gather3A_298 = tpu.vector_load_idx %arg28[%add3A_297] : memref<40000xf32, #tpu.memory_space<vmem>>[vector<16xi32>], vector<16xf32>,
        %add3A_299 = arith.constant 2 : i32
        %add3A_300 = vector.broadcast %add3A_299 : i32 to vector<16xi32>
        %add3A_301 = arith.addi %mul3A_270, %add3A_300 : vector<16xi32>
        %gather3A_302 = tpu.vector_load_idx %arg28[%add3A_301] : memref<40000xf32, #tpu.memory_space<vmem>>[vector<16xi32>], vector<16xf32>,
        %broadcast_in_dim3A_303 = arith.constant 66 : i32
        %broadcast_in_dim3A_304 = vector.broadcast %broadcast_in_dim3A_303 : i32 to vector<16xi32>
        %sub3A_305 = arith.subf %gather3A_298, %gather3A_302 : vector<16xf32>
        tpu.vector_store_idx %arg15[%add3A_274, %broadcast_in_dim3A_304], %sub3A_305 : memref<80x128xf32, #tpu.memory_space<vmem>>[vector<16xi32>, vector<16xi32>], vector<16xf32>,
      }
      %scan3A_169 = arith.constant 5 : i32
      %scan3A_170 = arith.constant 0 : i32
      %scan3A_171 = arith.constant 0 : i32
      %scan3A_172 = arith.constant 80 : i32
      %scan3A_173 = arith.addi %scan3A_171, %scan3A_172 : i32
      %scan3A_174 = arith.constant 1 : i32
      scf.for %scan3A_257 = %scan3A_171 to %scan3A_173 step %scan3A_174  : i32 {
        %get3A = arith.index_cast %scan3A_257 : i32 to index
        %get3A_258 = arith.constant 0 : index
        %get3A_259 = tpu.vector_load %arg12[%get3A, %get3A_258] {strides = array<i32>} : memref<80x128xf32, #tpu.memory_space<vmem>>, vector<16xf32>,
        %get3A_260 = arith.index_cast %scan3A_257 : i32 to index
        %get3A_261 = arith.constant 64 : index
        %get3A_262 = tpu.vector_load %arg13[%get3A_260, %get3A_261] {strides = array<i32>} : memref<80x128xf32, #tpu.memory_space<vmem>>, vector<16xf32>,
        %sub3A = arith.subf %get3A_259, %get3A_262 : vector<16xf32>
        %swap3A = arith.index_cast %scan3A_257 : i32 to index
        %swap3A_263 = arith.constant 0 : index
        %swap3A_264 = tpu.vector_load %arg15[%swap3A, %swap3A_263] {strides = array<i32>} : memref<80x128xf32, #tpu.memory_space<vmem>>, vector<16xf32>,
        tpu.vector_store %arg15[%swap3A, %swap3A_263], %sub3A {strides = array<i32>} : memref<80x128xf32, #tpu.memory_space<vmem>>, vector<16xf32>,
        %get3A_265 = arith.index_cast %scan3A_257 : i32 to index
        %get3A_266 = arith.constant 16 : index
        %get3A_267 = tpu.vector_load %arg12[%get3A_265, %get3A_266] {strides = array<i32>} : memref<80x128xf32, #tpu.memory_space<vmem>>, vector<16xf32>,
        %get3A_268 = arith.index_cast %scan3A_257 : i32 to index
        %get3A_269 = arith.constant 80 : index
        %get3A_270 = tpu.vector_load %arg13[%get3A_268, %get3A_269] {strides = array<i32>} : memref<80x128xf32, #tpu.memory_space<vmem>>, vector<16xf32>,
        %sub3A_271 = arith.subf %get3A_267, %get3A_270 : vector<16xf32>
        %swap3A_272 = arith.index_cast %scan3A_257 : i32 to index
        %swap3A_273 = arith.constant 16 : index
        %swap3A_274 = tpu.vector_load %arg15[%swap3A_272, %swap3A_273] {strides = array<i32>} : memref<80x128xf32, #tpu.memory_space<vmem>>, vector<16xf32>,
        tpu.vector_store %arg15[%swap3A_272, %swap3A_273], %sub3A_271 {strides = array<i32>} : memref<80x128xf32, #tpu.memory_space<vmem>>, vector<16xf32>,
        %get3A_275 = arith.index_cast %scan3A_257 : i32 to index
        %get3A_276 = arith.constant 32 : index
        %get3A_277 = tpu.vector_load %arg12[%get3A_275, %get3A_276] {strides = array<i32>} : memref<80x128xf32, #tpu.memory_space<vmem>>, vector<16xf32>,
        %get3A_278 = arith.index_cast %scan3A_257 : i32 to index
        %get3A_279 = arith.constant 96 : index
        %get3A_280 = tpu.vector_load %arg13[%get3A_278, %get3A_279] {strides = array<i32>} : memref<80x128xf32, #tpu.memory_space<vmem>>, vector<16xf32>,
        %sub3A_281 = arith.subf %get3A_277, %get3A_280 : vector<16xf32>
        %swap3A_282 = arith.index_cast %scan3A_257 : i32 to index
        %swap3A_283 = arith.constant 32 : index
        %swap3A_284 = tpu.vector_load %arg15[%swap3A_282, %swap3A_283] {strides = array<i32>} : memref<80x128xf32, #tpu.memory_space<vmem>>, vector<16xf32>,
        tpu.vector_store %arg15[%swap3A_282, %swap3A_283], %sub3A_281 {strides = array<i32>} : memref<80x128xf32, #tpu.memory_space<vmem>>, vector<16xf32>,
        %get3A_285 = arith.index_cast %scan3A_257 : i32 to index
        %get3A_286 = arith.constant 48 : index
        %get3A_287 = tpu.vector_load %arg12[%get3A_285, %get3A_286] {strides = array<i32>} : memref<80x128xf32, #tpu.memory_space<vmem>>, vector<16xf32>,
        %get3A_288 = arith.index_cast %scan3A_257 : i32 to index
        %get3A_289 = arith.constant 112 : index
        %get3A_290 = tpu.vector_load %arg13[%get3A_288, %get3A_289] {strides = array<i32>} : memref<80x128xf32, #tpu.memory_space<vmem>>, vector<16xf32>,
        %sub3A_291 = arith.subf %get3A_287, %get3A_290 : vector<16xf32>
        %swap3A_292 = arith.index_cast %scan3A_257 : i32 to index
        %swap3A_293 = arith.constant 48 : index
        %swap3A_294 = tpu.vector_load %arg15[%swap3A_292, %swap3A_293] {strides = array<i32>} : memref<80x128xf32, #tpu.memory_space<vmem>>, vector<16xf32>,
        tpu.vector_store %arg15[%swap3A_292, %swap3A_293], %sub3A_291 {strides = array<i32>} : memref<80x128xf32, #tpu.memory_space<vmem>>, vector<16xf32>,
      }
      %scan3A_175 = arith.constant 80 : i32
      %mul3A_176 = arith.constant 80 : i32
      %mul3A_177 = arith.muli %mul3A_139, %mul3A_176 : i32
      %add3A_178 = arith.addi %mul3A_2, %mul3A_177 : i32
      %dma_start3A_179 = arith.constant 0 : i32
      %dma_start3A_180 = tpu.memref_slice %arg8[%add3A_178, %dma_start3A_179] : memref<158720x128xf32, #tpu.memory_space<hbm>> -> memref<80x128xf32, #tpu.memory_space<hbm>>
      %dma_start3A_181 = arith.constant 0 : i32
      %dma_start3A_182 = tpu.memref_slice %arg8[%add3A_178, %dma_start3A_181] : memref<158720x128xf32, #tpu.memory_space<hbm>> -> memref<80x128xf32, #tpu.memory_space<hbm>>
      tpu.enqueue_dma source(%arg15 : memref<80x128xf32, #tpu.memory_space<vmem>>) target(%dma_start3A_182 : memref<80x128xf32, #tpu.memory_space<hbm>>) target_semaphore(%arg18 : memref<!tpu.dma_semaphore, #tpu.memory_space<semaphore_mem>>)
      %dma_start3A_183 = arith.constant 0 : i32
      %dma_start3A_184 = tpu.memref_slice %arg9[%add3A_178, %dma_start3A_183] : memref<158720x128xf32, #tpu.memory_space<hbm>> -> memref<80x128xf32, #tpu.memory_space<hbm>>
      %dma_start3A_185 = arith.constant 0 : i32
      %dma_start3A_186 = tpu.memref_slice %arg9[%add3A_178, %dma_start3A_185] : memref<158720x128xf32, #tpu.memory_space<hbm>> -> memref<80x128xf32, #tpu.memory_space<hbm>>
      tpu.enqueue_dma source(%arg14 : memref<80x128xf32, #tpu.memory_space<vmem>>) target(%dma_start3A_186 : memref<80x128xf32, #tpu.memory_space<hbm>>) target_semaphore(%arg18 : memref<!tpu.dma_semaphore, #tpu.memory_space<semaphore_mem>>)
      %add3A_187 = arith.constant 2 : i32
      %add3A_188 = arith.addi %mul3A_139, %add3A_187 : i32
      %mul3A_189 = arith.constant 80 : i32
      %mul3A_190 = arith.muli %add3A_188, %mul3A_189 : i32
      %add3A_191 = arith.addi %mul3A_2, %mul3A_190 : i32
      %dma_start3A_192 = tpu.memref_slice %arg5[%add3A_191] : memref<158720xi32, #tpu.memory_space<hbm>> -> memref<80xi32, #tpu.memory_space<hbm>>
      %dma_start3A_193 = tpu.memref_slice %arg5[%add3A_191] : memref<158720xi32, #tpu.memory_space<hbm>> -> memref<80xi32, #tpu.memory_space<hbm>>
      tpu.enqueue_dma source(%dma_start3A_193 : memref<80xi32, #tpu.memory_space<hbm>>) target(%arg10 : memref<80xi32, #tpu.memory_space<vmem>>) target_semaphore(%arg16 : memref<!tpu.dma_semaphore, #tpu.memory_space<semaphore_mem>>)
      %dma_start3A_194 = tpu.memref_slice %arg6[%add3A_191] : memref<158720xi32, #tpu.memory_space<hbm>> -> memref<80xi32, #tpu.memory_space<hbm>>
      %dma_start3A_195 = tpu.memref_slice %arg6[%add3A_191] : memref<158720xi32, #tpu.memory_space<hbm>> -> memref<80xi32, #tpu.memory_space<hbm>>
      tpu.enqueue_dma source(%dma_start3A_195 : memref<80xi32, #tpu.memory_space<hbm>>) target(%arg11 : memref<80xi32, #tpu.memory_space<vmem>>) target_semaphore(%arg16 : memref<!tpu.dma_semaphore, #tpu.memory_space<semaphore_mem>>)
      %add3A_196 = arith.constant 1 : i32
      %add3A_197 = arith.addi %mul3A_139, %add3A_196 : i32
      %dma_wait3A_198 = tpu.memref_slice %arg5[%mul3A_2] : memref<158720xi32, #tpu.memory_space<hbm>> -> memref<80xi32, #tpu.memory_space<hbm>>
      %dma_wait3A_199 = tpu.memref_slice %arg5[%mul3A_2] : memref<158720xi32, #tpu.memory_space<hbm>> -> memref<80xi32, #tpu.memory_space<hbm>>
      tpu.wait_dma2 semaphore(%arg16 : memref<!tpu.dma_semaphore, #tpu.memory_space<semaphore_mem>>) src(%dma_wait3A_199 : memref<80xi32, #tpu.memory_space<hbm>>) dst(%arg10 : memref<80xi32, #tpu.memory_space<vmem>>)
      %dma_wait3A_200 = tpu.memref_slice %arg6[%mul3A_2] : memref<158720xi32, #tpu.memory_space<hbm>> -> memref<80xi32, #tpu.memory_space<hbm>>
      %dma_wait3A_201 = tpu.memref_slice %arg6[%mul3A_2] : memref<158720xi32, #tpu.memory_space<hbm>> -> memref<80xi32, #tpu.memory_space<hbm>>
      tpu.wait_dma2 semaphore(%arg16 : memref<!tpu.dma_semaphore, #tpu.memory_space<semaphore_mem>>) src(%dma_wait3A_201 : memref<80xi32, #tpu.memory_space<hbm>>) dst(%arg11 : memref<80xi32, #tpu.memory_space<vmem>>)
      %dma_start3A_202 = arith.constant 0 : i32
      %dma_start3A_203 = arith.constant 0 : i32
      %dma_start3A_204 = tpu.memref_slice %arg2[%dma_start3A_202, %dma_start3A_203] : memref<10000x128xf32, #tpu.memory_space<hbm>> -> memref<10000x128xf32, #tpu.memory_space<hbm>>
      tpu.enqueue_indirect_dma source(%dma_start3A_204 : memref<10000x128xf32, #tpu.memory_space<hbm>>) target(%arg12 : memref<80x128xf32, #tpu.memory_space<vmem>>) offsets(%arg11 : memref<80xi32, #tpu.memory_space<vmem>>) semaphore(%arg17 : memref<!tpu.dma_semaphore, #tpu.memory_space<semaphore_mem>>)
      %dma_start3A_205 = arith.constant 0 : i32
      %dma_start3A_206 = arith.constant 0 : i32
      %dma_start3A_207 = tpu.memref_slice %arg2[%dma_start3A_205, %dma_start3A_206] : memref<10000x128xf32, #tpu.memory_space<hbm>> -> memref<10000x128xf32, #tpu.memory_space<hbm>>
      tpu.enqueue_indirect_dma source(%dma_start3A_207 : memref<10000x128xf32, #tpu.memory_space<hbm>>) target(%arg13 : memref<80x128xf32, #tpu.memory_space<vmem>>) offsets(%arg10 : memref<80xi32, #tpu.memory_space<vmem>>) semaphore(%arg17 : memref<!tpu.dma_semaphore, #tpu.memory_space<semaphore_mem>>)
      %dma_wait3A_208 = arith.constant 0 : i32
      %dma_wait3A_209 = tpu.memref_slice %arg8[%mul3A_2, %dma_wait3A_208] : memref<158720x128xf32, #tpu.memory_space<hbm>> -> memref<80x128xf32, #tpu.memory_space<hbm>>
      %dma_wait3A_210 = arith.constant 0 : i32
      %dma_wait3A_211 = tpu.memref_slice %arg8[%mul3A_2, %dma_wait3A_210] : memref<158720x128xf32, #tpu.memory_space<hbm>> -> memref<80x128xf32, #tpu.memory_space<hbm>>
      tpu.wait_dma2 semaphore(%arg18 : memref<!tpu.dma_semaphore, #tpu.memory_space<semaphore_mem>>) src(%arg15 : memref<80x128xf32, #tpu.memory_space<vmem>>) dst(%dma_wait3A_211 : memref<80x128xf32, #tpu.memory_space<hbm>>)
      %dma_wait3A_212 = arith.constant 0 : i32
      %dma_wait3A_213 = tpu.memref_slice %arg9[%mul3A_2, %dma_wait3A_212] : memref<158720x128xf32, #tpu.memory_space<hbm>> -> memref<80x128xf32, #tpu.memory_space<hbm>>
      %dma_wait3A_214 = arith.constant 0 : i32
      %dma_wait3A_215 = tpu.memref_slice %arg9[%mul3A_2, %dma_wait3A_214] : memref<158720x128xf32, #tpu.memory_space<hbm>> -> memref<80x128xf32, #tpu.memory_space<hbm>>
      tpu.wait_dma2 semaphore(%arg18 : memref<!tpu.dma_semaphore, #tpu.memory_space<semaphore_mem>>) src(%arg14 : memref<80x128xf32, #tpu.memory_space<vmem>>) dst(%dma_wait3A_215 : memref<80x128xf32, #tpu.memory_space<hbm>>)
      %dma_start3A_216 = arith.constant 0 : i32
      %dma_start3A_217 = arith.constant 0 : i32
      %dma_start3A_218 = tpu.memref_slice %arg3[%dma_start3A_216, %dma_start3A_217] : memref<10000x128xf32, #tpu.memory_space<hbm>> -> memref<10000x128xf32, #tpu.memory_space<hbm>>
      tpu.enqueue_indirect_dma source(%dma_start3A_218 : memref<10000x128xf32, #tpu.memory_space<hbm>>) target(%arg14 : memref<80x128xf32, #tpu.memory_space<vmem>>) offsets(%arg10 : memref<80xi32, #tpu.memory_space<vmem>>) semaphore(%arg17 : memref<!tpu.dma_semaphore, #tpu.memory_space<semaphore_mem>>)
      %dma_wait3A_219 = arith.constant 0 : i32
      %dma_wait3A_220 = arith.constant 0 : i32
      %dma_wait3A_221 = tpu.memref_slice %arg2[%dma_wait3A_219, %dma_wait3A_220] : memref<10000x128xf32, #tpu.memory_space<hbm>> -> memref<10000x128xf32, #tpu.memory_space<hbm>>
      tpu.wait_indirect_dma semaphore(%arg26 : memref<!tpu.dma_semaphore, #tpu.memory_space<semaphore_mem>>) src(%dma_wait3A_221 : memref<10000x128xf32, #tpu.memory_space<hbm>>) dst(%arg21 : memref<80x128xf32, #tpu.memory_space<vmem>>)
      %dma_wait3A_222 = arith.constant 0 : i32
      %dma_wait3A_223 = arith.constant 0 : i32
      %dma_wait3A_224 = tpu.memref_slice %arg2[%dma_wait3A_222, %dma_wait3A_223] : memref<10000x128xf32, #tpu.memory_space<hbm>> -> memref<10000x128xf32, #tpu.memory_space<hbm>>
      tpu.wait_indirect_dma semaphore(%arg26 : memref<!tpu.dma_semaphore, #tpu.memory_space<semaphore_mem>>) src(%dma_wait3A_224 : memref<10000x128xf32, #tpu.memory_space<hbm>>) dst(%arg22 : memref<80x128xf32, #tpu.memory_space<vmem>>)
      %dma_wait3A_225 = arith.constant 0 : i32
      %dma_wait3A_226 = arith.constant 0 : i32
      %dma_wait3A_227 = tpu.memref_slice %arg3[%dma_wait3A_225, %dma_wait3A_226] : memref<10000x128xf32, #tpu.memory_space<hbm>> -> memref<10000x128xf32, #tpu.memory_space<hbm>>
      tpu.wait_indirect_dma semaphore(%arg26 : memref<!tpu.dma_semaphore, #tpu.memory_space<semaphore_mem>>) src(%dma_wait3A_227 : memref<10000x128xf32, #tpu.memory_space<hbm>>) dst(%arg23 : memref<80x128xf32, #tpu.memory_space<vmem>>)
      %scan3A_228 = arith.constant 0 : i32
      %scan3A_229 = arith.constant 0 : i32
      %scan3A_230 = arith.constant 5 : i32
      %scan3A_231 = arith.addi %scan3A_229, %scan3A_230 : i32
      %scan3A_232 = arith.constant 1 : i32
      scf.for %scan3A_257 = %scan3A_229 to %scan3A_231 step %scan3A_232  : i32 {
        %mul3A_258 = arith.constant 16 : i32
        %mul3A_259 = arith.muli %scan3A_257, %mul3A_258 : i32
        %get3A = arith.index_cast %mul3A_259 : i32 to index
        %get3A_260 = tpu.vector_load %arg20[%get3A] {strides = array<i32>} : memref<80xi32, #tpu.memory_space<vmem>>, vector<16xi32>,
        %mul3A_261 = arith.constant 4 : i32
        %mul3A_262 = vector.broadcast %mul3A_261 : i32 to vector<16xi32>
        %mul3A_263 = arith.muli %get3A_260, %mul3A_262 : vector<16xi32>
        %mul3A_264 = arith.constant 16 : i32
        %mul3A_265 = arith.muli %scan3A_257, %mul3A_264 : i32
        %get3A_266 = arith.index_cast %mul3A_265 : i32 to index
        %get3A_267 = tpu.vector_load %arg19[%get3A_266] {strides = array<i32>} : memref<80xi32, #tpu.memory_space<vmem>>, vector<16xi32>,
        %mul3A_268 = arith.constant 4 : i32
        %mul3A_269 = vector.broadcast %mul3A_268 : i32 to vector<16xi32>
        %mul3A_270 = arith.muli %get3A_267, %mul3A_269 : vector<16xi32>
        %mul3A_271 = arith.constant 16 : i32
        %mul3A_272 = arith.muli %scan3A_257, %mul3A_271 : i32
        %add3A_273 = vector.broadcast %mul3A_272 : i32 to vector<16xi32>
        %add3A_274 = arith.addi %iota3A, %add3A_273 : vector<16xi32>
        %add3A_275 = arith.constant 0 : i32
        %add3A_276 = vector.broadcast %add3A_275 : i32 to vector<16xi32>
        %add3A_277 = arith.addi %mul3A_263, %add3A_276 : vector<16xi32>
        %gather3A = tpu.vector_load_idx %arg28[%add3A_277] : memref<40000xf32, #tpu.memory_space<vmem>>[vector<16xi32>], vector<16xf32>,
        %add3A_278 = arith.constant 0 : i32
        %add3A_279 = vector.broadcast %add3A_278 : i32 to vector<16xi32>
        %add3A_280 = arith.addi %mul3A_270, %add3A_279 : vector<16xi32>
        %gather3A_281 = tpu.vector_load_idx %arg28[%add3A_280] : memref<40000xf32, #tpu.memory_space<vmem>>[vector<16xi32>], vector<16xf32>,
        %broadcast_in_dim3A_282 = arith.constant 64 : i32
        %broadcast_in_dim3A_283 = vector.broadcast %broadcast_in_dim3A_282 : i32 to vector<16xi32>
        %sub3A = arith.subf %gather3A, %gather3A_281 : vector<16xf32>
        tpu.vector_store_idx %arg24[%add3A_274, %broadcast_in_dim3A_283], %sub3A : memref<80x128xf32, #tpu.memory_space<vmem>>[vector<16xi32>, vector<16xi32>], vector<16xf32>,
        %add3A_284 = arith.constant 1 : i32
        %add3A_285 = vector.broadcast %add3A_284 : i32 to vector<16xi32>
        %add3A_286 = arith.addi %mul3A_263, %add3A_285 : vector<16xi32>
        %gather3A_287 = tpu.vector_load_idx %arg28[%add3A_286] : memref<40000xf32, #tpu.memory_space<vmem>>[vector<16xi32>], vector<16xf32>,
        %add3A_288 = arith.constant 1 : i32
        %add3A_289 = vector.broadcast %add3A_288 : i32 to vector<16xi32>
        %add3A_290 = arith.addi %mul3A_270, %add3A_289 : vector<16xi32>
        %gather3A_291 = tpu.vector_load_idx %arg28[%add3A_290] : memref<40000xf32, #tpu.memory_space<vmem>>[vector<16xi32>], vector<16xf32>,
        %broadcast_in_dim3A_292 = arith.constant 65 : i32
        %broadcast_in_dim3A_293 = vector.broadcast %broadcast_in_dim3A_292 : i32 to vector<16xi32>
        %sub3A_294 = arith.subf %gather3A_287, %gather3A_291 : vector<16xf32>
        tpu.vector_store_idx %arg24[%add3A_274, %broadcast_in_dim3A_293], %sub3A_294 : memref<80x128xf32, #tpu.memory_space<vmem>>[vector<16xi32>, vector<16xi32>], vector<16xf32>,
        %add3A_295 = arith.constant 2 : i32
        %add3A_296 = vector.broadcast %add3A_295 : i32 to vector<16xi32>
        %add3A_297 = arith.addi %mul3A_263, %add3A_296 : vector<16xi32>
        %gather3A_298 = tpu.vector_load_idx %arg28[%add3A_297] : memref<40000xf32, #tpu.memory_space<vmem>>[vector<16xi32>], vector<16xf32>,
        %add3A_299 = arith.constant 2 : i32
        %add3A_300 = vector.broadcast %add3A_299 : i32 to vector<16xi32>
        %add3A_301 = arith.addi %mul3A_270, %add3A_300 : vector<16xi32>
        %gather3A_302 = tpu.vector_load_idx %arg28[%add3A_301] : memref<40000xf32, #tpu.memory_space<vmem>>[vector<16xi32>], vector<16xf32>,
        %broadcast_in_dim3A_303 = arith.constant 66 : i32
        %broadcast_in_dim3A_304 = vector.broadcast %broadcast_in_dim3A_303 : i32 to vector<16xi32>
        %sub3A_305 = arith.subf %gather3A_298, %gather3A_302 : vector<16xf32>
        tpu.vector_store_idx %arg24[%add3A_274, %broadcast_in_dim3A_304], %sub3A_305 : memref<80x128xf32, #tpu.memory_space<vmem>>[vector<16xi32>, vector<16xi32>], vector<16xf32>,
      }
      %scan3A_233 = arith.constant 5 : i32
      %scan3A_234 = arith.constant 0 : i32
      %scan3A_235 = arith.constant 0 : i32
      %scan3A_236 = arith.constant 80 : i32
      %scan3A_237 = arith.addi %scan3A_235, %scan3A_236 : i32
      %scan3A_238 = arith.constant 1 : i32
      scf.for %scan3A_257 = %scan3A_235 to %scan3A_237 step %scan3A_238  : i32 {
        %get3A = arith.index_cast %scan3A_257 : i32 to index
        %get3A_258 = arith.constant 0 : index
        %get3A_259 = tpu.vector_load %arg21[%get3A, %get3A_258] {strides = array<i32>} : memref<80x128xf32, #tpu.memory_space<vmem>>, vector<16xf32>,
        %get3A_260 = arith.index_cast %scan3A_257 : i32 to index
        %get3A_261 = arith.constant 64 : index
        %get3A_262 = tpu.vector_load %arg22[%get3A_260, %get3A_261] {strides = array<i32>} : memref<80x128xf32, #tpu.memory_space<vmem>>, vector<16xf32>,
        %sub3A = arith.subf %get3A_259, %get3A_262 : vector<16xf32>
        %swap3A = arith.index_cast %scan3A_257 : i32 to index
        %swap3A_263 = arith.constant 0 : index
        %swap3A_264 = tpu.vector_load %arg24[%swap3A, %swap3A_263] {strides = array<i32>} : memref<80x128xf32, #tpu.memory_space<vmem>>, vector<16xf32>,
        tpu.vector_store %arg24[%swap3A, %swap3A_263], %sub3A {strides = array<i32>} : memref<80x128xf32, #tpu.memory_space<vmem>>, vector<16xf32>,
        %get3A_265 = arith.index_cast %scan3A_257 : i32 to index
        %get3A_266 = arith.constant 16 : index
        %get3A_267 = tpu.vector_load %arg21[%get3A_265, %get3A_266] {strides = array<i32>} : memref<80x128xf32, #tpu.memory_space<vmem>>, vector<16xf32>,
        %get3A_268 = arith.index_cast %scan3A_257 : i32 to index
        %get3A_269 = arith.constant 80 : index
        %get3A_270 = tpu.vector_load %arg22[%get3A_268, %get3A_269] {strides = array<i32>} : memref<80x128xf32, #tpu.memory_space<vmem>>, vector<16xf32>,
        %sub3A_271 = arith.subf %get3A_267, %get3A_270 : vector<16xf32>
        %swap3A_272 = arith.index_cast %scan3A_257 : i32 to index
        %swap3A_273 = arith.constant 16 : index
        %swap3A_274 = tpu.vector_load %arg24[%swap3A_272, %swap3A_273] {strides = array<i32>} : memref<80x128xf32, #tpu.memory_space<vmem>>, vector<16xf32>,
        tpu.vector_store %arg24[%swap3A_272, %swap3A_273], %sub3A_271 {strides = array<i32>} : memref<80x128xf32, #tpu.memory_space<vmem>>, vector<16xf32>,
        %get3A_275 = arith.index_cast %scan3A_257 : i32 to index
        %get3A_276 = arith.constant 32 : index
        %get3A_277 = tpu.vector_load %arg21[%get3A_275, %get3A_276] {strides = array<i32>} : memref<80x128xf32, #tpu.memory_space<vmem>>, vector<16xf32>,
        %get3A_278 = arith.index_cast %scan3A_257 : i32 to index
        %get3A_279 = arith.constant 96 : index
        %get3A_280 = tpu.vector_load %arg22[%get3A_278, %get3A_279] {strides = array<i32>} : memref<80x128xf32, #tpu.memory_space<vmem>>, vector<16xf32>,
        %sub3A_281 = arith.subf %get3A_277, %get3A_280 : vector<16xf32>
        %swap3A_282 = arith.index_cast %scan3A_257 : i32 to index
        %swap3A_283 = arith.constant 32 : index
        %swap3A_284 = tpu.vector_load %arg24[%swap3A_282, %swap3A_283] {strides = array<i32>} : memref<80x128xf32, #tpu.memory_space<vmem>>, vector<16xf32>,
        tpu.vector_store %arg24[%swap3A_282, %swap3A_283], %sub3A_281 {strides = array<i32>} : memref<80x128xf32, #tpu.memory_space<vmem>>, vector<16xf32>,
        %get3A_285 = arith.index_cast %scan3A_257 : i32 to index
        %get3A_286 = arith.constant 48 : index
        %get3A_287 = tpu.vector_load %arg21[%get3A_285, %get3A_286] {strides = array<i32>} : memref<80x128xf32, #tpu.memory_space<vmem>>, vector<16xf32>,
        %get3A_288 = arith.index_cast %scan3A_257 : i32 to index
        %get3A_289 = arith.constant 112 : index
        %get3A_290 = tpu.vector_load %arg22[%get3A_288, %get3A_289] {strides = array<i32>} : memref<80x128xf32, #tpu.memory_space<vmem>>, vector<16xf32>,
        %sub3A_291 = arith.subf %get3A_287, %get3A_290 : vector<16xf32>
        %swap3A_292 = arith.index_cast %scan3A_257 : i32 to index
        %swap3A_293 = arith.constant 48 : index
        %swap3A_294 = tpu.vector_load %arg24[%swap3A_292, %swap3A_293] {strides = array<i32>} : memref<80x128xf32, #tpu.memory_space<vmem>>, vector<16xf32>,
        tpu.vector_store %arg24[%swap3A_292, %swap3A_293], %sub3A_291 {strides = array<i32>} : memref<80x128xf32, #tpu.memory_space<vmem>>, vector<16xf32>,
      }
      %scan3A_239 = arith.constant 80 : i32
      %mul3A_240 = arith.constant 80 : i32
      %mul3A_241 = arith.muli %add3A_197, %mul3A_240 : i32
      %add3A_242 = arith.addi %mul3A_2, %mul3A_241 : i32
      %dma_start3A_243 = arith.constant 0 : i32
      %dma_start3A_244 = tpu.memref_slice %arg8[%add3A_242, %dma_start3A_243] : memref<158720x128xf32, #tpu.memory_space<hbm>> -> memref<80x128xf32, #tpu.memory_space<hbm>>
      %dma_start3A_245 = arith.constant 0 : i32
      %dma_start3A_246 = tpu.memref_slice %arg8[%add3A_242, %dma_start3A_245] : memref<158720x128xf32, #tpu.memory_space<hbm>> -> memref<80x128xf32, #tpu.memory_space<hbm>>
      tpu.enqueue_dma source(%arg24 : memref<80x128xf32, #tpu.memory_space<vmem>>) target(%dma_start3A_246 : memref<80x128xf32, #tpu.memory_space<hbm>>) target_semaphore(%arg27 : memref<!tpu.dma_semaphore, #tpu.memory_space<semaphore_mem>>)
      %dma_start3A_247 = arith.constant 0 : i32
      %dma_start3A_248 = tpu.memref_slice %arg9[%add3A_242, %dma_start3A_247] : memref<158720x128xf32, #tpu.memory_space<hbm>> -> memref<80x128xf32, #tpu.memory_space<hbm>>
      %dma_start3A_249 = arith.constant 0 : i32
      %dma_start3A_250 = tpu.memref_slice %arg9[%add3A_242, %dma_start3A_249] : memref<158720x128xf32, #tpu.memory_space<hbm>> -> memref<80x128xf32, #tpu.memory_space<hbm>>
      tpu.enqueue_dma source(%arg23 : memref<80x128xf32, #tpu.memory_space<vmem>>) target(%dma_start3A_250 : memref<80x128xf32, #tpu.memory_space<hbm>>) target_semaphore(%arg27 : memref<!tpu.dma_semaphore, #tpu.memory_space<semaphore_mem>>)
      %add3A_251 = arith.constant 2 : i32
      %add3A_252 = arith.addi %add3A_197, %add3A_251 : i32
      %lt3A = arith.constant 62 : i32
      %lt3A_253 = arith.cmpi slt, %add3A_252, %lt3A : i32
      %convert_element_type3A_254 = arith.extui %lt3A_253 : i1 to i32
      %cond3A_255 = arith.constant 0 : i32
      %cond3A_256 = arith.cmpi ne, %convert_element_type3A_254, %cond3A_255 : i32
      scf.if %cond3A_256 {
        %add3A_257 = arith.constant 2 : i32
        %add3A_258 = arith.addi %add3A_197, %add3A_257 : i32
        %mul3A_259 = arith.constant 80 : i32
        %mul3A_260 = arith.muli %add3A_258, %mul3A_259 : i32
        %add3A_261 = arith.addi %mul3A_2, %mul3A_260 : i32
        %dma_start3A_262 = tpu.memref_slice %arg5[%add3A_261] : memref<158720xi32, #tpu.memory_space<hbm>> -> memref<80xi32, #tpu.memory_space<hbm>>
        %dma_start3A_263 = tpu.memref_slice %arg5[%add3A_261] : memref<158720xi32, #tpu.memory_space<hbm>> -> memref<80xi32, #tpu.memory_space<hbm>>
        tpu.enqueue_dma source(%dma_start3A_263 : memref<80xi32, #tpu.memory_space<hbm>>) target(%arg19 : memref<80xi32, #tpu.memory_space<vmem>>) target_semaphore(%arg25 : memref<!tpu.dma_semaphore, #tpu.memory_space<semaphore_mem>>)
        %dma_start3A_264 = tpu.memref_slice %arg6[%add3A_261] : memref<158720xi32, #tpu.memory_space<hbm>> -> memref<80xi32, #tpu.memory_space<hbm>>
        %dma_start3A_265 = tpu.memref_slice %arg6[%add3A_261] : memref<158720xi32, #tpu.memory_space<hbm>> -> memref<80xi32, #tpu.memory_space<hbm>>
        tpu.enqueue_dma source(%dma_start3A_265 : memref<80xi32, #tpu.memory_space<hbm>>) target(%arg20 : memref<80xi32, #tpu.memory_space<vmem>>) target_semaphore(%arg25 : memref<!tpu.dma_semaphore, #tpu.memory_space<semaphore_mem>>)
      } else {
      }
    }
    %scan3A_37 = arith.constant 30 : i32
    %dma_wait3A_38 = tpu.memref_slice %arg5[%mul3A_2] : memref<158720xi32, #tpu.memory_space<hbm>> -> memref<80xi32, #tpu.memory_space<hbm>>
    %dma_wait3A_39 = tpu.memref_slice %arg5[%mul3A_2] : memref<158720xi32, #tpu.memory_space<hbm>> -> memref<80xi32, #tpu.memory_space<hbm>>
    tpu.wait_dma2 semaphore(%arg25 : memref<!tpu.dma_semaphore, #tpu.memory_space<semaphore_mem>>) src(%dma_wait3A_39 : memref<80xi32, #tpu.memory_space<hbm>>) dst(%arg19 : memref<80xi32, #tpu.memory_space<vmem>>)
    %dma_wait3A_40 = tpu.memref_slice %arg6[%mul3A_2] : memref<158720xi32, #tpu.memory_space<hbm>> -> memref<80xi32, #tpu.memory_space<hbm>>
    %dma_wait3A_41 = tpu.memref_slice %arg6[%mul3A_2] : memref<158720xi32, #tpu.memory_space<hbm>> -> memref<80xi32, #tpu.memory_space<hbm>>
    tpu.wait_dma2 semaphore(%arg25 : memref<!tpu.dma_semaphore, #tpu.memory_space<semaphore_mem>>) src(%dma_wait3A_41 : memref<80xi32, #tpu.memory_space<hbm>>) dst(%arg20 : memref<80xi32, #tpu.memory_space<vmem>>)
    %dma_start3A_42 = arith.constant 0 : i32
    %dma_start3A_43 = arith.constant 0 : i32
    %dma_start3A_44 = tpu.memref_slice %arg2[%dma_start3A_42, %dma_start3A_43] : memref<10000x128xf32, #tpu.memory_space<hbm>> -> memref<10000x128xf32, #tpu.memory_space<hbm>>
    tpu.enqueue_indirect_dma source(%dma_start3A_44 : memref<10000x128xf32, #tpu.memory_space<hbm>>) target(%arg21 : memref<80x128xf32, #tpu.memory_space<vmem>>) offsets(%arg20 : memref<80xi32, #tpu.memory_space<vmem>>) semaphore(%arg26 : memref<!tpu.dma_semaphore, #tpu.memory_space<semaphore_mem>>)
    %dma_start3A_45 = arith.constant 0 : i32
    %dma_start3A_46 = arith.constant 0 : i32
    %dma_start3A_47 = tpu.memref_slice %arg2[%dma_start3A_45, %dma_start3A_46] : memref<10000x128xf32, #tpu.memory_space<hbm>> -> memref<10000x128xf32, #tpu.memory_space<hbm>>
    tpu.enqueue_indirect_dma source(%dma_start3A_47 : memref<10000x128xf32, #tpu.memory_space<hbm>>) target(%arg22 : memref<80x128xf32, #tpu.memory_space<vmem>>) offsets(%arg19 : memref<80xi32, #tpu.memory_space<vmem>>) semaphore(%arg26 : memref<!tpu.dma_semaphore, #tpu.memory_space<semaphore_mem>>)
    %dma_wait3A_48 = arith.constant 0 : i32
    %dma_wait3A_49 = tpu.memref_slice %arg8[%mul3A_2, %dma_wait3A_48] : memref<158720x128xf32, #tpu.memory_space<hbm>> -> memref<80x128xf32, #tpu.memory_space<hbm>>
    %dma_wait3A_50 = arith.constant 0 : i32
    %dma_wait3A_51 = tpu.memref_slice %arg8[%mul3A_2, %dma_wait3A_50] : memref<158720x128xf32, #tpu.memory_space<hbm>> -> memref<80x128xf32, #tpu.memory_space<hbm>>
    tpu.wait_dma2 semaphore(%arg27 : memref<!tpu.dma_semaphore, #tpu.memory_space<semaphore_mem>>) src(%arg24 : memref<80x128xf32, #tpu.memory_space<vmem>>) dst(%dma_wait3A_51 : memref<80x128xf32, #tpu.memory_space<hbm>>)
    %dma_wait3A_52 = arith.constant 0 : i32
    %dma_wait3A_53 = tpu.memref_slice %arg9[%mul3A_2, %dma_wait3A_52] : memref<158720x128xf32, #tpu.memory_space<hbm>> -> memref<80x128xf32, #tpu.memory_space<hbm>>
    %dma_wait3A_54 = arith.constant 0 : i32
    %dma_wait3A_55 = tpu.memref_slice %arg9[%mul3A_2, %dma_wait3A_54] : memref<158720x128xf32, #tpu.memory_space<hbm>> -> memref<80x128xf32, #tpu.memory_space<hbm>>
    tpu.wait_dma2 semaphore(%arg27 : memref<!tpu.dma_semaphore, #tpu.memory_space<semaphore_mem>>) src(%arg23 : memref<80x128xf32, #tpu.memory_space<vmem>>) dst(%dma_wait3A_55 : memref<80x128xf32, #tpu.memory_space<hbm>>)
    %dma_start3A_56 = arith.constant 0 : i32
    %dma_start3A_57 = arith.constant 0 : i32
    %dma_start3A_58 = tpu.memref_slice %arg3[%dma_start3A_56, %dma_start3A_57] : memref<10000x128xf32, #tpu.memory_space<hbm>> -> memref<10000x128xf32, #tpu.memory_space<hbm>>
    tpu.enqueue_indirect_dma source(%dma_start3A_58 : memref<10000x128xf32, #tpu.memory_space<hbm>>) target(%arg23 : memref<80x128xf32, #tpu.memory_space<vmem>>) offsets(%arg19 : memref<80xi32, #tpu.memory_space<vmem>>) semaphore(%arg26 : memref<!tpu.dma_semaphore, #tpu.memory_space<semaphore_mem>>)
    %dma_wait3A_59 = arith.constant 0 : i32
    %dma_wait3A_60 = arith.constant 0 : i32
    %dma_wait3A_61 = tpu.memref_slice %arg2[%dma_wait3A_59, %dma_wait3A_60] : memref<10000x128xf32, #tpu.memory_space<hbm>> -> memref<10000x128xf32, #tpu.memory_space<hbm>>
    tpu.wait_indirect_dma semaphore(%arg17 : memref<!tpu.dma_semaphore, #tpu.memory_space<semaphore_mem>>) src(%dma_wait3A_61 : memref<10000x128xf32, #tpu.memory_space<hbm>>) dst(%arg12 : memref<80x128xf32, #tpu.memory_space<vmem>>)
    %dma_wait3A_62 = arith.constant 0 : i32
    %dma_wait3A_63 = arith.constant 0 : i32
    %dma_wait3A_64 = tpu.memref_slice %arg2[%dma_wait3A_62, %dma_wait3A_63] : memref<10000x128xf32, #tpu.memory_space<hbm>> -> memref<10000x128xf32, #tpu.memory_space<hbm>>
    tpu.wait_indirect_dma semaphore(%arg17 : memref<!tpu.dma_semaphore, #tpu.memory_space<semaphore_mem>>) src(%dma_wait3A_64 : memref<10000x128xf32, #tpu.memory_space<hbm>>) dst(%arg13 : memref<80x128xf32, #tpu.memory_space<vmem>>)
    %dma_wait3A_65 = arith.constant 0 : i32
    %dma_wait3A_66 = arith.constant 0 : i32
    %dma_wait3A_67 = tpu.memref_slice %arg3[%dma_wait3A_65, %dma_wait3A_66] : memref<10000x128xf32, #tpu.memory_space<hbm>> -> memref<10000x128xf32, #tpu.memory_space<hbm>>
    tpu.wait_indirect_dma semaphore(%arg17 : memref<!tpu.dma_semaphore, #tpu.memory_space<semaphore_mem>>) src(%dma_wait3A_67 : memref<10000x128xf32, #tpu.memory_space<hbm>>) dst(%arg14 : memref<80x128xf32, #tpu.memory_space<vmem>>)
    %scan3A_68 = arith.constant 0 : i32
    %scan3A_69 = arith.constant 0 : i32
    %scan3A_70 = arith.constant 5 : i32
    %scan3A_71 = arith.addi %scan3A_69, %scan3A_70 : i32
    %scan3A_72 = arith.constant 1 : i32
    scf.for %scan3A_137 = %scan3A_69 to %scan3A_71 step %scan3A_72  : i32 {
      %mul3A_138 = arith.constant 16 : i32
      %mul3A_139 = arith.muli %scan3A_137, %mul3A_138 : i32
      %get3A = arith.index_cast %mul3A_139 : i32 to index
      %get3A_140 = tpu.vector_load %arg11[%get3A] {strides = array<i32>} : memref<80xi32, #tpu.memory_space<vmem>>, vector<16xi32>,
      %mul3A_141 = arith.constant 4 : i32
      %mul3A_142 = vector.broadcast %mul3A_141 : i32 to vector<16xi32>
      %mul3A_143 = arith.muli %get3A_140, %mul3A_142 : vector<16xi32>
      %mul3A_144 = arith.constant 16 : i32
      %mul3A_145 = arith.muli %scan3A_137, %mul3A_144 : i32
      %get3A_146 = arith.index_cast %mul3A_145 : i32 to index
      %get3A_147 = tpu.vector_load %arg10[%get3A_146] {strides = array<i32>} : memref<80xi32, #tpu.memory_space<vmem>>, vector<16xi32>,
      %mul3A_148 = arith.constant 4 : i32
      %mul3A_149 = vector.broadcast %mul3A_148 : i32 to vector<16xi32>
      %mul3A_150 = arith.muli %get3A_147, %mul3A_149 : vector<16xi32>
      %mul3A_151 = arith.constant 16 : i32
      %mul3A_152 = arith.muli %scan3A_137, %mul3A_151 : i32
      %add3A_153 = vector.broadcast %mul3A_152 : i32 to vector<16xi32>
      %add3A_154 = arith.addi %iota3A, %add3A_153 : vector<16xi32>
      %add3A_155 = arith.constant 0 : i32
      %add3A_156 = vector.broadcast %add3A_155 : i32 to vector<16xi32>
      %add3A_157 = arith.addi %mul3A_143, %add3A_156 : vector<16xi32>
      %gather3A = tpu.vector_load_idx %arg28[%add3A_157] : memref<40000xf32, #tpu.memory_space<vmem>>[vector<16xi32>], vector<16xf32>,
      %add3A_158 = arith.constant 0 : i32
      %add3A_159 = vector.broadcast %add3A_158 : i32 to vector<16xi32>
      %add3A_160 = arith.addi %mul3A_150, %add3A_159 : vector<16xi32>
      %gather3A_161 = tpu.vector_load_idx %arg28[%add3A_160] : memref<40000xf32, #tpu.memory_space<vmem>>[vector<16xi32>], vector<16xf32>,
      %broadcast_in_dim3A_162 = arith.constant 64 : i32
      %broadcast_in_dim3A_163 = vector.broadcast %broadcast_in_dim3A_162 : i32 to vector<16xi32>
      %sub3A = arith.subf %gather3A, %gather3A_161 : vector<16xf32>
      tpu.vector_store_idx %arg15[%add3A_154, %broadcast_in_dim3A_163], %sub3A : memref<80x128xf32, #tpu.memory_space<vmem>>[vector<16xi32>, vector<16xi32>], vector<16xf32>,
      %add3A_164 = arith.constant 1 : i32
      %add3A_165 = vector.broadcast %add3A_164 : i32 to vector<16xi32>
      %add3A_166 = arith.addi %mul3A_143, %add3A_165 : vector<16xi32>
      %gather3A_167 = tpu.vector_load_idx %arg28[%add3A_166] : memref<40000xf32, #tpu.memory_space<vmem>>[vector<16xi32>], vector<16xf32>,
      %add3A_168 = arith.constant 1 : i32
      %add3A_169 = vector.broadcast %add3A_168 : i32 to vector<16xi32>
      %add3A_170 = arith.addi %mul3A_150, %add3A_169 : vector<16xi32>
      %gather3A_171 = tpu.vector_load_idx %arg28[%add3A_170] : memref<40000xf32, #tpu.memory_space<vmem>>[vector<16xi32>], vector<16xf32>,
      %broadcast_in_dim3A_172 = arith.constant 65 : i32
      %broadcast_in_dim3A_173 = vector.broadcast %broadcast_in_dim3A_172 : i32 to vector<16xi32>
      %sub3A_174 = arith.subf %gather3A_167, %gather3A_171 : vector<16xf32>
      tpu.vector_store_idx %arg15[%add3A_154, %broadcast_in_dim3A_173], %sub3A_174 : memref<80x128xf32, #tpu.memory_space<vmem>>[vector<16xi32>, vector<16xi32>], vector<16xf32>,
      %add3A_175 = arith.constant 2 : i32
      %add3A_176 = vector.broadcast %add3A_175 : i32 to vector<16xi32>
      %add3A_177 = arith.addi %mul3A_143, %add3A_176 : vector<16xi32>
      %gather3A_178 = tpu.vector_load_idx %arg28[%add3A_177] : memref<40000xf32, #tpu.memory_space<vmem>>[vector<16xi32>], vector<16xf32>,
      %add3A_179 = arith.constant 2 : i32
      %add3A_180 = vector.broadcast %add3A_179 : i32 to vector<16xi32>
      %add3A_181 = arith.addi %mul3A_150, %add3A_180 : vector<16xi32>
      %gather3A_182 = tpu.vector_load_idx %arg28[%add3A_181] : memref<40000xf32, #tpu.memory_space<vmem>>[vector<16xi32>], vector<16xf32>,
      %broadcast_in_dim3A_183 = arith.constant 66 : i32
      %broadcast_in_dim3A_184 = vector.broadcast %broadcast_in_dim3A_183 : i32 to vector<16xi32>
      %sub3A_185 = arith.subf %gather3A_178, %gather3A_182 : vector<16xf32>
      tpu.vector_store_idx %arg15[%add3A_154, %broadcast_in_dim3A_184], %sub3A_185 : memref<80x128xf32, #tpu.memory_space<vmem>>[vector<16xi32>, vector<16xi32>], vector<16xf32>,
    }
    %scan3A_73 = arith.constant 5 : i32
    %scan3A_74 = arith.constant 0 : i32
    %scan3A_75 = arith.constant 0 : i32
    %scan3A_76 = arith.constant 80 : i32
    %scan3A_77 = arith.addi %scan3A_75, %scan3A_76 : i32
    %scan3A_78 = arith.constant 1 : i32
    scf.for %scan3A_137 = %scan3A_75 to %scan3A_77 step %scan3A_78  : i32 {
      %get3A = arith.index_cast %scan3A_137 : i32 to index
      %get3A_138 = arith.constant 0 : index
      %get3A_139 = tpu.vector_load %arg12[%get3A, %get3A_138] {strides = array<i32>} : memref<80x128xf32, #tpu.memory_space<vmem>>, vector<16xf32>,
      %get3A_140 = arith.index_cast %scan3A_137 : i32 to index
      %get3A_141 = arith.constant 64 : index
      %get3A_142 = tpu.vector_load %arg13[%get3A_140, %get3A_141] {strides = array<i32>} : memref<80x128xf32, #tpu.memory_space<vmem>>, vector<16xf32>,
      %sub3A = arith.subf %get3A_139, %get3A_142 : vector<16xf32>
      %swap3A = arith.index_cast %scan3A_137 : i32 to index
      %swap3A_143 = arith.constant 0 : index
      %swap3A_144 = tpu.vector_load %arg15[%swap3A, %swap3A_143] {strides = array<i32>} : memref<80x128xf32, #tpu.memory_space<vmem>>, vector<16xf32>,
      tpu.vector_store %arg15[%swap3A, %swap3A_143], %sub3A {strides = array<i32>} : memref<80x128xf32, #tpu.memory_space<vmem>>, vector<16xf32>,
      %get3A_145 = arith.index_cast %scan3A_137 : i32 to index
      %get3A_146 = arith.constant 16 : index
      %get3A_147 = tpu.vector_load %arg12[%get3A_145, %get3A_146] {strides = array<i32>} : memref<80x128xf32, #tpu.memory_space<vmem>>, vector<16xf32>,
      %get3A_148 = arith.index_cast %scan3A_137 : i32 to index
      %get3A_149 = arith.constant 80 : index
      %get3A_150 = tpu.vector_load %arg13[%get3A_148, %get3A_149] {strides = array<i32>} : memref<80x128xf32, #tpu.memory_space<vmem>>, vector<16xf32>,
      %sub3A_151 = arith.subf %get3A_147, %get3A_150 : vector<16xf32>
      %swap3A_152 = arith.index_cast %scan3A_137 : i32 to index
      %swap3A_153 = arith.constant 16 : index
      %swap3A_154 = tpu.vector_load %arg15[%swap3A_152, %swap3A_153] {strides = array<i32>} : memref<80x128xf32, #tpu.memory_space<vmem>>, vector<16xf32>,
      tpu.vector_store %arg15[%swap3A_152, %swap3A_153], %sub3A_151 {strides = array<i32>} : memref<80x128xf32, #tpu.memory_space<vmem>>, vector<16xf32>,
      %get3A_155 = arith.index_cast %scan3A_137 : i32 to index
      %get3A_156 = arith.constant 32 : index
      %get3A_157 = tpu.vector_load %arg12[%get3A_155, %get3A_156] {strides = array<i32>} : memref<80x128xf32, #tpu.memory_space<vmem>>, vector<16xf32>,
      %get3A_158 = arith.index_cast %scan3A_137 : i32 to index
      %get3A_159 = arith.constant 96 : index
      %get3A_160 = tpu.vector_load %arg13[%get3A_158, %get3A_159] {strides = array<i32>} : memref<80x128xf32, #tpu.memory_space<vmem>>, vector<16xf32>,
      %sub3A_161 = arith.subf %get3A_157, %get3A_160 : vector<16xf32>
      %swap3A_162 = arith.index_cast %scan3A_137 : i32 to index
      %swap3A_163 = arith.constant 32 : index
      %swap3A_164 = tpu.vector_load %arg15[%swap3A_162, %swap3A_163] {strides = array<i32>} : memref<80x128xf32, #tpu.memory_space<vmem>>, vector<16xf32>,
      tpu.vector_store %arg15[%swap3A_162, %swap3A_163], %sub3A_161 {strides = array<i32>} : memref<80x128xf32, #tpu.memory_space<vmem>>, vector<16xf32>,
      %get3A_165 = arith.index_cast %scan3A_137 : i32 to index
      %get3A_166 = arith.constant 48 : index
      %get3A_167 = tpu.vector_load %arg12[%get3A_165, %get3A_166] {strides = array<i32>} : memref<80x128xf32, #tpu.memory_space<vmem>>, vector<16xf32>,
      %get3A_168 = arith.index_cast %scan3A_137 : i32 to index
      %get3A_169 = arith.constant 112 : index
      %get3A_170 = tpu.vector_load %arg13[%get3A_168, %get3A_169] {strides = array<i32>} : memref<80x128xf32, #tpu.memory_space<vmem>>, vector<16xf32>,
      %sub3A_171 = arith.subf %get3A_167, %get3A_170 : vector<16xf32>
      %swap3A_172 = arith.index_cast %scan3A_137 : i32 to index
      %swap3A_173 = arith.constant 48 : index
      %swap3A_174 = tpu.vector_load %arg15[%swap3A_172, %swap3A_173] {strides = array<i32>} : memref<80x128xf32, #tpu.memory_space<vmem>>, vector<16xf32>,
      tpu.vector_store %arg15[%swap3A_172, %swap3A_173], %sub3A_171 {strides = array<i32>} : memref<80x128xf32, #tpu.memory_space<vmem>>, vector<16xf32>,
    }
    %scan3A_79 = arith.constant 80 : i32
    %add3A_80 = arith.constant 4800 : i32
    %add3A_81 = arith.addi %mul3A_2, %add3A_80 : i32
    %dma_start3A_82 = arith.constant 0 : i32
    %dma_start3A_83 = tpu.memref_slice %arg8[%add3A_81, %dma_start3A_82] : memref<158720x128xf32, #tpu.memory_space<hbm>> -> memref<80x128xf32, #tpu.memory_space<hbm>>
    %dma_start3A_84 = arith.constant 0 : i32
    %dma_start3A_85 = tpu.memref_slice %arg8[%add3A_81, %dma_start3A_84] : memref<158720x128xf32, #tpu.memory_space<hbm>> -> memref<80x128xf32, #tpu.memory_space<hbm>>
    tpu.enqueue_dma source(%arg15 : memref<80x128xf32, #tpu.memory_space<vmem>>) target(%dma_start3A_85 : memref<80x128xf32, #tpu.memory_space<hbm>>) target_semaphore(%arg18 : memref<!tpu.dma_semaphore, #tpu.memory_space<semaphore_mem>>)
    %dma_start3A_86 = arith.constant 0 : i32
    %dma_start3A_87 = tpu.memref_slice %arg9[%add3A_81, %dma_start3A_86] : memref<158720x128xf32, #tpu.memory_space<hbm>> -> memref<80x128xf32, #tpu.memory_space<hbm>>
    %dma_start3A_88 = arith.constant 0 : i32
    %dma_start3A_89 = tpu.memref_slice %arg9[%add3A_81, %dma_start3A_88] : memref<158720x128xf32, #tpu.memory_space<hbm>> -> memref<80x128xf32, #tpu.memory_space<hbm>>
    tpu.enqueue_dma source(%arg14 : memref<80x128xf32, #tpu.memory_space<vmem>>) target(%dma_start3A_89 : memref<80x128xf32, #tpu.memory_space<hbm>>) target_semaphore(%arg18 : memref<!tpu.dma_semaphore, #tpu.memory_space<semaphore_mem>>)
    %dma_wait3A_90 = arith.constant 0 : i32
    %dma_wait3A_91 = arith.constant 0 : i32
    %dma_wait3A_92 = tpu.memref_slice %arg2[%dma_wait3A_90, %dma_wait3A_91] : memref<10000x128xf32, #tpu.memory_space<hbm>> -> memref<10000x128xf32, #tpu.memory_space<hbm>>
    tpu.wait_indirect_dma semaphore(%arg26 : memref<!tpu.dma_semaphore, #tpu.memory_space<semaphore_mem>>) src(%dma_wait3A_92 : memref<10000x128xf32, #tpu.memory_space<hbm>>) dst(%arg21 : memref<80x128xf32, #tpu.memory_space<vmem>>)
    %dma_wait3A_93 = arith.constant 0 : i32
    %dma_wait3A_94 = arith.constant 0 : i32
    %dma_wait3A_95 = tpu.memref_slice %arg2[%dma_wait3A_93, %dma_wait3A_94] : memref<10000x128xf32, #tpu.memory_space<hbm>> -> memref<10000x128xf32, #tpu.memory_space<hbm>>
    tpu.wait_indirect_dma semaphore(%arg26 : memref<!tpu.dma_semaphore, #tpu.memory_space<semaphore_mem>>) src(%dma_wait3A_95 : memref<10000x128xf32, #tpu.memory_space<hbm>>) dst(%arg22 : memref<80x128xf32, #tpu.memory_space<vmem>>)
    %dma_wait3A_96 = arith.constant 0 : i32
    %dma_wait3A_97 = arith.constant 0 : i32
    %dma_wait3A_98 = tpu.memref_slice %arg3[%dma_wait3A_96, %dma_wait3A_97] : memref<10000x128xf32, #tpu.memory_space<hbm>> -> memref<10000x128xf32, #tpu.memory_space<hbm>>
    tpu.wait_indirect_dma semaphore(%arg26 : memref<!tpu.dma_semaphore, #tpu.memory_space<semaphore_mem>>) src(%dma_wait3A_98 : memref<10000x128xf32, #tpu.memory_space<hbm>>) dst(%arg23 : memref<80x128xf32, #tpu.memory_space<vmem>>)
    %scan3A_99 = arith.constant 0 : i32
    %scan3A_100 = arith.constant 0 : i32
    %scan3A_101 = arith.constant 5 : i32
    %scan3A_102 = arith.addi %scan3A_100, %scan3A_101 : i32
    %scan3A_103 = arith.constant 1 : i32
    scf.for %scan3A_137 = %scan3A_100 to %scan3A_102 step %scan3A_103  : i32 {
      %mul3A_138 = arith.constant 16 : i32
      %mul3A_139 = arith.muli %scan3A_137, %mul3A_138 : i32
      %get3A = arith.index_cast %mul3A_139 : i32 to index
      %get3A_140 = tpu.vector_load %arg20[%get3A] {strides = array<i32>} : memref<80xi32, #tpu.memory_space<vmem>>, vector<16xi32>,
      %mul3A_141 = arith.constant 4 : i32
      %mul3A_142 = vector.broadcast %mul3A_141 : i32 to vector<16xi32>
      %mul3A_143 = arith.muli %get3A_140, %mul3A_142 : vector<16xi32>
      %mul3A_144 = arith.constant 16 : i32
      %mul3A_145 = arith.muli %scan3A_137, %mul3A_144 : i32
      %get3A_146 = arith.index_cast %mul3A_145 : i32 to index
      %get3A_147 = tpu.vector_load %arg19[%get3A_146] {strides = array<i32>} : memref<80xi32, #tpu.memory_space<vmem>>, vector<16xi32>,
      %mul3A_148 = arith.constant 4 : i32
      %mul3A_149 = vector.broadcast %mul3A_148 : i32 to vector<16xi32>
      %mul3A_150 = arith.muli %get3A_147, %mul3A_149 : vector<16xi32>
      %mul3A_151 = arith.constant 16 : i32
      %mul3A_152 = arith.muli %scan3A_137, %mul3A_151 : i32
      %add3A_153 = vector.broadcast %mul3A_152 : i32 to vector<16xi32>
      %add3A_154 = arith.addi %iota3A, %add3A_153 : vector<16xi32>
      %add3A_155 = arith.constant 0 : i32
      %add3A_156 = vector.broadcast %add3A_155 : i32 to vector<16xi32>
      %add3A_157 = arith.addi %mul3A_143, %add3A_156 : vector<16xi32>
      %gather3A = tpu.vector_load_idx %arg28[%add3A_157] : memref<40000xf32, #tpu.memory_space<vmem>>[vector<16xi32>], vector<16xf32>,
      %add3A_158 = arith.constant 0 : i32
      %add3A_159 = vector.broadcast %add3A_158 : i32 to vector<16xi32>
      %add3A_160 = arith.addi %mul3A_150, %add3A_159 : vector<16xi32>
      %gather3A_161 = tpu.vector_load_idx %arg28[%add3A_160] : memref<40000xf32, #tpu.memory_space<vmem>>[vector<16xi32>], vector<16xf32>,
      %broadcast_in_dim3A_162 = arith.constant 64 : i32
      %broadcast_in_dim3A_163 = vector.broadcast %broadcast_in_dim3A_162 : i32 to vector<16xi32>
      %sub3A = arith.subf %gather3A, %gather3A_161 : vector<16xf32>
      tpu.vector_store_idx %arg24[%add3A_154, %broadcast_in_dim3A_163], %sub3A : memref<80x128xf32, #tpu.memory_space<vmem>>[vector<16xi32>, vector<16xi32>], vector<16xf32>,
      %add3A_164 = arith.constant 1 : i32
      %add3A_165 = vector.broadcast %add3A_164 : i32 to vector<16xi32>
      %add3A_166 = arith.addi %mul3A_143, %add3A_165 : vector<16xi32>
      %gather3A_167 = tpu.vector_load_idx %arg28[%add3A_166] : memref<40000xf32, #tpu.memory_space<vmem>>[vector<16xi32>], vector<16xf32>,
      %add3A_168 = arith.constant 1 : i32
      %add3A_169 = vector.broadcast %add3A_168 : i32 to vector<16xi32>
      %add3A_170 = arith.addi %mul3A_150, %add3A_169 : vector<16xi32>
      %gather3A_171 = tpu.vector_load_idx %arg28[%add3A_170] : memref<40000xf32, #tpu.memory_space<vmem>>[vector<16xi32>], vector<16xf32>,
      %broadcast_in_dim3A_172 = arith.constant 65 : i32
      %broadcast_in_dim3A_173 = vector.broadcast %broadcast_in_dim3A_172 : i32 to vector<16xi32>
      %sub3A_174 = arith.subf %gather3A_167, %gather3A_171 : vector<16xf32>
      tpu.vector_store_idx %arg24[%add3A_154, %broadcast_in_dim3A_173], %sub3A_174 : memref<80x128xf32, #tpu.memory_space<vmem>>[vector<16xi32>, vector<16xi32>], vector<16xf32>,
      %add3A_175 = arith.constant 2 : i32
      %add3A_176 = vector.broadcast %add3A_175 : i32 to vector<16xi32>
      %add3A_177 = arith.addi %mul3A_143, %add3A_176 : vector<16xi32>
      %gather3A_178 = tpu.vector_load_idx %arg28[%add3A_177] : memref<40000xf32, #tpu.memory_space<vmem>>[vector<16xi32>], vector<16xf32>,
      %add3A_179 = arith.constant 2 : i32
      %add3A_180 = vector.broadcast %add3A_179 : i32 to vector<16xi32>
      %add3A_181 = arith.addi %mul3A_150, %add3A_180 : vector<16xi32>
      %gather3A_182 = tpu.vector_load_idx %arg28[%add3A_181] : memref<40000xf32, #tpu.memory_space<vmem>>[vector<16xi32>], vector<16xf32>,
      %broadcast_in_dim3A_183 = arith.constant 66 : i32
      %broadcast_in_dim3A_184 = vector.broadcast %broadcast_in_dim3A_183 : i32 to vector<16xi32>
      %sub3A_185 = arith.subf %gather3A_178, %gather3A_182 : vector<16xf32>
      tpu.vector_store_idx %arg24[%add3A_154, %broadcast_in_dim3A_184], %sub3A_185 : memref<80x128xf32, #tpu.memory_space<vmem>>[vector<16xi32>, vector<16xi32>], vector<16xf32>,
    }
    %scan3A_104 = arith.constant 5 : i32
    %scan3A_105 = arith.constant 0 : i32
    %scan3A_106 = arith.constant 0 : i32
    %scan3A_107 = arith.constant 80 : i32
    %scan3A_108 = arith.addi %scan3A_106, %scan3A_107 : i32
    %scan3A_109 = arith.constant 1 : i32
    scf.for %scan3A_137 = %scan3A_106 to %scan3A_108 step %scan3A_109  : i32 {
      %get3A = arith.index_cast %scan3A_137 : i32 to index
      %get3A_138 = arith.constant 0 : index
      %get3A_139 = tpu.vector_load %arg21[%get3A, %get3A_138] {strides = array<i32>} : memref<80x128xf32, #tpu.memory_space<vmem>>, vector<16xf32>,
      %get3A_140 = arith.index_cast %scan3A_137 : i32 to index
      %get3A_141 = arith.constant 64 : index
      %get3A_142 = tpu.vector_load %arg22[%get3A_140, %get3A_141] {strides = array<i32>} : memref<80x128xf32, #tpu.memory_space<vmem>>, vector<16xf32>,
      %sub3A = arith.subf %get3A_139, %get3A_142 : vector<16xf32>
      %swap3A = arith.index_cast %scan3A_137 : i32 to index
      %swap3A_143 = arith.constant 0 : index
      %swap3A_144 = tpu.vector_load %arg24[%swap3A, %swap3A_143] {strides = array<i32>} : memref<80x128xf32, #tpu.memory_space<vmem>>, vector<16xf32>,
      tpu.vector_store %arg24[%swap3A, %swap3A_143], %sub3A {strides = array<i32>} : memref<80x128xf32, #tpu.memory_space<vmem>>, vector<16xf32>,
      %get3A_145 = arith.index_cast %scan3A_137 : i32 to index
      %get3A_146 = arith.constant 16 : index
      %get3A_147 = tpu.vector_load %arg21[%get3A_145, %get3A_146] {strides = array<i32>} : memref<80x128xf32, #tpu.memory_space<vmem>>, vector<16xf32>,
      %get3A_148 = arith.index_cast %scan3A_137 : i32 to index
      %get3A_149 = arith.constant 80 : index
      %get3A_150 = tpu.vector_load %arg22[%get3A_148, %get3A_149] {strides = array<i32>} : memref<80x128xf32, #tpu.memory_space<vmem>>, vector<16xf32>,
      %sub3A_151 = arith.subf %get3A_147, %get3A_150 : vector<16xf32>
      %swap3A_152 = arith.index_cast %scan3A_137 : i32 to index
      %swap3A_153 = arith.constant 16 : index
      %swap3A_154 = tpu.vector_load %arg24[%swap3A_152, %swap3A_153] {strides = array<i32>} : memref<80x128xf32, #tpu.memory_space<vmem>>, vector<16xf32>,
      tpu.vector_store %arg24[%swap3A_152, %swap3A_153], %sub3A_151 {strides = array<i32>} : memref<80x128xf32, #tpu.memory_space<vmem>>, vector<16xf32>,
      %get3A_155 = arith.index_cast %scan3A_137 : i32 to index
      %get3A_156 = arith.constant 32 : index
      %get3A_157 = tpu.vector_load %arg21[%get3A_155, %get3A_156] {strides = array<i32>} : memref<80x128xf32, #tpu.memory_space<vmem>>, vector<16xf32>,
      %get3A_158 = arith.index_cast %scan3A_137 : i32 to index
      %get3A_159 = arith.constant 96 : index
      %get3A_160 = tpu.vector_load %arg22[%get3A_158, %get3A_159] {strides = array<i32>} : memref<80x128xf32, #tpu.memory_space<vmem>>, vector<16xf32>,
      %sub3A_161 = arith.subf %get3A_157, %get3A_160 : vector<16xf32>
      %swap3A_162 = arith.index_cast %scan3A_137 : i32 to index
      %swap3A_163 = arith.constant 32 : index
      %swap3A_164 = tpu.vector_load %arg24[%swap3A_162, %swap3A_163] {strides = array<i32>} : memref<80x128xf32, #tpu.memory_space<vmem>>, vector<16xf32>,
      tpu.vector_store %arg24[%swap3A_162, %swap3A_163], %sub3A_161 {strides = array<i32>} : memref<80x128xf32, #tpu.memory_space<vmem>>, vector<16xf32>,
      %get3A_165 = arith.index_cast %scan3A_137 : i32 to index
      %get3A_166 = arith.constant 48 : index
      %get3A_167 = tpu.vector_load %arg21[%get3A_165, %get3A_166] {strides = array<i32>} : memref<80x128xf32, #tpu.memory_space<vmem>>, vector<16xf32>,
      %get3A_168 = arith.index_cast %scan3A_137 : i32 to index
      %get3A_169 = arith.constant 112 : index
      %get3A_170 = tpu.vector_load %arg22[%get3A_168, %get3A_169] {strides = array<i32>} : memref<80x128xf32, #tpu.memory_space<vmem>>, vector<16xf32>,
      %sub3A_171 = arith.subf %get3A_167, %get3A_170 : vector<16xf32>
      %swap3A_172 = arith.index_cast %scan3A_137 : i32 to index
      %swap3A_173 = arith.constant 48 : index
      %swap3A_174 = tpu.vector_load %arg24[%swap3A_172, %swap3A_173] {strides = array<i32>} : memref<80x128xf32, #tpu.memory_space<vmem>>, vector<16xf32>,
      tpu.vector_store %arg24[%swap3A_172, %swap3A_173], %sub3A_171 {strides = array<i32>} : memref<80x128xf32, #tpu.memory_space<vmem>>, vector<16xf32>,
    }
    %scan3A_110 = arith.constant 80 : i32
    %add3A_111 = arith.constant 4880 : i32
    %add3A_112 = arith.addi %mul3A_2, %add3A_111 : i32
    %dma_start3A_113 = arith.constant 0 : i32
    %dma_start3A_114 = tpu.memref_slice %arg8[%add3A_112, %dma_start3A_113] : memref<158720x128xf32, #tpu.memory_space<hbm>> -> memref<80x128xf32, #tpu.memory_space<hbm>>
    %dma_start3A_115 = arith.constant 0 : i32
    %dma_start3A_116 = tpu.memref_slice %arg8[%add3A_112, %dma_start3A_115] : memref<158720x128xf32, #tpu.memory_space<hbm>> -> memref<80x128xf32, #tpu.memory_space<hbm>>
    tpu.enqueue_dma source(%arg24 : memref<80x128xf32, #tpu.memory_space<vmem>>) target(%dma_start3A_116 : memref<80x128xf32, #tpu.memory_space<hbm>>) target_semaphore(%arg27 : memref<!tpu.dma_semaphore, #tpu.memory_space<semaphore_mem>>)
    %dma_start3A_117 = arith.constant 0 : i32
    %dma_start3A_118 = tpu.memref_slice %arg9[%add3A_112, %dma_start3A_117] : memref<158720x128xf32, #tpu.memory_space<hbm>> -> memref<80x128xf32, #tpu.memory_space<hbm>>
    %dma_start3A_119 = arith.constant 0 : i32
    %dma_start3A_120 = tpu.memref_slice %arg9[%add3A_112, %dma_start3A_119] : memref<158720x128xf32, #tpu.memory_space<hbm>> -> memref<80x128xf32, #tpu.memory_space<hbm>>
    tpu.enqueue_dma source(%arg23 : memref<80x128xf32, #tpu.memory_space<vmem>>) target(%dma_start3A_120 : memref<80x128xf32, #tpu.memory_space<hbm>>) target_semaphore(%arg27 : memref<!tpu.dma_semaphore, #tpu.memory_space<semaphore_mem>>)
    %dma_wait3A_121 = arith.constant 0 : i32
    %dma_wait3A_122 = tpu.memref_slice %arg8[%mul3A_2, %dma_wait3A_121] : memref<158720x128xf32, #tpu.memory_space<hbm>> -> memref<80x128xf32, #tpu.memory_space<hbm>>
    %dma_wait3A_123 = arith.constant 0 : i32
    %dma_wait3A_124 = tpu.memref_slice %arg8[%mul3A_2, %dma_wait3A_123] : memref<158720x128xf32, #tpu.memory_space<hbm>> -> memref<80x128xf32, #tpu.memory_space<hbm>>
    tpu.wait_dma2 semaphore(%arg18 : memref<!tpu.dma_semaphore, #tpu.memory_space<semaphore_mem>>) src(%arg15 : memref<80x128xf32, #tpu.memory_space<vmem>>) dst(%dma_wait3A_124 : memref<80x128xf32, #tpu.memory_space<hbm>>)
    %dma_wait3A_125 = arith.constant 0 : i32
    %dma_wait3A_126 = tpu.memref_slice %arg9[%mul3A_2, %dma_wait3A_125] : memref<158720x128xf32, #tpu.memory_space<hbm>> -> memref<80x128xf32, #tpu.memory_space<hbm>>
    %dma_wait3A_127 = arith.constant 0 : i32
    %dma_wait3A_128 = tpu.memref_slice %arg9[%mul3A_2, %dma_wait3A_127] : memref<158720x128xf32, #tpu.memory_space<hbm>> -> memref<80x128xf32, #tpu.memory_space<hbm>>
    tpu.wait_dma2 semaphore(%arg18 : memref<!tpu.dma_semaphore, #tpu.memory_space<semaphore_mem>>) src(%arg14 : memref<80x128xf32, #tpu.memory_space<vmem>>) dst(%dma_wait3A_128 : memref<80x128xf32, #tpu.memory_space<hbm>>)
    %dma_wait3A_129 = arith.constant 0 : i32
    %dma_wait3A_130 = tpu.memref_slice %arg8[%mul3A_2, %dma_wait3A_129] : memref<158720x128xf32, #tpu.memory_space<hbm>> -> memref<80x128xf32, #tpu.memory_space<hbm>>
    %dma_wait3A_131 = arith.constant 0 : i32
    %dma_wait3A_132 = tpu.memref_slice %arg8[%mul3A_2, %dma_wait3A_131] : memref<158720x128xf32, #tpu.memory_space<hbm>> -> memref<80x128xf32, #tpu.memory_space<hbm>>
    tpu.wait_dma2 semaphore(%arg27 : memref<!tpu.dma_semaphore, #tpu.memory_space<semaphore_mem>>) src(%arg24 : memref<80x128xf32, #tpu.memory_space<vmem>>) dst(%dma_wait3A_132 : memref<80x128xf32, #tpu.memory_space<hbm>>)
    %dma_wait3A_133 = arith.constant 0 : i32
    %dma_wait3A_134 = tpu.memref_slice %arg9[%mul3A_2, %dma_wait3A_133] : memref<158720x128xf32, #tpu.memory_space<hbm>> -> memref<80x128xf32, #tpu.memory_space<hbm>>
    %dma_wait3A_135 = arith.constant 0 : i32
    %dma_wait3A_136 = tpu.memref_slice %arg9[%mul3A_2, %dma_wait3A_135] : memref<158720x128xf32, #tpu.memory_space<hbm>> -> memref<80x128xf32, #tpu.memory_space<hbm>>
    tpu.wait_dma2 semaphore(%arg27 : memref<!tpu.dma_semaphore, #tpu.memory_space<semaphore_mem>>) src(%arg23 : memref<80x128xf32, #tpu.memory_space<vmem>>) dst(%dma_wait3A_136 : memref<80x128xf32, #tpu.memory_space<hbm>>)
    return
  }
}

module attributes {stable_mosaic.version = 14 : i64} {
  func.func @_node_body(%arg0: i32, %arg1: memref<1000x128xf32, #tpu.memory_space<vmem>>, %arg2: memref<128x128xf32, #tpu.memory_space<vmem>>, %arg3: memref<1x128xf32, #tpu.memory_space<vmem>>, %arg4: memref<128x128xf32, #tpu.memory_space<vmem>>, %arg5: memref<128x128xf32, #tpu.memory_space<vmem>>, %arg6: memref<1000x128xf32, #tpu.memory_space<vmem>>, %arg7: memref<1000x128xf32, #tpu.memory_space<vmem>>) attributes {dimension_semantics = [#tpu.dimension_semantics<arbitrary>], iteration_bounds = array<i64: 10>, scalar_prefetch = 0 : i64, scratch_operands = 0 : i64, tpu.core_type = #tpu.core_type<tc>, window_params = [{transform_indices = @transform_0, window_bounds = array<i64: 1000, 128>}, {pipeline_mode = #tpu.pipeline_mode<synchronous>, transform_indices = @transform_1, window_bounds = array<i64: 128, 128>}, {pipeline_mode = #tpu.pipeline_mode<synchronous>, transform_indices = @transform_2, window_bounds = array<i64: 1, 128>}, {pipeline_mode = #tpu.pipeline_mode<synchronous>, transform_indices = @transform_3, window_bounds = array<i64: 128, 128>}, {pipeline_mode = #tpu.pipeline_mode<synchronous>, transform_indices = @transform_4, window_bounds = array<i64: 128, 128>}, {transform_indices = @transform_5, window_bounds = array<i64: 1000, 128>}, {transform_indices = @transform_6, window_bounds = array<i64: 1000, 128>}]} {
    %get3A = arith.constant 0 : index
    %get3A_0 = arith.constant 0 : index
    %get3A_1 = vector.load %arg1[%get3A, %get3A_0] : memref<1000x128xf32, #tpu.memory_space<vmem>>, vector<1000x128xf32>
    %get3A_2 = arith.constant 0 : index
    %get3A_3 = arith.constant 0 : index
    %get3A_4 = vector.load %arg2[%get3A_2, %get3A_3] : memref<128x128xf32, #tpu.memory_space<vmem>>, vector<128x128xf32>
    %dot_general3A = arith.constant dense<0.000000e+00> : vector<1000x128xf32>
    %dot_general3A_5 = tpu.matmul %get3A_1, %get3A_4, %dot_general3A {dimension_numbers = #tpu.dot_dimension_numbers<[1], [0], [0], [1], [0, 0, 1, 1], [], []>, transpose_lhs_hint = false} : vector<1000x128xf32>, vector<128x128xf32>, vector<1000x128xf32> -> vector<1000x128xf32>
    %get3A_6 = arith.constant 0 : index
    %get3A_7 = arith.constant 0 : index
    %get3A_8 = vector.load %arg3[%get3A_6, %get3A_7] : memref<1x128xf32, #tpu.memory_space<vmem>>, vector<1x128xf32>
    %add3A = vector.broadcast %get3A_8 : vector<1x128xf32> to vector<1000x128xf32>
    %add3A_9 = arith.addf %dot_general3A_5, %add3A : vector<1000x128xf32>
    %max3A = arith.constant 0.000000e+00 : f32
    %max3A_10 = vector.broadcast %max3A : f32 to vector<1000x128xf32>
    %max3A_11 = arith.maximumf %add3A_9, %max3A_10 : vector<1000x128xf32>
    %get3A_12 = arith.constant 0 : index
    %get3A_13 = arith.constant 0 : index
    %get3A_14 = vector.load %arg4[%get3A_12, %get3A_13] : memref<128x128xf32, #tpu.memory_space<vmem>>, vector<128x128xf32>
    %dot_general3A_15 = arith.constant dense<0.000000e+00> : vector<1000x128xf32>
    %dot_general3A_16 = tpu.matmul %max3A_11, %get3A_14, %dot_general3A_15 {dimension_numbers = #tpu.dot_dimension_numbers<[1], [0], [0], [1], [0, 0, 1, 1], [], []>, transpose_lhs_hint = false} : vector<1000x128xf32>, vector<128x128xf32>, vector<1000x128xf32> -> vector<1000x128xf32>
    %swap3A = arith.constant 0 : index
    %swap3A_17 = arith.constant 0 : index
    %swap3A_18 = vector.load %arg6[%swap3A, %swap3A_17] : memref<1000x128xf32, #tpu.memory_space<vmem>>, vector<1000x128xf32>
    tpu.vector_store %arg6[%swap3A, %swap3A_17], %dot_general3A_16 {strides = array<i32>} : memref<1000x128xf32, #tpu.memory_space<vmem>>, vector<1000x128xf32>,
    %get3A_19 = arith.constant 0 : index
    %get3A_20 = arith.constant 0 : index
    %get3A_21 = vector.load %arg5[%get3A_19, %get3A_20] : memref<128x128xf32, #tpu.memory_space<vmem>>, vector<128x128xf32>
    %dot_general3A_22 = arith.constant dense<0.000000e+00> : vector<1000x128xf32>
    %dot_general3A_23 = tpu.matmul %max3A_11, %get3A_21, %dot_general3A_22 {dimension_numbers = #tpu.dot_dimension_numbers<[1], [0], [0], [1], [0, 0, 1, 1], [], []>, transpose_lhs_hint = false} : vector<1000x128xf32>, vector<128x128xf32>, vector<1000x128xf32> -> vector<1000x128xf32>
    %swap3A_24 = arith.constant 0 : index
    %swap3A_25 = arith.constant 0 : index
    %swap3A_26 = vector.load %arg7[%swap3A_24, %swap3A_25] : memref<1000x128xf32, #tpu.memory_space<vmem>>, vector<1000x128xf32>
    tpu.vector_store %arg7[%swap3A_24, %swap3A_25], %dot_general3A_23 {strides = array<i32>} : memref<1000x128xf32, #tpu.memory_space<vmem>>, vector<1000x128xf32>,
    return
  }
  func.func @transform_0(%arg0: i32) -> (i32, i32) {
    %c0_i32 = arith.constant 0 : i32
    %c0_i32_0 = arith.constant 0 : i32
    return %arg0, %c0_i32 : i32, i32
  }
  func.func @transform_1(%arg0: i32) -> (i32, i32) {
    %c0_i32 = arith.constant 0 : i32
    %c0_i32_0 = arith.constant 0 : i32
    %c0_i32_1 = arith.constant 0 : i32
    return %c0_i32, %c0_i32_0 : i32, i32
  }
  func.func @transform_2(%arg0: i32) -> (i32, i32) {
    %c0_i32 = arith.constant 0 : i32
    %c0_i32_0 = arith.constant 0 : i32
    %c0_i32_1 = arith.constant 0 : i32
    return %c0_i32, %c0_i32_0 : i32, i32
  }
  func.func @transform_3(%arg0: i32) -> (i32, i32) {
    %c0_i32 = arith.constant 0 : i32
    %c0_i32_0 = arith.constant 0 : i32
    %c0_i32_1 = arith.constant 0 : i32
    return %c0_i32, %c0_i32_0 : i32, i32
  }
  func.func @transform_4(%arg0: i32) -> (i32, i32) {
    %c0_i32 = arith.constant 0 : i32
    %c0_i32_0 = arith.constant 0 : i32
    %c0_i32_1 = arith.constant 0 : i32
    return %c0_i32, %c0_i32_0 : i32, i32
  }
  func.func @transform_5(%arg0: i32) -> (i32, i32) {
    %c0_i32 = arith.constant 0 : i32
    %c0_i32_0 = arith.constant 0 : i32
    return %arg0, %c0_i32 : i32, i32
  }
  func.func @transform_6(%arg0: i32) -> (i32, i32) {
    %c0_i32 = arith.constant 0 : i32
    %c0_i32_0 = arith.constant 0 : i32
    return %arg0, %c0_i32 : i32, i32
  }
}

module attributes {stable_mosaic.version = 14 : i64} {
  func.func @_edge_body(%arg0: i32, %arg1: memref<1920x128xf32, #tpu.memory_space<vmem>>, %arg2: memref<1920x128xf32, #tpu.memory_space<vmem>>, %arg3: memref<16x64xf32, #tpu.memory_space<vmem>>, %arg4: memref<1x64xf32, #tpu.memory_space<vmem>>, %arg5: memref<64x64xf32, #tpu.memory_space<vmem>>, %arg6: memref<1x64xf32, #tpu.memory_space<vmem>>, %arg7: memref<64x128xf32, #tpu.memory_space<vmem>>, %arg8: memref<1x128xf32, #tpu.memory_space<vmem>>, %arg9: memref<64x128xf32, #tpu.memory_space<vmem>>, %arg10: memref<1x128xf32, #tpu.memory_space<vmem>>, %arg11: memref<1920x128xf32, #tpu.memory_space<vmem>>, %arg12: memref<1920x128xf32, #tpu.memory_space<vmem>>) attributes {dimension_semantics = [#tpu.dimension_semantics<arbitrary>], iteration_bounds = array<i64: 84>, scalar_prefetch = 0 : i64, scratch_operands = 0 : i64, tpu.core_type = #tpu.core_type<tc>, window_params = [{transform_indices = @transform_0, window_bounds = array<i64: 1920, 128>}, {transform_indices = @transform_1, window_bounds = array<i64: 1920, 128>}, {pipeline_mode = #tpu.pipeline_mode<synchronous>, transform_indices = @transform_2, window_bounds = array<i64: 16, 64>}, {pipeline_mode = #tpu.pipeline_mode<synchronous>, transform_indices = @transform_3, window_bounds = array<i64: 1, 64>}, {pipeline_mode = #tpu.pipeline_mode<synchronous>, transform_indices = @transform_4, window_bounds = array<i64: 64, 64>}, {pipeline_mode = #tpu.pipeline_mode<synchronous>, transform_indices = @transform_5, window_bounds = array<i64: 1, 64>}, {pipeline_mode = #tpu.pipeline_mode<synchronous>, transform_indices = @transform_6, window_bounds = array<i64: 64, 128>}, {pipeline_mode = #tpu.pipeline_mode<synchronous>, transform_indices = @transform_7, window_bounds = array<i64: 1, 128>}, {pipeline_mode = #tpu.pipeline_mode<synchronous>, transform_indices = @transform_8, window_bounds = array<i64: 64, 128>}, {pipeline_mode = #tpu.pipeline_mode<synchronous>, transform_indices = @transform_9, window_bounds = array<i64: 1, 128>}, {transform_indices = @transform_10, window_bounds = array<i64: 1920, 128>}, {transform_indices = @transform_11, window_bounds = array<i64: 1920, 128>}]} {
    %get3A = arith.constant 0 : index
    %get3A_0 = arith.constant 0 : index
    %get3A_1 = vector.load %arg1[%get3A, %get3A_0] : memref<1920x128xf32, #tpu.memory_space<vmem>>, vector<1920x64xf32>
    %get3A_2 = arith.constant 0 : index
    %get3A_3 = arith.constant 64 : index
    %get3A_4 = vector.load %arg1[%get3A_2, %get3A_3] : memref<1920x128xf32, #tpu.memory_space<vmem>>, vector<1920x16xf32>
    %get3A_5 = arith.constant 0 : index
    %get3A_6 = arith.constant 0 : index
    %get3A_7 = vector.load %arg3[%get3A_5, %get3A_6] : memref<16x64xf32, #tpu.memory_space<vmem>>, vector<16x64xf32>
    %dot_general3A = arith.constant dense<0.000000e+00> : vector<1920x64xf32>
    %dot_general3A_8 = tpu.matmul %get3A_4, %get3A_7, %dot_general3A {dimension_numbers = #tpu.dot_dimension_numbers<[1], [0], [0], [1], [0, 0, 1, 1], [], []>, transpose_lhs_hint = false} : vector<1920x16xf32>, vector<16x64xf32>, vector<1920x64xf32> -> vector<1920x64xf32>
    %get3A_9 = arith.constant 0 : index
    %get3A_10 = arith.constant 0 : index
    %get3A_11 = vector.load %arg4[%get3A_9, %get3A_10] : memref<1x64xf32, #tpu.memory_space<vmem>>, vector<1x64xf32>
    %add3A = vector.broadcast %get3A_11 : vector<1x64xf32> to vector<1920x64xf32>
    %add3A_12 = arith.addf %dot_general3A_8, %add3A : vector<1920x64xf32>
    %max3A = arith.constant 0.000000e+00 : f32
    %max3A_13 = vector.broadcast %max3A : f32 to vector<1920x64xf32>
    %max3A_14 = arith.maximumf %add3A_12, %max3A_13 : vector<1920x64xf32>
    %get3A_15 = arith.constant 0 : index
    %get3A_16 = arith.constant 0 : index
    %get3A_17 = vector.load %arg7[%get3A_15, %get3A_16] : memref<64x128xf32, #tpu.memory_space<vmem>>, vector<64x128xf32>
    %dot_general3A_18 = arith.constant dense<0.000000e+00> : vector<1920x128xf32>
    %dot_general3A_19 = tpu.matmul %max3A_14, %get3A_17, %dot_general3A_18 {dimension_numbers = #tpu.dot_dimension_numbers<[1], [0], [0], [1], [0, 0, 1, 1], [], []>, transpose_lhs_hint = false} : vector<1920x64xf32>, vector<64x128xf32>, vector<1920x128xf32> -> vector<1920x128xf32>
    %get3A_20 = arith.constant 0 : index
    %get3A_21 = arith.constant 0 : index
    %get3A_22 = vector.load %arg8[%get3A_20, %get3A_21] : memref<1x128xf32, #tpu.memory_space<vmem>>, vector<1x128xf32>
    %add3A_23 = vector.broadcast %get3A_22 : vector<1x128xf32> to vector<1920x128xf32>
    %add3A_24 = arith.addf %dot_general3A_19, %add3A_23 : vector<1920x128xf32>
    %get3A_25 = arith.constant 0 : index
    %get3A_26 = arith.constant 0 : index
    %get3A_27 = vector.load %arg5[%get3A_25, %get3A_26] : memref<64x64xf32, #tpu.memory_space<vmem>>, vector<64x64xf32>
    %dot_general3A_28 = arith.constant dense<0.000000e+00> : vector<1920x64xf32>
    %dot_general3A_29 = tpu.matmul %max3A_14, %get3A_27, %dot_general3A_28 {dimension_numbers = #tpu.dot_dimension_numbers<[1], [0], [0], [1], [0, 0, 1, 1], [], []>, transpose_lhs_hint = false} : vector<1920x64xf32>, vector<64x64xf32>, vector<1920x64xf32> -> vector<1920x64xf32>
    %add3A_30 = arith.addf %get3A_1, %dot_general3A_29 : vector<1920x64xf32>
    %get3A_31 = arith.constant 0 : index
    %get3A_32 = arith.constant 0 : index
    %get3A_33 = vector.load %arg6[%get3A_31, %get3A_32] : memref<1x64xf32, #tpu.memory_space<vmem>>, vector<1x64xf32>
    %add3A_34 = vector.broadcast %get3A_33 : vector<1x64xf32> to vector<1920x64xf32>
    %add3A_35 = arith.addf %add3A_30, %add3A_34 : vector<1920x64xf32>
    %max3A_36 = arith.constant 0.000000e+00 : f32
    %max3A_37 = vector.broadcast %max3A_36 : f32 to vector<1920x64xf32>
    %max3A_38 = arith.maximumf %add3A_35, %max3A_37 : vector<1920x64xf32>
    %get3A_39 = arith.constant 0 : index
    %get3A_40 = arith.constant 0 : index
    %get3A_41 = vector.load %arg9[%get3A_39, %get3A_40] : memref<64x128xf32, #tpu.memory_space<vmem>>, vector<64x128xf32>
    %dot_general3A_42 = arith.constant dense<0.000000e+00> : vector<1920x128xf32>
    %dot_general3A_43 = tpu.matmul %max3A_38, %get3A_41, %dot_general3A_42 {dimension_numbers = #tpu.dot_dimension_numbers<[1], [0], [0], [1], [0, 0, 1, 1], [], []>, transpose_lhs_hint = false} : vector<1920x64xf32>, vector<64x128xf32>, vector<1920x128xf32> -> vector<1920x128xf32>
    %get3A_44 = arith.constant 0 : index
    %get3A_45 = arith.constant 0 : index
    %get3A_46 = vector.load %arg10[%get3A_44, %get3A_45] : memref<1x128xf32, #tpu.memory_space<vmem>>, vector<1x128xf32>
    %add3A_47 = vector.broadcast %get3A_46 : vector<1x128xf32> to vector<1920x128xf32>
    %add3A_48 = arith.addf %dot_general3A_43, %add3A_47 : vector<1920x128xf32>
    %exp3A = math.exp %add3A_48 : vector<1920x128xf32>
    %swap3A = arith.constant 0 : index
    %swap3A_49 = arith.constant 0 : index
    %swap3A_50 = vector.load %arg11[%swap3A, %swap3A_49] : memref<1920x128xf32, #tpu.memory_space<vmem>>, vector<1920x128xf32>
    tpu.vector_store %arg11[%swap3A, %swap3A_49], %exp3A {strides = array<i32>} : memref<1920x128xf32, #tpu.memory_space<vmem>>, vector<1920x128xf32>,
    %get3A_51 = arith.constant 0 : index
    %get3A_52 = arith.constant 0 : index
    %get3A_53 = vector.load %arg2[%get3A_51, %get3A_52] : memref<1920x128xf32, #tpu.memory_space<vmem>>, vector<1920x128xf32>
    %add3A_54 = arith.addf %get3A_53, %add3A_24 : vector<1920x128xf32>
    %mul3A = arith.mulf %exp3A, %add3A_54 : vector<1920x128xf32>
    %swap3A_55 = arith.constant 0 : index
    %swap3A_56 = arith.constant 0 : index
    %swap3A_57 = vector.load %arg12[%swap3A_55, %swap3A_56] : memref<1920x128xf32, #tpu.memory_space<vmem>>, vector<1920x128xf32>
    tpu.vector_store %arg12[%swap3A_55, %swap3A_56], %mul3A {strides = array<i32>} : memref<1920x128xf32, #tpu.memory_space<vmem>>, vector<1920x128xf32>,
    return
  }
  func.func @transform_0(%arg0: i32) -> (i32, i32) {
    %c0_i32 = arith.constant 0 : i32
    %c0_i32_0 = arith.constant 0 : i32
    return %arg0, %c0_i32 : i32, i32
  }
  func.func @transform_1(%arg0: i32) -> (i32, i32) {
    %c0_i32 = arith.constant 0 : i32
    %c0_i32_0 = arith.constant 0 : i32
    return %arg0, %c0_i32 : i32, i32
  }
  func.func @transform_2(%arg0: i32) -> (i32, i32) {
    %c0_i32 = arith.constant 0 : i32
    %c0_i32_0 = arith.constant 0 : i32
    %c0_i32_1 = arith.constant 0 : i32
    return %c0_i32, %c0_i32_0 : i32, i32
  }
  func.func @transform_3(%arg0: i32) -> (i32, i32) {
    %c0_i32 = arith.constant 0 : i32
    %c0_i32_0 = arith.constant 0 : i32
    %c0_i32_1 = arith.constant 0 : i32
    return %c0_i32, %c0_i32_0 : i32, i32
  }
  func.func @transform_4(%arg0: i32) -> (i32, i32) {
    %c0_i32 = arith.constant 0 : i32
    %c0_i32_0 = arith.constant 0 : i32
    %c0_i32_1 = arith.constant 0 : i32
    return %c0_i32, %c0_i32_0 : i32, i32
  }
  func.func @transform_5(%arg0: i32) -> (i32, i32) {
    %c0_i32 = arith.constant 0 : i32
    %c0_i32_0 = arith.constant 0 : i32
    %c0_i32_1 = arith.constant 0 : i32
    return %c0_i32, %c0_i32_0 : i32, i32
  }
  func.func @transform_6(%arg0: i32) -> (i32, i32) {
    %c0_i32 = arith.constant 0 : i32
    %c0_i32_0 = arith.constant 0 : i32
    %c0_i32_1 = arith.constant 0 : i32
    return %c0_i32, %c0_i32_0 : i32, i32
  }
  func.func @transform_7(%arg0: i32) -> (i32, i32) {
    %c0_i32 = arith.constant 0 : i32
    %c0_i32_0 = arith.constant 0 : i32
    %c0_i32_1 = arith.constant 0 : i32
    return %c0_i32, %c0_i32_0 : i32, i32
  }
  func.func @transform_8(%arg0: i32) -> (i32, i32) {
    %c0_i32 = arith.constant 0 : i32
    %c0_i32_0 = arith.constant 0 : i32
    %c0_i32_1 = arith.constant 0 : i32
    return %c0_i32, %c0_i32_0 : i32, i32
  }
  func.func @transform_9(%arg0: i32) -> (i32, i32) {
    %c0_i32 = arith.constant 0 : i32
    %c0_i32_0 = arith.constant 0 : i32
    %c0_i32_1 = arith.constant 0 : i32
    return %c0_i32, %c0_i32_0 : i32, i32
  }
  func.func @transform_10(%arg0: i32) -> (i32, i32) {
    %c0_i32 = arith.constant 0 : i32
    %c0_i32_0 = arith.constant 0 : i32
    return %arg0, %c0_i32 : i32, i32
  }
  func.func @transform_11(%arg0: i32) -> (i32, i32) {
    %c0_i32 = arith.constant 0 : i32
    %c0_i32_0 = arith.constant 0 : i32
    return %arg0, %c0_i32 : i32, i32
  }
}

module attributes {stable_mosaic.version = 14 : i64} {
  func.func @_edge_body(%arg0: i32, %arg1: memref<1984x128xf32, #tpu.memory_space<vmem>>, %arg2: memref<1984x128xf32, #tpu.memory_space<vmem>>, %arg3: memref<16x64xf32, #tpu.memory_space<vmem>>, %arg4: memref<1x64xf32, #tpu.memory_space<vmem>>, %arg5: memref<64x64xf32, #tpu.memory_space<vmem>>, %arg6: memref<1x64xf32, #tpu.memory_space<vmem>>, %arg7: memref<64x128xf32, #tpu.memory_space<vmem>>, %arg8: memref<1x128xf32, #tpu.memory_space<vmem>>, %arg9: memref<64x128xf32, #tpu.memory_space<vmem>>, %arg10: memref<1x128xf32, #tpu.memory_space<vmem>>, %arg11: memref<1984x128xf32, #tpu.memory_space<vmem>>, %arg12: memref<1984x128xf32, #tpu.memory_space<vmem>>) attributes {dimension_semantics = [#tpu.dimension_semantics<arbitrary>], iteration_bounds = array<i64: 80>, scalar_prefetch = 0 : i64, scratch_operands = 0 : i64, tpu.core_type = #tpu.core_type<tc>, window_params = [{transform_indices = @transform_0, window_bounds = array<i64: 1984, 128>}, {transform_indices = @transform_1, window_bounds = array<i64: 1984, 128>}, {pipeline_mode = #tpu.pipeline_mode<synchronous>, transform_indices = @transform_2, window_bounds = array<i64: 16, 64>}, {pipeline_mode = #tpu.pipeline_mode<synchronous>, transform_indices = @transform_3, window_bounds = array<i64: 1, 64>}, {pipeline_mode = #tpu.pipeline_mode<synchronous>, transform_indices = @transform_4, window_bounds = array<i64: 64, 64>}, {pipeline_mode = #tpu.pipeline_mode<synchronous>, transform_indices = @transform_5, window_bounds = array<i64: 1, 64>}, {pipeline_mode = #tpu.pipeline_mode<synchronous>, transform_indices = @transform_6, window_bounds = array<i64: 64, 128>}, {pipeline_mode = #tpu.pipeline_mode<synchronous>, transform_indices = @transform_7, window_bounds = array<i64: 1, 128>}, {pipeline_mode = #tpu.pipeline_mode<synchronous>, transform_indices = @transform_8, window_bounds = array<i64: 64, 128>}, {pipeline_mode = #tpu.pipeline_mode<synchronous>, transform_indices = @transform_9, window_bounds = array<i64: 1, 128>}, {transform_indices = @transform_10, window_bounds = array<i64: 1984, 128>}, {transform_indices = @transform_11, window_bounds = array<i64: 1984, 128>}]} {
    %get3A = arith.constant 0 : index
    %get3A_0 = arith.constant 0 : index
    %get3A_1 = vector.load %arg1[%get3A, %get3A_0] : memref<1984x128xf32, #tpu.memory_space<vmem>>, vector<1984x64xf32>
    %get3A_2 = arith.constant 0 : index
    %get3A_3 = arith.constant 64 : index
    %get3A_4 = vector.load %arg1[%get3A_2, %get3A_3] : memref<1984x128xf32, #tpu.memory_space<vmem>>, vector<1984x16xf32>
    %get3A_5 = arith.constant 0 : index
    %get3A_6 = arith.constant 0 : index
    %get3A_7 = vector.load %arg3[%get3A_5, %get3A_6] : memref<16x64xf32, #tpu.memory_space<vmem>>, vector<16x64xf32>
    %dot_general3A = arith.constant dense<0.000000e+00> : vector<1984x64xf32>
    %dot_general3A_8 = tpu.matmul %get3A_4, %get3A_7, %dot_general3A {dimension_numbers = #tpu.dot_dimension_numbers<[1], [0], [0], [1], [0, 0, 1, 1], [], []>, transpose_lhs_hint = false} : vector<1984x16xf32>, vector<16x64xf32>, vector<1984x64xf32> -> vector<1984x64xf32>
    %get3A_9 = arith.constant 0 : index
    %get3A_10 = arith.constant 0 : index
    %get3A_11 = vector.load %arg4[%get3A_9, %get3A_10] : memref<1x64xf32, #tpu.memory_space<vmem>>, vector<1x64xf32>
    %add3A = vector.broadcast %get3A_11 : vector<1x64xf32> to vector<1984x64xf32>
    %add3A_12 = arith.addf %dot_general3A_8, %add3A : vector<1984x64xf32>
    %max3A = arith.constant 0.000000e+00 : f32
    %max3A_13 = vector.broadcast %max3A : f32 to vector<1984x64xf32>
    %max3A_14 = arith.maximumf %add3A_12, %max3A_13 : vector<1984x64xf32>
    %get3A_15 = arith.constant 0 : index
    %get3A_16 = arith.constant 0 : index
    %get3A_17 = vector.load %arg7[%get3A_15, %get3A_16] : memref<64x128xf32, #tpu.memory_space<vmem>>, vector<64x128xf32>
    %dot_general3A_18 = arith.constant dense<0.000000e+00> : vector<1984x128xf32>
    %dot_general3A_19 = tpu.matmul %max3A_14, %get3A_17, %dot_general3A_18 {dimension_numbers = #tpu.dot_dimension_numbers<[1], [0], [0], [1], [0, 0, 1, 1], [], []>, transpose_lhs_hint = false} : vector<1984x64xf32>, vector<64x128xf32>, vector<1984x128xf32> -> vector<1984x128xf32>
    %get3A_20 = arith.constant 0 : index
    %get3A_21 = arith.constant 0 : index
    %get3A_22 = vector.load %arg8[%get3A_20, %get3A_21] : memref<1x128xf32, #tpu.memory_space<vmem>>, vector<1x128xf32>
    %add3A_23 = vector.broadcast %get3A_22 : vector<1x128xf32> to vector<1984x128xf32>
    %add3A_24 = arith.addf %dot_general3A_19, %add3A_23 : vector<1984x128xf32>
    %get3A_25 = arith.constant 0 : index
    %get3A_26 = arith.constant 0 : index
    %get3A_27 = vector.load %arg5[%get3A_25, %get3A_26] : memref<64x64xf32, #tpu.memory_space<vmem>>, vector<64x64xf32>
    %dot_general3A_28 = arith.constant dense<0.000000e+00> : vector<1984x64xf32>
    %dot_general3A_29 = tpu.matmul %max3A_14, %get3A_27, %dot_general3A_28 {dimension_numbers = #tpu.dot_dimension_numbers<[1], [0], [0], [1], [0, 0, 1, 1], [], []>, transpose_lhs_hint = false} : vector<1984x64xf32>, vector<64x64xf32>, vector<1984x64xf32> -> vector<1984x64xf32>
    %add3A_30 = arith.addf %get3A_1, %dot_general3A_29 : vector<1984x64xf32>
    %get3A_31 = arith.constant 0 : index
    %get3A_32 = arith.constant 0 : index
    %get3A_33 = vector.load %arg6[%get3A_31, %get3A_32] : memref<1x64xf32, #tpu.memory_space<vmem>>, vector<1x64xf32>
    %add3A_34 = vector.broadcast %get3A_33 : vector<1x64xf32> to vector<1984x64xf32>
    %add3A_35 = arith.addf %add3A_30, %add3A_34 : vector<1984x64xf32>
    %max3A_36 = arith.constant 0.000000e+00 : f32
    %max3A_37 = vector.broadcast %max3A_36 : f32 to vector<1984x64xf32>
    %max3A_38 = arith.maximumf %add3A_35, %max3A_37 : vector<1984x64xf32>
    %get3A_39 = arith.constant 0 : index
    %get3A_40 = arith.constant 0 : index
    %get3A_41 = vector.load %arg9[%get3A_39, %get3A_40] : memref<64x128xf32, #tpu.memory_space<vmem>>, vector<64x128xf32>
    %dot_general3A_42 = arith.constant dense<0.000000e+00> : vector<1984x128xf32>
    %dot_general3A_43 = tpu.matmul %max3A_38, %get3A_41, %dot_general3A_42 {dimension_numbers = #tpu.dot_dimension_numbers<[1], [0], [0], [1], [0, 0, 1, 1], [], []>, transpose_lhs_hint = false} : vector<1984x64xf32>, vector<64x128xf32>, vector<1984x128xf32> -> vector<1984x128xf32>
    %get3A_44 = arith.constant 0 : index
    %get3A_45 = arith.constant 0 : index
    %get3A_46 = vector.load %arg10[%get3A_44, %get3A_45] : memref<1x128xf32, #tpu.memory_space<vmem>>, vector<1x128xf32>
    %add3A_47 = vector.broadcast %get3A_46 : vector<1x128xf32> to vector<1984x128xf32>
    %add3A_48 = arith.addf %dot_general3A_43, %add3A_47 : vector<1984x128xf32>
    %exp3A = math.exp %add3A_48 : vector<1984x128xf32>
    %swap3A = arith.constant 0 : index
    %swap3A_49 = arith.constant 0 : index
    %swap3A_50 = vector.load %arg11[%swap3A, %swap3A_49] : memref<1984x128xf32, #tpu.memory_space<vmem>>, vector<1984x128xf32>
    tpu.vector_store %arg11[%swap3A, %swap3A_49], %exp3A {strides = array<i32>} : memref<1984x128xf32, #tpu.memory_space<vmem>>, vector<1984x128xf32>,
    %get3A_51 = arith.constant 0 : index
    %get3A_52 = arith.constant 0 : index
    %get3A_53 = vector.load %arg2[%get3A_51, %get3A_52] : memref<1984x128xf32, #tpu.memory_space<vmem>>, vector<1984x128xf32>
    %add3A_54 = arith.addf %get3A_53, %add3A_24 : vector<1984x128xf32>
    %mul3A = arith.mulf %exp3A, %add3A_54 : vector<1984x128xf32>
    %swap3A_55 = arith.constant 0 : index
    %swap3A_56 = arith.constant 0 : index
    %swap3A_57 = vector.load %arg12[%swap3A_55, %swap3A_56] : memref<1984x128xf32, #tpu.memory_space<vmem>>, vector<1984x128xf32>
    tpu.vector_store %arg12[%swap3A_55, %swap3A_56], %mul3A {strides = array<i32>} : memref<1984x128xf32, #tpu.memory_space<vmem>>, vector<1984x128xf32>,
    return
  }
  func.func @transform_0(%arg0: i32) -> (i32, i32) {
    %c0_i32 = arith.constant 0 : i32
    %c0_i32_0 = arith.constant 0 : i32
    return %arg0, %c0_i32 : i32, i32
  }
  func.func @transform_1(%arg0: i32) -> (i32, i32) {
    %c0_i32 = arith.constant 0 : i32
    %c0_i32_0 = arith.constant 0 : i32
    return %arg0, %c0_i32 : i32, i32
  }
  func.func @transform_2(%arg0: i32) -> (i32, i32) {
    %c0_i32 = arith.constant 0 : i32
    %c0_i32_0 = arith.constant 0 : i32
    %c0_i32_1 = arith.constant 0 : i32
    return %c0_i32, %c0_i32_0 : i32, i32
  }
  func.func @transform_3(%arg0: i32) -> (i32, i32) {
    %c0_i32 = arith.constant 0 : i32
    %c0_i32_0 = arith.constant 0 : i32
    %c0_i32_1 = arith.constant 0 : i32
    return %c0_i32, %c0_i32_0 : i32, i32
  }
  func.func @transform_4(%arg0: i32) -> (i32, i32) {
    %c0_i32 = arith.constant 0 : i32
    %c0_i32_0 = arith.constant 0 : i32
    %c0_i32_1 = arith.constant 0 : i32
    return %c0_i32, %c0_i32_0 : i32, i32
  }
  func.func @transform_5(%arg0: i32) -> (i32, i32) {
    %c0_i32 = arith.constant 0 : i32
    %c0_i32_0 = arith.constant 0 : i32
    %c0_i32_1 = arith.constant 0 : i32
    return %c0_i32, %c0_i32_0 : i32, i32
  }
  func.func @transform_6(%arg0: i32) -> (i32, i32) {
    %c0_i32 = arith.constant 0 : i32
    %c0_i32_0 = arith.constant 0 : i32
    %c0_i32_1 = arith.constant 0 : i32
    return %c0_i32, %c0_i32_0 : i32, i32
  }
  func.func @transform_7(%arg0: i32) -> (i32, i32) {
    %c0_i32 = arith.constant 0 : i32
    %c0_i32_0 = arith.constant 0 : i32
    %c0_i32_1 = arith.constant 0 : i32
    return %c0_i32, %c0_i32_0 : i32, i32
  }
  func.func @transform_8(%arg0: i32) -> (i32, i32) {
    %c0_i32 = arith.constant 0 : i32
    %c0_i32_0 = arith.constant 0 : i32
    %c0_i32_1 = arith.constant 0 : i32
    return %c0_i32, %c0_i32_0 : i32, i32
  }
  func.func @transform_9(%arg0: i32) -> (i32, i32) {
    %c0_i32 = arith.constant 0 : i32
    %c0_i32_0 = arith.constant 0 : i32
    %c0_i32_1 = arith.constant 0 : i32
    return %c0_i32, %c0_i32_0 : i32, i32
  }
  func.func @transform_10(%arg0: i32) -> (i32, i32) {
    %c0_i32 = arith.constant 0 : i32
    %c0_i32_0 = arith.constant 0 : i32
    return %arg0, %c0_i32 : i32, i32
  }
  func.func @transform_11(%arg0: i32) -> (i32, i32) {
    %c0_i32 = arith.constant 0 : i32
    %c0_i32_0 = arith.constant 0 : i32
    return %arg0, %c0_i32 : i32, i32
  }
}

module attributes {stable_mosaic.version = 14 : i64} {
  func.func @_final_body(%arg0: i32, %arg1: memref<1000x128xf32, #tpu.memory_space<vmem>>, %arg2: memref<1000x128xf32, #tpu.memory_space<vmem>>, %arg3: memref<1000x128xf32, #tpu.memory_space<vmem>>, %arg4: memref<1000x128xf32, #tpu.memory_space<vmem>>, %arg5: memref<1000x128xf32, #tpu.memory_space<vmem>>, %arg6: memref<128x128xf32, #tpu.memory_space<vmem>>, %arg7: memref<1x128xf32, #tpu.memory_space<vmem>>, %arg8: memref<1000x128xf32, #tpu.memory_space<vmem>>) attributes {dimension_semantics = [#tpu.dimension_semantics<arbitrary>], iteration_bounds = array<i64: 10>, scalar_prefetch = 0 : i64, scratch_operands = 0 : i64, tpu.core_type = #tpu.core_type<tc>, window_params = [{transform_indices = @transform_0, window_bounds = array<i64: 1000, 128>}, {transform_indices = @transform_1, window_bounds = array<i64: 1000, 128>}, {transform_indices = @transform_2, window_bounds = array<i64: 1000, 128>}, {transform_indices = @transform_3, window_bounds = array<i64: 1000, 128>}, {transform_indices = @transform_4, window_bounds = array<i64: 1000, 128>}, {pipeline_mode = #tpu.pipeline_mode<synchronous>, transform_indices = @transform_5, window_bounds = array<i64: 128, 128>}, {pipeline_mode = #tpu.pipeline_mode<synchronous>, transform_indices = @transform_6, window_bounds = array<i64: 1, 128>}, {transform_indices = @transform_7, window_bounds = array<i64: 1000, 128>}]} {
    %get3A = arith.constant 0 : index
    %get3A_0 = arith.constant 0 : index
    %get3A_1 = vector.load %arg1[%get3A, %get3A_0] : memref<1000x128xf32, #tpu.memory_space<vmem>>, vector<1000x128xf32>
    %get3A_2 = arith.constant 0 : index
    %get3A_3 = arith.constant 0 : index
    %get3A_4 = vector.load %arg3[%get3A_2, %get3A_3] : memref<1000x128xf32, #tpu.memory_space<vmem>>, vector<1000x128xf32>
    %add3A = arith.addf %get3A_1, %get3A_4 : vector<1000x128xf32>
    %get3A_5 = arith.constant 0 : index
    %get3A_6 = arith.constant 0 : index
    %get3A_7 = vector.load %arg2[%get3A_5, %get3A_6] : memref<1000x128xf32, #tpu.memory_space<vmem>>, vector<1000x128xf32>
    %get3A_8 = arith.constant 0 : index
    %get3A_9 = arith.constant 0 : index
    %get3A_10 = vector.load %arg4[%get3A_8, %get3A_9] : memref<1000x128xf32, #tpu.memory_space<vmem>>, vector<1000x128xf32>
    %add3A_11 = arith.addf %get3A_7, %get3A_10 : vector<1000x128xf32>
    %add3A_12 = arith.constant 1.000000e-16 : f32
    %add3A_13 = vector.broadcast %add3A_12 : f32 to vector<1000x128xf32>
    %add3A_14 = arith.addf %add3A_11, %add3A_13 : vector<1000x128xf32>
    %div3A = arith.divf %add3A, %add3A_14 : vector<1000x128xf32>
    %get3A_15 = arith.constant 0 : index
    %get3A_16 = arith.constant 0 : index
    %get3A_17 = vector.load %arg6[%get3A_15, %get3A_16] : memref<128x128xf32, #tpu.memory_space<vmem>>, vector<128x128xf32>
    %dot_general3A = arith.constant dense<0.000000e+00> : vector<1000x128xf32>
    %dot_general3A_18 = tpu.matmul %div3A, %get3A_17, %dot_general3A {dimension_numbers = #tpu.dot_dimension_numbers<[1], [0], [0], [1], [0, 0, 1, 1], [], []>, transpose_lhs_hint = false} : vector<1000x128xf32>, vector<128x128xf32>, vector<1000x128xf32> -> vector<1000x128xf32>
    %get3A_19 = arith.constant 0 : index
    %get3A_20 = arith.constant 0 : index
    %get3A_21 = vector.load %arg7[%get3A_19, %get3A_20] : memref<1x128xf32, #tpu.memory_space<vmem>>, vector<1x128xf32>
    %add3A_22 = vector.broadcast %get3A_21 : vector<1x128xf32> to vector<1000x128xf32>
    %add3A_23 = arith.addf %dot_general3A_18, %add3A_22 : vector<1000x128xf32>
    %max3A = arith.constant 0.000000e+00 : f32
    %max3A_24 = vector.broadcast %max3A : f32 to vector<1000x128xf32>
    %max3A_25 = arith.maximumf %add3A_23, %max3A_24 : vector<1000x128xf32>
    %get3A_26 = arith.constant 0 : index
    %get3A_27 = arith.constant 0 : index
    %get3A_28 = vector.load %arg5[%get3A_26, %get3A_27] : memref<1000x128xf32, #tpu.memory_space<vmem>>, vector<1000x128xf32>
    %add3A_29 = arith.addf %max3A_25, %get3A_28 : vector<1000x128xf32>
    %swap3A = arith.constant 0 : index
    %swap3A_30 = arith.constant 0 : index
    %swap3A_31 = vector.load %arg8[%swap3A, %swap3A_30] : memref<1000x128xf32, #tpu.memory_space<vmem>>, vector<1000x128xf32>
    tpu.vector_store %arg8[%swap3A, %swap3A_30], %add3A_29 {strides = array<i32>} : memref<1000x128xf32, #tpu.memory_space<vmem>>, vector<1000x128xf32>,
    return
  }
  func.func @transform_0(%arg0: i32) -> (i32, i32) {
    %c0_i32 = arith.constant 0 : i32
    %c0_i32_0 = arith.constant 0 : i32
    return %arg0, %c0_i32 : i32, i32
  }
  func.func @transform_1(%arg0: i32) -> (i32, i32) {
    %c0_i32 = arith.constant 0 : i32
    %c0_i32_0 = arith.constant 0 : i32
    return %arg0, %c0_i32 : i32, i32
  }
  func.func @transform_2(%arg0: i32) -> (i32, i32) {
    %c0_i32 = arith.constant 0 : i32
    %c0_i32_0 = arith.constant 0 : i32
    return %arg0, %c0_i32 : i32, i32
  }
  func.func @transform_3(%arg0: i32) -> (i32, i32) {
    %c0_i32 = arith.constant 0 : i32
    %c0_i32_0 = arith.constant 0 : i32
    return %arg0, %c0_i32 : i32, i32
  }
  func.func @transform_4(%arg0: i32) -> (i32, i32) {
    %c0_i32 = arith.constant 0 : i32
    %c0_i32_0 = arith.constant 0 : i32
    return %arg0, %c0_i32 : i32, i32
  }
  func.func @transform_5(%arg0: i32) -> (i32, i32) {
    %c0_i32 = arith.constant 0 : i32
    %c0_i32_0 = arith.constant 0 : i32
    %c0_i32_1 = arith.constant 0 : i32
    return %c0_i32, %c0_i32_0 : i32, i32
  }
  func.func @transform_6(%arg0: i32) -> (i32, i32) {
    %c0_i32 = arith.constant 0 : i32
    %c0_i32_0 = arith.constant 0 : i32
    %c0_i32_1 = arith.constant 0 : i32
    return %c0_i32, %c0_i32_0 : i32, i32
  }
  func.func @transform_7(%arg0: i32) -> (i32, i32) {
    %c0_i32 = arith.constant 0 : i32
    %c0_i32_0 = arith.constant 0 : i32
    return %arg0, %c0_i32 : i32, i32
  }
}

</mosaic_0001>

<sc_bundles>
// kernel: kernel.10.cloned.1.call-start
scs
__scs_entry_jumppad:
0x0: {  	(pc) =	sbr.rel $0x88, $3  }
0x1: {  	(tag) =	ssettag $0x0;
	lr =	simm.s32 $0x1  }
0x2: {  	[smem:$0x3F8F] =	sst lr;
	_ =	strace $0xD0000000  }
0x3: {  	_ = 	snop  }
0x4: {  	_ = 	snop  }
0x5: {  	_ = 	snop  }
0x6: {  	_ = 	snop  }
0x7: {  	_ = 	snop  }
__scs_overlays_trampoline_lowered:
0x8: {  	[smem:$0x3F9E] =	sst s0  }
0x9: {  	[smem:$0x3F9F] =	sst s1  }
0xa: {  	[smem:$0x3FA0] =	sst s2  }
0xb: {  	[smem:$0x3FA1] =	sst s3  }
0xc: {  	[smem:$0x3FA2] =	sst s4  }
0xd: {  	[smem:$0x3FA3] =	sst s5  }
0xe: {  	[smem:$0x3FA4] =	sst s6  }
0xf: {  	[smem:$0x3FA5] =	sst s7  }
0x10: {  	[smem:$0x3FA6] =	sst s8  }
0x11: {  	[smem:$0x3FA7] =	sst s9;
	s0 =	simm.s32 @!p0 $0x0  }
0x12: {  	s1 =	sld [smem:$0x3F8D];
	s0 =	simm.s32 @p0 $0x1  }
0x13: {  	[smem:$0x3FA8] =	sst s0;
	s0 =	simm.s32 @!p1 $0x0  }
0x14: {  	s2 =	sld [smem:$0x3F8C];
	s0 =	simm.s32 @p1 $0x1  }
0x15: {  	[smem:$0x3FA9] =	sst s0;
	s0 =	simm.s32 @!p2 $0x0  }
0x16: {  	s3 =	sld [smem:$0x3FDB];
	s0 =	simm.s32 @p2 $0x1  }
0x17: {  	s4 =	simm.s32 $0x1BF5;
	[smem:$0x3FAB] =	sst s0  }
0x18: {  	s0 =	sld [smem:$0x3F8E];
	_ =	swait.ge [sflag:s4], $0x0  }
0x19: {  	s7 =	sld [smem:$0x3F8F]  }
0x1a: {  	s8 =	sadd.s32 $0xFFFFE003, lr  }
0x1b: {  	s9 =	sadd.s32 $0xFFFFFEF7, lr;
	s5 =	simm.s32 $0xFFFFFFFF;
	p2 =	slt.u32 s8, $0xFFFFF086  }
0x1c: {  	p1 =	slt.u32 s9, $0xF7A;
	s5 =	simm.s32 @!p2 $0x0  }
0x1d: {  	s5 =	simm.s32 @p1 $0x1;
	p0 =	seq.s32 s7, s2  }
0x1e: {  	s7 =	smul.u32 @!p0 $0xF7A, s2;
	p2 =	seq.s32 @!p0 s5, $0x0  }
0x1f: {  	s9 =	smul.u32 $0xF7A, s1;
	s8 =	simm.s32 @!p0 $0x1BF5;
	p2 =	por !p2, p0  }
0x20: {  	[sflag:s8] =	ssyncset.s32 @!p0 $0xFFFFF086;
	s6 =	sadd.s32 @!p0 s3, s7;
	s7 =	simm.s32 @!p0 $0x108  }
0x21: {  	s3 =	sadd.s32 s3, s9;
	s6 =	sadd.s32 @!p0 $0x88, s6;
	s7 =	simm.s32 @p2 $0x1082  }
0x22: {  	[simem:s7], [sflag:s8] =	dma.local @!p0 [hbm:s6], $0xF7A  }
0x23: {  	s9 =	sor.u32 $0xD0000000, s2;
	s6 =	simm.s32 $0x108;
	_ =	swait.ge @!p0 [sflag:s8], $0x0  }
0x24: {  	s3 =	sadd.s32 $0x88, s3;
	s6 =	simm.s32 @!p1 $0x1082;
	[sflag:s4] =	ssyncset.s32 $0xFFFFF086  }
0x25: {  	[simem:s6], [sflag:s4] =	dma.local [hbm:s3], $0xF7A  }
0x26: {  	[smem:$0x3F8F] =	sst s1;
	(tag) =	ssettag s2;
	_ =	strace s9  }
0x27: {  	s1 =	sld [smem:$0x3F9F]  }
0x28: {  	s2 =	sld [smem:$0x3FA0]  }
0x29: {  	s4 =	sld [smem:$0x3FA2]  }
0x2a: {  	p0 =	seq.s32 s5, $0x0;
	s5 =	sld [smem:$0x3FA3]  }
0x2b: {  	s6 =	sld [smem:$0x3FA4]  }
0x2c: {  	s7 =	sld [smem:$0x3FA5]  }
0x2d: {  	s3 =	simm.s32 $0x108;
	s8 =	sld [smem:$0x3FA6]  }
0x2e: {  	s3 =	simm.s32 @!p0 $0x1082;
	s9 =	sld [smem:$0x3FA7]  }
0x2f: {  	lr =	sadd.s32 s0, s3;
	s0 =	sld [smem:$0x3F9E]  }
0x30: {  	s3 =	sld [smem:$0x3FA1]  }
0x31: {  	[smem:$0x3FAA] =	sst s10  }
0x32: {  	s10 =	sld [smem:$0x3FA8];
	_ =	sdelay $0x3  }
0x33: {  	p0 =	seq.s32 s10, $0x1;
	s10 =	sld [smem:$0x3FAA];
	_ =	sdelay $0x3  }
0x34: {  	[smem:$0x3FAA] =	sst s10  }
0x35: {  	s10 =	sld [smem:$0x3FA9];
	_ =	sdelay $0x3  }
0x36: {  	p1 =	seq.s32 s10, $0x1;
	s10 =	sld [smem:$0x3FAA];
	_ =	sdelay $0x3  }
0x37: {  	[smem:$0x3FAA] =	sst s10  }
0x38: {  	s10 =	sld [smem:$0x3FAB]  }
0x39: {  	_ = 	snop;
	(pc) =	sbr.ind lr, $3  }
0x3a: {  	_ = 	snop  }
0x3b: {  	_ = 	snop  }
0x3c: {  	p2 =	seq.s32 s10, $0x1;
	s10 =	sld [smem:$0x3FAA]  }
0x3d: {  	_ =	shalt  }
0x3e: {  	_ =	shalt  }
0x3f: {  	_ =	shalt  }
0x40: {  	_ =	shalt  }
0x41: {  	_ =	shalt  }
0x42: {  	_ =	shalt  }
0x43: {  	_ =	shalt  }
0x44: {  	_ =	shalt  }
0x45: {  	_ =	shalt  }
0x46: {  	_ =	shalt  }
0x47: {  	_ =	shalt  }
0x48: {  	_ =	shalt  }
0x49: {  	_ =	shalt  }
0x4a: {  	_ =	shalt  }
0x4b: {  	_ =	shalt  }
0x4c: {  	_ =	shalt  }
0x4d: {  	_ =	shalt  }
0x4e: {  	_ =	shalt  }
0x4f: {  	_ =	shalt  }
0x50: {  	_ =	shalt  }
0x51: {  	_ =	shalt  }
0x52: {  	_ =	shalt  }
0x53: {  	_ =	shalt  }
0x54: {  	_ =	shalt  }
0x55: {  	_ =	shalt  }
0x56: {  	_ =	shalt  }
0x57: {  	_ =	shalt  }
0x58: {  	_ =	shalt  }
0x59: {  	_ =	shalt  }
0x5a: {  	_ =	shalt  }
0x5b: {  	_ =	shalt  }
0x5c: {  	_ =	shalt  }
0x5d: {  	_ =	shalt  }
0x5e: {  	_ =	shalt  }
0x5f: {  	_ =	shalt  }
0x60: {  	_ =	shalt  }
0x61: {  	_ =	shalt  }
0x62: {  	_ =	shalt  }
0x63: {  	_ =	shalt  }
0x64: {  	_ =	shalt  }
0x65: {  	_ =	shalt  }
0x66: {  	_ =	shalt  }
0x67: {  	_ =	shalt  }
0x68: {  	_ =	shalt  }
0x69: {  	_ =	shalt  }
0x6a: {  	_ =	shalt  }
0x6b: {  	_ =	shalt  }
0x6c: {  	_ =	shalt  }
0x6d: {  	_ =	shalt  }
0x6e: {  	_ =	shalt  }
0x6f: {  	_ =	shalt  }
0x70: {  	_ =	shalt  }
0x71: {  	_ =	shalt  }
0x72: {  	_ =	shalt  }
0x73: {  	_ =	shalt  }
0x74: {  	_ =	shalt  }
0x75: {  	_ =	shalt  }
0x76: {  	_ =	shalt  }
0x77: {  	_ =	shalt  }
0x78: {  	_ =	shalt  }
0x79: {  	_ =	shalt  }
0x7a: {  	_ =	shalt  }
0x7b: {  	_ =	shalt  }
0x7c: {  	_ =	shalt  }
0x7d: {  	_ =	shalt  }
0x7e: {  	_ =	shalt  }
0x7f: {  	_ =	shalt  }
0x80: {  	_ =	shalt  }
0x81: {  	_ =	shalt  }
0x82: {  	_ =	shalt  }
0x83: {  	_ =	shalt  }
0x84: {  	_ =	shalt  }
0x85: {  	_ =	shalt  }
0x86: {  	_ =	shalt  }
0x87: {  	_ =	shalt  }
.Lfunc_end0:
.L_simem_size_0:
called_computation_lowered:
.L_overlay_start_0:
0x88: {  	s2 =	sld [smem:$0x3FD9]  }
0x89: {  	s3 =	sld [smem:$0x3FFE];
	_ =	sdelay $0x1  }
0x8a: {  	s1 =	srdreg.scid  }
0x8b: {  	s0 =	sand.u32 $0x1, s1  }
0x8c: {  	s17 =	sshll.u32 s0, $0xA;
	s2 =	sadd.s32 s3, s2  }
0x8d: {  	s2 =	sadd.s32 s2, s17  }
0x8e: {  	[smem:$0x3FB6] =	sst s2  }
0x8f: {  	_ = 	snop  }
0x90: {  	s2 =	sld [smem:$0x3FD0];
	(tm) =	ssettm $0x1  }
0x91: {  	s18 =	sld [smem:$0x3FFB];
	_ =	sdelay $0x3  }
0x92: {  	_ =	strace s18  }
0x93: {  	s3 =	sld [smem:$0x3FFC];
	_ =	sdelay $0x3  }
0x94: {  	_ =	strace s3  }
0x95: {  	s3 =	sld [smem:$0x3FFD];
	_ =	sdelay $0x3  }
0x96: {  	_ =	strace s3  }
0x97: {  	_ =	strace $0x8FFFFFFF  }
0x98: {  	s19 =	sld [smem:$0x3FDB];
	_ =	sdelay $0x1  }
0x99: {  	s4 =	simm.s32 $_scs_section_size  }
0x9a: {  	s5 =	simm.s32 $_size__tile_overlayer_lowered;
	s6 =	simm.s32 $_tile_overlayer_lowered  }
0x9b: {  	s22 =	simm.s32 $0x1BFF;
	s21 =	sshll.u32 s6, $0x1;
	s3 =	sadd.s32 s4, s19  }
0x9c: {  	s7 =	simm.s32 $0x0;
	s20 =	sshll.u32 s5, $0x1;
	s5 =	sadd.s32 s21, s3  }
0x9d: {  	[timem:s7], [sflag:s22] =	dma.local [hbm:s5], s20  }
0x9e: {  	_ =	swait.ge [sflag:s22], s20  }
0x9f: {  	s4 =	ssub.s32 $0x0, s20;
	[sflag:s22] =	ssyncset.done $0x0  }
0xa0: {  	[sflag:s22] =	ssyncadd.s32 s4;
	_ =	sdelay $0x1  }
0xa1: {  	s23 =	simm.s32 $0x1B8B  }
0xa2: {  	_ =	swait.ge [sflag:s23], $0x1  }
0xa3: {  	[sflag:s23] =	ssyncset.done $0x0  }
0xa4: {  	s25 =	simm.s32 $0x1B8E;
	s24 =	sld [smem:$0x3FFE];
	[sflag:s23] =	ssyncadd.s32 $0xFFFFFFFF  }
0xa5: {  	s26 =	simm.s32 $execute0_lowered;
	[smem:$0x3FD2] =	sst s25  }
0xa6: {  	s5 =	sshll.u32 s26, $0x1;
	_ =	strace $0x80000046;
	[dreg:$0x1] =	wrdreg $0xFFFFFFFF  }
0xa7: {  	s28 =	simm.s32 $_size_execute0_lowered;
	s3 =	sadd.s32 s3, s5;
	[dreg:$0x0] =	wrdreg $0x0  }
0xa8: {  	s5 =	sshll.u32 s28, $0x1;
	[dreg:$0x2] =	wrdreg s3  }
0xa9: {  	[dreg:$0x3] =	wrdreg s5  }
0xaa: {  	[dreg:$0x4] =	wrdreg $0xC0  }
0xab: {  	_ =	task [dreg:s7], $0x5FFFF  }
0xac: {  	[dreg:$0x1] =	wrdreg $0xFFFFFFFF  }
0xad: {  	[dreg:$0x0] =	wrdreg $0x60  }
0xae: {  	[dreg:$0x2] =	wrdreg s2  }
0xaf: {  	[dreg:$0x3] =	wrdreg s24  }
0xb0: {  	[dreg:$0x4] =	wrdreg $0x9  }
0xb1: {  	_ =	task.clear_ibuf [dreg:s7], $0x5FFFF;
	_ =	strace $0x90000046  }
0xb2: {  	s29 =	simm.s32 $0x9;
	_ =	strace $0x80000048  }
0xb3: {  	_ =	swait.ge [sflag:s29], $0x1  }
0xb4: {  	[sflag:s29] =	ssyncadd.s32 $0xFFFFFFFF  }
0xb5: {  	_ =	strace $0x90000048  }
0xb6: {  	_ =	sfence  }
0xb7: {  	s30 =	sld [smem:$0x0];
	_ =	sdelay $0x2  }
0xb8: {  	s31 =	sshll.u32 s1, $0xD;
	s1 =	sshrl.u32 s1, $0x2  }
0xb9: {  	s3 =	sand.u32 $0x4000, s31;
	s1 =	sadd.s32 s1, s30  }
0xba: {  	s0 =	sor.u32 s3, s0;
	s1 =	sshll.u32 s1, $0x11  }
0xbb: {  	s0 =	sor.u32 s1, s0  }
0xbc: {  	s0 =	sadd.s32 $0x8F2B, s0  }
0xbd: {  	[sflag:s0] =	ssyncadd.remote.s32 $0x1  }
0xbe: {  	_ =	sfence.sel $0xFFFF  }
0xbf: {  	[dreg:$0x0] =	wrdreg $0xFFFFFFFF;
	(pc) =	sbr.abs _section_cstart, $3  }
0xc0: {  	[dreg:$0x1] =	wrdreg $0xFFFFFFFF  }
0xc1: {  	_ =	task.clear_ibuf [dreg:s7], $0x2FFFF;
	_ =	strace $0x9FFFFFFF  }
0xc2: {  	(tm) =	ssettm $0x7FFFFFFF  }
0xc3: {  	_ =	shalt  }
tec
execute0_lowered:
.L_overlay_start_1:
0x0: {  	(tag) =	ssettag $0x1  }
0x1: {  	s1 =	rddreg [dreg:$0x0]  }
0x2: {  	s0 =	rddreg [dreg:$0x1];
	s2 =	simm.s32 $0x0;
	s3 =	srdreg.scid  }
0x3: {  	s5 =	stileid.u32;
	s21 =	simm.s32 $0x14200;
	s28 =	simm.s32 $0x50  }
0x4: {  	s31 =	simm.s32 $0x5100;
	s13 =	simm.s32 $0x2;
	s14 =	simm.s32 $0x7900  }
0x5: {  	s15 =	simm.s32 $0x3;
	s18 =	simm.s32 $0x5;
	s19 =	simm.s32 $0x11A00  }
0x6: {  	[smem:$0x7FF] =	sst s2;
	s4 =	sadd.s32 $0x10400, s0;
	s6 =	sadd.s32 $0xF000, s0  }
0x7: {  	s3 =	sand.u32 $0x1, s3;
	s5 =	sshll.u32 s5, $0x1;
	s7 =	sadd.s32 $0xA000, s0  }
0x8: {  	s10 =	sadd.s32 $0x2AD800, s0;
	s11 =	ssub.s32 $0x2, s3;
	s3 =	sor.u32 s3, s5  }
0x9: {  	s9 =	sadd.s32 $0x37800, s0;
	_ =	strace $0x80000047;
	s8 =	smul.u32 $0x13B0, s3  }
0xa: {  	[dreg:$0x3] =	wrdreg s6;
	s23 =	sshrl.u32 s11, $0x1;
	s3 =	smul.u32 $0x9D800, s3  }
0xb: {  	s6 =	sadd.s32 $0x5000, s0;
	s24 =	ssub.s32 s11, s23;
	s23 =	simm.s32 $0x80  }
0xc: {  	s25 =	sshrl.u32 s8, $0x3;
	s11 =	sadd.s32 $0x50, s8;
	s3 =	sshrl.u32 s3, $0x3  }
0xd: {  	s16 =	sadd.s32 $0xA0, s8;
	s17 =	sadd.s32 $0xF0, s8;
	s0 =	smax.u32 s24, $0x1  }
0xe: {  	s24 =	simm.s32 $0xA100;
	s12 =	sadd.s32 s6, s25;
	[dreg:$0xa] =	wrdreg s0  }
0xf: {  	s5 =	sadd.s32 s7, s25;
	s26 =	sshrl.u32 s11, $0x3;
	[dreg:$0x4] =	wrdreg s12  }
0x10: {  	s3 =	sadd.s32 $0x13600, s3;
	[dreg:$0x5] =	wrdreg s5;
	s29 =	sadd.s32 s6, s26  }
0x11: {  	s25 =	simm.s32 $0xA180;
	s5 =	sadd.s32 s7, s26;
	[dreg:$0x6] =	wrdreg s29  }
0x12: {  	s0 =	simm.s32 $0x4;
	s30 =	sadd.s32 s9, s3;
	[dreg:$0x7] =	wrdreg s5  }
0x13: {  	v1 =	vlaneseq.u32;
	s3 =	sadd.s32 s10, s3;
	s26 =	simm.s32 $0x1;
	[dreg:$0x8] =	wrdreg s30  }
0x14: {  	v0 =	vimm.f32 $0.0e+00;
	v1 =	vmul.u32 $0x80, v1;
	s12 =	simm.s32 $0xF200;
	[dreg:$0x9] =	wrdreg s3;
	s5 =	simm.s32 $0x0  }
.LBB2_1:
0x15: {  	[dreg:$0xb] =	wrdreg s5  }
0x16: {  	s3 =	rddreg [dreg:$0x3];
	s30 =	simm.s32 $0x7  }
0x17: {  	[tilespmem:s21], [sflag:$0x7] =	stream.linear.gather [hbm4b:s3+s2], $0x9C80, $0x38;
	[tilespmem:$0x1DE80] =	vst v63  }
0x18: {  	_ =	swait.ge [sflag:s30], $0x9C80  }
0x19: {  	[sflag:s30] =	ssyncset.done $0x0  }
0x1a: {  	s5 =	simm.s32 $0x40;
	s3 =	simm.s32 $0x300;
	[sflag:s30] =	ssyncadd.s32 $0xFFFF6380  }
.LBB2_2:
0x1b: {  	p0 =	sne.s32 s3, $0x9F00;
	[tilespmem:s5+$0x7900] =	vst v0;
	s20 =	smov.u32 s3;
	s3 =	sadd.s32 $0x200, s3  }
.Ltmp0:
0x1c: {  	[tilespmem:s5+$0x11A00] =	vst v0;
	(pc) =	sbr.rel @p0 .LBB2_2-.Ltmp0, $2  }
0x1d: {  	_ =	sdelay $0x2  }
0x1e: {  	s5 =	sshra.s32 s20, $0x2  }
0x1f: {  	[tilespmem:s5+$0x7900] =	vst v0  }
0x20: {  	[tilespmem:s5+$0x11A00] =	vst v0;
	s20 =	simm.s32 $0x0;
	s3 =	rddreg [dreg:$0x4]  }
0x21: {  	[tilespmem:s20], [sflag:$0x1] =	stream.linear.gather [hbm4b:s3+s20], $0x50, $0x38;
	[tilespmem:$0x1DE80] =	vst v63  }
0x22: {  	s30 =	rddreg [dreg:$0x5]  }
0x23: {  	[tilespmem:s23], [sflag:$0x1] =	stream.linear.gather [hbm4b:s30+s20], $0x50, $0x38;
	[tilespmem:$0x1DE80] =	vst v63  }
0x24: {  	s5 =	rddreg [dreg:$0x6]  }
0x25: {  	[tilespmem:s24], [sflag:$0x4] =	stream.linear.gather [hbm4b:s5+s20], $0x50, $0x38;
	[tilespmem:$0x1DE80] =	vst v63  }
0x26: {  	s22 =	rddreg [dreg:$0x7]  }
0x27: {  	[tilespmem:s25], [sflag:$0x4] =	stream.linear.gather [hbm4b:s22+s20], $0x50, $0x38;
	[tilespmem:$0x1DE80] =	vst v63  }
0x28: {  	_ =	swait.ge [sflag:s26], $0x50  }
0x29: {  	[sflag:s26] =	ssyncset.done $0x0  }
0x2a: {  	[sflag:s26] =	ssyncadd.s32 $0xFFFFFFB0  }
0x2b: {  	_ =	swait.ge [sflag:s26], $0x50  }
0x2c: {  	[sflag:s26] =	ssyncset.done $0x0  }
0x2d: {  	s29 =	simm.s32 $0x100;
	[sflag:s26] =	ssyncadd.s32 $0xFFFFFFB0  }
0x2e: {  	[tilespmem:s29], [sflag:$0x2] =	stream.indirect.gather [hbm4b:s1+s28], $0x80, s23, s28, $0xb8;
	[tilespmem:$0x1DE80] =	vst v63  }
0x2f: {  	s30 =	simm.s32 $0x2900  }
0x30: {  	[tilespmem:s30], [sflag:$0x2] =	stream.indirect.gather [hbm4b:s1+s28], $0x80, s20, s28, $0xb8;
	[tilespmem:$0x1DE80] =	vst v63  }
0x31: {  	_ = 	snop  }
0x32: {  	[tilespmem:s31], [sflag:$0x2] =	stream.indirect.gather [hbm4b:s4+s28], $0x80, s20, s28, $0xb8;
	[tilespmem:$0x1DE80] =	vst v63  }
.LBB2_4:
0x33: {  	_ =	swait.ge [sflag:s0], $0x50  }
0x34: {  	[sflag:s0] =	ssyncset.done $0x0  }
0x35: {  	[sflag:s0] =	ssyncadd.s32 $0xFFFFFFB0  }
0x36: {  	_ =	swait.ge [sflag:s0], $0x50  }
0x37: {  	[sflag:s0] =	ssyncset.done $0x0  }
0x38: {  	s3 =	simm.s32 $0xA200;
	p0 =	seq.s32 s20, $0x0;
	[sflag:s0] =	ssyncadd.s32 $0xFFFFFFB0  }
0x39: {  	[tilespmem:s3], [sflag:$0x5] =	stream.indirect.gather [hbm4b:s1+s28], $0x80, s25, s28, $0xb8;
	[tilespmem:$0x1DE80] =	vst v63  }
0x3a: {  	s30 =	simm.s32 $0xCA00;
	s3 =	simm.s32 @!p0 $0x6  }
0x3b: {  	[tilespmem:s30], [sflag:$0x5] =	stream.indirect.gather [hbm4b:s1+s28], $0x80, s24, s28, $0xb8;
	[tilespmem:$0x1DE80] =	vst v63  }
0x3c: {  	_ =	swait.ge @!p0 [sflag:s3], $0x2800  }
0x3d: {  	[sflag:s3] =	ssyncset.done @!p0 $0x0  }
0x3e: {  	[sflag:s3] =	ssyncadd.s32 @!p0 $0xFFFFD800  }
0x3f: {  	_ =	swait.ge @!p0 [sflag:s3], $0x2800  }
0x40: {  	[sflag:s3] =	ssyncset.done @!p0 $0x0  }
0x41: {  	[sflag:s3] =	ssyncadd.s32 @!p0 $0xFFFFD800  }
0x42: {  	[tilespmem:s12], [sflag:$0x5] =	stream.indirect.gather [hbm4b:s4+s28], $0x80, s24, s28, $0xb8;
	[tilespmem:$0x1DE80] =	vst v63  }
0x43: {  	_ =	swait.ge [sflag:s13], $0x2800  }
0x44: {  	[sflag:s13] =	ssyncset.done $0x0  }
0x45: {  	[sflag:s13] =	ssyncadd.s32 $0xFFFFD800  }
0x46: {  	_ =	swait.ge [sflag:s13], $0x2800  }
0x47: {  	[sflag:s13] =	ssyncset.done $0x0  }
0x48: {  	[sflag:s13] =	ssyncadd.s32 $0xFFFFD800  }
0x49: {  	_ =	swait.ge [sflag:s13], $0x2800  }
0x4a: {  	s5 =	simm.s32 $0x0;
	[sflag:s13] =	ssyncset.done $0x0  }
0x4b: {  	s22 =	simm.s32 $0x0;
	s3 =	simm.s32 $0x80;
	[sflag:s13] =	ssyncadd.s32 $0xFFFFD800  }
.LBB2_5:
0x4c: {  	v2 =	vld [tilespmem:s3+$0x0]  }
0x4d: {  	v3 =	vld [tilespmem:s5+$0x0];
	_ =	sdelay $0x3  }
0x4e: {  	v2 =	vshll.u32 v2, $0x2  }
0x4f: {  	v3 =	vshll.u32 v3, $0x2;
	_ =	sdelay $0x3  }
0x50: {  	v4 =	vmov s22;
	v5 =	vld.idx.msk [tilespmem:v2+s21+$0x0], $0xffff  }
0x51: {  	v4 =	vshll.u32 v4, $0x7;
	v6 =	vld.idx.msk [tilespmem:v3+s21+$0x0], $0xffff  }
0x52: {  	v4 =	vor.u32 v1, v4  }
0x53: {  	v7 =	vor.u32 $0x40, v4  }
0x54: {  	v8 =	vor.u32 $0x1, v2  }
0x55: {  	v9 =	vor.u32 $0x1, v3  }
0x56: {  	v5 =	vsub.f32 v5, v6;
	_ =	sdelay $0x1  }
0x57: {  	[tilespmem:v7+s14+$0x0] =	vst.idx.msk $0xffff, v5  }
0x58: {  	v5 =	vld.idx.msk [tilespmem:v8+s21+$0x0], $0xffff  }
0x59: {  	v62 =	vld.idx.msk [tilespmem:v9+s21+$0x0], $0xffff;
	_ =	sdelay $0x1  }
0x5a: {  	v63 =	vor.u32 $0x41, v4  }
0x5b: {  	v2 =	vor.u32 $0x2, v2  }
0x5c: {  	v3 =	vor.u32 $0x2, v3  }
0x5d: {  	v5 =	vsub.f32 v5, v62;
	_ =	sdelay $0x1  }
0x5e: {  	[tilespmem:v63+s14+$0x0] =	vst.idx.msk $0xffff, v5  }
0x5f: {  	v2 =	vld.idx.msk [tilespmem:v2+s21+$0x0], $0xffff  }
0x60: {  	v3 =	vld.idx.msk [tilespmem:v3+s21+$0x0], $0xffff;
	_ =	sdelay $0x1  }
0x61: {  	p0 =	sne.s32 s22, $0x40;
	v4 =	vor.u32 $0x42, v4  }
.Ltmp1:
0x62: {  	_ = 	snop;
	(pc) =	sbr.rel @p0 .LBB2_5-.Ltmp1, $3  }
0x63: {  	_ = 	snop  }
0x64: {  	v2 =	vsub.f32 v2, v3;
	_ =	sdelay $0x1  }
0x65: {  	s3 =	sadd.s32 $0x10, s3;
	s5 =	sadd.s32 $0x10, s5;
	s22 =	sadd.s32 $0x10, s22;
	[tilespmem:v4+s14+$0x0] =	vst.idx.msk $0xffff, v2  }
0x66: {  	s5 =	simm.s32 $0x0  }
0x67: {  	v4 =	vld [tilespmem:s5+$0x130]  }
0x68: {  	v6 =	vld [tilespmem:s5+$0x2970]  }
0x69: {  	v7 =	vld [tilespmem:s5+$0x100]  }
0x6a: {  	v8 =	vld [tilespmem:s5+$0x2940]  }
0x6b: {  	v3 =	vld [tilespmem:s5+$0x110]  }
0x6c: {  	v5 =	vld [tilespmem:s5+$0x2950]  }
0x6d: {  	v2 =	vld [tilespmem:s5+$0x120];
	v9 =	vsub.f32 v4, v6  }
0x6e: {  	s3 =	simm.s32 $0x80;
	v6 =	vld [tilespmem:s5+$0x2960]  }
0x6f: {  	s22 =	simm.s32 $0x400;
	v4 =	vld [tilespmem:s3+$0x130];
	v7 =	vsub.f32 v7, v8;
	[tilespmem:s5+$0x7930] =	vst v9  }
.LBB2_7:
0x70: {  	p0 =	sne.s32 s22, $0x9E00;
	v8 =	vld [tilespmem:s3+$0x2970]  }
0x71: {  	v9 =	vld [tilespmem:s3+$0x100];
	[tilespmem:s5+$0x7900] =	vst v7;
	v5 =	vsub.f32 v3, v5  }
0x72: {  	v7 =	vld [tilespmem:s3+$0x2940]  }
.Ltmp2:
0x73: {  	v3 =	vld [tilespmem:s3+$0x110];
	[tilespmem:s5+$0x7910] =	vst v5;
	v6 =	vsub.f32 v2, v6;
	(pc) =	sbr.rel @p0 .LBB2_7-.Ltmp2, $4  }
0x74: {  	v5 =	vld [tilespmem:s3+$0x2950]  }
0x75: {  	v2 =	vld [tilespmem:s3+$0x120];
	v8 =	vsub.f32 v4, v8;
	[tilespmem:s5+$0x7920] =	vst v6;
	s5 =	smov.u32 s3  }
0x76: {  	s3 =	sshra.s32 s22, $0x2;
	v6 =	vld [tilespmem:s5+$0x2960]  }
0x77: {  	s22 =	sadd.s32 $0x200, s22;
	v4 =	vld [tilespmem:s3+$0x130];
	v7 =	vsub.f32 v9, v7;
	[tilespmem:s5+$0x7930] =	vst v8  }
0x78: {  	v8 =	vld [tilespmem:s3+$0x2970]  }
0x79: {  	v9 =	vld [tilespmem:s3+$0x100];
	[tilespmem:s5+$0x7900] =	vst v7;
	v3 =	vsub.f32 v3, v5  }
0x7a: {  	v5 =	vld [tilespmem:s3+$0x2940]  }
0x7b: {  	v7 =	vld [tilespmem:s3+$0x110];
	[tilespmem:s5+$0x7910] =	vst v3;
	v2 =	vsub.f32 v2, v6  }
0x7c: {  	v3 =	vld [tilespmem:s3+$0x2950]  }
0x7d: {  	v6 =	vld [tilespmem:s3+$0x120];
	[tilespmem:s5+$0x7920] =	vst v2  }
0x7e: {  	v2 =	vld [tilespmem:s3+$0x2960];
	_ =	sdelay $0x1  }
0x7f: {  	v4 =	vsub.f32 v4, v8  }
0x80: {  	s22 =	smul.u32 $0xA0, s20;
	v5 =	vsub.f32 v9, v5  }
0x81: {  	[tilespmem:s3+$0x7930] =	vst v4;
	v3 =	vsub.f32 v7, v3  }
0x82: {  	s30 =	sadd.s32 s8, s22;
	[tilespmem:s3+$0x7900] =	vst v5;
	v2 =	vsub.f32 v6, v2  }
0x83: {  	s5 =	sshll.u32 s30, $0x4;
	[tilespmem:s3+$0x7910] =	vst v3  }
0x84: {  	s29 =	simm.s32 $0x0;
	s30 =	sadd.s32 s9, s5;
	[tilespmem:s3+$0x7920] =	vst v2  }
0x85: {  	[hbm4b:s30+s29] =	stream.linear.scatter [tilespmem:s14], [sflag:$0x3], $0x2800, $0x38;
	[tilespmem:$0x1DE80] =	vst v63  }
0x86: {  	s30 =	sadd.s32 s10, s5;
	s5 =	sadd.s32 s22, s16  }
0x87: {  	s3 =	sshrl.u32 s5, $0x3  }
0x88: {  	[hbm4b:s30+s29] =	stream.linear.scatter [tilespmem:s31], [sflag:$0x3], $0x2800, $0x38;
	[tilespmem:$0x1DE80] =	vst v63  }
0x89: {  	s30 =	sadd.s32 s6, s3  }
0x8a: {  	[tilespmem:s29], [sflag:$0x1] =	stream.linear.gather [hbm4b:s30+s29], $0x50, $0x38;
	[tilespmem:$0x1DE80] =	vst v63  }
0x8b: {  	s3 =	sadd.s32 s7, s3  }
0x8c: {  	[tilespmem:s23], [sflag:$0x1] =	stream.linear.gather [hbm4b:s3+s29], $0x50, $0x38;
	[tilespmem:$0x1DE80] =	vst v63  }
0x8d: {  	_ =	swait.ge [sflag:s26], $0x50  }
0x8e: {  	[sflag:s26] =	ssyncset.done $0x0  }
0x8f: {  	[sflag:s26] =	ssyncadd.s32 $0xFFFFFFB0  }
0x90: {  	_ =	swait.ge [sflag:s26], $0x50  }
0x91: {  	[sflag:s26] =	ssyncset.done $0x0  }
0x92: {  	s5 =	simm.s32 $0x100;
	[sflag:s26] =	ssyncadd.s32 $0xFFFFFFB0  }
0x93: {  	[tilespmem:s5], [sflag:$0x2] =	stream.indirect.gather [hbm4b:s1+s28], $0x80, s23, s28, $0xb8;
	[tilespmem:$0x1DE80] =	vst v63  }
0x94: {  	s30 =	simm.s32 $0x2900  }
0x95: {  	[tilespmem:s30], [sflag:$0x2] =	stream.indirect.gather [hbm4b:s1+s28], $0x80, s29, s28, $0xb8;
	[tilespmem:$0x1DE80] =	vst v63  }
0x96: {  	_ =	swait.ge [sflag:s15], $0x2800  }
0x97: {  	[sflag:s15] =	ssyncset.done $0x0  }
0x98: {  	[sflag:s15] =	ssyncadd.s32 $0xFFFFD800  }
0x99: {  	_ =	swait.ge [sflag:s15], $0x2800  }
0x9a: {  	[sflag:s15] =	ssyncset.done $0x0  }
0x9b: {  	[sflag:s15] =	ssyncadd.s32 $0xFFFFD800  }
0x9c: {  	[tilespmem:s31], [sflag:$0x2] =	stream.indirect.gather [hbm4b:s4+s28], $0x80, s29, s28, $0xb8;
	[tilespmem:$0x1DE80] =	vst v63  }
0x9d: {  	_ =	swait.ge [sflag:s18], $0x2800  }
0x9e: {  	[sflag:s18] =	ssyncset.done $0x0  }
0x9f: {  	[sflag:s18] =	ssyncadd.s32 $0xFFFFD800  }
0xa0: {  	_ =	swait.ge [sflag:s18], $0x2800  }
0xa1: {  	[sflag:s18] =	ssyncset.done $0x0  }
0xa2: {  	[sflag:s18] =	ssyncadd.s32 $0xFFFFD800  }
0xa3: {  	_ =	swait.ge [sflag:s18], $0x2800  }
0xa4: {  	[sflag:s18] =	ssyncset.done $0x0  }
0xa5: {  	s3 =	simm.s32 $0xA180;
	[sflag:s18] =	ssyncadd.s32 $0xFFFFD800  }
0xa6: {  	s5 =	simm.s32 $0xA100;
	v2 =	vld [tilespmem:s3+$0x0]  }
0xa7: {  	v3 =	vld [tilespmem:s5+$0x0];
	_ =	sdelay $0x3  }
0xa8: {  	v2 =	vshll.u32 v2, $0x2  }
0xa9: {  	v3 =	vshll.u32 v3, $0x2;
	_ =	sdelay $0x3  }
0xaa: {  	v5 =	vmov s29;
	v4 =	vld.idx.msk [tilespmem:v2+s21+$0x0], $0xffff  }
0xab: {  	v5 =	vshll.u32 v5, $0x7;
	v6 =	vld.idx.msk [tilespmem:v3+s21+$0x0], $0xffff  }
0xac: {  	v5 =	vor.u32 v1, v5  }
0xad: {  	v7 =	vor.u32 $0x40, v5  }
0xae: {  	v61 =	vor.u32 $0x1, v3  }
0xaf: {  	v62 =	vor.u32 $0x1, v2  }
0xb0: {  	v4 =	vsub.f32 v4, v6;
	_ =	sdelay $0x1  }
0xb1: {  	[tilespmem:v7+s19+$0x0] =	vst.idx.msk $0xffff, v4  }
0xb2: {  	v4 =	vld.idx.msk [tilespmem:v61+s21+$0x0], $0xffff  }
0xb3: {  	v6 =	vld.idx.msk [tilespmem:v62+s21+$0x0], $0xffff;
	_ =	sdelay $0x1  }
0xb4: {  	v7 =	vor.u32 $0x41, v5  }
0xb5: {  	v2 =	vor.u32 $0x2, v2  }
0xb6: {  	v63 =	vor.u32 $0x2, v3  }
0xb7: {  	v3 =	vsub.f32 v6, v4;
	_ =	sdelay $0x1  }
0xb8: {  	[tilespmem:v7+s19+$0x0] =	vst.idx.msk $0xffff, v3  }
0xb9: {  	v3 =	vld.idx.msk [tilespmem:v2+s21+$0x0], $0xffff  }
0xba: {  	v4 =	vld.idx.msk [tilespmem:v63+s21+$0x0], $0xffff  }
0xbb: {  	s29 =	simm.s32 $0x10;
	v2 =	vor.u32 $0x42, v5  }
.LBB2_9:
0xbc: {  	_ =	sdelay $0x2  }
0xbd: {  	p0 =	sne.s32 s29, $0x40;
	s3 =	sadd.s32 $0x10, s3;
	s5 =	sadd.s32 $0x10, s5;
	v3 =	vsub.f32 v3, v4  }
0xbe: {  	s30 =	smov.u32 s29;
	s29 =	sadd.s32 $0x10, s29  }
0xbf: {  	[tilespmem:v2+s19+$0x0] =	vst.idx.msk $0xffff, v3  }
0xc0: {  	v2 =	vld [tilespmem:s3+$0x0]  }
0xc1: {  	v3 =	vld [tilespmem:s5+$0x0];
	_ =	sdelay $0x3  }
0xc2: {  	v2 =	vshll.u32 v2, $0x2  }
0xc3: {  	v3 =	vshll.u32 v3, $0x2;
	_ =	sdelay $0x3  }
0xc4: {  	v4 =	vld.idx.msk [tilespmem:v2+s21+$0x0], $0xffff  }
0xc5: {  	v5 =	vmov s30;
	v6 =	vld.idx.msk [tilespmem:v3+s21+$0x0], $0xffff  }
0xc6: {  	v5 =	vshll.u32 v5, $0x7  }
0xc7: {  	v5 =	vor.u32 v1, v5  }
0xc8: {  	v7 =	vor.u32 $0x40, v5  }
0xc9: {  	v8 =	vor.u32 $0x1, v2;
	v9 =	vor.u32 $0x1, v3;
	_ =	sdelay $0x1  }
0xca: {  	v4 =	vsub.f32 v4, v6;
	_ =	sdelay $0x1  }
0xcb: {  	[tilespmem:v7+s19+$0x0] =	vst.idx.msk $0xffff, v4  }
0xcc: {  	v4 =	vld.idx.msk [tilespmem:v9+s21+$0x0], $0xffff  }
0xcd: {  	v6 =	vld.idx.msk [tilespmem:v8+s21+$0x0], $0xffff;
	_ =	sdelay $0x1  }
0xce: {  	v7 =	vor.u32 $0x41, v5;
	_ =	sdelay $0x1  }
0xcf: {  	v2 =	vor.u32 $0x2, v2;
	v8 =	vor.u32 $0x2, v3;
	_ =	sdelay $0x1  }
0xd0: {  	v3 =	vsub.f32 v6, v4  }
.Ltmp3:
0xd1: {  	(pc) =	sbr.rel @p0 .LBB2_9-.Ltmp3, $4  }
0xd2: {  	[tilespmem:v7+s19+$0x0] =	vst.idx.msk $0xffff, v3  }
0xd3: {  	v3 =	vld.idx.msk [tilespmem:v2+s21+$0x0], $0xffff  }
0xd4: {  	v4 =	vld.idx.msk [tilespmem:v8+s21+$0x0], $0xffff  }
0xd5: {  	v2 =	vor.u32 $0x42, v5  }
0xd6: {  	_ =	sdelay $0x2  }
0xd7: {  	v3 =	vsub.f32 v3, v4;
	_ =	sdelay $0x1  }
0xd8: {  	s5 =	simm.s32 $0x0;
	[tilespmem:v2+s19+$0x0] =	vst.idx.msk $0xffff, v3  }
0xd9: {  	v4 =	vld [tilespmem:s5+$0xA230]  }
0xda: {  	v6 =	vld [tilespmem:s5+$0xCA70]  }
0xdb: {  	v7 =	vld [tilespmem:s5+$0xA200]  }
0xdc: {  	v8 =	vld [tilespmem:s5+$0xCA40]  }
0xdd: {  	v3 =	vld [tilespmem:s5+$0xA210]  }
0xde: {  	v5 =	vld [tilespmem:s5+$0xCA50]  }
0xdf: {  	v2 =	vld [tilespmem:s5+$0xA220];
	v9 =	vsub.f32 v4, v6  }
0xe0: {  	s3 =	simm.s32 $0x80;
	v6 =	vld [tilespmem:s5+$0xCA60]  }
0xe1: {  	s29 =	simm.s32 $0x400;
	v4 =	vld [tilespmem:s3+$0xA230];
	v7 =	vsub.f32 v7, v8;
	[tilespmem:s5+$0x11A30] =	vst v9  }
.LBB2_11:
0xe2: {  	p0 =	sne.s32 s29, $0x9E00;
	v8 =	vld [tilespmem:s3+$0xCA70]  }
0xe3: {  	v9 =	vld [tilespmem:s3+$0xA200];
	[tilespmem:s5+$0x11A00] =	vst v7;
	v5 =	vsub.f32 v3, v5  }
0xe4: {  	v7 =	vld [tilespmem:s3+$0xCA40]  }
.Ltmp4:
0xe5: {  	v3 =	vld [tilespmem:s3+$0xA210];
	[tilespmem:s5+$0x11A10] =	vst v5;
	v6 =	vsub.f32 v2, v6;
	(pc) =	sbr.rel @p0 .LBB2_11-.Ltmp4, $4  }
0xe6: {  	v5 =	vld [tilespmem:s3+$0xCA50]  }
0xe7: {  	v2 =	vld [tilespmem:s3+$0xA220];
	v8 =	vsub.f32 v4, v8;
	[tilespmem:s5+$0x11A20] =	vst v6;
	s5 =	smov.u32 s3  }
0xe8: {  	s3 =	sshra.s32 s29, $0x2;
	v6 =	vld [tilespmem:s5+$0xCA60]  }
0xe9: {  	s29 =	sadd.s32 $0x200, s29;
	v4 =	vld [tilespmem:s3+$0xA230];
	v7 =	vsub.f32 v9, v7;
	[tilespmem:s5+$0x11A30] =	vst v8  }
0xea: {  	v8 =	vld [tilespmem:s3+$0xCA70]  }
0xeb: {  	v9 =	vld [tilespmem:s3+$0xA200];
	[tilespmem:s5+$0x11A00] =	vst v7;
	v3 =	vsub.f32 v3, v5  }
0xec: {  	v62 =	vld [tilespmem:s3+$0xCA40]  }
0xed: {  	v7 =	vld [tilespmem:s3+$0xA210];
	[tilespmem:s5+$0x11A10] =	vst v3;
	v2 =	vsub.f32 v2, v6  }
0xee: {  	v3 =	vld [tilespmem:s3+$0xCA50]  }
0xef: {  	v63 =	vld [tilespmem:s3+$0xA220];
	[tilespmem:s5+$0x11A20] =	vst v2  }
0xf0: {  	v2 =	vld [tilespmem:s3+$0xCA60];
	_ =	sdelay $0x1  }
0xf1: {  	v4 =	vsub.f32 v4, v8  }
0xf2: {  	v5 =	vsub.f32 v9, v62  }
0xf3: {  	[tilespmem:s3+$0x11A30] =	vst v4;
	v3 =	vsub.f32 v7, v3  }
0xf4: {  	s30 =	sadd.s32 s22, s11;
	p0 =	seq.s32 s20, $0x1E;
	[tilespmem:s3+$0x11A00] =	vst v5;
	v2 =	vsub.f32 v63, v2  }
.Ltmp5:
0xf5: {  	s5 =	sshll.u32 s30, $0x4;
	[tilespmem:s3+$0x11A10] =	vst v3;
	(pc) =	sbr.rel @p0 .LBB2_14-.Ltmp5, $4  }
0xf6: {  	s29 =	sadd.s32 s9, s5;
	[tilespmem:s3+$0x11A20] =	vst v2  }
0xf7: {  	[hbm4b:s29+s2] =	stream.linear.scatter [tilespmem:s19], [sflag:$0x6], $0x2800, $0x38;
	[tilespmem:$0x1DE80] =	vst v63  }
0xf8: {  	s30 =	sadd.s32 s10, s5  }
0xf9: {  	[hbm4b:s30+s2] =	stream.linear.scatter [tilespmem:s12], [sflag:$0x6], $0x2800, $0x38;
	[tilespmem:$0x1DE80] =	vst v63  }
0xfa: {  	s3 =	sadd.s32 s22, s17  }
.Ltmp6:
0xfb: {  	s3 =	sshrl.u32 s3, $0x3;
	(pc) =	sbr.rel .LBB2_4-.Ltmp6, $4  }
0xfc: {  	s5 =	sadd.s32 s6, s3  }
0xfd: {  	[tilespmem:s24], [sflag:$0x4] =	stream.linear.gather [hbm4b:s5+s2], $0x50, $0x38;
	[tilespmem:$0x1DE80] =	vst v63  }
0xfe: {  	s20 =	sadd.s32 $0x1, s20;
	s3 =	sadd.s32 s7, s3  }
0xff: {  	[tilespmem:s25], [sflag:$0x4] =	stream.linear.gather [hbm4b:s3+s2], $0x50, $0x38;
	[tilespmem:$0x1DE80] =	vst v63  }
.LBB2_14:
0x100: {  	_ =	swait.ge [sflag:s13], $0x2800  }
0x101: {  	[sflag:s13] =	ssyncset.done $0x0  }
0x102: {  	[sflag:s13] =	ssyncadd.s32 $0xFFFFD800  }
0x103: {  	_ =	swait.ge [sflag:s13], $0x2800  }
0x104: {  	[sflag:s13] =	ssyncset.done $0x0  }
0x105: {  	[sflag:s13] =	ssyncadd.s32 $0xFFFFD800  }
0x106: {  	_ =	swait.ge [sflag:s13], $0x2800  }
0x107: {  	[sflag:s13] =	ssyncset.done $0x0  }
0x108: {  	s3 =	simm.s32 $0x80;
	[sflag:s13] =	ssyncadd.s32 $0xFFFFD800  }
0x109: {  	s5 =	simm.s32 $0x0;
	v2 =	vld [tilespmem:s3+$0x0]  }
0x10a: {  	v3 =	vld [tilespmem:s5+$0x0];
	_ =	sdelay $0x3  }
0x10b: {  	v2 =	vshll.u32 v2, $0x2  }
0x10c: {  	v3 =	vshll.u32 v3, $0x2;
	_ =	sdelay $0x3  }
0x10d: {  	v5 =	vmov s5;
	v4 =	vld.idx.msk [tilespmem:v2+s21+$0x0], $0xffff  }
0x10e: {  	v5 =	vshll.u32 v5, $0x7;
	v6 =	vld.idx.msk [tilespmem:v3+s21+$0x0], $0xffff  }
0x10f: {  	v5 =	vor.u32 v1, v5  }
0x110: {  	v7 =	vor.u32 $0x40, v5  }
0x111: {  	v8 =	vor.u32 $0x1, v3  }
0x112: {  	v9 =	vor.u32 $0x1, v2  }
0x113: {  	v4 =	vsub.f32 v4, v6;
	_ =	sdelay $0x1  }
0x114: {  	[tilespmem:v7+s14+$0x0] =	vst.idx.msk $0xffff, v4  }
0x115: {  	v4 =	vld.idx.msk [tilespmem:v8+s21+$0x0], $0xffff  }
0x116: {  	v6 =	vld.idx.msk [tilespmem:v9+s21+$0x0], $0xffff;
	_ =	sdelay $0x1  }
0x117: {  	v7 =	vor.u32 $0x41, v5  }
0x118: {  	v2 =	vor.u32 $0x2, v2  }
0x119: {  	v63 =	vor.u32 $0x2, v3  }
0x11a: {  	v3 =	vsub.f32 v6, v4;
	_ =	sdelay $0x1  }
0x11b: {  	[tilespmem:v7+s14+$0x0] =	vst.idx.msk $0xffff, v3  }
0x11c: {  	v3 =	vld.idx.msk [tilespmem:v2+s21+$0x0], $0xffff  }
0x11d: {  	v4 =	vld.idx.msk [tilespmem:v63+s21+$0x0], $0xffff  }
0x11e: {  	s20 =	simm.s32 $0x10;
	v2 =	vor.u32 $0x42, v5  }
.LBB2_15:
0x11f: {  	_ =	sdelay $0x2  }
0x120: {  	p0 =	sne.s32 s20, $0x40;
	s3 =	sadd.s32 $0x10, s3;
	s5 =	sadd.s32 $0x10, s5;
	v3 =	vsub.f32 v3, v4  }
0x121: {  	s22 =	smov.u32 s20;
	s20 =	sadd.s32 $0x10, s20  }
0x122: {  	[tilespmem:v2+s14+$0x0] =	vst.idx.msk $0xffff, v3  }
0x123: {  	v2 =	vld [tilespmem:s3+$0x0]  }
0x124: {  	v3 =	vld [tilespmem:s5+$0x0];
	_ =	sdelay $0x3  }
0x125: {  	v2 =	vshll.u32 v2, $0x2  }
0x126: {  	v3 =	vshll.u32 v3, $0x2;
	_ =	sdelay $0x3  }
0x127: {  	v4 =	vld.idx.msk [tilespmem:v2+s21+$0x0], $0xffff  }
0x128: {  	v5 =	vmov s22;
	v6 =	vld.idx.msk [tilespmem:v3+s21+$0x0], $0xffff  }
0x129: {  	v5 =	vshll.u32 v5, $0x7  }
0x12a: {  	v5 =	vor.u32 v1, v5  }
0x12b: {  	v7 =	vor.u32 $0x40, v5  }
0x12c: {  	v8 =	vor.u32 $0x1, v2;
	v9 =	vor.u32 $0x1, v3;
	_ =	sdelay $0x1  }
0x12d: {  	v4 =	vsub.f32 v4, v6;
	_ =	sdelay $0x1  }
0x12e: {  	[tilespmem:v7+s14+$0x0] =	vst.idx.msk $0xffff, v4  }
0x12f: {  	v4 =	vld.idx.msk [tilespmem:v9+s21+$0x0], $0xffff  }
0x130: {  	v6 =	vld.idx.msk [tilespmem:v8+s21+$0x0], $0xffff;
	_ =	sdelay $0x1  }
0x131: {  	v7 =	vor.u32 $0x41, v5;
	_ =	sdelay $0x1  }
0x132: {  	v2 =	vor.u32 $0x2, v2;
	v8 =	vor.u32 $0x2, v3;
	_ =	sdelay $0x1  }
0x133: {  	v3 =	vsub.f32 v6, v4  }
.Ltmp7:
0x134: {  	(pc) =	sbr.rel @p0 .LBB2_15-.Ltmp7, $4  }
0x135: {  	[tilespmem:v7+s14+$0x0] =	vst.idx.msk $0xffff, v3  }
0x136: {  	v3 =	vld.idx.msk [tilespmem:v2+s21+$0x0], $0xffff  }
0x137: {  	v4 =	vld.idx.msk [tilespmem:v8+s21+$0x0], $0xffff  }
0x138: {  	v2 =	vor.u32 $0x42, v5  }
0x139: {  	_ =	sdelay $0x2  }
0x13a: {  	v3 =	vsub.f32 v3, v4;
	_ =	sdelay $0x1  }
0x13b: {  	s3 =	simm.s32 $0x0;
	[tilespmem:v2+s14+$0x0] =	vst.idx.msk $0xffff, v3  }
0x13c: {  	v4 =	vld [tilespmem:s3+$0x130]  }
0x13d: {  	v6 =	vld [tilespmem:s3+$0x2970]  }
0x13e: {  	v7 =	vld [tilespmem:s3+$0x100]  }
0x13f: {  	v8 =	vld [tilespmem:s3+$0x2940]  }
0x140: {  	v3 =	vld [tilespmem:s3+$0x110]  }
0x141: {  	v5 =	vld [tilespmem:s3+$0x2950]  }
0x142: {  	v2 =	vld [tilespmem:s3+$0x120];
	v9 =	vsub.f32 v4, v6  }
0x143: {  	s5 =	simm.s32 $0x80;
	v6 =	vld [tilespmem:s3+$0x2960]  }
0x144: {  	s20 =	simm.s32 $0x400;
	v4 =	vld [tilespmem:s5+$0x130];
	v7 =	vsub.f32 v7, v8;
	[tilespmem:s3+$0x7930] =	vst v9  }
.LBB2_17:
0x145: {  	p0 =	sne.s32 s20, $0x9E00;
	v8 =	vld [tilespmem:s5+$0x2970]  }
0x146: {  	v9 =	vld [tilespmem:s5+$0x100];
	[tilespmem:s3+$0x7900] =	vst v7;
	v5 =	vsub.f32 v3, v5  }
0x147: {  	v7 =	vld [tilespmem:s5+$0x2940]  }
.Ltmp8:
0x148: {  	v3 =	vld [tilespmem:s5+$0x110];
	[tilespmem:s3+$0x7910] =	vst v5;
	v6 =	vsub.f32 v2, v6;
	(pc) =	sbr.rel @p0 .LBB2_17-.Ltmp8, $4  }
0x149: {  	v5 =	vld [tilespmem:s5+$0x2950]  }
0x14a: {  	v2 =	vld [tilespmem:s5+$0x120];
	v8 =	vsub.f32 v4, v8;
	[tilespmem:s3+$0x7920] =	vst v6;
	s3 =	smov.u32 s5  }
0x14b: {  	s5 =	sshra.s32 s20, $0x2;
	v6 =	vld [tilespmem:s3+$0x2960]  }
0x14c: {  	s20 =	sadd.s32 $0x200, s20;
	v4 =	vld [tilespmem:s5+$0x130];
	v7 =	vsub.f32 v9, v7;
	[tilespmem:s3+$0x7930] =	vst v8  }
0x14d: {  	v8 =	vld [tilespmem:s5+$0x2970]  }
0x14e: {  	v9 =	vld [tilespmem:s5+$0x100];
	[tilespmem:s3+$0x7900] =	vst v7;
	v3 =	vsub.f32 v3, v5  }
0x14f: {  	v62 =	vld [tilespmem:s5+$0x2940]  }
0x150: {  	v7 =	vld [tilespmem:s5+$0x110];
	[tilespmem:s3+$0x7910] =	vst v3;
	v2 =	vsub.f32 v2, v6  }
0x151: {  	v3 =	vld [tilespmem:s5+$0x2950]  }
0x152: {  	v63 =	vld [tilespmem:s5+$0x120];
	[tilespmem:s3+$0x7920] =	vst v2  }
0x153: {  	v2 =	vld [tilespmem:s5+$0x2960];
	_ =	sdelay $0x1  }
0x154: {  	v4 =	vsub.f32 v4, v8  }
0x155: {  	v5 =	vsub.f32 v9, v62  }
0x156: {  	[tilespmem:s5+$0x7930] =	vst v4;
	v3 =	vsub.f32 v7, v3  }
0x157: {  	[tilespmem:s5+$0x7900] =	vst v5;
	v2 =	vsub.f32 v63, v2  }
0x158: {  	[tilespmem:s5+$0x7910] =	vst v3  }
0x159: {  	[tilespmem:s5+$0x7920] =	vst v2;
	s5 =	rddreg [dreg:$0x8]  }
0x15a: {  	[hbm4b:s5+s2] =	stream.linear.scatter [tilespmem:s14], [sflag:$0x3], $0x2800, $0x38;
	[tilespmem:$0x1DE80] =	vst v63  }
0x15b: {  	s20 =	rddreg [dreg:$0x9];
	s22 =	simm.s32 $0x6  }
0x15c: {  	[hbm4b:s20+s2] =	stream.linear.scatter [tilespmem:s31], [sflag:$0x3], $0x2800, $0x38;
	[tilespmem:$0x1DE80] =	vst v63  }
0x15d: {  	_ =	swait.ge [sflag:s22], $0x2800  }
0x15e: {  	[sflag:s22] =	ssyncset.done $0x0  }
0x15f: {  	[sflag:s22] =	ssyncadd.s32 $0xFFFFD800  }
0x160: {  	_ =	swait.ge [sflag:s22], $0x2800  }
0x161: {  	[sflag:s22] =	ssyncset.done $0x0  }
0x162: {  	[sflag:s22] =	ssyncadd.s32 $0xFFFFD800  }
0x163: {  	_ =	swait.ge [sflag:s15], $0x2800  }
0x164: {  	[sflag:s15] =	ssyncset.done $0x0  }
0x165: {  	[sflag:s15] =	ssyncadd.s32 $0xFFFFD800  }
0x166: {  	_ =	swait.ge [sflag:s15], $0x2800  }
0x167: {  	s29 =	rddreg [dreg:$0xb]  }
0x168: {  	s30 =	rddreg [dreg:$0xa];
	s5 =	sadd.s32 $0x1, s29  }
0x169: {  	p0 =	sne.s32 s5, s30  }
.Ltmp9:
0x16a: {  	_ = 	snop;
	(pc) =	sbr.rel @p0 .LBB2_1-.Ltmp9, $3  }
0x16b: {  	_ =	sdelay $0x1  }
0x16c: {  	[sflag:s15] =	ssyncset.done $0x0  }
0x16d: {  	[sflag:s15] =	ssyncadd.s32 $0xFFFFD800  }
0x16e: {  	_ =	sfence.sel $0x180000  }
0x16f: {  	[bflag:$0x0] =	sbarrier.arrive $0xFFFF  }
0x170: {  	_ =	strace $0x90000047  }
0x171: {  	s0 =	stileid.u32;
	[bflag:$0x2] =	sbarrier.arrive $0xFFFF  }
0x172: {  	p0 =	sne.s32 s0, $0x0;
	s0 =	rddreg [dreg:$0x2]  }
0x173: {  	s0 =	sadd.s32 @!p0 $0x100000, s0  }
0x174: {  	[sflag:s0] =	ssyncadd.tile.s32 @!p0 $0x1;
	_ =	shalt  }
.Lfunc_end2:
_tile_overlayer_lowered:
.L_overlay_start_2:
0x175: {  	(tag) =	ssettag $0x2  }
0x176: {  	s0 =	rddreg [dreg:$0x0];
	s2 =	stileid.u32  }
0x177: {  	s1 =	rddreg [dreg:$0x1];
	p0 =	sne.s32 s2, $0x0  }
0x178: {  	s3 =	rddreg [dreg:$0x2];
	[bflag:$0x3] =	sbarrier.arrive $0xFFFF;
	s2 =	simm.s32 @!p0 $0x1C07  }
0x179: {  	[timem:s3], [sflag:s2] =	dma.local @!p0 [hbm:s0], s1  }
0x17a: {  	s0 =	simm.s32 @!p0 $0x7  }
0x17b: {  	_ =	swait.ge @!p0 [sflag:s0], s1  }
0x17c: {  	s1 =	ssub.s32 @!p0 $0x0, s1;
	[sflag:s0] =	ssyncset.done @!p0 $0x0  }
0x17d: {  	[sflag:s0] =	ssyncadd.s32 @!p0 s1  }
0x17e: {  	[bflag:$0x3] =	sbarrier.arrive $0xFFFF  }
0x17f: {  	_ =	shalt  }

// kernel: kernel.13.cloned.1.call-start
scs
__scs_entry_jumppad:
0x0: {  	(pc) =	sbr.rel $0x88, $3  }
0x1: {  	(tag) =	ssettag $0x0;
	lr =	simm.s32 $0x1  }
0x2: {  	[smem:$0x3F8F] =	sst lr;
	_ =	strace $0xD0000000  }
0x3: {  	_ = 	snop  }
0x4: {  	_ = 	snop  }
0x5: {  	_ = 	snop  }
0x6: {  	_ = 	snop  }
0x7: {  	_ = 	snop  }
__scs_overlays_trampoline_lowered:
0x8: {  	[smem:$0x3F9E] =	sst s0  }
0x9: {  	[smem:$0x3F9F] =	sst s1  }
0xa: {  	[smem:$0x3FA0] =	sst s2  }
0xb: {  	[smem:$0x3FA1] =	sst s3  }
0xc: {  	[smem:$0x3FA2] =	sst s4  }
0xd: {  	[smem:$0x3FA3] =	sst s5  }
0xe: {  	[smem:$0x3FA4] =	sst s6  }
0xf: {  	[smem:$0x3FA5] =	sst s7  }
0x10: {  	[smem:$0x3FA6] =	sst s8  }
0x11: {  	[smem:$0x3FA7] =	sst s9;
	s0 =	simm.s32 @!p0 $0x0  }
0x12: {  	s1 =	sld [smem:$0x3F8D];
	s0 =	simm.s32 @p0 $0x1  }
0x13: {  	[smem:$0x3FA8] =	sst s0;
	s0 =	simm.s32 @!p1 $0x0  }
0x14: {  	s2 =	sld [smem:$0x3F8C];
	s0 =	simm.s32 @p1 $0x1  }
0x15: {  	[smem:$0x3FA9] =	sst s0;
	s0 =	simm.s32 @!p2 $0x0  }
0x16: {  	s3 =	sld [smem:$0x3FDB];
	s0 =	simm.s32 @p2 $0x1  }
0x17: {  	s4 =	simm.s32 $0x1BF5;
	[smem:$0x3FAB] =	sst s0  }
0x18: {  	s0 =	sld [smem:$0x3F8E];
	_ =	swait.ge [sflag:s4], $0x0  }
0x19: {  	s7 =	sld [smem:$0x3F8F]  }
0x1a: {  	s8 =	sadd.s32 $0xFFFFE003, lr  }
0x1b: {  	s9 =	sadd.s32 $0xFFFFFEF7, lr;
	s5 =	simm.s32 $0xFFFFFFFF;
	p2 =	slt.u32 s8, $0xFFFFF086  }
0x1c: {  	p1 =	slt.u32 s9, $0xF7A;
	s5 =	simm.s32 @!p2 $0x0  }
0x1d: {  	s5 =	simm.s32 @p1 $0x1;
	p0 =	seq.s32 s7, s2  }
0x1e: {  	s7 =	smul.u32 @!p0 $0xF7A, s2;
	p2 =	seq.s32 @!p0 s5, $0x0  }
0x1f: {  	s9 =	smul.u32 $0xF7A, s1;
	s8 =	simm.s32 @!p0 $0x1BF5;
	p2 =	por !p2, p0  }
0x20: {  	[sflag:s8] =	ssyncset.s32 @!p0 $0xFFFFF086;
	s6 =	sadd.s32 @!p0 s3, s7;
	s7 =	simm.s32 @!p0 $0x108  }
0x21: {  	s3 =	sadd.s32 s3, s9;
	s6 =	sadd.s32 @!p0 $0x88, s6;
	s7 =	simm.s32 @p2 $0x1082  }
0x22: {  	[simem:s7], [sflag:s8] =	dma.local @!p0 [hbm:s6], $0xF7A  }
0x23: {  	s9 =	sor.u32 $0xD0000000, s2;
	s6 =	simm.s32 $0x108;
	_ =	swait.ge @!p0 [sflag:s8], $0x0  }
0x24: {  	s3 =	sadd.s32 $0x88, s3;
	s6 =	simm.s32 @!p1 $0x1082;
	[sflag:s4] =	ssyncset.s32 $0xFFFFF086  }
0x25: {  	[simem:s6], [sflag:s4] =	dma.local [hbm:s3], $0xF7A  }
0x26: {  	[smem:$0x3F8F] =	sst s1;
	(tag) =	ssettag s2;
	_ =	strace s9  }
0x27: {  	s1 =	sld [smem:$0x3F9F]  }
0x28: {  	s2 =	sld [smem:$0x3FA0]  }
0x29: {  	s4 =	sld [smem:$0x3FA2]  }
0x2a: {  	p0 =	seq.s32 s5, $0x0;
	s5 =	sld [smem:$0x3FA3]  }
0x2b: {  	s6 =	sld [smem:$0x3FA4]  }
0x2c: {  	s7 =	sld [smem:$0x3FA5]  }
0x2d: {  	s3 =	simm.s32 $0x108;
	s8 =	sld [smem:$0x3FA6]  }
0x2e: {  	s3 =	simm.s32 @!p0 $0x1082;
	s9 =	sld [smem:$0x3FA7]  }
0x2f: {  	lr =	sadd.s32 s0, s3;
	s0 =	sld [smem:$0x3F9E]  }
0x30: {  	s3 =	sld [smem:$0x3FA1]  }
0x31: {  	[smem:$0x3FAA] =	sst s10  }
0x32: {  	s10 =	sld [smem:$0x3FA8];
	_ =	sdelay $0x3  }
0x33: {  	p0 =	seq.s32 s10, $0x1;
	s10 =	sld [smem:$0x3FAA];
	_ =	sdelay $0x3  }
0x34: {  	[smem:$0x3FAA] =	sst s10  }
0x35: {  	s10 =	sld [smem:$0x3FA9];
	_ =	sdelay $0x3  }
0x36: {  	p1 =	seq.s32 s10, $0x1;
	s10 =	sld [smem:$0x3FAA];
	_ =	sdelay $0x3  }
0x37: {  	[smem:$0x3FAA] =	sst s10  }
0x38: {  	s10 =	sld [smem:$0x3FAB]  }
0x39: {  	_ = 	snop;
	(pc) =	sbr.ind lr, $3  }
0x3a: {  	_ = 	snop  }
0x3b: {  	_ = 	snop  }
0x3c: {  	p2 =	seq.s32 s10, $0x1;
	s10 =	sld [smem:$0x3FAA]  }
0x3d: {  	_ =	shalt  }
0x3e: {  	_ =	shalt  }
0x3f: {  	_ =	shalt  }
0x40: {  	_ =	shalt  }
0x41: {  	_ =	shalt  }
0x42: {  	_ =	shalt  }
0x43: {  	_ =	shalt  }
0x44: {  	_ =	shalt  }
0x45: {  	_ =	shalt  }
0x46: {  	_ =	shalt  }
0x47: {  	_ =	shalt  }
0x48: {  	_ =	shalt  }
0x49: {  	_ =	shalt  }
0x4a: {  	_ =	shalt  }
0x4b: {  	_ =	shalt  }
0x4c: {  	_ =	shalt  }
0x4d: {  	_ =	shalt  }
0x4e: {  	_ =	shalt  }
0x4f: {  	_ =	shalt  }
0x50: {  	_ =	shalt  }
0x51: {  	_ =	shalt  }
0x52: {  	_ =	shalt  }
0x53: {  	_ =	shalt  }
0x54: {  	_ =	shalt  }
0x55: {  	_ =	shalt  }
0x56: {  	_ =	shalt  }
0x57: {  	_ =	shalt  }
0x58: {  	_ =	shalt  }
0x59: {  	_ =	shalt  }
0x5a: {  	_ =	shalt  }
0x5b: {  	_ =	shalt  }
0x5c: {  	_ =	shalt  }
0x5d: {  	_ =	shalt  }
0x5e: {  	_ =	shalt  }
0x5f: {  	_ =	shalt  }
0x60: {  	_ =	shalt  }
0x61: {  	_ =	shalt  }
0x62: {  	_ =	shalt  }
0x63: {  	_ =	shalt  }
0x64: {  	_ =	shalt  }
0x65: {  	_ =	shalt  }
0x66: {  	_ =	shalt  }
0x67: {  	_ =	shalt  }
0x68: {  	_ =	shalt  }
0x69: {  	_ =	shalt  }
0x6a: {  	_ =	shalt  }
0x6b: {  	_ =	shalt  }
0x6c: {  	_ =	shalt  }
0x6d: {  	_ =	shalt  }
0x6e: {  	_ =	shalt  }
0x6f: {  	_ =	shalt  }
0x70: {  	_ =	shalt  }
0x71: {  	_ =	shalt  }
0x72: {  	_ =	shalt  }
0x73: {  	_ =	shalt  }
0x74: {  	_ =	shalt  }
0x75: {  	_ =	shalt  }
0x76: {  	_ =	shalt  }
0x77: {  	_ =	shalt  }
0x78: {  	_ =	shalt  }
0x79: {  	_ =	shalt  }
0x7a: {  	_ =	shalt  }
0x7b: {  	_ =	shalt  }
0x7c: {  	_ =	shalt  }
0x7d: {  	_ =	shalt  }
0x7e: {  	_ =	shalt  }
0x7f: {  	_ =	shalt  }
0x80: {  	_ =	shalt  }
0x81: {  	_ =	shalt  }
0x82: {  	_ =	shalt  }
0x83: {  	_ =	shalt  }
0x84: {  	_ =	shalt  }
0x85: {  	_ =	shalt  }
0x86: {  	_ =	shalt  }
0x87: {  	_ =	shalt  }
.Lfunc_end0:
.L_simem_size_0:
called_computation.1_lowered:
.L_overlay_start_0:
0x88: {  	s2 =	sld [smem:$0x3FD9]  }
0x89: {  	s3 =	sld [smem:$0x3FFE];
	_ =	sdelay $0x1  }
0x8a: {  	s1 =	srdreg.scid  }
0x8b: {  	s0 =	sand.u32 $0x1, s1  }
0x8c: {  	s17 =	sshll.u32 s0, $0xA;
	s2 =	sadd.s32 s3, s2  }
0x8d: {  	s2 =	sadd.s32 s2, s17  }
0x8e: {  	[smem:$0x3FB6] =	sst s2  }
0x8f: {  	_ = 	snop  }
0x90: {  	s2 =	sld [smem:$0x3FD0];
	(tm) =	ssettm $0x1  }
0x91: {  	s18 =	sld [smem:$0x3FFB];
	_ =	sdelay $0x3  }
0x92: {  	_ =	strace s18  }
0x93: {  	s3 =	sld [smem:$0x3FFC];
	_ =	sdelay $0x3  }
0x94: {  	_ =	strace s3  }
0x95: {  	s3 =	sld [smem:$0x3FFD];
	_ =	sdelay $0x3  }
0x96: {  	_ =	strace s3  }
0x97: {  	_ =	strace $0x8FFFFFFF  }
0x98: {  	s19 =	sld [smem:$0x3FDB];
	_ =	sdelay $0x1  }
0x99: {  	s4 =	simm.s32 $_scs_section_size  }
0x9a: {  	s5 =	simm.s32 $_size__tile_overlayer_lowered;
	s6 =	simm.s32 $_tile_overlayer_lowered  }
0x9b: {  	s22 =	simm.s32 $0x1BFF;
	s21 =	sshll.u32 s6, $0x1;
	s3 =	sadd.s32 s4, s19  }
0x9c: {  	s7 =	simm.s32 $0x0;
	s20 =	sshll.u32 s5, $0x1;
	s5 =	sadd.s32 s21, s3  }
0x9d: {  	[timem:s7], [sflag:s22] =	dma.local [hbm:s5], s20  }
0x9e: {  	_ =	swait.ge [sflag:s22], s20  }
0x9f: {  	s4 =	ssub.s32 $0x0, s20;
	[sflag:s22] =	ssyncset.done $0x0  }
0xa0: {  	[sflag:s22] =	ssyncadd.s32 s4;
	_ =	sdelay $0x1  }
0xa1: {  	s23 =	simm.s32 $0x1B8B  }
0xa2: {  	_ =	swait.ge [sflag:s23], $0x1  }
0xa3: {  	[sflag:s23] =	ssyncset.done $0x0  }
0xa4: {  	s25 =	simm.s32 $0x1B8E;
	s24 =	sld [smem:$0x3FFE];
	[sflag:s23] =	ssyncadd.s32 $0xFFFFFFFF  }
0xa5: {  	s26 =	simm.s32 $execute0_lowered;
	[smem:$0x3FD2] =	sst s25  }
0xa6: {  	s5 =	sshll.u32 s26, $0x1;
	_ =	strace $0x80000049;
	[dreg:$0x1] =	wrdreg $0xFFFFFFFF  }
0xa7: {  	s28 =	simm.s32 $_size_execute0_lowered;
	s3 =	sadd.s32 s3, s5;
	[dreg:$0x0] =	wrdreg $0x0  }
0xa8: {  	s5 =	sshll.u32 s28, $0x1;
	[dreg:$0x2] =	wrdreg s3  }
0xa9: {  	[dreg:$0x3] =	wrdreg s5  }
0xaa: {  	[dreg:$0x4] =	wrdreg $0xC0  }
0xab: {  	_ =	task [dreg:s7], $0x5FFFF  }
0xac: {  	[dreg:$0x1] =	wrdreg $0xFFFFFFFF  }
0xad: {  	[dreg:$0x0] =	wrdreg $0x60  }
0xae: {  	[dreg:$0x2] =	wrdreg s2  }
0xaf: {  	[dreg:$0x3] =	wrdreg s24  }
0xb0: {  	[dreg:$0x4] =	wrdreg $0x9  }
0xb1: {  	_ =	task.clear_ibuf [dreg:s7], $0x5FFFF;
	_ =	strace $0x90000049  }
0xb2: {  	s29 =	simm.s32 $0x9;
	_ =	strace $0x8000004B  }
0xb3: {  	_ =	swait.ge [sflag:s29], $0x1  }
0xb4: {  	[sflag:s29] =	ssyncadd.s32 $0xFFFFFFFF  }
0xb5: {  	_ =	strace $0x9000004B  }
0xb6: {  	_ =	sfence  }
0xb7: {  	s30 =	sld [smem:$0x0];
	_ =	sdelay $0x2  }
0xb8: {  	s31 =	sshll.u32 s1, $0xD;
	s1 =	sshrl.u32 s1, $0x2  }
0xb9: {  	s3 =	sand.u32 $0x4000, s31;
	s1 =	sadd.s32 s1, s30  }
0xba: {  	s0 =	sor.u32 s3, s0;
	s1 =	sshll.u32 s1, $0x11  }
0xbb: {  	s0 =	sor.u32 s1, s0  }
0xbc: {  	s0 =	sadd.s32 $0x8F2B, s0  }
0xbd: {  	[sflag:s0] =	ssyncadd.remote.s32 $0x1  }
0xbe: {  	_ =	sfence.sel $0xFFFF  }
0xbf: {  	[dreg:$0x0] =	wrdreg $0xFFFFFFFF;
	(pc) =	sbr.abs _section_cstart, $3  }
0xc0: {  	[dreg:$0x1] =	wrdreg $0xFFFFFFFF  }
0xc1: {  	_ =	task.clear_ibuf [dreg:s7], $0x2FFFF;
	_ =	strace $0x9FFFFFFF  }
0xc2: {  	(tm) =	ssettm $0x7FFFFFFF  }
0xc3: {  	_ =	shalt  }
tec
execute0_lowered:
.L_overlay_start_1:
0x0: {  	(tag) =	ssettag $0x1  }
0x1: {  	s1 =	rddreg [dreg:$0x0]  }
0x2: {  	s0 =	rddreg [dreg:$0x1];
	s2 =	simm.s32 $0x0  }
0x3: {  	s3 =	srdreg.scid;
	s5 =	stileid.u32;
	s28 =	simm.s32 $0xA180  }
0x4: {  	s29 =	simm.s32 $0x1;
	s30 =	simm.s32 $0x50;
	s14 =	simm.s32 $0xF200  }
0x5: {  	s15 =	simm.s32 $0x2;
	s18 =	simm.s32 $0x7900;
	s19 =	simm.s32 $0x3  }
0x6: {  	[smem:$0x7FF] =	sst s2;
	s4 =	sadd.s32 $0x10400, s0;
	s3 =	sand.u32 $0x1, s3  }
0x7: {  	s5 =	sshll.u32 s5, $0x1;
	s7 =	sadd.s32 $0x523800, s0;
	s9 =	sadd.s32 $0x52D400, s0  }
0x8: {  	s10 =	sadd.s32 $0x799400, s0;
	s11 =	ssub.s32 $0x2, s3;
	s3 =	sor.u32 s3, s5  }
0x9: {  	s6 =	sadd.s32 $0xF000, s0;
	_ =	strace $0x8000004A;
	s8 =	smul.u32 $0x1360, s3  }
0xa: {  	[dreg:$0x3] =	wrdreg s6;
	s20 =	sshrl.u32 s11, $0x1;
	s3 =	smul.u32 $0x9B000, s3  }
0xb: {  	s6 =	sadd.s32 $0x528600, s0;
	s21 =	ssub.s32 s11, s20;
	s20 =	simm.s32 $0x5  }
0xc: {  	s22 =	sshrl.u32 s8, $0x3;
	s11 =	sadd.s32 $0x50, s8;
	s3 =	sshrl.u32 s3, $0x3  }
0xd: {  	s16 =	sadd.s32 $0xA0, s8;
	s17 =	sadd.s32 $0xF0, s8;
	s0 =	smax.u32 s21, $0x1  }
0xe: {  	s21 =	simm.s32 $0x11A00;
	s12 =	sadd.s32 s6, s22;
	[dreg:$0xc] =	wrdreg s0  }
0xf: {  	s5 =	sadd.s32 s7, s22;
	s23 =	sshrl.u32 s11, $0x3;
	[dreg:$0x4] =	wrdreg s12  }
0x10: {  	s25 =	sadd.s32 $0x12C00, s3;
	[dreg:$0x5] =	wrdreg s5;
	s24 =	sadd.s32 s6, s23  }
0x11: {  	s3 =	sadd.s32 $0x13100, s3;
	s5 =	sadd.s32 s7, s23;
	[dreg:$0x6] =	wrdreg s24  }
0x12: {  	s26 =	sadd.s32 s9, s25;
	s31 =	sadd.s32 s9, s3;
	[dreg:$0x7] =	wrdreg s5  }
0x13: {  	s3 =	sadd.s32 s10, s3;
	s23 =	simm.s32 $0x14200;
	[dreg:$0x8] =	wrdreg s26  }
0x14: {  	s12 =	simm.s32 $0x0;
	s5 =	sadd.s32 s10, s25;
	[dreg:$0xa] =	wrdreg s31  }
0x15: {  	v1 =	vlaneseq.u32;
	[dreg:$0xb] =	wrdreg s3;
	s25 =	simm.s32 $0x80;
	s26 =	simm.s32 $0xA100  }
0x16: {  	v0 =	vimm.f32 $0.0e+00;
	v1 =	vmul.u32 $0x80, v1;
	s3 =	simm.s32 $0x5100;
	[dreg:$0x9] =	wrdreg s5;
	s5 =	simm.s32 $0x4  }
.LBB2_1:
0x17: {  	[dreg:$0xd] =	wrdreg s12  }
0x18: {  	s0 =	rddreg [dreg:$0x3];
	s31 =	simm.s32 $0x7  }
0x19: {  	[tilespmem:s23], [sflag:$0x7] =	stream.linear.gather [hbm4b:s0+s2], $0x9C80, $0x38;
	[tilespmem:$0x1DE80] =	vst v63  }
0x1a: {  	_ =	swait.ge [sflag:s31], $0x9C80  }
0x1b: {  	[sflag:s31] =	ssyncset.done $0x0  }
0x1c: {  	s12 =	simm.s32 $0x40;
	s0 =	simm.s32 $0x300;
	[sflag:s31] =	ssyncadd.s32 $0xFFFF6380  }
.LBB2_2:
0x1d: {  	p0 =	sne.s32 s0, $0x9F00;
	[tilespmem:s12+$0x7900] =	vst v0;
	s22 =	smov.u32 s0;
	s0 =	sadd.s32 $0x200, s0  }
.Ltmp0:
0x1e: {  	[tilespmem:s12+$0x11A00] =	vst v0;
	(pc) =	sbr.rel @p0 .LBB2_2-.Ltmp0, $2  }
0x1f: {  	_ =	sdelay $0x2  }
0x20: {  	s12 =	sshra.s32 s22, $0x2  }
0x21: {  	[tilespmem:s12+$0x7900] =	vst v0  }
0x22: {  	[tilespmem:s12+$0x11A00] =	vst v0;
	s22 =	simm.s32 $0x0;
	s0 =	rddreg [dreg:$0x4]  }
0x23: {  	[tilespmem:s22], [sflag:$0x1] =	stream.linear.gather [hbm4b:s0+s22], $0x50, $0x38;
	[tilespmem:$0x1DE80] =	vst v63  }
0x24: {  	s31 =	rddreg [dreg:$0x5]  }
0x25: {  	[tilespmem:s25], [sflag:$0x1] =	stream.linear.gather [hbm4b:s31+s22], $0x50, $0x38;
	[tilespmem:$0x1DE80] =	vst v63  }
0x26: {  	s12 =	rddreg [dreg:$0x6]  }
0x27: {  	[tilespmem:s26], [sflag:$0x4] =	stream.linear.gather [hbm4b:s12+s22], $0x50, $0x38;
	[tilespmem:$0x1DE80] =	vst v63  }
0x28: {  	s13 =	rddreg [dreg:$0x7]  }
0x29: {  	[tilespmem:s28], [sflag:$0x4] =	stream.linear.gather [hbm4b:s13+s22], $0x50, $0x38;
	[tilespmem:$0x1DE80] =	vst v63  }
0x2a: {  	_ =	swait.ge [sflag:s29], $0x50  }
0x2b: {  	[sflag:s29] =	ssyncset.done $0x0  }
0x2c: {  	[sflag:s29] =	ssyncadd.s32 $0xFFFFFFB0  }
0x2d: {  	_ =	swait.ge [sflag:s29], $0x50  }
0x2e: {  	[sflag:s29] =	ssyncset.done $0x0  }
0x2f: {  	s24 =	simm.s32 $0x100;
	[sflag:s29] =	ssyncadd.s32 $0xFFFFFFB0  }
0x30: {  	[tilespmem:s24], [sflag:$0x2] =	stream.indirect.gather [hbm4b:s1+s30], $0x80, s25, s30, $0xb8;
	[tilespmem:$0x1DE80] =	vst v63  }
0x31: {  	s31 =	simm.s32 $0x2900  }
0x32: {  	[tilespmem:s31], [sflag:$0x2] =	stream.indirect.gather [hbm4b:s1+s30], $0x80, s22, s30, $0xb8;
	[tilespmem:$0x1DE80] =	vst v63  }
0x33: {  	_ = 	snop  }
0x34: {  	[tilespmem:s3], [sflag:$0x2] =	stream.indirect.gather [hbm4b:s4+s30], $0x80, s22, s30, $0xb8;
	[tilespmem:$0x1DE80] =	vst v63  }
.LBB2_4:
0x35: {  	_ =	swait.ge [sflag:s5], $0x50  }
0x36: {  	[sflag:s5] =	ssyncset.done $0x0  }
0x37: {  	[sflag:s5] =	ssyncadd.s32 $0xFFFFFFB0  }
0x38: {  	_ =	swait.ge [sflag:s5], $0x50  }
0x39: {  	[sflag:s5] =	ssyncset.done $0x0  }
0x3a: {  	s0 =	simm.s32 $0xA200;
	p0 =	seq.s32 s22, $0x0;
	[sflag:s5] =	ssyncadd.s32 $0xFFFFFFB0  }
0x3b: {  	[tilespmem:s0], [sflag:$0x5] =	stream.indirect.gather [hbm4b:s1+s30], $0x80, s28, s30, $0xb8;
	[tilespmem:$0x1DE80] =	vst v63  }
0x3c: {  	s31 =	simm.s32 $0xCA00;
	s0 =	simm.s32 @!p0 $0x6  }
0x3d: {  	[tilespmem:s31], [sflag:$0x5] =	stream.indirect.gather [hbm4b:s1+s30], $0x80, s26, s30, $0xb8;
	[tilespmem:$0x1DE80] =	vst v63  }
0x3e: {  	_ =	swait.ge @!p0 [sflag:s0], $0x2800  }
0x3f: {  	[sflag:s0] =	ssyncset.done @!p0 $0x0  }
0x40: {  	[sflag:s0] =	ssyncadd.s32 @!p0 $0xFFFFD800  }
0x41: {  	_ =	swait.ge @!p0 [sflag:s0], $0x2800  }
0x42: {  	[sflag:s0] =	ssyncset.done @!p0 $0x0  }
0x43: {  	[sflag:s0] =	ssyncadd.s32 @!p0 $0xFFFFD800  }
0x44: {  	[tilespmem:s14], [sflag:$0x5] =	stream.indirect.gather [hbm4b:s4+s30], $0x80, s26, s30, $0xb8;
	[tilespmem:$0x1DE80] =	vst v63  }
0x45: {  	_ =	swait.ge [sflag:s15], $0x2800  }
0x46: {  	[sflag:s15] =	ssyncset.done $0x0  }
0x47: {  	[sflag:s15] =	ssyncadd.s32 $0xFFFFD800  }
0x48: {  	_ =	swait.ge [sflag:s15], $0x2800  }
0x49: {  	[sflag:s15] =	ssyncset.done $0x0  }
0x4a: {  	[sflag:s15] =	ssyncadd.s32 $0xFFFFD800  }
0x4b: {  	_ =	swait.ge [sflag:s15], $0x2800  }
0x4c: {  	s12 =	simm.s32 $0x0;
	[sflag:s15] =	ssyncset.done $0x0  }
0x4d: {  	s24 =	simm.s32 $0x0;
	s0 =	simm.s32 $0x80;
	[sflag:s15] =	ssyncadd.s32 $0xFFFFD800  }
.LBB2_5:
0x4e: {  	v2 =	vld [tilespmem:s0+$0x0]  }
0x4f: {  	v3 =	vld [tilespmem:s12+$0x0];
	_ =	sdelay $0x3  }
0x50: {  	v2 =	vshll.u32 v2, $0x2  }
0x51: {  	v3 =	vshll.u32 v3, $0x2;
	_ =	sdelay $0x3  }
0x52: {  	v4 =	vmov s24;
	v5 =	vld.idx.msk [tilespmem:v2+s23+$0x0], $0xffff  }
0x53: {  	v4 =	vshll.u32 v4, $0x7;
	v6 =	vld.idx.msk [tilespmem:v3+s23+$0x0], $0xffff  }
0x54: {  	v4 =	vor.u32 v1, v4  }
0x55: {  	v7 =	vor.u32 $0x40, v4  }
0x56: {  	v8 =	vor.u32 $0x1, v2  }
0x57: {  	v9 =	vor.u32 $0x1, v3  }
0x58: {  	v5 =	vsub.f32 v5, v6;
	_ =	sdelay $0x1  }
0x59: {  	[tilespmem:v7+s18+$0x0] =	vst.idx.msk $0xffff, v5  }
0x5a: {  	v5 =	vld.idx.msk [tilespmem:v8+s23+$0x0], $0xffff  }
0x5b: {  	v62 =	vld.idx.msk [tilespmem:v9+s23+$0x0], $0xffff;
	_ =	sdelay $0x1  }
0x5c: {  	v63 =	vor.u32 $0x41, v4  }
0x5d: {  	v2 =	vor.u32 $0x2, v2  }
0x5e: {  	v3 =	vor.u32 $0x2, v3  }
0x5f: {  	v5 =	vsub.f32 v5, v62;
	_ =	sdelay $0x1  }
0x60: {  	[tilespmem:v63+s18+$0x0] =	vst.idx.msk $0xffff, v5  }
0x61: {  	v2 =	vld.idx.msk [tilespmem:v2+s23+$0x0], $0xffff  }
0x62: {  	v3 =	vld.idx.msk [tilespmem:v3+s23+$0x0], $0xffff;
	_ =	sdelay $0x1  }
0x63: {  	p0 =	sne.s32 s24, $0x40;
	v4 =	vor.u32 $0x42, v4  }
.Ltmp1:
0x64: {  	_ = 	snop;
	(pc) =	sbr.rel @p0 .LBB2_5-.Ltmp1, $3  }
0x65: {  	_ = 	snop  }
0x66: {  	v2 =	vsub.f32 v2, v3;
	_ =	sdelay $0x1  }
0x67: {  	s0 =	sadd.s32 $0x10, s0;
	s12 =	sadd.s32 $0x10, s12;
	s24 =	sadd.s32 $0x10, s24;
	[tilespmem:v4+s18+$0x0] =	vst.idx.msk $0xffff, v2  }
0x68: {  	s12 =	simm.s32 $0x0  }
0x69: {  	v4 =	vld [tilespmem:s12+$0x130]  }
0x6a: {  	v6 =	vld [tilespmem:s12+$0x2970]  }
0x6b: {  	v7 =	vld [tilespmem:s12+$0x100]  }
0x6c: {  	v8 =	vld [tilespmem:s12+$0x2940]  }
0x6d: {  	v3 =	vld [tilespmem:s12+$0x110]  }
0x6e: {  	v5 =	vld [tilespmem:s12+$0x2950]  }
0x6f: {  	v2 =	vld [tilespmem:s12+$0x120];
	v9 =	vsub.f32 v4, v6  }
0x70: {  	s0 =	simm.s32 $0x80;
	v6 =	vld [tilespmem:s12+$0x2960]  }
0x71: {  	s24 =	simm.s32 $0x400;
	v4 =	vld [tilespmem:s0+$0x130];
	v7 =	vsub.f32 v7, v8;
	[tilespmem:s12+$0x7930] =	vst v9  }
.LBB2_7:
0x72: {  	p0 =	sne.s32 s24, $0x9E00;
	v8 =	vld [tilespmem:s0+$0x2970]  }
0x73: {  	v9 =	vld [tilespmem:s0+$0x100];
	[tilespmem:s12+$0x7900] =	vst v7;
	v5 =	vsub.f32 v3, v5  }
0x74: {  	v7 =	vld [tilespmem:s0+$0x2940]  }
.Ltmp2:
0x75: {  	v3 =	vld [tilespmem:s0+$0x110];
	[tilespmem:s12+$0x7910] =	vst v5;
	v6 =	vsub.f32 v2, v6;
	(pc) =	sbr.rel @p0 .LBB2_7-.Ltmp2, $4  }
0x76: {  	v5 =	vld [tilespmem:s0+$0x2950]  }
0x77: {  	v2 =	vld [tilespmem:s0+$0x120];
	v8 =	vsub.f32 v4, v8;
	[tilespmem:s12+$0x7920] =	vst v6;
	s12 =	smov.u32 s0  }
0x78: {  	s0 =	sshra.s32 s24, $0x2;
	v6 =	vld [tilespmem:s12+$0x2960]  }
0x79: {  	s24 =	sadd.s32 $0x200, s24;
	v4 =	vld [tilespmem:s0+$0x130];
	v7 =	vsub.f32 v9, v7;
	[tilespmem:s12+$0x7930] =	vst v8  }
0x7a: {  	v8 =	vld [tilespmem:s0+$0x2970]  }
0x7b: {  	v9 =	vld [tilespmem:s0+$0x100];
	[tilespmem:s12+$0x7900] =	vst v7;
	v3 =	vsub.f32 v3, v5  }
0x7c: {  	v5 =	vld [tilespmem:s0+$0x2940]  }
0x7d: {  	v7 =	vld [tilespmem:s0+$0x110];
	[tilespmem:s12+$0x7910] =	vst v3;
	v2 =	vsub.f32 v2, v6  }
0x7e: {  	v3 =	vld [tilespmem:s0+$0x2950]  }
0x7f: {  	v6 =	vld [tilespmem:s0+$0x120];
	[tilespmem:s12+$0x7920] =	vst v2  }
0x80: {  	v2 =	vld [tilespmem:s0+$0x2960];
	_ =	sdelay $0x1  }
0x81: {  	v4 =	vsub.f32 v4, v8  }
0x82: {  	s24 =	smul.u32 $0xA0, s22;
	v5 =	vsub.f32 v9, v5  }
0x83: {  	[tilespmem:s0+$0x7930] =	vst v4;
	v3 =	vsub.f32 v7, v3  }
0x84: {  	s13 =	sadd.s32 s8, s24;
	[tilespmem:s0+$0x7900] =	vst v5;
	v2 =	vsub.f32 v6, v2  }
0x85: {  	s12 =	sshll.u32 s13, $0x4;
	[tilespmem:s0+$0x7910] =	vst v3  }
0x86: {  	s13 =	simm.s32 $0x0;
	[tilespmem:s0+$0x7920] =	vst v2;
	s0 =	sadd.s32 s9, s12  }
0x87: {  	[hbm4b:s0+s13] =	stream.linear.scatter [tilespmem:s18], [sflag:$0x3], $0x2800, $0x38;
	[tilespmem:$0x1DE80] =	vst v63  }
0x88: {  	s12 =	sadd.s32 s10, s12  }
0x89: {  	[hbm4b:s12+s13] =	stream.linear.scatter [tilespmem:s3], [sflag:$0x3], $0x2800, $0x38;
	[tilespmem:$0x1DE80] =	vst v63  }
0x8a: {  	s12 =	sadd.s32 s24, s16  }
0x8b: {  	s0 =	sshrl.u32 s12, $0x3  }
0x8c: {  	s12 =	sadd.s32 s6, s0  }
0x8d: {  	[tilespmem:s13], [sflag:$0x1] =	stream.linear.gather [hbm4b:s12+s13], $0x50, $0x38;
	[tilespmem:$0x1DE80] =	vst v63  }
0x8e: {  	s0 =	sadd.s32 s7, s0  }
0x8f: {  	[tilespmem:s25], [sflag:$0x1] =	stream.linear.gather [hbm4b:s0+s13], $0x50, $0x38;
	[tilespmem:$0x1DE80] =	vst v63  }
0x90: {  	_ =	swait.ge [sflag:s29], $0x50  }
0x91: {  	[sflag:s29] =	ssyncset.done $0x0  }
0x92: {  	[sflag:s29] =	ssyncadd.s32 $0xFFFFFFB0  }
0x93: {  	_ =	swait.ge [sflag:s29], $0x50  }
0x94: {  	[sflag:s29] =	ssyncset.done $0x0  }
0x95: {  	s12 =	simm.s32 $0x100;
	[sflag:s29] =	ssyncadd.s32 $0xFFFFFFB0  }
0x96: {  	[tilespmem:s12], [sflag:$0x2] =	stream.indirect.gather [hbm4b:s1+s30], $0x80, s25, s30, $0xb8;
	[tilespmem:$0x1DE80] =	vst v63  }
0x97: {  	s12 =	simm.s32 $0x2900  }
0x98: {  	[tilespmem:s12], [sflag:$0x2] =	stream.indirect.gather [hbm4b:s1+s30], $0x80, s13, s30, $0xb8;
	[tilespmem:$0x1DE80] =	vst v63  }
0x99: {  	_ =	swait.ge [sflag:s19], $0x2800  }
0x9a: {  	[sflag:s19] =	ssyncset.done $0x0  }
0x9b: {  	[sflag:s19] =	ssyncadd.s32 $0xFFFFD800  }
0x9c: {  	_ =	swait.ge [sflag:s19], $0x2800  }
0x9d: {  	[sflag:s19] =	ssyncset.done $0x0  }
0x9e: {  	[sflag:s19] =	ssyncadd.s32 $0xFFFFD800  }
0x9f: {  	[tilespmem:s3], [sflag:$0x2] =	stream.indirect.gather [hbm4b:s4+s30], $0x80, s13, s30, $0xb8;
	[tilespmem:$0x1DE80] =	vst v63  }
0xa0: {  	_ =	swait.ge [sflag:s20], $0x2800  }
0xa1: {  	[sflag:s20] =	ssyncset.done $0x0  }
0xa2: {  	[sflag:s20] =	ssyncadd.s32 $0xFFFFD800  }
0xa3: {  	_ =	swait.ge [sflag:s20], $0x2800  }
0xa4: {  	[sflag:s20] =	ssyncset.done $0x0  }
0xa5: {  	[sflag:s20] =	ssyncadd.s32 $0xFFFFD800  }
0xa6: {  	_ =	swait.ge [sflag:s20], $0x2800  }
0xa7: {  	[sflag:s20] =	ssyncset.done $0x0  }
0xa8: {  	s31 =	simm.s32 $0xA180;
	[sflag:s20] =	ssyncadd.s32 $0xFFFFD800  }
0xa9: {  	s0 =	simm.s32 $0xA100;
	v2 =	vld [tilespmem:s31+$0x0]  }
0xaa: {  	v3 =	vld [tilespmem:s0+$0x0];
	_ =	sdelay $0x3  }
0xab: {  	v2 =	vshll.u32 v2, $0x2  }
0xac: {  	v3 =	vshll.u32 v3, $0x2;
	_ =	sdelay $0x3  }
0xad: {  	v5 =	vmov s13;
	v4 =	vld.idx.msk [tilespmem:v2+s23+$0x0], $0xffff  }
0xae: {  	v5 =	vshll.u32 v5, $0x7;
	v6 =	vld.idx.msk [tilespmem:v3+s23+$0x0], $0xffff  }
0xaf: {  	v5 =	vor.u32 v1, v5  }
0xb0: {  	v7 =	vor.u32 $0x40, v5  }
0xb1: {  	v61 =	vor.u32 $0x1, v3  }
0xb2: {  	v62 =	vor.u32 $0x1, v2  }
0xb3: {  	v4 =	vsub.f32 v4, v6;
	_ =	sdelay $0x1  }
0xb4: {  	[tilespmem:v7+s21+$0x0] =	vst.idx.msk $0xffff, v4  }
0xb5: {  	v4 =	vld.idx.msk [tilespmem:v61+s23+$0x0], $0xffff  }
0xb6: {  	v6 =	vld.idx.msk [tilespmem:v62+s23+$0x0], $0xffff;
	_ =	sdelay $0x1  }
0xb7: {  	v7 =	vor.u32 $0x41, v5  }
0xb8: {  	v2 =	vor.u32 $0x2, v2  }
0xb9: {  	v63 =	vor.u32 $0x2, v3  }
0xba: {  	v3 =	vsub.f32 v6, v4;
	_ =	sdelay $0x1  }
0xbb: {  	[tilespmem:v7+s21+$0x0] =	vst.idx.msk $0xffff, v3  }
0xbc: {  	v3 =	vld.idx.msk [tilespmem:v2+s23+$0x0], $0xffff  }
0xbd: {  	v4 =	vld.idx.msk [tilespmem:v63+s23+$0x0], $0xffff  }
0xbe: {  	s12 =	simm.s32 $0x10;
	v2 =	vor.u32 $0x42, v5  }
.LBB2_9:
0xbf: {  	_ =	sdelay $0x2  }
0xc0: {  	p0 =	sne.s32 s12, $0x40;
	s31 =	sadd.s32 $0x10, s31;
	s0 =	sadd.s32 $0x10, s0;
	v3 =	vsub.f32 v3, v4  }
0xc1: {  	s13 =	smov.u32 s12;
	s12 =	sadd.s32 $0x10, s12  }
0xc2: {  	[tilespmem:v2+s21+$0x0] =	vst.idx.msk $0xffff, v3  }
0xc3: {  	v2 =	vld [tilespmem:s31+$0x0]  }
0xc4: {  	v3 =	vld [tilespmem:s0+$0x0];
	_ =	sdelay $0x3  }
0xc5: {  	v2 =	vshll.u32 v2, $0x2  }
0xc6: {  	v3 =	vshll.u32 v3, $0x2;
	_ =	sdelay $0x3  }
0xc7: {  	v4 =	vld.idx.msk [tilespmem:v2+s23+$0x0], $0xffff  }
0xc8: {  	v5 =	vmov s13;
	v6 =	vld.idx.msk [tilespmem:v3+s23+$0x0], $0xffff  }
0xc9: {  	v5 =	vshll.u32 v5, $0x7  }
0xca: {  	v5 =	vor.u32 v1, v5  }
0xcb: {  	v7 =	vor.u32 $0x40, v5  }
0xcc: {  	v8 =	vor.u32 $0x1, v2;
	v9 =	vor.u32 $0x1, v3;
	_ =	sdelay $0x1  }
0xcd: {  	v4 =	vsub.f32 v4, v6;
	_ =	sdelay $0x1  }
0xce: {  	[tilespmem:v7+s21+$0x0] =	vst.idx.msk $0xffff, v4  }
0xcf: {  	v4 =	vld.idx.msk [tilespmem:v9+s23+$0x0], $0xffff  }
0xd0: {  	v6 =	vld.idx.msk [tilespmem:v8+s23+$0x0], $0xffff;
	_ =	sdelay $0x1  }
0xd1: {  	v7 =	vor.u32 $0x41, v5;
	_ =	sdelay $0x1  }
0xd2: {  	v2 =	vor.u32 $0x2, v2;
	v8 =	vor.u32 $0x2, v3;
	_ =	sdelay $0x1  }
0xd3: {  	v3 =	vsub.f32 v6, v4  }
.Ltmp3:
0xd4: {  	(pc) =	sbr.rel @p0 .LBB2_9-.Ltmp3, $4  }
0xd5: {  	[tilespmem:v7+s21+$0x0] =	vst.idx.msk $0xffff, v3  }
0xd6: {  	v3 =	vld.idx.msk [tilespmem:v2+s23+$0x0], $0xffff  }
0xd7: {  	v4 =	vld.idx.msk [tilespmem:v8+s23+$0x0], $0xffff  }
0xd8: {  	v2 =	vor.u32 $0x42, v5  }
0xd9: {  	_ =	sdelay $0x2  }
0xda: {  	v3 =	vsub.f32 v3, v4;
	_ =	sdelay $0x1  }
0xdb: {  	s12 =	simm.s32 $0x0;
	[tilespmem:v2+s21+$0x0] =	vst.idx.msk $0xffff, v3  }
0xdc: {  	v4 =	vld [tilespmem:s12+$0xA230]  }
0xdd: {  	v6 =	vld [tilespmem:s12+$0xCA70]  }
0xde: {  	v7 =	vld [tilespmem:s12+$0xA200]  }
0xdf: {  	v8 =	vld [tilespmem:s12+$0xCA40]  }
0xe0: {  	v3 =	vld [tilespmem:s12+$0xA210]  }
0xe1: {  	v5 =	vld [tilespmem:s12+$0xCA50]  }
0xe2: {  	v2 =	vld [tilespmem:s12+$0xA220];
	v9 =	vsub.f32 v4, v6  }
0xe3: {  	s0 =	simm.s32 $0x80;
	v6 =	vld [tilespmem:s12+$0xCA60]  }
0xe4: {  	s31 =	simm.s32 $0x400;
	v4 =	vld [tilespmem:s0+$0xA230];
	v7 =	vsub.f32 v7, v8;
	[tilespmem:s12+$0x11A30] =	vst v9  }
.LBB2_11:
0xe5: {  	p0 =	sne.s32 s31, $0x9E00;
	v8 =	vld [tilespmem:s0+$0xCA70]  }
0xe6: {  	v9 =	vld [tilespmem:s0+$0xA200];
	[tilespmem:s12+$0x11A00] =	vst v7;
	v5 =	vsub.f32 v3, v5  }
0xe7: {  	v7 =	vld [tilespmem:s0+$0xCA40]  }
.Ltmp4:
0xe8: {  	v3 =	vld [tilespmem:s0+$0xA210];
	[tilespmem:s12+$0x11A10] =	vst v5;
	v6 =	vsub.f32 v2, v6;
	(pc) =	sbr.rel @p0 .LBB2_11-.Ltmp4, $4  }
0xe9: {  	v5 =	vld [tilespmem:s0+$0xCA50]  }
0xea: {  	v2 =	vld [tilespmem:s0+$0xA220];
	v8 =	vsub.f32 v4, v8;
	[tilespmem:s12+$0x11A20] =	vst v6;
	s12 =	smov.u32 s0  }
0xeb: {  	s0 =	sshra.s32 s31, $0x2;
	v6 =	vld [tilespmem:s12+$0xCA60]  }
0xec: {  	s31 =	sadd.s32 $0x200, s31;
	v4 =	vld [tilespmem:s0+$0xA230];
	v7 =	vsub.f32 v9, v7;
	[tilespmem:s12+$0x11A30] =	vst v8  }
0xed: {  	v8 =	vld [tilespmem:s0+$0xCA70]  }
0xee: {  	v9 =	vld [tilespmem:s0+$0xA200];
	[tilespmem:s12+$0x11A00] =	vst v7;
	v3 =	vsub.f32 v3, v5  }
0xef: {  	v62 =	vld [tilespmem:s0+$0xCA40]  }
0xf0: {  	v7 =	vld [tilespmem:s0+$0xA210];
	[tilespmem:s12+$0x11A10] =	vst v3;
	v2 =	vsub.f32 v2, v6  }
0xf1: {  	v3 =	vld [tilespmem:s0+$0xCA50]  }
0xf2: {  	v63 =	vld [tilespmem:s0+$0xA220];
	[tilespmem:s12+$0x11A20] =	vst v2  }
0xf3: {  	v2 =	vld [tilespmem:s0+$0xCA60];
	_ =	sdelay $0x1  }
0xf4: {  	v4 =	vsub.f32 v4, v8  }
0xf5: {  	v5 =	vsub.f32 v9, v62  }
0xf6: {  	[tilespmem:s0+$0x11A30] =	vst v4;
	v3 =	vsub.f32 v7, v3  }
0xf7: {  	s13 =	sadd.s32 s24, s11;
	[tilespmem:s0+$0x11A00] =	vst v5;
	v2 =	vsub.f32 v63, v2  }
0xf8: {  	s12 =	sshll.u32 s13, $0x4;
	[tilespmem:s0+$0x11A10] =	vst v3  }
0xf9: {  	s22 =	sadd.s32 $0x1, s22;
	s31 =	sadd.s32 s9, s12;
	[tilespmem:s0+$0x11A20] =	vst v2  }
0xfa: {  	[hbm4b:s31+s2] =	stream.linear.scatter [tilespmem:s21], [sflag:$0x6], $0x2800, $0x38;
	[tilespmem:$0x1DE80] =	vst v63  }
0xfb: {  	s24 =	sadd.s32 s24, s17;
	p0 =	sne.s32 s22, $0x1E;
	s13 =	sadd.s32 s10, s12  }
0xfc: {  	[hbm4b:s13+s2] =	stream.linear.scatter [tilespmem:s14], [sflag:$0x6], $0x2800, $0x38;
	[tilespmem:$0x1DE80] =	vst v63  }
.Ltmp5:
0xfd: {  	s0 =	sshrl.u32 s24, $0x3;
	(pc) =	sbr.rel @p0 .LBB2_4-.Ltmp5, $4  }
0xfe: {  	s31 =	sadd.s32 s6, s0  }
0xff: {  	[tilespmem:s26], [sflag:$0x4] =	stream.linear.gather [hbm4b:s31+s2], $0x50, $0x38;
	[tilespmem:$0x1DE80] =	vst v63  }
0x100: {  	s0 =	sadd.s32 s7, s0  }
0x101: {  	[tilespmem:s28], [sflag:$0x4] =	stream.linear.gather [hbm4b:s0+s2], $0x50, $0x38;
	[tilespmem:$0x1DE80] =	vst v63  }
0x102: {  	_ =	swait.ge [sflag:s5], $0x50  }
0x103: {  	[sflag:s5] =	ssyncset.done $0x0  }
0x104: {  	[sflag:s5] =	ssyncadd.s32 $0xFFFFFFB0  }
0x105: {  	_ =	swait.ge [sflag:s5], $0x50  }
0x106: {  	[sflag:s5] =	ssyncset.done $0x0  }
0x107: {  	s0 =	simm.s32 $0xA200;
	[sflag:s5] =	ssyncadd.s32 $0xFFFFFFB0  }
0x108: {  	[tilespmem:s0], [sflag:$0x5] =	stream.indirect.gather [hbm4b:s1+s30], $0x80, s28, s30, $0xb8;
	[tilespmem:$0x1DE80] =	vst v63  }
0x109: {  	s31 =	simm.s32 $0xCA00;
	s24 =	simm.s32 $0x6  }
0x10a: {  	[tilespmem:s31], [sflag:$0x5] =	stream.indirect.gather [hbm4b:s1+s30], $0x80, s26, s30, $0xb8;
	[tilespmem:$0x1DE80] =	vst v63  }
0x10b: {  	_ =	swait.ge [sflag:s24], $0x2800  }
0x10c: {  	[sflag:s24] =	ssyncset.done $0x0  }
0x10d: {  	[sflag:s24] =	ssyncadd.s32 $0xFFFFD800  }
0x10e: {  	_ =	swait.ge [sflag:s24], $0x2800  }
0x10f: {  	[sflag:s24] =	ssyncset.done $0x0  }
0x110: {  	[sflag:s24] =	ssyncadd.s32 $0xFFFFD800  }
0x111: {  	[tilespmem:s14], [sflag:$0x5] =	stream.indirect.gather [hbm4b:s4+s30], $0x80, s26, s30, $0xb8;
	[tilespmem:$0x1DE80] =	vst v63  }
0x112: {  	_ =	swait.ge [sflag:s15], $0x2800  }
0x113: {  	[sflag:s15] =	ssyncset.done $0x0  }
0x114: {  	[sflag:s15] =	ssyncadd.s32 $0xFFFFD800  }
0x115: {  	_ =	swait.ge [sflag:s15], $0x2800  }
0x116: {  	[sflag:s15] =	ssyncset.done $0x0  }
0x117: {  	[sflag:s15] =	ssyncadd.s32 $0xFFFFD800  }
0x118: {  	_ =	swait.ge [sflag:s15], $0x2800  }
0x119: {  	[sflag:s15] =	ssyncset.done $0x0  }
0x11a: {  	s22 =	simm.s32 $0x80;
	[sflag:s15] =	ssyncadd.s32 $0xFFFFD800  }
0x11b: {  	s0 =	simm.s32 $0x0;
	v2 =	vld [tilespmem:s22+$0x0]  }
0x11c: {  	v3 =	vld [tilespmem:s0+$0x0];
	_ =	sdelay $0x3  }
0x11d: {  	v2 =	vshll.u32 v2, $0x2  }
0x11e: {  	v3 =	vshll.u32 v3, $0x2;
	_ =	sdelay $0x3  }
0x11f: {  	v5 =	vmov s0;
	v4 =	vld.idx.msk [tilespmem:v2+s23+$0x0], $0xffff  }
0x120: {  	v5 =	vshll.u32 v5, $0x7;
	v6 =	vld.idx.msk [tilespmem:v3+s23+$0x0], $0xffff  }
0x121: {  	v5 =	vor.u32 v1, v5  }
0x122: {  	v7 =	vor.u32 $0x40, v5  }
0x123: {  	v8 =	vor.u32 $0x1, v3  }
0x124: {  	v9 =	vor.u32 $0x1, v2  }
0x125: {  	v4 =	vsub.f32 v4, v6;
	_ =	sdelay $0x1  }
0x126: {  	[tilespmem:v7+s18+$0x0] =	vst.idx.msk $0xffff, v4  }
0x127: {  	v4 =	vld.idx.msk [tilespmem:v8+s23+$0x0], $0xffff  }
0x128: {  	v6 =	vld.idx.msk [tilespmem:v9+s23+$0x0], $0xffff;
	_ =	sdelay $0x1  }
0x129: {  	v7 =	vor.u32 $0x41, v5  }
0x12a: {  	v2 =	vor.u32 $0x2, v2  }
0x12b: {  	v63 =	vor.u32 $0x2, v3  }
0x12c: {  	v3 =	vsub.f32 v6, v4;
	_ =	sdelay $0x1  }
0x12d: {  	[tilespmem:v7+s18+$0x0] =	vst.idx.msk $0xffff, v3  }
0x12e: {  	v3 =	vld.idx.msk [tilespmem:v2+s23+$0x0], $0xffff  }
0x12f: {  	v4 =	vld.idx.msk [tilespmem:v63+s23+$0x0], $0xffff  }
0x130: {  	s12 =	simm.s32 $0x10;
	v2 =	vor.u32 $0x42, v5  }
.LBB2_14:
0x131: {  	_ =	sdelay $0x2  }
0x132: {  	p0 =	sne.s32 s12, $0x40;
	s22 =	sadd.s32 $0x10, s22;
	s0 =	sadd.s32 $0x10, s0;
	v3 =	vsub.f32 v3, v4  }
0x133: {  	s13 =	smov.u32 s12;
	s12 =	sadd.s32 $0x10, s12  }
0x134: {  	[tilespmem:v2+s18+$0x0] =	vst.idx.msk $0xffff, v3  }
0x135: {  	v2 =	vld [tilespmem:s22+$0x0]  }
0x136: {  	v3 =	vld [tilespmem:s0+$0x0];
	_ =	sdelay $0x3  }
0x137: {  	v2 =	vshll.u32 v2, $0x2  }
0x138: {  	v3 =	vshll.u32 v3, $0x2;
	_ =	sdelay $0x3  }
0x139: {  	v4 =	vld.idx.msk [tilespmem:v2+s23+$0x0], $0xffff  }
0x13a: {  	v5 =	vmov s13;
	v6 =	vld.idx.msk [tilespmem:v3+s23+$0x0], $0xffff  }
0x13b: {  	v5 =	vshll.u32 v5, $0x7  }
0x13c: {  	v5 =	vor.u32 v1, v5  }
0x13d: {  	v7 =	vor.u32 $0x40, v5  }
0x13e: {  	v8 =	vor.u32 $0x1, v2;
	v9 =	vor.u32 $0x1, v3;
	_ =	sdelay $0x1  }
0x13f: {  	v4 =	vsub.f32 v4, v6;
	_ =	sdelay $0x1  }
0x140: {  	[tilespmem:v7+s18+$0x0] =	vst.idx.msk $0xffff, v4  }
0x141: {  	v4 =	vld.idx.msk [tilespmem:v9+s23+$0x0], $0xffff  }
0x142: {  	v6 =	vld.idx.msk [tilespmem:v8+s23+$0x0], $0xffff;
	_ =	sdelay $0x1  }
0x143: {  	v7 =	vor.u32 $0x41, v5;
	_ =	sdelay $0x1  }
0x144: {  	v2 =	vor.u32 $0x2, v2;
	v8 =	vor.u32 $0x2, v3;
	_ =	sdelay $0x1  }
0x145: {  	v3 =	vsub.f32 v6, v4  }
.Ltmp6:
0x146: {  	(pc) =	sbr.rel @p0 .LBB2_14-.Ltmp6, $4  }
0x147: {  	[tilespmem:v7+s18+$0x0] =	vst.idx.msk $0xffff, v3  }
0x148: {  	v3 =	vld.idx.msk [tilespmem:v2+s23+$0x0], $0xffff  }
0x149: {  	v4 =	vld.idx.msk [tilespmem:v8+s23+$0x0], $0xffff  }
0x14a: {  	v2 =	vor.u32 $0x42, v5  }
0x14b: {  	_ =	sdelay $0x2  }
0x14c: {  	v3 =	vsub.f32 v3, v4;
	_ =	sdelay $0x1  }
0x14d: {  	s0 =	simm.s32 $0x0;
	[tilespmem:v2+s18+$0x0] =	vst.idx.msk $0xffff, v3  }
0x14e: {  	v4 =	vld [tilespmem:s0+$0x130]  }
0x14f: {  	v6 =	vld [tilespmem:s0+$0x2970]  }
0x150: {  	v7 =	vld [tilespmem:s0+$0x100]  }
0x151: {  	v8 =	vld [tilespmem:s0+$0x2940]  }
0x152: {  	v3 =	vld [tilespmem:s0+$0x110]  }
0x153: {  	v5 =	vld [tilespmem:s0+$0x2950]  }
0x154: {  	v2 =	vld [tilespmem:s0+$0x120];
	v9 =	vsub.f32 v4, v6  }
0x155: {  	s12 =	simm.s32 $0x80;
	v6 =	vld [tilespmem:s0+$0x2960]  }
0x156: {  	s22 =	simm.s32 $0x400;
	v4 =	vld [tilespmem:s12+$0x130];
	v7 =	vsub.f32 v7, v8;
	[tilespmem:s0+$0x7930] =	vst v9  }
.LBB2_16:
0x157: {  	p0 =	sne.s32 s22, $0x9E00;
	v8 =	vld [tilespmem:s12+$0x2970]  }
0x158: {  	v9 =	vld [tilespmem:s12+$0x100];
	[tilespmem:s0+$0x7900] =	vst v7;
	v5 =	vsub.f32 v3, v5  }
0x159: {  	v7 =	vld [tilespmem:s12+$0x2940]  }
.Ltmp7:
0x15a: {  	v3 =	vld [tilespmem:s12+$0x110];
	[tilespmem:s0+$0x7910] =	vst v5;
	v6 =	vsub.f32 v2, v6;
	(pc) =	sbr.rel @p0 .LBB2_16-.Ltmp7, $4  }
0x15b: {  	v5 =	vld [tilespmem:s12+$0x2950]  }
0x15c: {  	v2 =	vld [tilespmem:s12+$0x120];
	v8 =	vsub.f32 v4, v8;
	[tilespmem:s0+$0x7920] =	vst v6;
	s0 =	smov.u32 s12  }
0x15d: {  	s12 =	sshra.s32 s22, $0x2;
	v6 =	vld [tilespmem:s0+$0x2960]  }
0x15e: {  	s22 =	sadd.s32 $0x200, s22;
	v4 =	vld [tilespmem:s12+$0x130];
	v7 =	vsub.f32 v9, v7;
	[tilespmem:s0+$0x7930] =	vst v8  }
0x15f: {  	v8 =	vld [tilespmem:s12+$0x2970]  }
0x160: {  	v9 =	vld [tilespmem:s12+$0x100];
	[tilespmem:s0+$0x7900] =	vst v7;
	v3 =	vsub.f32 v3, v5  }
0x161: {  	v5 =	vld [tilespmem:s12+$0x2940]  }
0x162: {  	v7 =	vld [tilespmem:s12+$0x110];
	[tilespmem:s0+$0x7910] =	vst v3;
	v2 =	vsub.f32 v2, v6  }
0x163: {  	v3 =	vld [tilespmem:s12+$0x2950]  }
0x164: {  	v6 =	vld [tilespmem:s12+$0x120];
	[tilespmem:s0+$0x7920] =	vst v2  }
0x165: {  	v2 =	vld [tilespmem:s12+$0x2960];
	_ =	sdelay $0x1  }
0x166: {  	v4 =	vsub.f32 v4, v8  }
0x167: {  	v5 =	vsub.f32 v9, v5  }
0x168: {  	[tilespmem:s12+$0x7930] =	vst v4;
	v3 =	vsub.f32 v7, v3  }
0x169: {  	[tilespmem:s12+$0x7900] =	vst v5;
	v2 =	vsub.f32 v6, v2  }
0x16a: {  	[tilespmem:s12+$0x7910] =	vst v3  }
0x16b: {  	s13 =	simm.s32 $0x0;
	s22 =	rddreg [dreg:$0x8];
	[tilespmem:s12+$0x7920] =	vst v2  }
0x16c: {  	[hbm4b:s22+s13] =	stream.linear.scatter [tilespmem:s18], [sflag:$0x3], $0x2800, $0x38;
	[tilespmem:$0x1DE80] =	vst v63  }
0x16d: {  	s31 =	rddreg [dreg:$0x9]  }
0x16e: {  	[hbm4b:s31+s13] =	stream.linear.scatter [tilespmem:s3], [sflag:$0x3], $0x2800, $0x38;
	[tilespmem:$0x1DE80] =	vst v63  }
0x16f: {  	_ =	swait.ge [sflag:s20], $0x2800  }
0x170: {  	[sflag:s20] =	ssyncset.done $0x0  }
0x171: {  	[sflag:s20] =	ssyncadd.s32 $0xFFFFD800  }
0x172: {  	_ =	swait.ge [sflag:s20], $0x2800  }
0x173: {  	[sflag:s20] =	ssyncset.done $0x0  }
0x174: {  	[sflag:s20] =	ssyncadd.s32 $0xFFFFD800  }
0x175: {  	_ =	swait.ge [sflag:s20], $0x2800  }
0x176: {  	[sflag:s20] =	ssyncset.done $0x0  }
0x177: {  	s22 =	simm.s32 $0xA180;
	[sflag:s20] =	ssyncadd.s32 $0xFFFFD800  }
0x178: {  	s0 =	simm.s32 $0xA100;
	v2 =	vld [tilespmem:s22+$0x0]  }
0x179: {  	v3 =	vld [tilespmem:s0+$0x0];
	_ =	sdelay $0x3  }
0x17a: {  	v2 =	vshll.u32 v2, $0x2  }
0x17b: {  	v3 =	vshll.u32 v3, $0x2;
	_ =	sdelay $0x3  }
0x17c: {  	v5 =	vmov s13;
	v4 =	vld.idx.msk [tilespmem:v2+s23+$0x0], $0xffff  }
0x17d: {  	v5 =	vshll.u32 v5, $0x7;
	v6 =	vld.idx.msk [tilespmem:v3+s23+$0x0], $0xffff  }
0x17e: {  	v5 =	vor.u32 v1, v5  }
0x17f: {  	v7 =	vor.u32 $0x40, v5  }
0x180: {  	v61 =	vor.u32 $0x1, v3  }
0x181: {  	v62 =	vor.u32 $0x1, v2  }
0x182: {  	v4 =	vsub.f32 v4, v6;
	_ =	sdelay $0x1  }
0x183: {  	[tilespmem:v7+s21+$0x0] =	vst.idx.msk $0xffff, v4  }
0x184: {  	v4 =	vld.idx.msk [tilespmem:v61+s23+$0x0], $0xffff  }
0x185: {  	v6 =	vld.idx.msk [tilespmem:v62+s23+$0x0], $0xffff;
	_ =	sdelay $0x1  }
0x186: {  	v7 =	vor.u32 $0x41, v5  }
0x187: {  	v2 =	vor.u32 $0x2, v2  }
0x188: {  	v63 =	vor.u32 $0x2, v3  }
0x189: {  	v3 =	vsub.f32 v6, v4;
	_ =	sdelay $0x1  }
0x18a: {  	[tilespmem:v7+s21+$0x0] =	vst.idx.msk $0xffff, v3  }
0x18b: {  	v3 =	vld.idx.msk [tilespmem:v2+s23+$0x0], $0xffff  }
0x18c: {  	v4 =	vld.idx.msk [tilespmem:v63+s23+$0x0], $0xffff  }
0x18d: {  	s12 =	simm.s32 $0x10;
	v2 =	vor.u32 $0x42, v5  }
.LBB2_18:
0x18e: {  	_ =	sdelay $0x2  }
0x18f: {  	p0 =	sne.s32 s12, $0x40;
	s22 =	sadd.s32 $0x10, s22;
	s0 =	sadd.s32 $0x10, s0;
	v3 =	vsub.f32 v3, v4  }
0x190: {  	s13 =	smov.u32 s12;
	s12 =	sadd.s32 $0x10, s12  }
0x191: {  	[tilespmem:v2+s21+$0x0] =	vst.idx.msk $0xffff, v3  }
0x192: {  	v2 =	vld [tilespmem:s22+$0x0]  }
0x193: {  	v3 =	vld [tilespmem:s0+$0x0];
	_ =	sdelay $0x3  }
0x194: {  	v2 =	vshll.u32 v2, $0x2  }
0x195: {  	v3 =	vshll.u32 v3, $0x2;
	_ =	sdelay $0x3  }
0x196: {  	v4 =	vld.idx.msk [tilespmem:v2+s23+$0x0], $0xffff  }
0x197: {  	v5 =	vmov s13;
	v6 =	vld.idx.msk [tilespmem:v3+s23+$0x0], $0xffff  }
0x198: {  	v5 =	vshll.u32 v5, $0x7  }
0x199: {  	v5 =	vor.u32 v1, v5  }
0x19a: {  	v7 =	vor.u32 $0x40, v5  }
0x19b: {  	v8 =	vor.u32 $0x1, v2;
	v9 =	vor.u32 $0x1, v3;
	_ =	sdelay $0x1  }
0x19c: {  	v4 =	vsub.f32 v4, v6;
	_ =	sdelay $0x1  }
0x19d: {  	[tilespmem:v7+s21+$0x0] =	vst.idx.msk $0xffff, v4  }
0x19e: {  	v4 =	vld.idx.msk [tilespmem:v9+s23+$0x0], $0xffff  }
0x19f: {  	v6 =	vld.idx.msk [tilespmem:v8+s23+$0x0], $0xffff;
	_ =	sdelay $0x1  }
0x1a0: {  	v7 =	vor.u32 $0x41, v5;
	_ =	sdelay $0x1  }
0x1a1: {  	v2 =	vor.u32 $0x2, v2;
	v8 =	vor.u32 $0x2, v3;
	_ =	sdelay $0x1  }
0x1a2: {  	v3 =	vsub.f32 v6, v4  }
.Ltmp8:
0x1a3: {  	(pc) =	sbr.rel @p0 .LBB2_18-.Ltmp8, $4  }
0x1a4: {  	[tilespmem:v7+s21+$0x0] =	vst.idx.msk $0xffff, v3  }
0x1a5: {  	v3 =	vld.idx.msk [tilespmem:v2+s23+$0x0], $0xffff  }
0x1a6: {  	v4 =	vld.idx.msk [tilespmem:v8+s23+$0x0], $0xffff  }
0x1a7: {  	v2 =	vor.u32 $0x42, v5  }
0x1a8: {  	_ =	sdelay $0x2  }
0x1a9: {  	v3 =	vsub.f32 v3, v4;
	_ =	sdelay $0x1  }
0x1aa: {  	s0 =	simm.s32 $0x0;
	[tilespmem:v2+s21+$0x0] =	vst.idx.msk $0xffff, v3  }
0x1ab: {  	v4 =	vld [tilespmem:s0+$0xA230]  }
0x1ac: {  	v6 =	vld [tilespmem:s0+$0xCA70]  }
0x1ad: {  	v7 =	vld [tilespmem:s0+$0xA200]  }
0x1ae: {  	v8 =	vld [tilespmem:s0+$0xCA40]  }
0x1af: {  	v3 =	vld [tilespmem:s0+$0xA210]  }
0x1b0: {  	v5 =	vld [tilespmem:s0+$0xCA50]  }
0x1b1: {  	v2 =	vld [tilespmem:s0+$0xA220];
	v9 =	vsub.f32 v4, v6  }
0x1b2: {  	s12 =	simm.s32 $0x80;
	v6 =	vld [tilespmem:s0+$0xCA60]  }
0x1b3: {  	s22 =	simm.s32 $0x400;
	v4 =	vld [tilespmem:s12+$0xA230];
	v7 =	vsub.f32 v7, v8;
	[tilespmem:s0+$0x11A30] =	vst v9  }
.LBB2_20:
0x1b4: {  	p0 =	sne.s32 s22, $0x9E00;
	v8 =	vld [tilespmem:s12+$0xCA70]  }
0x1b5: {  	v9 =	vld [tilespmem:s12+$0xA200];
	[tilespmem:s0+$0x11A00] =	vst v7;
	v5 =	vsub.f32 v3, v5  }
0x1b6: {  	v7 =	vld [tilespmem:s12+$0xCA40]  }
.Ltmp9:
0x1b7: {  	v3 =	vld [tilespmem:s12+$0xA210];
	[tilespmem:s0+$0x11A10] =	vst v5;
	v6 =	vsub.f32 v2, v6;
	(pc) =	sbr.rel @p0 .LBB2_20-.Ltmp9, $4  }
0x1b8: {  	v5 =	vld [tilespmem:s12+$0xCA50]  }
0x1b9: {  	v2 =	vld [tilespmem:s12+$0xA220];
	v8 =	vsub.f32 v4, v8;
	[tilespmem:s0+$0x11A20] =	vst v6;
	s0 =	smov.u32 s12  }
0x1ba: {  	s12 =	sshra.s32 s22, $0x2;
	v6 =	vld [tilespmem:s0+$0xCA60]  }
0x1bb: {  	s22 =	sadd.s32 $0x200, s22;
	v4 =	vld [tilespmem:s12+$0xA230];
	v7 =	vsub.f32 v9, v7;
	[tilespmem:s0+$0x11A30] =	vst v8  }
0x1bc: {  	v8 =	vld [tilespmem:s12+$0xCA70]  }
0x1bd: {  	v9 =	vld [tilespmem:s12+$0xA200];
	[tilespmem:s0+$0x11A00] =	vst v7;
	v3 =	vsub.f32 v3, v5  }
0x1be: {  	v62 =	vld [tilespmem:s12+$0xCA40]  }
0x1bf: {  	v7 =	vld [tilespmem:s12+$0xA210];
	[tilespmem:s0+$0x11A10] =	vst v3;
	v2 =	vsub.f32 v2, v6  }
0x1c0: {  	v3 =	vld [tilespmem:s12+$0xCA50]  }
0x1c1: {  	v63 =	vld [tilespmem:s12+$0xA220];
	[tilespmem:s0+$0x11A20] =	vst v2  }
0x1c2: {  	v2 =	vld [tilespmem:s12+$0xCA60];
	_ =	sdelay $0x1  }
0x1c3: {  	v4 =	vsub.f32 v4, v8  }
0x1c4: {  	v5 =	vsub.f32 v9, v62  }
0x1c5: {  	[tilespmem:s12+$0x11A30] =	vst v4;
	v3 =	vsub.f32 v7, v3  }
0x1c6: {  	[tilespmem:s12+$0x11A00] =	vst v5;
	v2 =	vsub.f32 v63, v2  }
0x1c7: {  	[tilespmem:s12+$0x11A10] =	vst v3  }
0x1c8: {  	[tilespmem:s12+$0x11A20] =	vst v2;
	s12 =	rddreg [dreg:$0xa]  }
0x1c9: {  	[hbm4b:s12+s2] =	stream.linear.scatter [tilespmem:s21], [sflag:$0x6], $0x2800, $0x38;
	[tilespmem:$0x1DE80] =	vst v63  }
0x1ca: {  	s13 =	rddreg [dreg:$0xb]  }
0x1cb: {  	[hbm4b:s13+s2] =	stream.linear.scatter [tilespmem:s14], [sflag:$0x6], $0x2800, $0x38;
	[tilespmem:$0x1DE80] =	vst v63  }
0x1cc: {  	_ =	swait.ge [sflag:s19], $0x2800  }
0x1cd: {  	[sflag:s19] =	ssyncset.done $0x0  }
0x1ce: {  	[sflag:s19] =	ssyncadd.s32 $0xFFFFD800  }
0x1cf: {  	_ =	swait.ge [sflag:s19], $0x2800  }
0x1d0: {  	[sflag:s19] =	ssyncset.done $0x0  }
0x1d1: {  	[sflag:s19] =	ssyncadd.s32 $0xFFFFD800  }
0x1d2: {  	_ =	swait.ge [sflag:s24], $0x2800  }
0x1d3: {  	[sflag:s24] =	ssyncset.done $0x0  }
0x1d4: {  	[sflag:s24] =	ssyncadd.s32 $0xFFFFD800  }
0x1d5: {  	_ =	swait.ge [sflag:s24], $0x2800  }
0x1d6: {  	s22 =	rddreg [dreg:$0xd]  }
0x1d7: {  	s31 =	rddreg [dreg:$0xc];
	s12 =	sadd.s32 $0x1, s22  }
0x1d8: {  	p0 =	sne.s32 s12, s31  }
.Ltmp10:
0x1d9: {  	_ = 	snop;
	(pc) =	sbr.rel @p0 .LBB2_1-.Ltmp10, $3  }
0x1da: {  	_ =	sdelay $0x1  }
0x1db: {  	[sflag:s24] =	ssyncset.done $0x0  }
0x1dc: {  	[sflag:s24] =	ssyncadd.s32 $0xFFFFD800  }
0x1dd: {  	_ =	sfence.sel $0x180000  }
0x1de: {  	[bflag:$0x0] =	sbarrier.arrive $0xFFFF  }
0x1df: {  	_ =	strace $0x9000004A  }
0x1e0: {  	s0 =	stileid.u32;
	[bflag:$0x2] =	sbarrier.arrive $0xFFFF  }
0x1e1: {  	p0 =	sne.s32 s0, $0x0;
	s0 =	rddreg [dreg:$0x2]  }
0x1e2: {  	s0 =	sadd.s32 @!p0 $0x100000, s0  }
0x1e3: {  	[sflag:s0] =	ssyncadd.tile.s32 @!p0 $0x1;
	_ =	shalt  }
.Lfunc_end2:
_tile_overlayer_lowered:
.L_overlay_start_2:
0x1e4: {  	(tag) =	ssettag $0x2  }
0x1e5: {  	s0 =	rddreg [dreg:$0x0];
	s2 =	stileid.u32  }
0x1e6: {  	s1 =	rddreg [dreg:$0x1];
	p0 =	sne.s32 s2, $0x0  }
0x1e7: {  	s3 =	rddreg [dreg:$0x2];
	[bflag:$0x3] =	sbarrier.arrive $0xFFFF;
	s2 =	simm.s32 @!p0 $0x1C07  }
0x1e8: {  	[timem:s3], [sflag:s2] =	dma.local @!p0 [hbm:s0], s1  }
0x1e9: {  	s0 =	simm.s32 @!p0 $0x7  }
0x1ea: {  	_ =	swait.ge @!p0 [sflag:s0], s1  }
0x1eb: {  	s1 =	ssub.s32 @!p0 $0x0, s1;
	[sflag:s0] =	ssyncset.done @!p0 $0x0  }
0x1ec: {  	[sflag:s0] =	ssyncadd.s32 @!p0 s1  }
0x1ed: {  	[bflag:$0x3] =	sbarrier.arrive $0xFFFF  }
0x1ee: {  	_ =	shalt  }

// kernel: kernel.16.cloned.1.call-start
scs
__scs_entry_jumppad:
0x0: {  	(pc) =	sbr.rel $0x88, $3  }
0x1: {  	(tag) =	ssettag $0x0;
	lr =	simm.s32 $0x1  }
0x2: {  	[smem:$0x3F8F] =	sst lr;
	_ =	strace $0xD0000000  }
0x3: {  	_ = 	snop  }
0x4: {  	_ = 	snop  }
0x5: {  	_ = 	snop  }
0x6: {  	_ = 	snop  }
0x7: {  	_ = 	snop  }
__scs_overlays_trampoline_lowered:
0x8: {  	[smem:$0x3F9E] =	sst s0  }
0x9: {  	[smem:$0x3F9F] =	sst s1  }
0xa: {  	[smem:$0x3FA0] =	sst s2  }
0xb: {  	[smem:$0x3FA1] =	sst s3  }
0xc: {  	[smem:$0x3FA2] =	sst s4  }
0xd: {  	[smem:$0x3FA3] =	sst s5  }
0xe: {  	[smem:$0x3FA4] =	sst s6  }
0xf: {  	[smem:$0x3FA5] =	sst s7  }
0x10: {  	[smem:$0x3FA6] =	sst s8  }
0x11: {  	[smem:$0x3FA7] =	sst s9;
	s0 =	simm.s32 @!p0 $0x0  }
0x12: {  	s1 =	sld [smem:$0x3F8D];
	s0 =	simm.s32 @p0 $0x1  }
0x13: {  	[smem:$0x3FA8] =	sst s0;
	s0 =	simm.s32 @!p1 $0x0  }
0x14: {  	s2 =	sld [smem:$0x3F8C];
	s0 =	simm.s32 @p1 $0x1  }
0x15: {  	[smem:$0x3FA9] =	sst s0;
	s0 =	simm.s32 @!p2 $0x0  }
0x16: {  	s3 =	sld [smem:$0x3FDB];
	s0 =	simm.s32 @p2 $0x1  }
0x17: {  	s4 =	simm.s32 $0x1BF5;
	[smem:$0x3FAB] =	sst s0  }
0x18: {  	s0 =	sld [smem:$0x3F8E];
	_ =	swait.ge [sflag:s4], $0x0  }
0x19: {  	s7 =	sld [smem:$0x3F8F]  }
0x1a: {  	s8 =	sadd.s32 $0xFFFFE003, lr  }
0x1b: {  	s9 =	sadd.s32 $0xFFFFFEF7, lr;
	s5 =	simm.s32 $0xFFFFFFFF;
	p2 =	slt.u32 s8, $0xFFFFF086  }
0x1c: {  	p1 =	slt.u32 s9, $0xF7A;
	s5 =	simm.s32 @!p2 $0x0  }
0x1d: {  	s5 =	simm.s32 @p1 $0x1;
	p0 =	seq.s32 s7, s2  }
0x1e: {  	s7 =	smul.u32 @!p0 $0xF7A, s2;
	p2 =	seq.s32 @!p0 s5, $0x0  }
0x1f: {  	s9 =	smul.u32 $0xF7A, s1;
	s8 =	simm.s32 @!p0 $0x1BF5;
	p2 =	por !p2, p0  }
0x20: {  	[sflag:s8] =	ssyncset.s32 @!p0 $0xFFFFF086;
	s6 =	sadd.s32 @!p0 s3, s7;
	s7 =	simm.s32 @!p0 $0x108  }
0x21: {  	s3 =	sadd.s32 s3, s9;
	s6 =	sadd.s32 @!p0 $0x88, s6;
	s7 =	simm.s32 @p2 $0x1082  }
0x22: {  	[simem:s7], [sflag:s8] =	dma.local @!p0 [hbm:s6], $0xF7A  }
0x23: {  	s9 =	sor.u32 $0xD0000000, s2;
	s6 =	simm.s32 $0x108;
	_ =	swait.ge @!p0 [sflag:s8], $0x0  }
0x24: {  	s3 =	sadd.s32 $0x88, s3;
	s6 =	simm.s32 @!p1 $0x1082;
	[sflag:s4] =	ssyncset.s32 $0xFFFFF086  }
0x25: {  	[simem:s6], [sflag:s4] =	dma.local [hbm:s3], $0xF7A  }
0x26: {  	[smem:$0x3F8F] =	sst s1;
	(tag) =	ssettag s2;
	_ =	strace s9  }
0x27: {  	s1 =	sld [smem:$0x3F9F]  }
0x28: {  	s2 =	sld [smem:$0x3FA0]  }
0x29: {  	s4 =	sld [smem:$0x3FA2]  }
0x2a: {  	p0 =	seq.s32 s5, $0x0;
	s5 =	sld [smem:$0x3FA3]  }
0x2b: {  	s6 =	sld [smem:$0x3FA4]  }
0x2c: {  	s7 =	sld [smem:$0x3FA5]  }
0x2d: {  	s3 =	simm.s32 $0x108;
	s8 =	sld [smem:$0x3FA6]  }
0x2e: {  	s3 =	simm.s32 @!p0 $0x1082;
	s9 =	sld [smem:$0x3FA7]  }
0x2f: {  	lr =	sadd.s32 s0, s3;
	s0 =	sld [smem:$0x3F9E]  }
0x30: {  	s3 =	sld [smem:$0x3FA1]  }
0x31: {  	[smem:$0x3FAA] =	sst s10  }
0x32: {  	s10 =	sld [smem:$0x3FA8];
	_ =	sdelay $0x3  }
0x33: {  	p0 =	seq.s32 s10, $0x1;
	s10 =	sld [smem:$0x3FAA];
	_ =	sdelay $0x3  }
0x34: {  	[smem:$0x3FAA] =	sst s10  }
0x35: {  	s10 =	sld [smem:$0x3FA9];
	_ =	sdelay $0x3  }
0x36: {  	p1 =	seq.s32 s10, $0x1;
	s10 =	sld [smem:$0x3FAA];
	_ =	sdelay $0x3  }
0x37: {  	[smem:$0x3FAA] =	sst s10  }
0x38: {  	s10 =	sld [smem:$0x3FAB]  }
0x39: {  	_ = 	snop;
	(pc) =	sbr.ind lr, $3  }
0x3a: {  	_ = 	snop  }
0x3b: {  	_ = 	snop  }
0x3c: {  	p2 =	seq.s32 s10, $0x1;
	s10 =	sld [smem:$0x3FAA]  }
0x3d: {  	_ =	shalt  }
0x3e: {  	_ =	shalt  }
0x3f: {  	_ =	shalt  }
0x40: {  	_ =	shalt  }
0x41: {  	_ =	shalt  }
0x42: {  	_ =	shalt  }
0x43: {  	_ =	shalt  }
0x44: {  	_ =	shalt  }
0x45: {  	_ =	shalt  }
0x46: {  	_ =	shalt  }
0x47: {  	_ =	shalt  }
0x48: {  	_ =	shalt  }
0x49: {  	_ =	shalt  }
0x4a: {  	_ =	shalt  }
0x4b: {  	_ =	shalt  }
0x4c: {  	_ =	shalt  }
0x4d: {  	_ =	shalt  }
0x4e: {  	_ =	shalt  }
0x4f: {  	_ =	shalt  }
0x50: {  	_ =	shalt  }
0x51: {  	_ =	shalt  }
0x52: {  	_ =	shalt  }
0x53: {  	_ =	shalt  }
0x54: {  	_ =	shalt  }
0x55: {  	_ =	shalt  }
0x56: {  	_ =	shalt  }
0x57: {  	_ =	shalt  }
0x58: {  	_ =	shalt  }
0x59: {  	_ =	shalt  }
0x5a: {  	_ =	shalt  }
0x5b: {  	_ =	shalt  }
0x5c: {  	_ =	shalt  }
0x5d: {  	_ =	shalt  }
0x5e: {  	_ =	shalt  }
0x5f: {  	_ =	shalt  }
0x60: {  	_ =	shalt  }
0x61: {  	_ =	shalt  }
0x62: {  	_ =	shalt  }
0x63: {  	_ =	shalt  }
0x64: {  	_ =	shalt  }
0x65: {  	_ =	shalt  }
0x66: {  	_ =	shalt  }
0x67: {  	_ =	shalt  }
0x68: {  	_ =	shalt  }
0x69: {  	_ =	shalt  }
0x6a: {  	_ =	shalt  }
0x6b: {  	_ =	shalt  }
0x6c: {  	_ =	shalt  }
0x6d: {  	_ =	shalt  }
0x6e: {  	_ =	shalt  }
0x6f: {  	_ =	shalt  }
0x70: {  	_ =	shalt  }
0x71: {  	_ =	shalt  }
0x72: {  	_ =	shalt  }
0x73: {  	_ =	shalt  }
0x74: {  	_ =	shalt  }
0x75: {  	_ =	shalt  }
0x76: {  	_ =	shalt  }
0x77: {  	_ =	shalt  }
0x78: {  	_ =	shalt  }
0x79: {  	_ =	shalt  }
0x7a: {  	_ =	shalt  }
0x7b: {  	_ =	shalt  }
0x7c: {  	_ =	shalt  }
0x7d: {  	_ =	shalt  }
0x7e: {  	_ =	shalt  }
0x7f: {  	_ =	shalt  }
0x80: {  	_ =	shalt  }
0x81: {  	_ =	shalt  }
0x82: {  	_ =	shalt  }
0x83: {  	_ =	shalt  }
0x84: {  	_ =	shalt  }
0x85: {  	_ =	shalt  }
0x86: {  	_ =	shalt  }
0x87: {  	_ =	shalt  }
.Lfunc_end0:
.L_simem_size_0:
called_computation.2_lowered:
.L_overlay_start_0:
0x88: {  	s2 =	sld [smem:$0x3FD9]  }
0x89: {  	s3 =	sld [smem:$0x3FFE];
	_ =	sdelay $0x1  }
0x8a: {  	s1 =	srdreg.scid  }
0x8b: {  	s0 =	sand.u32 $0x1, s1  }
0x8c: {  	s16 =	sshll.u32 s0, $0xA;
	s2 =	sadd.s32 s3, s2  }
0x8d: {  	s2 =	sadd.s32 s2, s16  }
0x8e: {  	[smem:$0x3FB6] =	sst s2  }
0x8f: {  	_ = 	snop  }
0x90: {  	(tm) =	ssettm $0x1  }
0x91: {  	s17 =	sld [smem:$0x3FFB];
	_ =	sdelay $0x3  }
0x92: {  	_ =	strace s17  }
0x93: {  	s2 =	sld [smem:$0x3FFC];
	_ =	sdelay $0x3  }
0x94: {  	_ =	strace s2  }
0x95: {  	s2 =	sld [smem:$0x3FFD];
	_ =	sdelay $0x3  }
0x96: {  	_ =	strace s2  }
0x97: {  	_ =	strace $0x8FFFFFFF  }
0x98: {  	s18 =	sld [smem:$0x3FDB];
	_ =	sdelay $0x1  }
0x99: {  	s19 =	simm.s32 $_scs_section_size  }
0x9a: {  	s4 =	simm.s32 $_size__tile_overlayer_lowered;
	s5 =	simm.s32 $_tile_overlayer_lowered  }
0x9b: {  	s22 =	simm.s32 $0x1BFF;
	s21 =	sshll.u32 s5, $0x1;
	s2 =	sadd.s32 s19, s18  }
0x9c: {  	s6 =	simm.s32 $0x0;
	s20 =	sshll.u32 s4, $0x1;
	s4 =	sadd.s32 s21, s2  }
0x9d: {  	[timem:s6], [sflag:s22] =	dma.local [hbm:s4], s20  }
0x9e: {  	_ =	swait.ge [sflag:s22], s20  }
0x9f: {  	s3 =	ssub.s32 $0x0, s20;
	[sflag:s22] =	ssyncset.done $0x0  }
0xa0: {  	[sflag:s22] =	ssyncadd.s32 s3;
	_ =	sdelay $0x1  }
0xa1: {  	s23 =	simm.s32 $0x1B8B  }
0xa2: {  	_ =	swait.ge [sflag:s23], $0x1  }
0xa3: {  	[sflag:s23] =	ssyncset.done $0x0  }
0xa4: {  	s25 =	simm.s32 $0x1B8E;
	s24 =	sld [smem:$0x3FFE];
	[sflag:s23] =	ssyncadd.s32 $0xFFFFFFFF  }
0xa5: {  	s26 =	simm.s32 $execute0_lowered;
	[smem:$0x3FD2] =	sst s25  }
0xa6: {  	s4 =	sshll.u32 s26, $0x1;
	_ =	strace $0x8000004C;
	[dreg:$0x1] =	wrdreg $0xFFFFFFFF  }
0xa7: {  	s28 =	simm.s32 $_size_execute0_lowered;
	s2 =	sadd.s32 s2, s4;
	[dreg:$0x0] =	wrdreg $0x0  }
0xa8: {  	s4 =	sshll.u32 s28, $0x1;
	[dreg:$0x2] =	wrdreg s2  }
0xa9: {  	[dreg:$0x3] =	wrdreg s4  }
0xaa: {  	[dreg:$0x4] =	wrdreg $0xC0  }
0xab: {  	_ =	task [dreg:s6], $0x5FFFF  }
0xac: {  	[dreg:$0x1] =	wrdreg $0xFFFFFFFF  }
0xad: {  	[dreg:$0x0] =	wrdreg $0x60  }
0xae: {  	[dreg:$0x2] =	wrdreg s24  }
0xaf: {  	[dreg:$0x3] =	wrdreg $0x0  }
0xb0: {  	[dreg:$0x4] =	wrdreg $0x9  }
0xb1: {  	_ =	task.clear_ibuf [dreg:s6], $0x5FFFF;
	_ =	strace $0x9000004C  }
0xb2: {  	s29 =	simm.s32 $0x9;
	_ =	strace $0x8000004E  }
0xb3: {  	_ =	swait.ge [sflag:s29], $0x1  }
0xb4: {  	[sflag:s29] =	ssyncadd.s32 $0xFFFFFFFF  }
0xb5: {  	_ =	strace $0x9000004E  }
0xb6: {  	_ =	sfence  }
0xb7: {  	s30 =	sld [smem:$0x0];
	_ =	sdelay $0x2  }
0xb8: {  	s31 =	sshll.u32 s1, $0xD;
	s1 =	sshrl.u32 s1, $0x2  }
0xb9: {  	s3 =	sand.u32 $0x4000, s31;
	s1 =	sadd.s32 s1, s30  }
0xba: {  	s0 =	sor.u32 s3, s0;
	s1 =	sshll.u32 s1, $0x11  }
0xbb: {  	s0 =	sor.u32 s1, s0  }
0xbc: {  	s0 =	sadd.s32 $0x8F2B, s0  }
0xbd: {  	[sflag:s0] =	ssyncadd.remote.s32 $0x1  }
0xbe: {  	_ =	sfence.sel $0xFFFF  }
0xbf: {  	[dreg:$0x0] =	wrdreg $0xFFFFFFFF;
	(pc) =	sbr.abs _section_cstart, $3  }
0xc0: {  	[dreg:$0x1] =	wrdreg $0xFFFFFFFF  }
0xc1: {  	_ =	task.clear_ibuf [dreg:s6], $0x2FFFF;
	_ =	strace $0x9FFFFFFF  }
0xc2: {  	(tm) =	ssettm $0x7FFFFFFF  }
0xc3: {  	_ =	shalt  }
tec
execute0_lowered:
.L_overlay_start_1:
0x0: {  	(tag) =	ssettag $0x1  }
0x1: {  	s7 =	rddreg [dreg:$0x0]  }
0x2: {  	s2 =	rddreg [dreg:$0x1];
	s3 =	simm.s32 $0x0;
	s1 =	stileid.u32  }
0x3: {  	s4 =	srdreg.scid;
	s18 =	simm.s32 $0x3;
	s19 =	simm.s32 $0x14000  }
0x4: {  	s20 =	simm.s32 $0x14100;
	s21 =	simm.s32 $0x14080;
	s8 =	smul.u32 $0x14000, s1  }
0x5: {  	s22 =	simm.s32 $0x16900;
	s23 =	simm.s32 $0x1;
	s12 =	smul.u32 $0x50000, s1  }
0x6: {  	s24 =	simm.s32 $0x50;
	[smem:$0x7FF] =	sst s3;
	s15 =	smul.u32 $0x2760, s1  }
0x7: {  	s9 =	sand.u32 $0x1, s4;
	s4 =	sadd.s32 $0xA05400, s7;
	s31 =	smul.u32 $0x27600, s1  }
0x8: {  	s5 =	sadd.s32 $0xC7B400, s7;
	s6 =	sadd.s32 $0xA000, s7;
	s16 =	smul.u32 $0x4EC, s1  }
0x9: {  	s29 =	sshll.u32 s1, $0x6;
	_ =	strace $0x8000004D;
	s10 =	smul.u32 $0x140000, s9  }
0xa: {  	s25 =	ssub.s32 $0x2, s9;
	p0 =	seq.s32 s9, $0x1;
	s11 =	sshrl.u32 s8, $0x3  }
0xb: {  	s26 =	sshrl.u32 s25, $0x1;
	s28 =	sshrl.u32 s12, $0x2;
	s30 =	sshrl.u32 s15, $0x3  }
0xc: {  	s16 =	sadd.s32 s16, s6;
	s8 =	sadd.s32 s8, s10;
	s11 =	sadd.s32 s11, s7  }
0xd: {  	s14 =	ssub.s32 s25, s26;
	s17 =	sadd.s32 s28, s2;
	s9 =	sadd.s32 s6, s30  }
.Ltmp0:
0xe: {  	s10 =	sadd.s32 s5, s31;
	s16 =	sadd.s32 $0x14, s16;
	(pc) =	sbr.rel .LBB2_1-.Ltmp0, $4  }
0xf: {  	s25 =	simm.s32 $0x2;
	s26 =	simm.s32 $0x0;
	s8 =	sshrl.u32 s8, $0x3  }
0x10: {  	s17 =	sshrl.u32 s17, $0x3;
	s13 =	sadd.s32 s8, s7;
	s7 =	sadd.s32 $0xF000, s11  }
0x11: {  	s12 =	sadd.s32 $0x37000, s13;
	s13 =	smax.u32 s14, $0x1;
	s14 =	sadd.s32 $0x2710, s15  }
0x12: {  	s8 =	sor.u32 $0x1C03, s29;
	s11 =	sadd.s32 s4, s31;
	s15 =	sshll.u32 s14, $0x4  }
.LBB2_7:
0x13: {  	s0 =	sadd.s32 $0xFFFFFFF6, s28;
	s29 =	sadd.s32 s29, s11;
	[sflag:s18] =	ssyncadd.s32 $0xFFFFD800  }
0x14: {  	[tilespmem:s21], [sflag:$0x2] =	stream.linear.gather [hbm4b:s0+s3], $0x50, $0x38;
	[tilespmem:$0x19100] =	vst v63  }
0x15: {  	s30 =	sadd.s32 $0x500, s29  }
0x16: {  	[tilespmem:s22], [sflag:$0x2] =	stream.linear.gather [hbm4b:s30+s3], $0x2800, $0x38;
	[tilespmem:$0x19100] =	vst v63  }
0x17: {  	_ =	swait.ge [sflag:s23], $0x50  }
0x18: {  	[sflag:s23] =	ssyncset.done $0x0  }
0x19: {  	[sflag:s23] =	ssyncadd.s32 $0xFFFFFFB0  }
0x1a: {  	_ =	swait.ge [sflag:s23], $0x2800  }
0x1b: {  	[sflag:s23] =	ssyncset.done $0x0  }
0x1c: {  	[sflag:s23] =	ssyncadd.s32 $0xFFFFD800  }
0x1d: {  	[spmem:s2] =	stream.indirect.scatter.add.f32 [tilespmem:s20], [sflag:$0x3], $0x80, s19, s24, $0xb8;
	[tilespmem:$0x19100] =	vst v63  }
0x1e: {  	_ =	swait.ge [sflag:s18], $0x2800  }
0x1f: {  	[sflag:s18] =	ssyncset.done $0x0  }
0x20: {  	[sflag:s18] =	ssyncadd.s32 $0xFFFFD800  }
0x21: {  	[tilespmem:s19], [sflag:$0x1] =	stream.linear.gather [hbm4b:s28+s3], $0x50, $0x38;
	[tilespmem:$0x19100] =	vst v63  }
0x22: {  	s31 =	sadd.s32 $0xA00, s29  }
0x23: {  	[tilespmem:s20], [sflag:$0x1] =	stream.linear.gather [hbm4b:s31+s3], $0x2800, $0x38;
	[tilespmem:$0x19100] =	vst v63  }
0x24: {  	_ =	swait.ge [sflag:s25], $0x50  }
0x25: {  	[sflag:s25] =	ssyncset.done $0x0  }
0x26: {  	[sflag:s25] =	ssyncadd.s32 $0xFFFFFFB0  }
0x27: {  	_ =	swait.ge [sflag:s25], $0x2800  }
0x28: {  	[sflag:s25] =	ssyncset.done $0x0  }
0x29: {  	[sflag:s25] =	ssyncadd.s32 $0xFFFFD800  }
0x2a: {  	[spmem:s2] =	stream.indirect.scatter.add.f32 [tilespmem:s22], [sflag:$0x3], $0x80, s21, s24, $0xb8;
	[tilespmem:$0x19100] =	vst v63  }
0x2b: {  	_ =	swait.ge [sflag:s18], $0x2800  }
0x2c: {  	[sflag:s18] =	ssyncset.done $0x0  }
0x2d: {  	s28 =	smov.u32 s4;
	[sflag:s18] =	ssyncadd.s32 $0xFFFFD800  }
.LBB2_8:
0x2e: {  	s0 =	sshrl.u32 s14, $0x3  }
0x2f: {  	s0 =	sadd.s32 s6, s0  }
0x30: {  	[tilespmem:s21], [sflag:$0x2] =	stream.linear.gather [hbm4b:s0+s3], $0x50, $0x38;
	[tilespmem:$0x19100] =	vst v63  }
0x31: {  	s31 =	sadd.s32 s28, s15  }
0x32: {  	[tilespmem:s22], [sflag:$0x2] =	stream.linear.gather [hbm4b:s31+s3], $0x2800, $0x38;
	[tilespmem:$0x19100] =	vst v63  }
0x33: {  	_ =	swait.ge [sflag:s23], $0x50  }
0x34: {  	[sflag:s23] =	ssyncset.done $0x0  }
0x35: {  	[sflag:s23] =	ssyncadd.s32 $0xFFFFFFB0  }
0x36: {  	_ =	swait.ge [sflag:s23], $0x2800  }
0x37: {  	[sflag:s23] =	ssyncset.done $0x0  }
0x38: {  	[sflag:s23] =	ssyncadd.s32 $0xFFFFD800  }
0x39: {  	[spmem:s2] =	stream.indirect.scatter.add.f32 [tilespmem:s20], [sflag:$0x3], $0x80, s19, s24, $0xb8;
	[tilespmem:$0x19100] =	vst v63  }
0x3a: {  	_ =	swait.ge [sflag:s18], $0x2800  }
0x3b: {  	[sflag:s18] =	ssyncset.done $0x0  }
0x3c: {  	[sflag:s18] =	ssyncadd.s32 $0xFFFFD800  }
0x3d: {  	_ =	swait.ge [sflag:s25], $0x50  }
0x3e: {  	[sflag:s25] =	ssyncset.done $0x0  }
0x3f: {  	[sflag:s25] =	ssyncadd.s32 $0xFFFFFFB0  }
0x40: {  	_ =	swait.ge [sflag:s25], $0x2800  }
0x41: {  	[sflag:s25] =	ssyncset.done $0x0  }
0x42: {  	[sflag:s25] =	ssyncadd.s32 $0xFFFFD800  }
0x43: {  	[spmem:s2] =	stream.indirect.scatter.add.f32 [tilespmem:s22], [sflag:$0x3], $0x80, s21, s24, $0xb8;
	[tilespmem:$0x19100] =	vst v63  }
0x44: {  	_ =	swait.ge [sflag:s18], $0x2800  }
0x45: {  	s26 =	sadd.s32 $0x1, s26;
	[sflag:s18] =	ssyncset.done $0x0  }
0x46: {  	p1 =	sne.s32 s26, s13;
	[sflag:s18] =	ssyncadd.s32 $0xFFFFD800  }
.Ltmp1:
0x47: {  	[bflag:$0x0] =	sbarrier.arrive $0xFFFF;
	(pc) =	sbr.rel @!p1 .LBB2_9-.Ltmp1, $4  }
0x48: {  	[hbm:s12], [sflag:s8] =	dma.local [spmem:s17], $0x2800  }
0x49: {  	_ =	swait.ge [sflag:s18], $0x2800  }
0x4a: {  	[sflag:s18] =	ssyncset.done $0x0  }
0x4b: {  	[sflag:s18] =	ssyncadd.s32 $0xFFFFD800  }
.LBB2_1:
0x4c: {  	[spmem:s17], [sflag:s8] =	dma.local [hbm:s7], $0x2800  }
.Ltmp2:
0x4d: {  	_ =	swait.ge [sflag:s18], $0x2800;
	(pc) =	sbr.rel @!p0 .LBB2_2-.Ltmp2, $4  }
0x4e: {  	[sflag:s18] =	ssyncset.done $0x0  }
0x4f: {  	[sflag:s18] =	ssyncadd.s32 $0xFFFFD800  }
0x50: {  	[bflag:$0x0] =	sbarrier.arrive $0xFFFF  }
0x51: {  	[tilespmem:s19], [sflag:$0x1] =	stream.linear.gather [hbm4b:s9+s3], $0x50, $0x38;
	[tilespmem:$0x19100] =	vst v63  }
0x52: {  	s0 =	simm.s32 $0x0  }
0x53: {  	[tilespmem:s20], [sflag:$0x1] =	stream.linear.gather [hbm4b:s11+s0], $0x2800, $0x38;
	[tilespmem:$0x19100] =	vst v63  }
0x54: {  	s31 =	sadd.s32 $0xFFFFFFF6, s16;
	s28 =	sadd.s32 $0x0, s11  }
0x55: {  	[tilespmem:s21], [sflag:$0x2] =	stream.linear.gather [hbm4b:s31+s3], $0x50, $0x38;
	[tilespmem:$0x19100] =	vst v63  }
0x56: {  	s31 =	sadd.s32 $0x500, s28  }
0x57: {  	[tilespmem:s22], [sflag:$0x2] =	stream.linear.gather [hbm4b:s31+s3], $0x2800, $0x38;
	[tilespmem:$0x19100] =	vst v63  }
0x58: {  	_ =	swait.ge [sflag:s23], $0x50  }
0x59: {  	[sflag:s23] =	ssyncset.done $0x0  }
0x5a: {  	[sflag:s23] =	ssyncadd.s32 $0xFFFFFFB0  }
0x5b: {  	_ =	swait.ge [sflag:s23], $0x2800  }
0x5c: {  	[sflag:s23] =	ssyncset.done $0x0  }
0x5d: {  	[sflag:s23] =	ssyncadd.s32 $0xFFFFD800  }
0x5e: {  	[spmem:s2] =	stream.indirect.scatter.add.f32 [tilespmem:s20], [sflag:$0x3], $0x80, s19, s24, $0xb8;
	[tilespmem:$0x19100] =	vst v63  }
0x5f: {  	_ =	swait.ge [sflag:s18], $0x2800  }
0x60: {  	[sflag:s18] =	ssyncset.done $0x0  }
0x61: {  	[sflag:s18] =	ssyncadd.s32 $0xFFFFD800  }
0x62: {  	[tilespmem:s19], [sflag:$0x1] =	stream.linear.gather [hbm4b:s16+s3], $0x50, $0x38;
	[tilespmem:$0x19100] =	vst v63  }
0x63: {  	s31 =	sadd.s32 $0xA00, s28  }
0x64: {  	[tilespmem:s20], [sflag:$0x1] =	stream.linear.gather [hbm4b:s31+s3], $0x2800, $0x38;
	[tilespmem:$0x19100] =	vst v63  }
0x65: {  	_ =	swait.ge [sflag:s25], $0x50  }
0x66: {  	[sflag:s25] =	ssyncset.done $0x0  }
0x67: {  	[sflag:s25] =	ssyncadd.s32 $0xFFFFFFB0  }
0x68: {  	_ =	swait.ge [sflag:s25], $0x2800  }
0x69: {  	[sflag:s25] =	ssyncset.done $0x0  }
0x6a: {  	[sflag:s25] =	ssyncadd.s32 $0xFFFFD800  }
0x6b: {  	[spmem:s2] =	stream.indirect.scatter.add.f32 [tilespmem:s22], [sflag:$0x3], $0x80, s21, s24, $0xb8;
	[tilespmem:$0x19100] =	vst v63  }
0x6c: {  	s29 =	simm.s32 $0xA00;
	_ =	swait.ge [sflag:s18], $0x2800  }
0x6d: {  	s30 =	simm.s32 $0x1400;
	s28 =	sadd.s32 $0x14, s16;
	[sflag:s18] =	ssyncset.done $0x0  }
.LBB2_6:
0x6e: {  	s0 =	sadd.s32 $0xFFFFFFF6, s28  }
0x6f: {  	s31 =	sadd.s32 s29, s11;
	[sflag:s18] =	ssyncadd.s32 $0xFFFFD800;
	s29 =	smov.u32 s30  }
0x70: {  	[tilespmem:s21], [sflag:$0x2] =	stream.linear.gather [hbm4b:s0+s3], $0x50, $0x38;
	[tilespmem:$0x19100] =	vst v63  }
0x71: {  	p1 =	sne.s32 s30, $0x26200;
	s30 =	sadd.s32 $0xA00, s30;
	s0 =	sadd.s32 $0x500, s31  }
0x72: {  	[tilespmem:s22], [sflag:$0x2] =	stream.linear.gather [hbm4b:s0+s3], $0x2800, $0x38;
	[tilespmem:$0x19100] =	vst v63  }
0x73: {  	_ =	swait.ge [sflag:s23], $0x50  }
0x74: {  	[sflag:s23] =	ssyncset.done $0x0  }
0x75: {  	[sflag:s23] =	ssyncadd.s32 $0xFFFFFFB0  }
0x76: {  	_ =	swait.ge [sflag:s23], $0x2800  }
0x77: {  	[sflag:s23] =	ssyncset.done $0x0  }
0x78: {  	[sflag:s23] =	ssyncadd.s32 $0xFFFFD800  }
0x79: {  	[spmem:s2] =	stream.indirect.scatter.add.f32 [tilespmem:s20], [sflag:$0x3], $0x80, s19, s24, $0xb8;
	[tilespmem:$0x19100] =	vst v63  }
0x7a: {  	_ =	swait.ge [sflag:s18], $0x2800  }
0x7b: {  	[sflag:s18] =	ssyncset.done $0x0  }
0x7c: {  	[sflag:s18] =	ssyncadd.s32 $0xFFFFD800  }
0x7d: {  	[tilespmem:s19], [sflag:$0x1] =	stream.linear.gather [hbm4b:s28+s3], $0x50, $0x38;
	[tilespmem:$0x19100] =	vst v63  }
0x7e: {  	s0 =	sadd.s32 $0xA00, s31  }
0x7f: {  	[tilespmem:s20], [sflag:$0x1] =	stream.linear.gather [hbm4b:s0+s3], $0x2800, $0x38;
	[tilespmem:$0x19100] =	vst v63  }
0x80: {  	_ =	swait.ge [sflag:s25], $0x50  }
0x81: {  	[sflag:s25] =	ssyncset.done $0x0  }
0x82: {  	[sflag:s25] =	ssyncadd.s32 $0xFFFFFFB0  }
0x83: {  	_ =	swait.ge [sflag:s25], $0x2800  }
.Ltmp3:
0x84: {  	[sflag:s25] =	ssyncset.done $0x0;
	(pc) =	sbr.rel @p1 .LBB2_6-.Ltmp3, $4  }
0x85: {  	[sflag:s25] =	ssyncadd.s32 $0xFFFFD800  }
0x86: {  	[spmem:s2] =	stream.indirect.scatter.add.f32 [tilespmem:s22], [sflag:$0x3], $0x80, s21, s24, $0xb8;
	[tilespmem:$0x19100] =	vst v63  }
0x87: {  	_ =	swait.ge [sflag:s18], $0x2800  }
0x88: {  	s28 =	sadd.s32 $0x14, s28;
	[sflag:s18] =	ssyncset.done $0x0  }
.Ltmp4:
0x89: {  	_ = 	snop;
	(pc) =	sbr.rel .LBB2_7-.Ltmp4, $1  }
0x8a: {  	_ =	sdelay $0x3  }
.LBB2_2:
0x8b: {  	s28 =	simm.s32 $0x0  }
0x8c: {  	[tilespmem:s20], [sflag:$0x1] =	stream.linear.gather [hbm4b:s10+s28], $0x2800, $0x38;
	[tilespmem:$0x19100] =	vst v63  }
0x8d: {  	s29 =	sadd.s32 $0x0, s10;
	s28 =	sadd.s32 $0xFFFFFFF6, s16  }
0x8e: {  	[tilespmem:s21], [sflag:$0x2] =	stream.linear.gather [hbm4b:s28+s3], $0x50, $0x38;
	[tilespmem:$0x19100] =	vst v63  }
0x8f: {  	s28 =	sadd.s32 $0x500, s29  }
0x90: {  	[tilespmem:s22], [sflag:$0x2] =	stream.linear.gather [hbm4b:s28+s3], $0x2800, $0x38;
	[tilespmem:$0x19100] =	vst v63  }
0x91: {  	_ =	swait.ge [sflag:s23], $0x50  }
0x92: {  	[sflag:s23] =	ssyncset.done $0x0  }
0x93: {  	[sflag:s23] =	ssyncadd.s32 $0xFFFFFFB0  }
0x94: {  	_ =	swait.ge [sflag:s23], $0x2800  }
0x95: {  	[sflag:s23] =	ssyncset.done $0x0  }
0x96: {  	[sflag:s23] =	ssyncadd.s32 $0xFFFFD800  }
0x97: {  	[spmem:s2] =	stream.indirect.scatter.add.f32 [tilespmem:s20], [sflag:$0x3], $0x80, s19, s24, $0xb8;
	[tilespmem:$0x19100] =	vst v63  }
0x98: {  	_ =	swait.ge [sflag:s18], $0x2800  }
0x99: {  	[sflag:s18] =	ssyncset.done $0x0  }
0x9a: {  	[sflag:s18] =	ssyncadd.s32 $0xFFFFD800  }
0x9b: {  	[tilespmem:s19], [sflag:$0x1] =	stream.linear.gather [hbm4b:s16+s3], $0x50, $0x38;
	[tilespmem:$0x19100] =	vst v63  }
0x9c: {  	s28 =	sadd.s32 $0xA00, s29  }
0x9d: {  	[tilespmem:s20], [sflag:$0x1] =	stream.linear.gather [hbm4b:s28+s3], $0x2800, $0x38;
	[tilespmem:$0x19100] =	vst v63  }
0x9e: {  	_ =	swait.ge [sflag:s25], $0x50  }
0x9f: {  	[sflag:s25] =	ssyncset.done $0x0  }
0xa0: {  	[sflag:s25] =	ssyncadd.s32 $0xFFFFFFB0  }
0xa1: {  	_ =	swait.ge [sflag:s25], $0x2800  }
0xa2: {  	[sflag:s25] =	ssyncset.done $0x0  }
0xa3: {  	[sflag:s25] =	ssyncadd.s32 $0xFFFFD800  }
0xa4: {  	[spmem:s2] =	stream.indirect.scatter.add.f32 [tilespmem:s22], [sflag:$0x3], $0x80, s21, s24, $0xb8;
	[tilespmem:$0x19100] =	vst v63  }
0xa5: {  	s30 =	simm.s32 $0x1400;
	_ =	swait.ge [sflag:s18], $0x2800  }
0xa6: {  	s29 =	simm.s32 $0xA00;
	s28 =	sadd.s32 $0x14, s16;
	[sflag:s18] =	ssyncset.done $0x0  }
.LBB2_3:
0xa7: {  	s31 =	sadd.s32 $0xFFFFFFF6, s28  }
0xa8: {  	s0 =	sadd.s32 s29, s10;
	[sflag:s18] =	ssyncadd.s32 $0xFFFFD800;
	s29 =	smov.u32 s30  }
0xa9: {  	[tilespmem:s21], [sflag:$0x2] =	stream.linear.gather [hbm4b:s31+s3], $0x50, $0x38;
	[tilespmem:$0x19100] =	vst v63  }
0xaa: {  	p1 =	seq.s32 s30, $0x26200;
	s30 =	sadd.s32 $0xA00, s30;
	s31 =	sadd.s32 $0x500, s0  }
0xab: {  	[tilespmem:s22], [sflag:$0x2] =	stream.linear.gather [hbm4b:s31+s3], $0x2800, $0x38;
	[tilespmem:$0x19100] =	vst v63  }
0xac: {  	_ =	swait.ge [sflag:s23], $0x50  }
0xad: {  	[sflag:s23] =	ssyncset.done $0x0  }
0xae: {  	[sflag:s23] =	ssyncadd.s32 $0xFFFFFFB0  }
0xaf: {  	_ =	swait.ge [sflag:s23], $0x2800  }
0xb0: {  	[sflag:s23] =	ssyncset.done $0x0  }
0xb1: {  	[sflag:s23] =	ssyncadd.s32 $0xFFFFD800  }
0xb2: {  	[spmem:s2] =	stream.indirect.scatter.add.f32 [tilespmem:s20], [sflag:$0x3], $0x80, s19, s24, $0xb8;
	[tilespmem:$0x19100] =	vst v63  }
0xb3: {  	_ =	swait.ge [sflag:s18], $0x2800  }
0xb4: {  	[sflag:s18] =	ssyncset.done $0x0  }
0xb5: {  	[sflag:s18] =	ssyncadd.s32 $0xFFFFD800  }
0xb6: {  	[tilespmem:s19], [sflag:$0x1] =	stream.linear.gather [hbm4b:s28+s3], $0x50, $0x38;
	[tilespmem:$0x19100] =	vst v63  }
0xb7: {  	s0 =	sadd.s32 $0xA00, s0  }
0xb8: {  	[tilespmem:s20], [sflag:$0x1] =	stream.linear.gather [hbm4b:s0+s3], $0x2800, $0x38;
	[tilespmem:$0x19100] =	vst v63  }
0xb9: {  	_ =	swait.ge [sflag:s25], $0x50  }
0xba: {  	[sflag:s25] =	ssyncset.done $0x0  }
0xbb: {  	[sflag:s25] =	ssyncadd.s32 $0xFFFFFFB0  }
0xbc: {  	_ =	swait.ge [sflag:s25], $0x2800  }
.Ltmp5:
0xbd: {  	[sflag:s25] =	ssyncset.done $0x0;
	(pc) =	sbr.rel @!p1 .LBB2_3-.Ltmp5, $4  }
0xbe: {  	[sflag:s25] =	ssyncadd.s32 $0xFFFFD800  }
0xbf: {  	[spmem:s2] =	stream.indirect.scatter.add.f32 [tilespmem:s22], [sflag:$0x3], $0x80, s21, s24, $0xb8;
	[tilespmem:$0x19100] =	vst v63  }
0xc0: {  	_ =	swait.ge [sflag:s18], $0x2800  }
0xc1: {  	s28 =	sadd.s32 $0x14, s28;
	[sflag:s18] =	ssyncset.done $0x0  }
0xc2: {  	s0 =	sadd.s32 $0xFFFFFFF6, s28;
	s29 =	sadd.s32 s29, s10;
	[sflag:s18] =	ssyncadd.s32 $0xFFFFD800  }
0xc3: {  	[tilespmem:s21], [sflag:$0x2] =	stream.linear.gather [hbm4b:s0+s3], $0x50, $0x38;
	[tilespmem:$0x19100] =	vst v63  }
0xc4: {  	s30 =	sadd.s32 $0x500, s29  }
0xc5: {  	[tilespmem:s22], [sflag:$0x2] =	stream.linear.gather [hbm4b:s30+s3], $0x2800, $0x38;
	[tilespmem:$0x19100] =	vst v63  }
0xc6: {  	_ =	swait.ge [sflag:s23], $0x50  }
0xc7: {  	[sflag:s23] =	ssyncset.done $0x0  }
0xc8: {  	[sflag:s23] =	ssyncadd.s32 $0xFFFFFFB0  }
0xc9: {  	_ =	swait.ge [sflag:s23], $0x2800  }
0xca: {  	[sflag:s23] =	ssyncset.done $0x0  }
0xcb: {  	[sflag:s23] =	ssyncadd.s32 $0xFFFFD800  }
0xcc: {  	[spmem:s2] =	stream.indirect.scatter.add.f32 [tilespmem:s20], [sflag:$0x3], $0x80, s19, s24, $0xb8;
	[tilespmem:$0x19100] =	vst v63  }
0xcd: {  	_ =	swait.ge [sflag:s18], $0x2800  }
0xce: {  	[sflag:s18] =	ssyncset.done $0x0  }
0xcf: {  	[sflag:s18] =	ssyncadd.s32 $0xFFFFD800  }
0xd0: {  	[tilespmem:s19], [sflag:$0x1] =	stream.linear.gather [hbm4b:s28+s3], $0x50, $0x38;
	[tilespmem:$0x19100] =	vst v63  }
0xd1: {  	s31 =	sadd.s32 $0xA00, s29  }
0xd2: {  	[tilespmem:s20], [sflag:$0x1] =	stream.linear.gather [hbm4b:s31+s3], $0x2800, $0x38;
	[tilespmem:$0x19100] =	vst v63  }
0xd3: {  	_ =	swait.ge [sflag:s25], $0x50  }
0xd4: {  	[sflag:s25] =	ssyncset.done $0x0  }
0xd5: {  	[sflag:s25] =	ssyncadd.s32 $0xFFFFFFB0  }
0xd6: {  	_ =	swait.ge [sflag:s25], $0x2800  }
0xd7: {  	[sflag:s25] =	ssyncset.done $0x0  }
.Ltmp6:
0xd8: {  	[sflag:s25] =	ssyncadd.s32 $0xFFFFD800;
	(pc) =	sbr.rel .LBB2_8-.Ltmp6, $4  }
0xd9: {  	[spmem:s2] =	stream.indirect.scatter.add.f32 [tilespmem:s22], [sflag:$0x3], $0x80, s21, s24, $0xb8;
	[tilespmem:$0x19100] =	vst v63  }
0xda: {  	_ =	swait.ge [sflag:s18], $0x2800  }
0xdb: {  	[sflag:s18] =	ssyncset.done $0x0  }
0xdc: {  	s28 =	smov.u32 s5;
	[sflag:s18] =	ssyncadd.s32 $0xFFFFD800  }
.LBB2_9:
0xdd: {  	_ =	sfence.sel $0x180000  }
0xde: {  	[bflag:$0x0] =	sbarrier.arrive $0xFFFF  }
0xdf: {  	_ =	strace $0x9000004D  }
0xe0: {  	[bflag:$0x2] =	sbarrier.arrive $0xFFFF  }
0xe1: {  	p0 =	sne.s32 s1, $0x0;
	s0 =	rddreg [dreg:$0x2]  }
0xe2: {  	s0 =	sadd.s32 @!p0 $0x100000, s0  }
0xe3: {  	[sflag:s0] =	ssyncadd.tile.s32 @!p0 $0x1;
	_ =	shalt  }
.Lfunc_end2:
_tile_overlayer_lowered:
.L_overlay_start_2:
0xe4: {  	(tag) =	ssettag $0x2  }
0xe5: {  	s0 =	rddreg [dreg:$0x0];
	s2 =	stileid.u32  }
0xe6: {  	s1 =	rddreg [dreg:$0x1];
	p0 =	sne.s32 s2, $0x0  }
0xe7: {  	s3 =	rddreg [dreg:$0x2];
	[bflag:$0x3] =	sbarrier.arrive $0xFFFF;
	s2 =	simm.s32 @!p0 $0x1C03  }
0xe8: {  	[timem:s3], [sflag:s2] =	dma.local @!p0 [hbm:s0], s1  }
0xe9: {  	s0 =	simm.s32 @!p0 $0x3  }
0xea: {  	_ =	swait.ge @!p0 [sflag:s0], s1  }
0xeb: {  	s1 =	ssub.s32 @!p0 $0x0, s1;
	[sflag:s0] =	ssyncset.done @!p0 $0x0  }
0xec: {  	[sflag:s0] =	ssyncadd.s32 @!p0 s1  }
0xed: {  	[bflag:$0x3] =	sbarrier.arrive $0xFFFF  }
0xee: {  	_ =	shalt  }

// kernel: kernel.19.cloned.1.call-start
scs
__scs_entry_jumppad:
0x0: {  	(pc) =	sbr.rel $0x88, $3  }
0x1: {  	(tag) =	ssettag $0x0;
	lr =	simm.s32 $0x1  }
0x2: {  	[smem:$0x3F8F] =	sst lr;
	_ =	strace $0xD0000000  }
0x3: {  	_ = 	snop  }
0x4: {  	_ = 	snop  }
0x5: {  	_ = 	snop  }
0x6: {  	_ = 	snop  }
0x7: {  	_ = 	snop  }
__scs_overlays_trampoline_lowered:
0x8: {  	[smem:$0x3F9E] =	sst s0  }
0x9: {  	[smem:$0x3F9F] =	sst s1  }
0xa: {  	[smem:$0x3FA0] =	sst s2  }
0xb: {  	[smem:$0x3FA1] =	sst s3  }
0xc: {  	[smem:$0x3FA2] =	sst s4  }
0xd: {  	[smem:$0x3FA3] =	sst s5  }
0xe: {  	[smem:$0x3FA4] =	sst s6  }
0xf: {  	[smem:$0x3FA5] =	sst s7  }
0x10: {  	[smem:$0x3FA6] =	sst s8  }
0x11: {  	[smem:$0x3FA7] =	sst s9;
	s0 =	simm.s32 @!p0 $0x0  }
0x12: {  	s1 =	sld [smem:$0x3F8D];
	s0 =	simm.s32 @p0 $0x1  }
0x13: {  	[smem:$0x3FA8] =	sst s0;
	s0 =	simm.s32 @!p1 $0x0  }
0x14: {  	s2 =	sld [smem:$0x3F8C];
	s0 =	simm.s32 @p1 $0x1  }
0x15: {  	[smem:$0x3FA9] =	sst s0;
	s0 =	simm.s32 @!p2 $0x0  }
0x16: {  	s3 =	sld [smem:$0x3FDB];
	s0 =	simm.s32 @p2 $0x1  }
0x17: {  	s4 =	simm.s32 $0x1BF5;
	[smem:$0x3FAB] =	sst s0  }
0x18: {  	s0 =	sld [smem:$0x3F8E];
	_ =	swait.ge [sflag:s4], $0x0  }
0x19: {  	s7 =	sld [smem:$0x3F8F]  }
0x1a: {  	s8 =	sadd.s32 $0xFFFFE003, lr  }
0x1b: {  	s9 =	sadd.s32 $0xFFFFFEF7, lr;
	s5 =	simm.s32 $0xFFFFFFFF;
	p2 =	slt.u32 s8, $0xFFFFF086  }
0x1c: {  	p1 =	slt.u32 s9, $0xF7A;
	s5 =	simm.s32 @!p2 $0x0  }
0x1d: {  	s5 =	simm.s32 @p1 $0x1;
	p0 =	seq.s32 s7, s2  }
0x1e: {  	s7 =	smul.u32 @!p0 $0xF7A, s2;
	p2 =	seq.s32 @!p0 s5, $0x0  }
0x1f: {  	s9 =	smul.u32 $0xF7A, s1;
	s8 =	simm.s32 @!p0 $0x1BF5;
	p2 =	por !p2, p0  }
0x20: {  	[sflag:s8] =	ssyncset.s32 @!p0 $0xFFFFF086;
	s6 =	sadd.s32 @!p0 s3, s7;
	s7 =	simm.s32 @!p0 $0x108  }
0x21: {  	s3 =	sadd.s32 s3, s9;
	s6 =	sadd.s32 @!p0 $0x88, s6;
	s7 =	simm.s32 @p2 $0x1082  }
0x22: {  	[simem:s7], [sflag:s8] =	dma.local @!p0 [hbm:s6], $0xF7A  }
0x23: {  	s9 =	sor.u32 $0xD0000000, s2;
	s6 =	simm.s32 $0x108;
	_ =	swait.ge @!p0 [sflag:s8], $0x0  }
0x24: {  	s3 =	sadd.s32 $0x88, s3;
	s6 =	simm.s32 @!p1 $0x1082;
	[sflag:s4] =	ssyncset.s32 $0xFFFFF086  }
0x25: {  	[simem:s6], [sflag:s4] =	dma.local [hbm:s3], $0xF7A  }
0x26: {  	[smem:$0x3F8F] =	sst s1;
	(tag) =	ssettag s2;
	_ =	strace s9  }
0x27: {  	s1 =	sld [smem:$0x3F9F]  }
0x28: {  	s2 =	sld [smem:$0x3FA0]  }
0x29: {  	s4 =	sld [smem:$0x3FA2]  }
0x2a: {  	p0 =	seq.s32 s5, $0x0;
	s5 =	sld [smem:$0x3FA3]  }
0x2b: {  	s6 =	sld [smem:$0x3FA4]  }
0x2c: {  	s7 =	sld [smem:$0x3FA5]  }
0x2d: {  	s3 =	simm.s32 $0x108;
	s8 =	sld [smem:$0x3FA6]  }
0x2e: {  	s3 =	simm.s32 @!p0 $0x1082;
	s9 =	sld [smem:$0x3FA7]  }
0x2f: {  	lr =	sadd.s32 s0, s3;
	s0 =	sld [smem:$0x3F9E]  }
0x30: {  	s3 =	sld [smem:$0x3FA1]  }
0x31: {  	[smem:$0x3FAA] =	sst s10  }
0x32: {  	s10 =	sld [smem:$0x3FA8];
	_ =	sdelay $0x3  }
0x33: {  	p0 =	seq.s32 s10, $0x1;
	s10 =	sld [smem:$0x3FAA];
	_ =	sdelay $0x3  }
0x34: {  	[smem:$0x3FAA] =	sst s10  }
0x35: {  	s10 =	sld [smem:$0x3FA9];
	_ =	sdelay $0x3  }
0x36: {  	p1 =	seq.s32 s10, $0x1;
	s10 =	sld [smem:$0x3FAA];
	_ =	sdelay $0x3  }
0x37: {  	[smem:$0x3FAA] =	sst s10  }
0x38: {  	s10 =	sld [smem:$0x3FAB]  }
0x39: {  	_ = 	snop;
	(pc) =	sbr.ind lr, $3  }
0x3a: {  	_ = 	snop  }
0x3b: {  	_ = 	snop  }
0x3c: {  	p2 =	seq.s32 s10, $0x1;
	s10 =	sld [smem:$0x3FAA]  }
0x3d: {  	_ =	shalt  }
0x3e: {  	_ =	shalt  }
0x3f: {  	_ =	shalt  }
0x40: {  	_ =	shalt  }
0x41: {  	_ =	shalt  }
0x42: {  	_ =	shalt  }
0x43: {  	_ =	shalt  }
0x44: {  	_ =	shalt  }
0x45: {  	_ =	shalt  }
0x46: {  	_ =	shalt  }
0x47: {  	_ =	shalt  }
0x48: {  	_ =	shalt  }
0x49: {  	_ =	shalt  }
0x4a: {  	_ =	shalt  }
0x4b: {  	_ =	shalt  }
0x4c: {  	_ =	shalt  }
0x4d: {  	_ =	shalt  }
0x4e: {  	_ =	shalt  }
0x4f: {  	_ =	shalt  }
0x50: {  	_ =	shalt  }
0x51: {  	_ =	shalt  }
0x52: {  	_ =	shalt  }
0x53: {  	_ =	shalt  }
0x54: {  	_ =	shalt  }
0x55: {  	_ =	shalt  }
0x56: {  	_ =	shalt  }
0x57: {  	_ =	shalt  }
0x58: {  	_ =	shalt  }
0x59: {  	_ =	shalt  }
0x5a: {  	_ =	shalt  }
0x5b: {  	_ =	shalt  }
0x5c: {  	_ =	shalt  }
0x5d: {  	_ =	shalt  }
0x5e: {  	_ =	shalt  }
0x5f: {  	_ =	shalt  }
0x60: {  	_ =	shalt  }
0x61: {  	_ =	shalt  }
0x62: {  	_ =	shalt  }
0x63: {  	_ =	shalt  }
0x64: {  	_ =	shalt  }
0x65: {  	_ =	shalt  }
0x66: {  	_ =	shalt  }
0x67: {  	_ =	shalt  }
0x68: {  	_ =	shalt  }
0x69: {  	_ =	shalt  }
0x6a: {  	_ =	shalt  }
0x6b: {  	_ =	shalt  }
0x6c: {  	_ =	shalt  }
0x6d: {  	_ =	shalt  }
0x6e: {  	_ =	shalt  }
0x6f: {  	_ =	shalt  }
0x70: {  	_ =	shalt  }
0x71: {  	_ =	shalt  }
0x72: {  	_ =	shalt  }
0x73: {  	_ =	shalt  }
0x74: {  	_ =	shalt  }
0x75: {  	_ =	shalt  }
0x76: {  	_ =	shalt  }
0x77: {  	_ =	shalt  }
0x78: {  	_ =	shalt  }
0x79: {  	_ =	shalt  }
0x7a: {  	_ =	shalt  }
0x7b: {  	_ =	shalt  }
0x7c: {  	_ =	shalt  }
0x7d: {  	_ =	shalt  }
0x7e: {  	_ =	shalt  }
0x7f: {  	_ =	shalt  }
0x80: {  	_ =	shalt  }
0x81: {  	_ =	shalt  }
0x82: {  	_ =	shalt  }
0x83: {  	_ =	shalt  }
0x84: {  	_ =	shalt  }
0x85: {  	_ =	shalt  }
0x86: {  	_ =	shalt  }
0x87: {  	_ =	shalt  }
.Lfunc_end0:
.L_simem_size_0:
called_computation.3_lowered:
.L_overlay_start_0:
0x88: {  	s2 =	sld [smem:$0x3FD9]  }
0x89: {  	s3 =	sld [smem:$0x3FFE];
	_ =	sdelay $0x1  }
0x8a: {  	s1 =	srdreg.scid  }
0x8b: {  	s0 =	sand.u32 $0x1, s1  }
0x8c: {  	s16 =	sshll.u32 s0, $0xA;
	s2 =	sadd.s32 s3, s2  }
0x8d: {  	s2 =	sadd.s32 s2, s16  }
0x8e: {  	[smem:$0x3FB6] =	sst s2  }
0x8f: {  	_ = 	snop  }
0x90: {  	(tm) =	ssettm $0x1  }
0x91: {  	s17 =	sld [smem:$0x3FFB];
	_ =	sdelay $0x3  }
0x92: {  	_ =	strace s17  }
0x93: {  	s2 =	sld [smem:$0x3FFC];
	_ =	sdelay $0x3  }
0x94: {  	_ =	strace s2  }
0x95: {  	s2 =	sld [smem:$0x3FFD];
	_ =	sdelay $0x3  }
0x96: {  	_ =	strace s2  }
0x97: {  	_ =	strace $0x8FFFFFFF  }
0x98: {  	s18 =	sld [smem:$0x3FDB];
	_ =	sdelay $0x1  }
0x99: {  	s19 =	simm.s32 $_scs_section_size  }
0x9a: {  	s4 =	simm.s32 $_size__tile_overlayer_lowered;
	s5 =	simm.s32 $_tile_overlayer_lowered  }
0x9b: {  	s22 =	simm.s32 $0x1BFF;
	s21 =	sshll.u32 s5, $0x1;
	s2 =	sadd.s32 s19, s18  }
0x9c: {  	s6 =	simm.s32 $0x0;
	s20 =	sshll.u32 s4, $0x1;
	s4 =	sadd.s32 s21, s2  }
0x9d: {  	[timem:s6], [sflag:s22] =	dma.local [hbm:s4], s20  }
0x9e: {  	_ =	swait.ge [sflag:s22], s20  }
0x9f: {  	s3 =	ssub.s32 $0x0, s20;
	[sflag:s22] =	ssyncset.done $0x0  }
0xa0: {  	[sflag:s22] =	ssyncadd.s32 s3;
	_ =	sdelay $0x1  }
0xa1: {  	s23 =	simm.s32 $0x1B8B  }
0xa2: {  	_ =	swait.ge [sflag:s23], $0x1  }
0xa3: {  	[sflag:s23] =	ssyncset.done $0x0  }
0xa4: {  	s25 =	simm.s32 $0x1B8E;
	s24 =	sld [smem:$0x3FFE];
	[sflag:s23] =	ssyncadd.s32 $0xFFFFFFFF  }
0xa5: {  	s26 =	simm.s32 $execute0_lowered;
	[smem:$0x3FD2] =	sst s25  }
0xa6: {  	s4 =	sshll.u32 s26, $0x1;
	_ =	strace $0x8000004F;
	[dreg:$0x1] =	wrdreg $0xFFFFFFFF  }
0xa7: {  	s28 =	simm.s32 $_size_execute0_lowered;
	s2 =	sadd.s32 s2, s4;
	[dreg:$0x0] =	wrdreg $0x0  }
0xa8: {  	s4 =	sshll.u32 s28, $0x1;
	[dreg:$0x2] =	wrdreg s2  }
0xa9: {  	[dreg:$0x3] =	wrdreg s4  }
0xaa: {  	[dreg:$0x4] =	wrdreg $0xC0  }
0xab: {  	_ =	task [dreg:s6], $0x5FFFF  }
0xac: {  	[dreg:$0x1] =	wrdreg $0xFFFFFFFF  }
0xad: {  	[dreg:$0x0] =	wrdreg $0x60  }
0xae: {  	[dreg:$0x2] =	wrdreg s24  }
0xaf: {  	[dreg:$0x3] =	wrdreg $0x0  }
0xb0: {  	[dreg:$0x4] =	wrdreg $0x9  }
0xb1: {  	_ =	task.clear_ibuf [dreg:s6], $0x5FFFF;
	_ =	strace $0x9000004F  }
0xb2: {  	s29 =	simm.s32 $0x9;
	_ =	strace $0x80000051  }
0xb3: {  	_ =	swait.ge [sflag:s29], $0x1  }
0xb4: {  	[sflag:s29] =	ssyncadd.s32 $0xFFFFFFFF  }
0xb5: {  	_ =	strace $0x90000051  }
0xb6: {  	_ =	sfence  }
0xb7: {  	s30 =	sld [smem:$0x0];
	_ =	sdelay $0x2  }
0xb8: {  	s31 =	sshll.u32 s1, $0xD;
	s1 =	sshrl.u32 s1, $0x2  }
0xb9: {  	s3 =	sand.u32 $0x4000, s31;
	s1 =	sadd.s32 s1, s30  }
0xba: {  	s0 =	sor.u32 s3, s0;
	s1 =	sshll.u32 s1, $0x11  }
0xbb: {  	s0 =	sor.u32 s1, s0  }
0xbc: {  	s0 =	sadd.s32 $0x8F2B, s0  }
0xbd: {  	[sflag:s0] =	ssyncadd.remote.s32 $0x1  }
0xbe: {  	_ =	sfence.sel $0xFFFF  }
0xbf: {  	[dreg:$0x0] =	wrdreg $0xFFFFFFFF;
	(pc) =	sbr.abs _section_cstart, $3  }
0xc0: {  	[dreg:$0x1] =	wrdreg $0xFFFFFFFF  }
0xc1: {  	_ =	task.clear_ibuf [dreg:s6], $0x2FFFF;
	_ =	strace $0x9FFFFFFF  }
0xc2: {  	(tm) =	ssettm $0x7FFFFFFF  }
0xc3: {  	_ =	shalt  }
tec
execute0_lowered:
.L_overlay_start_1:
0x0: {  	(tag) =	ssettag $0x1  }
0x1: {  	s7 =	rddreg [dreg:$0x0]  }
0x2: {  	s2 =	rddreg [dreg:$0x1];
	s3 =	simm.s32 $0x0;
	s1 =	stileid.u32  }
0x3: {  	s4 =	srdreg.scid;
	s18 =	simm.s32 $0x3;
	s19 =	simm.s32 $0x14000  }
0x4: {  	s20 =	simm.s32 $0x14100;
	s21 =	simm.s32 $0x14080;
	s8 =	smul.u32 $0x14000, s1  }
0x5: {  	s22 =	simm.s32 $0x16900;
	s23 =	simm.s32 $0x1;
	s12 =	smul.u32 $0x50000, s1  }
0x6: {  	s24 =	simm.s32 $0x50;
	[smem:$0x7FF] =	sst s3;
	s15 =	smul.u32 $0x26C0, s1  }
0x7: {  	s9 =	sand.u32 $0x1, s4;
	s5 =	sadd.s32 $0xEF1400, s7;
	s31 =	smul.u32 $0x26C00, s1  }
0x8: {  	s4 =	sadd.s32 $0x87000, s7;
	s6 =	sadd.s32 $0x523800, s7;
	s16 =	smul.u32 $0x4D8, s1  }
0x9: {  	s29 =	sshll.u32 s1, $0x6;
	_ =	strace $0x80000050;
	s10 =	smul.u32 $0x140000, s9  }
0xa: {  	s25 =	ssub.s32 $0x2, s9;
	p0 =	seq.s32 s9, $0x1;
	s11 =	sshrl.u32 s8, $0x3  }
0xb: {  	s26 =	sshrl.u32 s25, $0x1;
	s28 =	sshrl.u32 s12, $0x2;
	s30 =	sshrl.u32 s15, $0x3  }
0xc: {  	s16 =	sadd.s32 s16, s6;
	s8 =	sadd.s32 s8, s10;
	s11 =	sadd.s32 s11, s7  }
0xd: {  	s14 =	ssub.s32 s25, s26;
	s17 =	sadd.s32 s28, s2;
	s9 =	sadd.s32 s6, s30  }
.Ltmp0:
0xe: {  	s10 =	sadd.s32 s5, s31;
	s16 =	sadd.s32 $0x14, s16;
	(pc) =	sbr.rel .LBB2_1-.Ltmp0, $4  }
0xf: {  	s25 =	simm.s32 $0x2;
	s26 =	simm.s32 $0x0;
	s8 =	sshrl.u32 s8, $0x3  }
0x10: {  	s17 =	sshrl.u32 s17, $0x3;
	s13 =	sadd.s32 s8, s7;
	s7 =	sadd.s32 $0xF000, s11  }
0x11: {  	s12 =	sadd.s32 $0x2F3000, s13;
	s13 =	smax.u32 s14, $0x1;
	s14 =	sadd.s32 $0x2670, s15  }
0x12: {  	s8 =	sor.u32 $0x1C03, s29;
	s11 =	sadd.s32 s4, s31;
	s15 =	sshll.u32 s14, $0x4  }
.LBB2_7:
0x13: {  	s0 =	sadd.s32 $0xFFFFFFF6, s28;
	s29 =	sadd.s32 s29, s11;
	[sflag:s18] =	ssyncadd.s32 $0xFFFFD800  }
0x14: {  	[tilespmem:s21], [sflag:$0x2] =	stream.linear.gather [hbm4b:s0+s3], $0x50, $0x38;
	[tilespmem:$0x19100] =	vst v63  }
0x15: {  	s30 =	sadd.s32 $0x500, s29  }
0x16: {  	[tilespmem:s22], [sflag:$0x2] =	stream.linear.gather [hbm4b:s30+s3], $0x2800, $0x38;
	[tilespmem:$0x19100] =	vst v63  }
0x17: {  	_ =	swait.ge [sflag:s23], $0x50  }
0x18: {  	[sflag:s23] =	ssyncset.done $0x0  }
0x19: {  	[sflag:s23] =	ssyncadd.s32 $0xFFFFFFB0  }
0x1a: {  	_ =	swait.ge [sflag:s23], $0x2800  }
0x1b: {  	[sflag:s23] =	ssyncset.done $0x0  }
0x1c: {  	[sflag:s23] =	ssyncadd.s32 $0xFFFFD800  }
0x1d: {  	[spmem:s2] =	stream.indirect.scatter.add.f32 [tilespmem:s20], [sflag:$0x3], $0x80, s19, s24, $0xb8;
	[tilespmem:$0x19100] =	vst v63  }
0x1e: {  	_ =	swait.ge [sflag:s18], $0x2800  }
0x1f: {  	[sflag:s18] =	ssyncset.done $0x0  }
0x20: {  	[sflag:s18] =	ssyncadd.s32 $0xFFFFD800  }
0x21: {  	[tilespmem:s19], [sflag:$0x1] =	stream.linear.gather [hbm4b:s28+s3], $0x50, $0x38;
	[tilespmem:$0x19100] =	vst v63  }
0x22: {  	s31 =	sadd.s32 $0xA00, s29  }
0x23: {  	[tilespmem:s20], [sflag:$0x1] =	stream.linear.gather [hbm4b:s31+s3], $0x2800, $0x38;
	[tilespmem:$0x19100] =	vst v63  }
0x24: {  	_ =	swait.ge [sflag:s25], $0x50  }
0x25: {  	[sflag:s25] =	ssyncset.done $0x0  }
0x26: {  	[sflag:s25] =	ssyncadd.s32 $0xFFFFFFB0  }
0x27: {  	_ =	swait.ge [sflag:s25], $0x2800  }
0x28: {  	[sflag:s25] =	ssyncset.done $0x0  }
0x29: {  	[sflag:s25] =	ssyncadd.s32 $0xFFFFD800  }
0x2a: {  	[spmem:s2] =	stream.indirect.scatter.add.f32 [tilespmem:s22], [sflag:$0x3], $0x80, s21, s24, $0xb8;
	[tilespmem:$0x19100] =	vst v63  }
0x2b: {  	_ =	swait.ge [sflag:s18], $0x2800  }
0x2c: {  	[sflag:s18] =	ssyncset.done $0x0  }
0x2d: {  	s28 =	smov.u32 s4;
	[sflag:s18] =	ssyncadd.s32 $0xFFFFD800  }
.LBB2_8:
0x2e: {  	s0 =	sshrl.u32 s14, $0x3  }
0x2f: {  	s0 =	sadd.s32 s6, s0  }
0x30: {  	[tilespmem:s21], [sflag:$0x2] =	stream.linear.gather [hbm4b:s0+s3], $0x50, $0x38;
	[tilespmem:$0x19100] =	vst v63  }
0x31: {  	s31 =	sadd.s32 s28, s15  }
0x32: {  	[tilespmem:s22], [sflag:$0x2] =	stream.linear.gather [hbm4b:s31+s3], $0x2800, $0x38;
	[tilespmem:$0x19100] =	vst v63  }
0x33: {  	_ =	swait.ge [sflag:s23], $0x50  }
0x34: {  	[sflag:s23] =	ssyncset.done $0x0  }
0x35: {  	[sflag:s23] =	ssyncadd.s32 $0xFFFFFFB0  }
0x36: {  	_ =	swait.ge [sflag:s23], $0x2800  }
0x37: {  	[sflag:s23] =	ssyncset.done $0x0  }
0x38: {  	[sflag:s23] =	ssyncadd.s32 $0xFFFFD800  }
0x39: {  	[spmem:s2] =	stream.indirect.scatter.add.f32 [tilespmem:s20], [sflag:$0x3], $0x80, s19, s24, $0xb8;
	[tilespmem:$0x19100] =	vst v63  }
0x3a: {  	_ =	swait.ge [sflag:s18], $0x2800  }
0x3b: {  	[sflag:s18] =	ssyncset.done $0x0  }
0x3c: {  	[sflag:s18] =	ssyncadd.s32 $0xFFFFD800  }
0x3d: {  	_ =	swait.ge [sflag:s25], $0x50  }
0x3e: {  	[sflag:s25] =	ssyncset.done $0x0  }
0x3f: {  	[sflag:s25] =	ssyncadd.s32 $0xFFFFFFB0  }
0x40: {  	_ =	swait.ge [sflag:s25], $0x2800  }
0x41: {  	[sflag:s25] =	ssyncset.done $0x0  }
0x42: {  	[sflag:s25] =	ssyncadd.s32 $0xFFFFD800  }
0x43: {  	[spmem:s2] =	stream.indirect.scatter.add.f32 [tilespmem:s22], [sflag:$0x3], $0x80, s21, s24, $0xb8;
	[tilespmem:$0x19100] =	vst v63  }
0x44: {  	_ =	swait.ge [sflag:s18], $0x2800  }
0x45: {  	s26 =	sadd.s32 $0x1, s26;
	[sflag:s18] =	ssyncset.done $0x0  }
0x46: {  	p1 =	sne.s32 s26, s13;
	[sflag:s18] =	ssyncadd.s32 $0xFFFFD800  }
.Ltmp1:
0x47: {  	[bflag:$0x0] =	sbarrier.arrive $0xFFFF;
	(pc) =	sbr.rel @!p1 .LBB2_9-.Ltmp1, $4  }
0x48: {  	[hbm:s12], [sflag:s8] =	dma.local [spmem:s17], $0x2800  }
0x49: {  	_ =	swait.ge [sflag:s18], $0x2800  }
0x4a: {  	[sflag:s18] =	ssyncset.done $0x0  }
0x4b: {  	[sflag:s18] =	ssyncadd.s32 $0xFFFFD800  }
.LBB2_1:
0x4c: {  	[spmem:s17], [sflag:s8] =	dma.local [hbm:s7], $0x2800  }
.Ltmp2:
0x4d: {  	_ =	swait.ge [sflag:s18], $0x2800;
	(pc) =	sbr.rel @!p0 .LBB2_2-.Ltmp2, $4  }
0x4e: {  	[sflag:s18] =	ssyncset.done $0x0  }
0x4f: {  	[sflag:s18] =	ssyncadd.s32 $0xFFFFD800  }
0x50: {  	[bflag:$0x0] =	sbarrier.arrive $0xFFFF  }
0x51: {  	[tilespmem:s19], [sflag:$0x1] =	stream.linear.gather [hbm4b:s9+s3], $0x50, $0x38;
	[tilespmem:$0x19100] =	vst v63  }
0x52: {  	s0 =	simm.s32 $0x0  }
0x53: {  	[tilespmem:s20], [sflag:$0x1] =	stream.linear.gather [hbm4b:s11+s0], $0x2800, $0x38;
	[tilespmem:$0x19100] =	vst v63  }
0x54: {  	s31 =	sadd.s32 $0xFFFFFFF6, s16;
	s28 =	sadd.s32 $0x0, s11  }
0x55: {  	[tilespmem:s21], [sflag:$0x2] =	stream.linear.gather [hbm4b:s31+s3], $0x50, $0x38;
	[tilespmem:$0x19100] =	vst v63  }
0x56: {  	s31 =	sadd.s32 $0x500, s28  }
0x57: {  	[tilespmem:s22], [sflag:$0x2] =	stream.linear.gather [hbm4b:s31+s3], $0x2800, $0x38;
	[tilespmem:$0x19100] =	vst v63  }
0x58: {  	_ =	swait.ge [sflag:s23], $0x50  }
0x59: {  	[sflag:s23] =	ssyncset.done $0x0  }
0x5a: {  	[sflag:s23] =	ssyncadd.s32 $0xFFFFFFB0  }
0x5b: {  	_ =	swait.ge [sflag:s23], $0x2800  }
0x5c: {  	[sflag:s23] =	ssyncset.done $0x0  }
0x5d: {  	[sflag:s23] =	ssyncadd.s32 $0xFFFFD800  }
0x5e: {  	[spmem:s2] =	stream.indirect.scatter.add.f32 [tilespmem:s20], [sflag:$0x3], $0x80, s19, s24, $0xb8;
	[tilespmem:$0x19100] =	vst v63  }
0x5f: {  	_ =	swait.ge [sflag:s18], $0x2800  }
0x60: {  	[sflag:s18] =	ssyncset.done $0x0  }
0x61: {  	[sflag:s18] =	ssyncadd.s32 $0xFFFFD800  }
0x62: {  	[tilespmem:s19], [sflag:$0x1] =	stream.linear.gather [hbm4b:s16+s3], $0x50, $0x38;
	[tilespmem:$0x19100] =	vst v63  }
0x63: {  	s31 =	sadd.s32 $0xA00, s28  }
0x64: {  	[tilespmem:s20], [sflag:$0x1] =	stream.linear.gather [hbm4b:s31+s3], $0x2800, $0x38;
	[tilespmem:$0x19100] =	vst v63  }
0x65: {  	_ =	swait.ge [sflag:s25], $0x50  }
0x66: {  	[sflag:s25] =	ssyncset.done $0x0  }
0x67: {  	[sflag:s25] =	ssyncadd.s32 $0xFFFFFFB0  }
0x68: {  	_ =	swait.ge [sflag:s25], $0x2800  }
0x69: {  	[sflag:s25] =	ssyncset.done $0x0  }
0x6a: {  	[sflag:s25] =	ssyncadd.s32 $0xFFFFD800  }
0x6b: {  	[spmem:s2] =	stream.indirect.scatter.add.f32 [tilespmem:s22], [sflag:$0x3], $0x80, s21, s24, $0xb8;
	[tilespmem:$0x19100] =	vst v63  }
0x6c: {  	s29 =	simm.s32 $0xA00;
	_ =	swait.ge [sflag:s18], $0x2800  }
0x6d: {  	s30 =	simm.s32 $0x1400;
	s28 =	sadd.s32 $0x14, s16;
	[sflag:s18] =	ssyncset.done $0x0  }
.LBB2_6:
0x6e: {  	s0 =	sadd.s32 $0xFFFFFFF6, s28  }
0x6f: {  	s31 =	sadd.s32 s29, s11;
	[sflag:s18] =	ssyncadd.s32 $0xFFFFD800;
	s29 =	smov.u32 s30  }
0x70: {  	[tilespmem:s21], [sflag:$0x2] =	stream.linear.gather [hbm4b:s0+s3], $0x50, $0x38;
	[tilespmem:$0x19100] =	vst v63  }
0x71: {  	p1 =	sne.s32 s30, $0x25800;
	s30 =	sadd.s32 $0xA00, s30;
	s0 =	sadd.s32 $0x500, s31  }
0x72: {  	[tilespmem:s22], [sflag:$0x2] =	stream.linear.gather [hbm4b:s0+s3], $0x2800, $0x38;
	[tilespmem:$0x19100] =	vst v63  }
0x73: {  	_ =	swait.ge [sflag:s23], $0x50  }
0x74: {  	[sflag:s23] =	ssyncset.done $0x0  }
0x75: {  	[sflag:s23] =	ssyncadd.s32 $0xFFFFFFB0  }
0x76: {  	_ =	swait.ge [sflag:s23], $0x2800  }
0x77: {  	[sflag:s23] =	ssyncset.done $0x0  }
0x78: {  	[sflag:s23] =	ssyncadd.s32 $0xFFFFD800  }
0x79: {  	[spmem:s2] =	stream.indirect.scatter.add.f32 [tilespmem:s20], [sflag:$0x3], $0x80, s19, s24, $0xb8;
	[tilespmem:$0x19100] =	vst v63  }
0x7a: {  	_ =	swait.ge [sflag:s18], $0x2800  }
0x7b: {  	[sflag:s18] =	ssyncset.done $0x0  }
0x7c: {  	[sflag:s18] =	ssyncadd.s32 $0xFFFFD800  }
0x7d: {  	[tilespmem:s19], [sflag:$0x1] =	stream.linear.gather [hbm4b:s28+s3], $0x50, $0x38;
	[tilespmem:$0x19100] =	vst v63  }
0x7e: {  	s0 =	sadd.s32 $0xA00, s31  }
0x7f: {  	[tilespmem:s20], [sflag:$0x1] =	stream.linear.gather [hbm4b:s0+s3], $0x2800, $0x38;
	[tilespmem:$0x19100] =	vst v63  }
0x80: {  	_ =	swait.ge [sflag:s25], $0x50  }
0x81: {  	[sflag:s25] =	ssyncset.done $0x0  }
0x82: {  	[sflag:s25] =	ssyncadd.s32 $0xFFFFFFB0  }
0x83: {  	_ =	swait.ge [sflag:s25], $0x2800  }
.Ltmp3:
0x84: {  	[sflag:s25] =	ssyncset.done $0x0;
	(pc) =	sbr.rel @p1 .LBB2_6-.Ltmp3, $4  }
0x85: {  	[sflag:s25] =	ssyncadd.s32 $0xFFFFD800  }
0x86: {  	[spmem:s2] =	stream.indirect.scatter.add.f32 [tilespmem:s22], [sflag:$0x3], $0x80, s21, s24, $0xb8;
	[tilespmem:$0x19100] =	vst v63  }
0x87: {  	_ =	swait.ge [sflag:s18], $0x2800  }
0x88: {  	s28 =	sadd.s32 $0x14, s28;
	[sflag:s18] =	ssyncset.done $0x0  }
.Ltmp4:
0x89: {  	_ = 	snop;
	(pc) =	sbr.rel .LBB2_7-.Ltmp4, $1  }
0x8a: {  	_ =	sdelay $0x3  }
.LBB2_2:
0x8b: {  	s28 =	simm.s32 $0x0  }
0x8c: {  	[tilespmem:s20], [sflag:$0x1] =	stream.linear.gather [hbm4b:s10+s28], $0x2800, $0x38;
	[tilespmem:$0x19100] =	vst v63  }
0x8d: {  	s29 =	sadd.s32 $0x0, s10;
	s28 =	sadd.s32 $0xFFFFFFF6, s16  }
0x8e: {  	[tilespmem:s21], [sflag:$0x2] =	stream.linear.gather [hbm4b:s28+s3], $0x50, $0x38;
	[tilespmem:$0x19100] =	vst v63  }
0x8f: {  	s28 =	sadd.s32 $0x500, s29  }
0x90: {  	[tilespmem:s22], [sflag:$0x2] =	stream.linear.gather [hbm4b:s28+s3], $0x2800, $0x38;
	[tilespmem:$0x19100] =	vst v63  }
0x91: {  	_ =	swait.ge [sflag:s23], $0x50  }
0x92: {  	[sflag:s23] =	ssyncset.done $0x0  }
0x93: {  	[sflag:s23] =	ssyncadd.s32 $0xFFFFFFB0  }
0x94: {  	_ =	swait.ge [sflag:s23], $0x2800  }
0x95: {  	[sflag:s23] =	ssyncset.done $0x0  }
0x96: {  	[sflag:s23] =	ssyncadd.s32 $0xFFFFD800  }
0x97: {  	[spmem:s2] =	stream.indirect.scatter.add.f32 [tilespmem:s20], [sflag:$0x3], $0x80, s19, s24, $0xb8;
	[tilespmem:$0x19100] =	vst v63  }
0x98: {  	_ =	swait.ge [sflag:s18], $0x2800  }
0x99: {  	[sflag:s18] =	ssyncset.done $0x0  }
0x9a: {  	[sflag:s18] =	ssyncadd.s32 $0xFFFFD800  }
0x9b: {  	[tilespmem:s19], [sflag:$0x1] =	stream.linear.gather [hbm4b:s16+s3], $0x50, $0x38;
	[tilespmem:$0x19100] =	vst v63  }
0x9c: {  	s28 =	sadd.s32 $0xA00, s29  }
0x9d: {  	[tilespmem:s20], [sflag:$0x1] =	stream.linear.gather [hbm4b:s28+s3], $0x2800, $0x38;
	[tilespmem:$0x19100] =	vst v63  }
0x9e: {  	_ =	swait.ge [sflag:s25], $0x50  }
0x9f: {  	[sflag:s25] =	ssyncset.done $0x0  }
0xa0: {  	[sflag:s25] =	ssyncadd.s32 $0xFFFFFFB0  }
0xa1: {  	_ =	swait.ge [sflag:s25], $0x2800  }
0xa2: {  	[sflag:s25] =	ssyncset.done $0x0  }
0xa3: {  	[sflag:s25] =	ssyncadd.s32 $0xFFFFD800  }
0xa4: {  	[spmem:s2] =	stream.indirect.scatter.add.f32 [tilespmem:s22], [sflag:$0x3], $0x80, s21, s24, $0xb8;
	[tilespmem:$0x19100] =	vst v63  }
0xa5: {  	s30 =	simm.s32 $0x1400;
	_ =	swait.ge [sflag:s18], $0x2800  }
0xa6: {  	s29 =	simm.s32 $0xA00;
	s28 =	sadd.s32 $0x14, s16;
	[sflag:s18] =	ssyncset.done $0x0  }
.LBB2_3:
0xa7: {  	s31 =	sadd.s32 $0xFFFFFFF6, s28  }
0xa8: {  	s0 =	sadd.s32 s29, s10;
	[sflag:s18] =	ssyncadd.s32 $0xFFFFD800;
	s29 =	smov.u32 s30  }
0xa9: {  	[tilespmem:s21], [sflag:$0x2] =	stream.linear.gather [hbm4b:s31+s3], $0x50, $0x38;
	[tilespmem:$0x19100] =	vst v63  }
0xaa: {  	p1 =	seq.s32 s30, $0x25800;
	s30 =	sadd.s32 $0xA00, s30;
	s31 =	sadd.s32 $0x500, s0  }
0xab: {  	[tilespmem:s22], [sflag:$0x2] =	stream.linear.gather [hbm4b:s31+s3], $0x2800, $0x38;
	[tilespmem:$0x19100] =	vst v63  }
0xac: {  	_ =	swait.ge [sflag:s23], $0x50  }
0xad: {  	[sflag:s23] =	ssyncset.done $0x0  }
0xae: {  	[sflag:s23] =	ssyncadd.s32 $0xFFFFFFB0  }
0xaf: {  	_ =	swait.ge [sflag:s23], $0x2800  }
0xb0: {  	[sflag:s23] =	ssyncset.done $0x0  }
0xb1: {  	[sflag:s23] =	ssyncadd.s32 $0xFFFFD800  }
0xb2: {  	[spmem:s2] =	stream.indirect.scatter.add.f32 [tilespmem:s20], [sflag:$0x3], $0x80, s19, s24, $0xb8;
	[tilespmem:$0x19100] =	vst v63  }
0xb3: {  	_ =	swait.ge [sflag:s18], $0x2800  }
0xb4: {  	[sflag:s18] =	ssyncset.done $0x0  }
0xb5: {  	[sflag:s18] =	ssyncadd.s32 $0xFFFFD800  }
0xb6: {  	[tilespmem:s19], [sflag:$0x1] =	stream.linear.gather [hbm4b:s28+s3], $0x50, $0x38;
	[tilespmem:$0x19100] =	vst v63  }
0xb7: {  	s0 =	sadd.s32 $0xA00, s0  }
0xb8: {  	[tilespmem:s20], [sflag:$0x1] =	stream.linear.gather [hbm4b:s0+s3], $0x2800, $0x38;
	[tilespmem:$0x19100] =	vst v63  }
0xb9: {  	_ =	swait.ge [sflag:s25], $0x50  }
0xba: {  	[sflag:s25] =	ssyncset.done $0x0  }
0xbb: {  	[sflag:s25] =	ssyncadd.s32 $0xFFFFFFB0  }
0xbc: {  	_ =	swait.ge [sflag:s25], $0x2800  }
.Ltmp5:
0xbd: {  	[sflag:s25] =	ssyncset.done $0x0;
	(pc) =	sbr.rel @!p1 .LBB2_3-.Ltmp5, $4  }
0xbe: {  	[sflag:s25] =	ssyncadd.s32 $0xFFFFD800  }
0xbf: {  	[spmem:s2] =	stream.indirect.scatter.add.f32 [tilespmem:s22], [sflag:$0x3], $0x80, s21, s24, $0xb8;
	[tilespmem:$0x19100] =	vst v63  }
0xc0: {  	_ =	swait.ge [sflag:s18], $0x2800  }
0xc1: {  	s28 =	sadd.s32 $0x14, s28;
	[sflag:s18] =	ssyncset.done $0x0  }
0xc2: {  	s0 =	sadd.s32 $0xFFFFFFF6, s28;
	s29 =	sadd.s32 s29, s10;
	[sflag:s18] =	ssyncadd.s32 $0xFFFFD800  }
0xc3: {  	[tilespmem:s21], [sflag:$0x2] =	stream.linear.gather [hbm4b:s0+s3], $0x50, $0x38;
	[tilespmem:$0x19100] =	vst v63  }
0xc4: {  	s30 =	sadd.s32 $0x500, s29  }
0xc5: {  	[tilespmem:s22], [sflag:$0x2] =	stream.linear.gather [hbm4b:s30+s3], $0x2800, $0x38;
	[tilespmem:$0x19100] =	vst v63  }
0xc6: {  	_ =	swait.ge [sflag:s23], $0x50  }
0xc7: {  	[sflag:s23] =	ssyncset.done $0x0  }
0xc8: {  	[sflag:s23] =	ssyncadd.s32 $0xFFFFFFB0  }
0xc9: {  	_ =	swait.ge [sflag:s23], $0x2800  }
0xca: {  	[sflag:s23] =	ssyncset.done $0x0  }
0xcb: {  	[sflag:s23] =	ssyncadd.s32 $0xFFFFD800  }
0xcc: {  	[spmem:s2] =	stream.indirect.scatter.add.f32 [tilespmem:s20], [sflag:$0x3], $0x80, s19, s24, $0xb8;
	[tilespmem:$0x19100] =	vst v63  }
0xcd: {  	_ =	swait.ge [sflag:s18], $0x2800  }
0xce: {  	[sflag:s18] =	ssyncset.done $0x0  }
0xcf: {  	[sflag:s18] =	ssyncadd.s32 $0xFFFFD800  }
0xd0: {  	[tilespmem:s19], [sflag:$0x1] =	stream.linear.gather [hbm4b:s28+s3], $0x50, $0x38;
	[tilespmem:$0x19100] =	vst v63  }
0xd1: {  	s31 =	sadd.s32 $0xA00, s29  }
0xd2: {  	[tilespmem:s20], [sflag:$0x1] =	stream.linear.gather [hbm4b:s31+s3], $0x2800, $0x38;
	[tilespmem:$0x19100] =	vst v63  }
0xd3: {  	_ =	swait.ge [sflag:s25], $0x50  }
0xd4: {  	[sflag:s25] =	ssyncset.done $0x0  }
0xd5: {  	[sflag:s25] =	ssyncadd.s32 $0xFFFFFFB0  }
0xd6: {  	_ =	swait.ge [sflag:s25], $0x2800  }
0xd7: {  	[sflag:s25] =	ssyncset.done $0x0  }
.Ltmp6:
0xd8: {  	[sflag:s25] =	ssyncadd.s32 $0xFFFFD800;
	(pc) =	sbr.rel .LBB2_8-.Ltmp6, $4  }
0xd9: {  	[spmem:s2] =	stream.indirect.scatter.add.f32 [tilespmem:s22], [sflag:$0x3], $0x80, s21, s24, $0xb8;
	[tilespmem:$0x19100] =	vst v63  }
0xda: {  	_ =	swait.ge [sflag:s18], $0x2800  }
0xdb: {  	[sflag:s18] =	ssyncset.done $0x0  }
0xdc: {  	s28 =	smov.u32 s5;
	[sflag:s18] =	ssyncadd.s32 $0xFFFFD800  }
.LBB2_9:
0xdd: {  	_ =	sfence.sel $0x180000  }
0xde: {  	[bflag:$0x0] =	sbarrier.arrive $0xFFFF  }
0xdf: {  	_ =	strace $0x90000050  }
0xe0: {  	[bflag:$0x2] =	sbarrier.arrive $0xFFFF  }
0xe1: {  	p0 =	sne.s32 s1, $0x0;
	s0 =	rddreg [dreg:$0x2]  }
0xe2: {  	s0 =	sadd.s32 @!p0 $0x100000, s0  }
0xe3: {  	[sflag:s0] =	ssyncadd.tile.s32 @!p0 $0x1;
	_ =	shalt  }
.Lfunc_end2:
_tile_overlayer_lowered:
.L_overlay_start_2:
0xe4: {  	(tag) =	ssettag $0x2  }
0xe5: {  	s0 =	rddreg [dreg:$0x0];
	s2 =	stileid.u32  }
0xe6: {  	s1 =	rddreg [dreg:$0x1];
	p0 =	sne.s32 s2, $0x0  }
0xe7: {  	s3 =	rddreg [dreg:$0x2];
	[bflag:$0x3] =	sbarrier.arrive $0xFFFF;
	s2 =	simm.s32 @!p0 $0x1C03  }
0xe8: {  	[timem:s3], [sflag:s2] =	dma.local @!p0 [hbm:s0], s1  }
0xe9: {  	s0 =	simm.s32 @!p0 $0x3  }
0xea: {  	_ =	swait.ge @!p0 [sflag:s0], s1  }
0xeb: {  	s1 =	ssub.s32 @!p0 $0x0, s1;
	[sflag:s0] =	ssyncset.done @!p0 $0x0  }
0xec: {  	[sflag:s0] =	ssyncadd.s32 @!p0 s1  }
0xed: {  	[bflag:$0x3] =	sbarrier.arrive $0xFFFF  }
0xee: {  	_ =	shalt  }

</sc_bundles>
